<compile_context>
chip_gen: v7x
topology: tpu7x:2x2x1
jax: 0.10.2.dev20260603
libtpu: 0.0.44.dev20260713+nightly
codegen_flags: <defaults>
</compile_context>

<pallas_src>
import functools

import jax
import jax.numpy as jnp
import numpy as np
from jax import lax
from jax.experimental import pallas as pl
from jax.experimental.pallas import tpu as pltpu
from jax.experimental.pallas import tpu_sc as plsc

S = 2048
D_MODEL = 1024
NUM_HEADS = 16
NUM_KV_HEADS = 4
HEAD_DIM = 64
N_REP = NUM_HEADS // NUM_KV_HEADS
KV_D = NUM_KV_HEADS * HEAD_DIM
_PID = (0, 1, 2, 3, 50, 100)
_LAYER_IDX = 8
_KK = int(192 - _LAYER_IDX / 31 * (192 - 64))

_ZROWS = 512
_NV = S // 16


def _bf16(a):
    return a.astype(jnp.bfloat16)


def _mega_kernel(
    x_hbm, wq_hbm, wkv_hbm,
    pruned_ref, out_ref, kv_hbm, attn_hbm, imp_hbm,
    xbuf, wqbuf, wkvbuf, kvbuf, zbuf, zbuf2, attnbuf, impbuf, sems,
):
    in_x = pltpu.make_async_copy(x_hbm, xbuf, sems.at[120])
    in_q = pltpu.make_async_copy(wq_hbm, wqbuf, sems.at[121])
    in_kv = pltpu.make_async_copy(wkv_hbm, wkvbuf, sems.at[122])
    for c in (in_x, in_kv, in_q):
        c.start()

    zbuf[...] = jnp.zeros_like(zbuf)
    zbuf2[...] = jnp.zeros_like(zbuf2)
    zsrcs = (zbuf, zbuf2)
    copies = []
    n = 0
    nblk = (S - 8) // _ZROWS
    rem = (S - 8) - nblk * _ZROWS
    for h in range(NUM_HEADS):
        for j in range(nblk):
            zsrc = zsrcs[(h * (nblk + 1) + j) % 2]
            c = pltpu.make_async_copy(
                zsrc,
                pruned_ref.at[h, j * _ZROWS : (j + 1) * _ZROWS, :],
                sems.at[n],
            )
            c.start()
            copies.append(c)
            n += 1
        zsrc = zsrcs[(h * (nblk + 1) + nblk) % 2]
        c = pltpu.make_async_copy(
            zsrc.at[0:rem, :],
            pruned_ref.at[h, nblk * _ZROWS : S - 8, :],
            sems.at[n],
        )
        c.start()
        copies.append(c)
        n += 1
    for j in range(nblk):
        c = pltpu.make_async_copy(
            zsrcs[j % 2].at[:, 0:D_MODEL],
            out_ref.at[j * _ZROWS : (j + 1) * _ZROWS, :],
            sems.at[n],
        )
        c.start()
        copies.append(c)
        n += 1
    c = pltpu.make_async_copy(
        zbuf.at[0:rem, 0:D_MODEL],
        out_ref.at[nblk * _ZROWS : S - 8, :],
        sems.at[n],
    )
    c.start()
    copies.append(c)
    n += 1

    in_x.wait()
    in_kv.wait()
    half = S // 2
    for i in range(2):
        kvbuf[i * half : (i + 1) * half, :] = jnp.dot(
            _bf16(xbuf[i * half : (i + 1) * half, :]),
            _bf16(wkvbuf[...]),
            preferred_element_type=jnp.float32,
        )
        c = pltpu.make_async_copy(
            kvbuf.at[i * half : (i + 1) * half, :],
            kv_hbm.at[i * half : (i + 1) * half, :],
            sems.at[n],
        )
        c.start()
        copies.append(c)
        n += 1
    k = kvbuf[:, :KV_D]

    in_q.wait()
    q = jnp.dot(
        _bf16(xbuf[S - 1 : S, :]),
        _bf16(wqbuf[...]),
        preferred_element_type=jnp.float32,
    )
    rows = []
    for h in range(NUM_HEADS):
        qh = _bf16(q[:, h * HEAD_DIM : (h + 1) * HEAD_DIM])
        g = h // N_REP
        kg = _bf16(k[:, g * HEAD_DIM : (g + 1) * HEAD_DIM])
        rows.append(
            jax.lax.dot_general(
                qh, kg, (((1,), (1,)), ((), ())),
                preferred_element_type=jnp.float32,
            )
        )
    scores = jnp.concatenate(rows, axis=0) * (
        1.0 / np.sqrt(HEAD_DIM)
    )
    m = jnp.max(scores, axis=1, keepdims=True)
    e = jnp.exp(scores - m)
    attn = e / jnp.sum(e, axis=1, keepdims=True)
    attnbuf[...] = attn

    imp = jnp.mean(attn, axis=0, keepdims=True)
    lane = jax.lax.broadcasted_iota(jnp.int32, (1, S), 1)
    is_pid = functools.reduce(jnp.logical_or, [lane == p for p in _PID])
    impbuf[...] = jnp.where(is_pid, imp * 2.5, imp)

    c = pltpu.make_async_copy(attnbuf, attn_hbm, sems.at[n])
    c.start()
    copies.append(c)
    n += 1
    c = pltpu.make_async_copy(impbuf, imp_hbm, sems.at[n])
    c.start()
    copies.append(c)
    n += 1

    for c in copies:
        c.wait()


def _sc_topk_kernel(imp_hbm, sel_hbm, impv, bitsv, selv):
    cid = lax.axis_index("c")
    sid = lax.axis_index("s")

    @pl.when(jnp.logical_and(cid == 0, sid == 0))
    def _():
        pltpu.sync_copy(imp_hbm, impv)

        def tobits(i, carry):
            for u in range(4):
                v = impv[pl.ds((4 * i + u) * 16, 16)]
                bitsv[pl.ds((4 * i + u) * 16, 16)] = plsc.bitcast(
                    v, jnp.int32
                )
            return carry

        lax.fori_loop(0, _NV // 4, tobits, jnp.int32(0))

        def count_ge(cand):
            def inner(i, cnt):
                acc = jnp.zeros((16,), jnp.int32)
                for u in range(16):
                    bv = bitsv[pl.ds((16 * i + u) * 16, 16)]
                    acc = acc + jnp.where(
                        bv >= cand, jnp.int32(1), jnp.int32(0)
                    )
                return cnt + jnp.sum(acc)

            return lax.fori_loop(0, _NV // 16, inner, jnp.int32(0))

        def outer(b, t):
            cand = t | lax.shift_left(jnp.int32(1), 30 - b)
            return jnp.where(count_ge(cand) >= _KK, cand, t)

        t = lax.fori_loop(0, 31, outer, jnp.int32(0))

        ngt = count_ge(t + 1)
        need = _KK - ngt

        def selpass(i, run):
            bv = bitsv[pl.ds(i * 16, 16)]
            eqv = bv == t
            ones = jnp.where(eqv, jnp.int32(1), jnp.int32(0))
            cs = lax.cumsum(ones) + run
            keep = jnp.logical_or(
                bv > t, jnp.logical_and(eqv, cs <= need)
            )
            selv[pl.ds(i * 16, 16)] = jnp.where(keep, 1.0, 0.0)
            return run + jnp.sum(ones)

        lax.fori_loop(0, _NV, selpass, jnp.int32(0))
        pltpu.sync_copy(selv, sel_hbm)


def _sc_topk(imp):
    mesh = plsc.VectorSubcoreMesh(core_axis_name="c", subcore_axis_name="s")
    kfn = functools.partial(
        pl.kernel,
        mesh=mesh,
        out_type=jax.ShapeDtypeStruct((S,), jnp.float32),
        scratch_types=[
            pltpu.VMEM((S,), jnp.float32),
            pltpu.VMEM((S,), jnp.int32),
            pltpu.VMEM((S,), jnp.float32),
        ],
        compiler_params=pltpu.CompilerParams(needs_layout_passes=False),
    )(_sc_topk_kernel)
    return kfn(imp)


def _tail_kernel(
    attn_ref, sel_ref, kv_hbm, wo_hbm,
    pruned_in, out_in,
    pruned_ref, out_ref,
    vbuf, wobuf, prow_buf, olast_buf, sems,
):
    del pruned_in, out_in
    in_v = pltpu.make_async_copy(
        kv_hbm.at[:, KV_D : 2 * KV_D], vbuf, sems.at[30]
    )
    in_o = pltpu.make_async_copy(wo_hbm, wobuf, sems.at[31])
    in_v.start()
    in_o.start()

    prow = attn_ref[...] * sel_ref[...]
    prow_buf[...] = jnp.zeros_like(prow_buf)
    for h in range(NUM_HEADS):
        prow_buf[8 * h + 7 : 8 * h + 8, :] = prow[h : h + 1, :]

    copies = []
    n = 0
    for h in range(NUM_HEADS):
        c = pltpu.make_async_copy(
            prow_buf.at[8 * h : 8 * (h + 1), :],
            pruned_ref.at[h, S - 8 : S, :],
            sems.at[n],
        )
        c.start()
        copies.append(c)
        n += 1

    in_v.wait()
    ctx = jnp.dot(
        _bf16(prow), _bf16(vbuf[...]), preferred_element_type=jnp.float32
    )
    hh = jax.lax.broadcasted_iota(jnp.int32, (NUM_HEADS, KV_D), 0)
    gg = jax.lax.broadcasted_iota(jnp.int32, (NUM_HEADS, KV_D), 1) // HEAD_DIM
    ctx = jnp.where(hh // N_REP == gg, ctx, 0.0)
    ctx16 = (
        ctx[:, 0:64] + ctx[:, 64:128] + ctx[:, 128:192] + ctx[:, 192:256]
    )

    in_o.wait()
    olast = jnp.zeros((1, D_MODEL), jnp.float32)
    for h in range(NUM_HEADS):
        olast = olast + jnp.dot(
            _bf16(ctx16[h : h + 1, :]),
            _bf16(wobuf[h * HEAD_DIM : (h + 1) * HEAD_DIM, :]),
            preferred_element_type=jnp.float32,
        )
    olast_buf[...] = jnp.zeros_like(olast_buf)
    olast_buf[7:8, :] = olast

    c = pltpu.make_async_copy(olast_buf, out_ref.at[S - 8 : S, :], sems.at[n])
    c.start()
    copies.append(c)
    n += 1

    for c in copies:
        c.wait()


def kernel(hidden_states, Wq, Wk, Wv, Wo):
    x = hidden_states[0]
    Wkv = jnp.concatenate([Wk, Wv], axis=1)

    hbm = pl.BlockSpec(memory_space=pltpu.MemorySpace.HBM)
    vmem = pl.BlockSpec(memory_space=pltpu.MemorySpace.VMEM)
    pruned0, out0, kv, attn, imp = pl.pallas_call(
        _mega_kernel,
        in_specs=[hbm, hbm, hbm],
        out_specs=(hbm, hbm, hbm, hbm, hbm),
        out_shape=(
            jax.ShapeDtypeStruct((NUM_HEADS, S, S), jnp.float32),
            jax.ShapeDtypeStruct((S, D_MODEL), jnp.float32),
            jax.ShapeDtypeStruct((S, 2 * KV_D), jnp.float32),
            jax.ShapeDtypeStruct((NUM_HEADS, S), jnp.float32),
            jax.ShapeDtypeStruct((1, S), jnp.float32),
        ),
        scratch_shapes=[
            pltpu.VMEM((S, D_MODEL), jnp.float32),
            pltpu.VMEM((D_MODEL, D_MODEL), jnp.float32),
            pltpu.VMEM((D_MODEL, 2 * KV_D), jnp.float32),
            pltpu.VMEM((S, 2 * KV_D), jnp.float32),
            pltpu.VMEM((_ZROWS, S), jnp.float32),
            pltpu.VMEM((_ZROWS, S), jnp.float32),
            pltpu.VMEM((NUM_HEADS, S), jnp.float32),
            pltpu.VMEM((1, S), jnp.float32),
            pltpu.SemaphoreType.DMA((128,)),
        ],
    )(x, Wq, Wkv)

    sel = _sc_topk(imp.reshape(S))

    pruned, out = pl.pallas_call(
        _tail_kernel,
        in_specs=[vmem, vmem, hbm, hbm, hbm, hbm],
        out_specs=(hbm, hbm),
        out_shape=(
            jax.ShapeDtypeStruct((NUM_HEADS, S, S), jnp.float32),
            jax.ShapeDtypeStruct((S, D_MODEL), jnp.float32),
        ),
        input_output_aliases={4: 0, 5: 1},
        scratch_shapes=[
            pltpu.VMEM((S, KV_D), jnp.float32),
            pltpu.VMEM((D_MODEL, D_MODEL), jnp.float32),
            pltpu.VMEM((8 * NUM_HEADS, S), jnp.float32),
            pltpu.VMEM((8, D_MODEL), jnp.float32),
            pltpu.SemaphoreType.DMA((64,)),
        ],
    )(attn, sel.reshape(1, S), kv, Wo, pruned0, out0)

    k_flat = kv[:, :KV_D]
    v_flat = kv[:, KV_D:]
    k_kv = k_flat.reshape(1, S, NUM_KV_HEADS, HEAD_DIM).transpose(0, 2, 1, 3)
    v_kv = v_flat.reshape(1, S, NUM_KV_HEADS, HEAD_DIM).transpose(0, 2, 1, 3)
    return out[None], pruned[None], k_kv, v_kv

# --- scband reference (transcript-rebuilt; emitter-appended) ---
"""Pipeline reference for scband-reasoning-aware-attention-87462714016309 (READ-ONLY COPY).

The authoritative reference and input builder live on the scoring server;
editing this copy changes nothing except your own understanding.
"""

import jax, jax.numpy as jnp
import numpy as np

PROMPT_TOKEN_IDS = (0, 1, 2, 3, 50, 100)
LAYER_IDX = 8
NUM_HEADS = 16
NUM_KV_HEADS = 4
HEAD_DIM = 64
D_MODEL = 1024


def layerwise_topk(layer_idx, total_layers=32):
    min_k, max_k = (192, 64)
    k = int(min_k - layer_idx / (total_layers - 1) * (min_k - max_k))
    return k


def repeat_kv(x, n_rep):
    B, Hkv, S, D = x.shape
    if n_rep == 1:
        return x
    return jnp.broadcast_to(x[:, :, None, :, :], (B, Hkv, n_rep, S, D)).reshape(B, Hkv * n_rep, S, D)


def setup_inputs(seed: int = 0) -> dict:
    key = jax.random.key(seed)
    ks = jax.random.split(key, 5)
    B, S = 1, 2048
    hidden_states = jax.random.normal(ks[0], (B, S, D_MODEL), dtype=jnp.float32)
    Wq = jax.random.normal(ks[1], (D_MODEL, NUM_HEADS * HEAD_DIM), dtype=jnp.float32) * (1.0 / np.sqrt(D_MODEL))
    Wk = jax.random.normal(ks[2], (D_MODEL, NUM_KV_HEADS * HEAD_DIM), dtype=jnp.float32) * (1.0 / np.sqrt(D_MODEL))
    Wv = jax.random.normal(ks[3], (D_MODEL, NUM_KV_HEADS * HEAD_DIM), dtype=jnp.float32) * (1.0 / np.sqrt(D_MODEL))
    Wo = jax.random.normal(ks[4], (NUM_HEADS * HEAD_DIM, D_MODEL), dtype=jnp.float32) * (1.0 / np.sqrt(NUM_HEADS * HEAD_DIM))
    return {"hidden_states": hidden_states, "Wq": Wq, "Wk": Wk, "Wv": Wv, "Wo": Wo}


def reference(hidden_states, Wq, Wk, Wv, Wo):
    B, S, _ = hidden_states.shape
    n_rep = NUM_HEADS // NUM_KV_HEADS
    # inner attention (causal, output_attentions=True), pkv = (k_kv, v_kv)
    q = (hidden_states @ Wq).reshape(B, S, NUM_HEADS, HEAD_DIM).transpose(0, 2, 1, 3)
    k_kv = (hidden_states @ Wk).reshape(B, S, NUM_KV_HEADS, HEAD_DIM).transpose(0, 2, 1, 3)
    v_kv = (hidden_states @ Wv).reshape(B, S, NUM_KV_HEADS, HEAD_DIM).transpose(0, 2, 1, 3)
    k_full = repeat_kv(k_kv, n_rep)
    v_full = repeat_kv(v_kv, n_rep)
    scores = jnp.einsum('bhqd,bhkd->bhqk', q, k_full) / np.sqrt(HEAD_DIM)
    causal = jnp.tril(jnp.ones((S, S), dtype=bool))
    scores = jnp.where(causal[None, None, :, :], scores, jnp.finfo(scores.dtype).min)
    attn_w = jax.nn.softmax(scores, axis=-1)
    # reasoning-aware pruning of the last query row
    last_token_attn = attn_w[:, :, -1, :]            # [B, H, S]
    importance = last_token_attn.mean(axis=1)         # [B, S]
    pid = jnp.array(PROMPT_TOKEN_IDS, dtype=jnp.int32)
    importance = importance.at[:, pid].multiply(2.5)
    kk = layerwise_topk(LAYER_IDX)
    _, topk_indices = jax.lax.top_k(importance, kk)   # [B, kk]
    row = jnp.zeros((B, S), dtype=attn_w.dtype).at[jnp.arange(B)[:, None], topk_indices].set(1.0)
    mask = jnp.zeros_like(attn_w).at[:, :, -1, :].set(row[:, None, :])
    pruned = attn_w * mask
    # recompute context with pruned weights
    v_all = repeat_kv(v_kv, n_rep)
    new_ctx = jnp.einsum('bhqk,bhkd->bhqd', pruned, v_all)
    new_ctx = new_ctx.transpose(0, 2, 1, 3).reshape(B, S, NUM_HEADS * HEAD_DIM)
    out = new_ctx @ Wo
    return (out, pruned, k_kv, v_kv)

if __name__ == "__main__":
    import jax
    _d = setup_inputs()
    print(jax.jit(kernel)(*tuple(_d.values())))

</pallas_src>

<mosaic_0001>
#map = affine_map<(d0, d1) -> (0)>
module attributes {stable_mosaic.version = 14 : i64} {
  func.func @_sc_topk_kernel(%arg0: i32, %arg1: i32, %arg2: memref<2048xf32, #tpu.memory_space<hbm>>, %arg3: memref<2048xf32, #tpu.memory_space<hbm>>, %arg4: memref<2048xf32, #tpu.memory_space<vmem>>, %arg5: memref<2048xi32, #tpu.memory_space<vmem>>, %arg6: memref<2048xf32, #tpu.memory_space<vmem>>) attributes {dimension_semantics = [#tpu.dimension_semantics<core_parallel>, #tpu.dimension_semantics<subcore_parallel>], iteration_bounds = array<i64: 2, 16>, scalar_prefetch = 0 : i64, scratch_operands = 3 : i64, tpu.core_type = #tpu.core_type<sc_vector_subcore>, window_params = [{transform_indices = #map}, {transform_indices = #map}]} {
    %eq3A = arith.constant 0 : i32
    %eq3A_0 = arith.cmpi eq, %arg0, %eq3A : i32
    %eq3A_1 = arith.constant 0 : i32
    %eq3A_2 = arith.cmpi eq, %arg1, %eq3A_1 : i32
    %and3A = arith.andi %eq3A_0, %eq3A_2 : i1
    %convert_element_type3A = arith.extui %and3A : i1 to i32
    %cond3A = arith.constant 0 : i32
    %cond3A_3 = arith.cmpi ne, %convert_element_type3A, %cond3A : i32
    scf.if %cond3A_3 {
      "tpu.region"() ({
        %run_scoped3A = tpu.sem_alloc : memref<!tpu.dma_semaphore, #tpu.memory_space<semaphore_mem>>
        tpu.enqueue_dma source(%arg2 : memref<2048xf32, #tpu.memory_space<hbm>>) target(%arg4 : memref<2048xf32, #tpu.memory_space<vmem>>) target_semaphore(%run_scoped3A : memref<!tpu.dma_semaphore, #tpu.memory_space<semaphore_mem>>)
        tpu.wait_dma2 semaphore(%run_scoped3A : memref<!tpu.dma_semaphore, #tpu.memory_space<semaphore_mem>>) src(%arg2 : memref<2048xf32, #tpu.memory_space<hbm>>) dst(%arg4 : memref<2048xf32, #tpu.memory_space<vmem>>)
        tpu.yield
      }) : () -> ()
      %scan3A = arith.constant 0 : i32
      %scan3A_4 = arith.constant 0 : i32
      %scan3A_5 = arith.constant 32 : i32
      %scan3A_6 = arith.addi %scan3A_4, %scan3A_5 : i32
      %scan3A_7 = arith.constant 1 : i32
      scf.for %scan3A_32 = %scan3A_4 to %scan3A_6 step %scan3A_7  : i32 {
        %mul3A = arith.constant 4 : i32
        %mul3A_33 = arith.muli %mul3A, %scan3A_32 : i32
        %add3A_34 = arith.constant 0 : i32
        %add3A_35 = arith.addi %mul3A_33, %add3A_34 : i32
        %mul3A_36 = arith.constant 16 : i32
        %mul3A_37 = arith.muli %add3A_35, %mul3A_36 : i32
        %get3A = arith.index_cast %mul3A_37 : i32 to index
        %get3A_38 = tpu.vector_load %arg4[%get3A] {strides = array<i32>} : memref<2048xf32, #tpu.memory_space<vmem>>, vector<16xf32>,
        %bitcast3A = vector.bitcast %get3A_38 : vector<16xf32> to vector<16xi32>
        %mul3A_39 = arith.constant 4 : i32
        %mul3A_40 = arith.muli %mul3A_39, %scan3A_32 : i32
        %add3A_41 = arith.constant 0 : i32
        %add3A_42 = arith.addi %mul3A_40, %add3A_41 : i32
        %mul3A_43 = arith.constant 16 : i32
        %mul3A_44 = arith.muli %add3A_42, %mul3A_43 : i32
        %swap3A = arith.index_cast %mul3A_44 : i32 to index
        %swap3A_45 = tpu.vector_load %arg5[%swap3A] {strides = array<i32>} : memref<2048xi32, #tpu.memory_space<vmem>>, vector<16xi32>,
        tpu.vector_store %arg5[%swap3A], %bitcast3A {strides = array<i32>} : memref<2048xi32, #tpu.memory_space<vmem>>, vector<16xi32>,
        %mul3A_46 = arith.constant 4 : i32
        %mul3A_47 = arith.muli %mul3A_46, %scan3A_32 : i32
        %add3A_48 = arith.constant 1 : i32
        %add3A_49 = arith.addi %mul3A_47, %add3A_48 : i32
        %mul3A_50 = arith.constant 16 : i32
        %mul3A_51 = arith.muli %add3A_49, %mul3A_50 : i32
        %get3A_52 = arith.index_cast %mul3A_51 : i32 to index
        %get3A_53 = tpu.vector_load %arg4[%get3A_52] {strides = array<i32>} : memref<2048xf32, #tpu.memory_space<vmem>>, vector<16xf32>,
        %bitcast3A_54 = vector.bitcast %get3A_53 : vector<16xf32> to vector<16xi32>
        %mul3A_55 = arith.constant 4 : i32
        %mul3A_56 = arith.muli %mul3A_55, %scan3A_32 : i32
        %add3A_57 = arith.constant 1 : i32
        %add3A_58 = arith.addi %mul3A_56, %add3A_57 : i32
        %mul3A_59 = arith.constant 16 : i32
        %mul3A_60 = arith.muli %add3A_58, %mul3A_59 : i32
        %swap3A_61 = arith.index_cast %mul3A_60 : i32 to index
        %swap3A_62 = tpu.vector_load %arg5[%swap3A_61] {strides = array<i32>} : memref<2048xi32, #tpu.memory_space<vmem>>, vector<16xi32>,
        tpu.vector_store %arg5[%swap3A_61], %bitcast3A_54 {strides = array<i32>} : memref<2048xi32, #tpu.memory_space<vmem>>, vector<16xi32>,
        %mul3A_63 = arith.constant 4 : i32
        %mul3A_64 = arith.muli %mul3A_63, %scan3A_32 : i32
        %add3A_65 = arith.constant 2 : i32
        %add3A_66 = arith.addi %mul3A_64, %add3A_65 : i32
        %mul3A_67 = arith.constant 16 : i32
        %mul3A_68 = arith.muli %add3A_66, %mul3A_67 : i32
        %get3A_69 = arith.index_cast %mul3A_68 : i32 to index
        %get3A_70 = tpu.vector_load %arg4[%get3A_69] {strides = array<i32>} : memref<2048xf32, #tpu.memory_space<vmem>>, vector<16xf32>,
        %bitcast3A_71 = vector.bitcast %get3A_70 : vector<16xf32> to vector<16xi32>
        %mul3A_72 = arith.constant 4 : i32
        %mul3A_73 = arith.muli %mul3A_72, %scan3A_32 : i32
        %add3A_74 = arith.constant 2 : i32
        %add3A_75 = arith.addi %mul3A_73, %add3A_74 : i32
        %mul3A_76 = arith.constant 16 : i32
        %mul3A_77 = arith.muli %add3A_75, %mul3A_76 : i32
        %swap3A_78 = arith.index_cast %mul3A_77 : i32 to index
        %swap3A_79 = tpu.vector_load %arg5[%swap3A_78] {strides = array<i32>} : memref<2048xi32, #tpu.memory_space<vmem>>, vector<16xi32>,
        tpu.vector_store %arg5[%swap3A_78], %bitcast3A_71 {strides = array<i32>} : memref<2048xi32, #tpu.memory_space<vmem>>, vector<16xi32>,
        %mul3A_80 = arith.constant 4 : i32
        %mul3A_81 = arith.muli %mul3A_80, %scan3A_32 : i32
        %add3A_82 = arith.constant 3 : i32
        %add3A_83 = arith.addi %mul3A_81, %add3A_82 : i32
        %mul3A_84 = arith.constant 16 : i32
        %mul3A_85 = arith.muli %add3A_83, %mul3A_84 : i32
        %get3A_86 = arith.index_cast %mul3A_85 : i32 to index
        %get3A_87 = tpu.vector_load %arg4[%get3A_86] {strides = array<i32>} : memref<2048xf32, #tpu.memory_space<vmem>>, vector<16xf32>,
        %bitcast3A_88 = vector.bitcast %get3A_87 : vector<16xf32> to vector<16xi32>
        %mul3A_89 = arith.constant 4 : i32
        %mul3A_90 = arith.muli %mul3A_89, %scan3A_32 : i32
        %add3A_91 = arith.constant 3 : i32
        %add3A_92 = arith.addi %mul3A_90, %add3A_91 : i32
        %mul3A_93 = arith.constant 16 : i32
        %mul3A_94 = arith.muli %add3A_92, %mul3A_93 : i32
        %swap3A_95 = arith.index_cast %mul3A_94 : i32 to index
        %swap3A_96 = tpu.vector_load %arg5[%swap3A_95] {strides = array<i32>} : memref<2048xi32, #tpu.memory_space<vmem>>, vector<16xi32>,
        tpu.vector_store %arg5[%swap3A_95], %bitcast3A_88 {strides = array<i32>} : memref<2048xi32, #tpu.memory_space<vmem>>, vector<16xi32>,
      }
      %scan3A_8 = arith.constant 32 : i32
      %scan3A_9 = arith.constant 0 : i32
      %scan3A_10 = arith.constant 0 : i32
      %scan3A_11 = arith.constant 31 : i32
      %scan3A_12 = arith.addi %scan3A_10, %scan3A_11 : i32
      %scan3A_13 = arith.constant 1 : i32
      %scan3A_14 = scf.for %scan3A_32 = %scan3A_10 to %scan3A_12 step %scan3A_13 iter_args(%scan3A_33 = %scan3A_9) -> (i32)  : i32 {
        %sub3A_34 = arith.constant 30 : i32
        %sub3A_35 = arith.subi %sub3A_34, %scan3A_32 : i32
        %shift_left3A = arith.constant 1 : i32
        %shift_left3A_36 = arith.shli %shift_left3A, %sub3A_35 : i32
        %or3A = arith.ori %scan3A_33, %shift_left3A_36 : i32
        %scan3A_37 = arith.constant 0 : i32
        %scan3A_38 = arith.constant 0 : i32
        %scan3A_39 = arith.constant 8 : i32
        %scan3A_40 = arith.addi %scan3A_38, %scan3A_39 : i32
        %scan3A_41 = arith.constant 1 : i32
        %scan3A_42 = scf.for %scan3A_45 = %scan3A_38 to %scan3A_40 step %scan3A_41 iter_args(%scan3A_46 = %scan3A_37) -> (i32)  : i32 {
          %broadcast_in_dim3A = arith.constant 0 : i32
          %broadcast_in_dim3A_47 = vector.broadcast %broadcast_in_dim3A : i32 to vector<16xi32>
          %mul3A = arith.constant 16 : i32
          %mul3A_48 = arith.muli %mul3A, %scan3A_45 : i32
          %add3A_49 = arith.constant 0 : i32
          %add3A_50 = arith.addi %mul3A_48, %add3A_49 : i32
          %mul3A_51 = arith.constant 16 : i32
          %mul3A_52 = arith.muli %add3A_50, %mul3A_51 : i32
          %get3A = arith.index_cast %mul3A_52 : i32 to index
          %get3A_53 = tpu.vector_load %arg5[%get3A] {strides = array<i32>} : memref<2048xi32, #tpu.memory_space<vmem>>, vector<16xi32>,
          %ge3A_54 = vector.broadcast %or3A : i32 to vector<16xi32>
          %ge3A_55 = arith.cmpi sge, %get3A_53, %ge3A_54 : vector<16xi32>
          %jit3A = arith.constant 1 : i32
          %jit3A_56 = arith.constant 0 : i32
          %broadcast_in_dim3A_57 = vector.broadcast %jit3A : i32 to vector<16xi32>
          %broadcast_in_dim3A_58 = vector.broadcast %jit3A_56 : i32 to vector<16xi32>
          %select_n3A_59 = arith.select %ge3A_55, %broadcast_in_dim3A_57, %broadcast_in_dim3A_58 : vector<16xi1>, vector<16xi32>
          %add3A_60 = arith.addi %broadcast_in_dim3A_47, %select_n3A_59 : vector<16xi32>
          %mul3A_61 = arith.constant 16 : i32
          %mul3A_62 = arith.muli %mul3A_61, %scan3A_45 : i32
          %add3A_63 = arith.constant 1 : i32
          %add3A_64 = arith.addi %mul3A_62, %add3A_63 : i32
          %mul3A_65 = arith.constant 16 : i32
          %mul3A_66 = arith.muli %add3A_64, %mul3A_65 : i32
          %get3A_67 = arith.index_cast %mul3A_66 : i32 to index
          %get3A_68 = tpu.vector_load %arg5[%get3A_67] {strides = array<i32>} : memref<2048xi32, #tpu.memory_space<vmem>>, vector<16xi32>,
          %ge3A_69 = vector.broadcast %or3A : i32 to vector<16xi32>
          %ge3A_70 = arith.cmpi sge, %get3A_68, %ge3A_69 : vector<16xi32>
          %jit3A_71 = arith.constant 1 : i32
          %jit3A_72 = arith.constant 0 : i32
          %broadcast_in_dim3A_73 = vector.broadcast %jit3A_71 : i32 to vector<16xi32>
          %broadcast_in_dim3A_74 = vector.broadcast %jit3A_72 : i32 to vector<16xi32>
          %select_n3A_75 = arith.select %ge3A_70, %broadcast_in_dim3A_73, %broadcast_in_dim3A_74 : vector<16xi1>, vector<16xi32>
          %add3A_76 = arith.addi %add3A_60, %select_n3A_75 : vector<16xi32>
          %mul3A_77 = arith.constant 16 : i32
          %mul3A_78 = arith.muli %mul3A_77, %scan3A_45 : i32
          %add3A_79 = arith.constant 2 : i32
          %add3A_80 = arith.addi %mul3A_78, %add3A_79 : i32
          %mul3A_81 = arith.constant 16 : i32
          %mul3A_82 = arith.muli %add3A_80, %mul3A_81 : i32
          %get3A_83 = arith.index_cast %mul3A_82 : i32 to index
          %get3A_84 = tpu.vector_load %arg5[%get3A_83] {strides = array<i32>} : memref<2048xi32, #tpu.memory_space<vmem>>, vector<16xi32>,
          %ge3A_85 = vector.broadcast %or3A : i32 to vector<16xi32>
          %ge3A_86 = arith.cmpi sge, %get3A_84, %ge3A_85 : vector<16xi32>
          %jit3A_87 = arith.constant 1 : i32
          %jit3A_88 = arith.constant 0 : i32
          %broadcast_in_dim3A_89 = vector.broadcast %jit3A_87 : i32 to vector<16xi32>
          %broadcast_in_dim3A_90 = vector.broadcast %jit3A_88 : i32 to vector<16xi32>
          %select_n3A_91 = arith.select %ge3A_86, %broadcast_in_dim3A_89, %broadcast_in_dim3A_90 : vector<16xi1>, vector<16xi32>
          %add3A_92 = arith.addi %add3A_76, %select_n3A_91 : vector<16xi32>
          %mul3A_93 = arith.constant 16 : i32
          %mul3A_94 = arith.muli %mul3A_93, %scan3A_45 : i32
          %add3A_95 = arith.constant 3 : i32
          %add3A_96 = arith.addi %mul3A_94, %add3A_95 : i32
          %mul3A_97 = arith.constant 16 : i32
          %mul3A_98 = arith.muli %add3A_96, %mul3A_97 : i32
          %get3A_99 = arith.index_cast %mul3A_98 : i32 to index
          %get3A_100 = tpu.vector_load %arg5[%get3A_99] {strides = array<i32>} : memref<2048xi32, #tpu.memory_space<vmem>>, vector<16xi32>,
          %ge3A_101 = vector.broadcast %or3A : i32 to vector<16xi32>
          %ge3A_102 = arith.cmpi sge, %get3A_100, %ge3A_101 : vector<16xi32>
          %jit3A_103 = arith.constant 1 : i32
          %jit3A_104 = arith.constant 0 : i32
          %broadcast_in_dim3A_105 = vector.broadcast %jit3A_103 : i32 to vector<16xi32>
          %broadcast_in_dim3A_106 = vector.broadcast %jit3A_104 : i32 to vector<16xi32>
          %select_n3A_107 = arith.select %ge3A_102, %broadcast_in_dim3A_105, %broadcast_in_dim3A_106 : vector<16xi1>, vector<16xi32>
          %add3A_108 = arith.addi %add3A_92, %select_n3A_107 : vector<16xi32>
          %mul3A_109 = arith.constant 16 : i32
          %mul3A_110 = arith.muli %mul3A_109, %scan3A_45 : i32
          %add3A_111 = arith.constant 4 : i32
          %add3A_112 = arith.addi %mul3A_110, %add3A_111 : i32
          %mul3A_113 = arith.constant 16 : i32
          %mul3A_114 = arith.muli %add3A_112, %mul3A_113 : i32
          %get3A_115 = arith.index_cast %mul3A_114 : i32 to index
          %get3A_116 = tpu.vector_load %arg5[%get3A_115] {strides = array<i32>} : memref<2048xi32, #tpu.memory_space<vmem>>, vector<16xi32>,
          %ge3A_117 = vector.broadcast %or3A : i32 to vector<16xi32>
          %ge3A_118 = arith.cmpi sge, %get3A_116, %ge3A_117 : vector<16xi32>
          %jit3A_119 = arith.constant 1 : i32
          %jit3A_120 = arith.constant 0 : i32
          %broadcast_in_dim3A_121 = vector.broadcast %jit3A_119 : i32 to vector<16xi32>
          %broadcast_in_dim3A_122 = vector.broadcast %jit3A_120 : i32 to vector<16xi32>
          %select_n3A_123 = arith.select %ge3A_118, %broadcast_in_dim3A_121, %broadcast_in_dim3A_122 : vector<16xi1>, vector<16xi32>
          %add3A_124 = arith.addi %add3A_108, %select_n3A_123 : vector<16xi32>
          %mul3A_125 = arith.constant 16 : i32
          %mul3A_126 = arith.muli %mul3A_125, %scan3A_45 : i32
          %add3A_127 = arith.constant 5 : i32
          %add3A_128 = arith.addi %mul3A_126, %add3A_127 : i32
          %mul3A_129 = arith.constant 16 : i32
          %mul3A_130 = arith.muli %add3A_128, %mul3A_129 : i32
          %get3A_131 = arith.index_cast %mul3A_130 : i32 to index
          %get3A_132 = tpu.vector_load %arg5[%get3A_131] {strides = array<i32>} : memref<2048xi32, #tpu.memory_space<vmem>>, vector<16xi32>,
          %ge3A_133 = vector.broadcast %or3A : i32 to vector<16xi32>
          %ge3A_134 = arith.cmpi sge, %get3A_132, %ge3A_133 : vector<16xi32>
          %jit3A_135 = arith.constant 1 : i32
          %jit3A_136 = arith.constant 0 : i32
          %broadcast_in_dim3A_137 = vector.broadcast %jit3A_135 : i32 to vector<16xi32>
          %broadcast_in_dim3A_138 = vector.broadcast %jit3A_136 : i32 to vector<16xi32>
          %select_n3A_139 = arith.select %ge3A_134, %broadcast_in_dim3A_137, %broadcast_in_dim3A_138 : vector<16xi1>, vector<16xi32>
          %add3A_140 = arith.addi %add3A_124, %select_n3A_139 : vector<16xi32>
          %mul3A_141 = arith.constant 16 : i32
          %mul3A_142 = arith.muli %mul3A_141, %scan3A_45 : i32
          %add3A_143 = arith.constant 6 : i32
          %add3A_144 = arith.addi %mul3A_142, %add3A_143 : i32
          %mul3A_145 = arith.constant 16 : i32
          %mul3A_146 = arith.muli %add3A_144, %mul3A_145 : i32
          %get3A_147 = arith.index_cast %mul3A_146 : i32 to index
          %get3A_148 = tpu.vector_load %arg5[%get3A_147] {strides = array<i32>} : memref<2048xi32, #tpu.memory_space<vmem>>, vector<16xi32>,
          %ge3A_149 = vector.broadcast %or3A : i32 to vector<16xi32>
          %ge3A_150 = arith.cmpi sge, %get3A_148, %ge3A_149 : vector<16xi32>
          %jit3A_151 = arith.constant 1 : i32
          %jit3A_152 = arith.constant 0 : i32
          %broadcast_in_dim3A_153 = vector.broadcast %jit3A_151 : i32 to vector<16xi32>
          %broadcast_in_dim3A_154 = vector.broadcast %jit3A_152 : i32 to vector<16xi32>
          %select_n3A_155 = arith.select %ge3A_150, %broadcast_in_dim3A_153, %broadcast_in_dim3A_154 : vector<16xi1>, vector<16xi32>
          %add3A_156 = arith.addi %add3A_140, %select_n3A_155 : vector<16xi32>
          %mul3A_157 = arith.constant 16 : i32
          %mul3A_158 = arith.muli %mul3A_157, %scan3A_45 : i32
          %add3A_159 = arith.constant 7 : i32
          %add3A_160 = arith.addi %mul3A_158, %add3A_159 : i32
          %mul3A_161 = arith.constant 16 : i32
          %mul3A_162 = arith.muli %add3A_160, %mul3A_161 : i32
          %get3A_163 = arith.index_cast %mul3A_162 : i32 to index
          %get3A_164 = tpu.vector_load %arg5[%get3A_163] {strides = array<i32>} : memref<2048xi32, #tpu.memory_space<vmem>>, vector<16xi32>,
          %ge3A_165 = vector.broadcast %or3A : i32 to vector<16xi32>
          %ge3A_166 = arith.cmpi sge, %get3A_164, %ge3A_165 : vector<16xi32>
          %jit3A_167 = arith.constant 1 : i32
          %jit3A_168 = arith.constant 0 : i32
          %broadcast_in_dim3A_169 = vector.broadcast %jit3A_167 : i32 to vector<16xi32>
          %broadcast_in_dim3A_170 = vector.broadcast %jit3A_168 : i32 to vector<16xi32>
          %select_n3A_171 = arith.select %ge3A_166, %broadcast_in_dim3A_169, %broadcast_in_dim3A_170 : vector<16xi1>, vector<16xi32>
          %add3A_172 = arith.addi %add3A_156, %select_n3A_171 : vector<16xi32>
          %mul3A_173 = arith.constant 16 : i32
          %mul3A_174 = arith.muli %mul3A_173, %scan3A_45 : i32
          %add3A_175 = arith.constant 8 : i32
          %add3A_176 = arith.addi %mul3A_174, %add3A_175 : i32
          %mul3A_177 = arith.constant 16 : i32
          %mul3A_178 = arith.muli %add3A_176, %mul3A_177 : i32
          %get3A_179 = arith.index_cast %mul3A_178 : i32 to index
          %get3A_180 = tpu.vector_load %arg5[%get3A_179] {strides = array<i32>} : memref<2048xi32, #tpu.memory_space<vmem>>, vector<16xi32>,
          %ge3A_181 = vector.broadcast %or3A : i32 to vector<16xi32>
          %ge3A_182 = arith.cmpi sge, %get3A_180, %ge3A_181 : vector<16xi32>
          %jit3A_183 = arith.constant 1 : i32
          %jit3A_184 = arith.constant 0 : i32
          %broadcast_in_dim3A_185 = vector.broadcast %jit3A_183 : i32 to vector<16xi32>
          %broadcast_in_dim3A_186 = vector.broadcast %jit3A_184 : i32 to vector<16xi32>
          %select_n3A_187 = arith.select %ge3A_182, %broadcast_in_dim3A_185, %broadcast_in_dim3A_186 : vector<16xi1>, vector<16xi32>
          %add3A_188 = arith.addi %add3A_172, %select_n3A_187 : vector<16xi32>
          %mul3A_189 = arith.constant 16 : i32
          %mul3A_190 = arith.muli %mul3A_189, %scan3A_45 : i32
          %add3A_191 = arith.constant 9 : i32
          %add3A_192 = arith.addi %mul3A_190, %add3A_191 : i32
          %mul3A_193 = arith.constant 16 : i32
          %mul3A_194 = arith.muli %add3A_192, %mul3A_193 : i32
          %get3A_195 = arith.index_cast %mul3A_194 : i32 to index
          %get3A_196 = tpu.vector_load %arg5[%get3A_195] {strides = array<i32>} : memref<2048xi32, #tpu.memory_space<vmem>>, vector<16xi32>,
          %ge3A_197 = vector.broadcast %or3A : i32 to vector<16xi32>
          %ge3A_198 = arith.cmpi sge, %get3A_196, %ge3A_197 : vector<16xi32>
          %jit3A_199 = arith.constant 1 : i32
          %jit3A_200 = arith.constant 0 : i32
          %broadcast_in_dim3A_201 = vector.broadcast %jit3A_199 : i32 to vector<16xi32>
          %broadcast_in_dim3A_202 = vector.broadcast %jit3A_200 : i32 to vector<16xi32>
          %select_n3A_203 = arith.select %ge3A_198, %broadcast_in_dim3A_201, %broadcast_in_dim3A_202 : vector<16xi1>, vector<16xi32>
          %add3A_204 = arith.addi %add3A_188, %select_n3A_203 : vector<16xi32>
          %mul3A_205 = arith.constant 16 : i32
          %mul3A_206 = arith.muli %mul3A_205, %scan3A_45 : i32
          %add3A_207 = arith.constant 10 : i32
          %add3A_208 = arith.addi %mul3A_206, %add3A_207 : i32
          %mul3A_209 = arith.constant 16 : i32
          %mul3A_210 = arith.muli %add3A_208, %mul3A_209 : i32
          %get3A_211 = arith.index_cast %mul3A_210 : i32 to index
          %get3A_212 = tpu.vector_load %arg5[%get3A_211] {strides = array<i32>} : memref<2048xi32, #tpu.memory_space<vmem>>, vector<16xi32>,
          %ge3A_213 = vector.broadcast %or3A : i32 to vector<16xi32>
          %ge3A_214 = arith.cmpi sge, %get3A_212, %ge3A_213 : vector<16xi32>
          %jit3A_215 = arith.constant 1 : i32
          %jit3A_216 = arith.constant 0 : i32
          %broadcast_in_dim3A_217 = vector.broadcast %jit3A_215 : i32 to vector<16xi32>
          %broadcast_in_dim3A_218 = vector.broadcast %jit3A_216 : i32 to vector<16xi32>
          %select_n3A_219 = arith.select %ge3A_214, %broadcast_in_dim3A_217, %broadcast_in_dim3A_218 : vector<16xi1>, vector<16xi32>
          %add3A_220 = arith.addi %add3A_204, %select_n3A_219 : vector<16xi32>
          %mul3A_221 = arith.constant 16 : i32
          %mul3A_222 = arith.muli %mul3A_221, %scan3A_45 : i32
          %add3A_223 = arith.constant 11 : i32
          %add3A_224 = arith.addi %mul3A_222, %add3A_223 : i32
          %mul3A_225 = arith.constant 16 : i32
          %mul3A_226 = arith.muli %add3A_224, %mul3A_225 : i32
          %get3A_227 = arith.index_cast %mul3A_226 : i32 to index
          %get3A_228 = tpu.vector_load %arg5[%get3A_227] {strides = array<i32>} : memref<2048xi32, #tpu.memory_space<vmem>>, vector<16xi32>,
          %ge3A_229 = vector.broadcast %or3A : i32 to vector<16xi32>
          %ge3A_230 = arith.cmpi sge, %get3A_228, %ge3A_229 : vector<16xi32>
          %jit3A_231 = arith.constant 1 : i32
          %jit3A_232 = arith.constant 0 : i32
          %broadcast_in_dim3A_233 = vector.broadcast %jit3A_231 : i32 to vector<16xi32>
          %broadcast_in_dim3A_234 = vector.broadcast %jit3A_232 : i32 to vector<16xi32>
          %select_n3A_235 = arith.select %ge3A_230, %broadcast_in_dim3A_233, %broadcast_in_dim3A_234 : vector<16xi1>, vector<16xi32>
          %add3A_236 = arith.addi %add3A_220, %select_n3A_235 : vector<16xi32>
          %mul3A_237 = arith.constant 16 : i32
          %mul3A_238 = arith.muli %mul3A_237, %scan3A_45 : i32
          %add3A_239 = arith.constant 12 : i32
          %add3A_240 = arith.addi %mul3A_238, %add3A_239 : i32
          %mul3A_241 = arith.constant 16 : i32
          %mul3A_242 = arith.muli %add3A_240, %mul3A_241 : i32
          %get3A_243 = arith.index_cast %mul3A_242 : i32 to index
          %get3A_244 = tpu.vector_load %arg5[%get3A_243] {strides = array<i32>} : memref<2048xi32, #tpu.memory_space<vmem>>, vector<16xi32>,
          %ge3A_245 = vector.broadcast %or3A : i32 to vector<16xi32>
          %ge3A_246 = arith.cmpi sge, %get3A_244, %ge3A_245 : vector<16xi32>
          %jit3A_247 = arith.constant 1 : i32
          %jit3A_248 = arith.constant 0 : i32
          %broadcast_in_dim3A_249 = vector.broadcast %jit3A_247 : i32 to vector<16xi32>
          %broadcast_in_dim3A_250 = vector.broadcast %jit3A_248 : i32 to vector<16xi32>
          %select_n3A_251 = arith.select %ge3A_246, %broadcast_in_dim3A_249, %broadcast_in_dim3A_250 : vector<16xi1>, vector<16xi32>
          %add3A_252 = arith.addi %add3A_236, %select_n3A_251 : vector<16xi32>
          %mul3A_253 = arith.constant 16 : i32
          %mul3A_254 = arith.muli %mul3A_253, %scan3A_45 : i32
          %add3A_255 = arith.constant 13 : i32
          %add3A_256 = arith.addi %mul3A_254, %add3A_255 : i32
          %mul3A_257 = arith.constant 16 : i32
          %mul3A_258 = arith.muli %add3A_256, %mul3A_257 : i32
          %get3A_259 = arith.index_cast %mul3A_258 : i32 to index
          %get3A_260 = tpu.vector_load %arg5[%get3A_259] {strides = array<i32>} : memref<2048xi32, #tpu.memory_space<vmem>>, vector<16xi32>,
          %ge3A_261 = vector.broadcast %or3A : i32 to vector<16xi32>
          %ge3A_262 = arith.cmpi sge, %get3A_260, %ge3A_261 : vector<16xi32>
          %jit3A_263 = arith.constant 1 : i32
          %jit3A_264 = arith.constant 0 : i32
          %broadcast_in_dim3A_265 = vector.broadcast %jit3A_263 : i32 to vector<16xi32>
          %broadcast_in_dim3A_266 = vector.broadcast %jit3A_264 : i32 to vector<16xi32>
          %select_n3A_267 = arith.select %ge3A_262, %broadcast_in_dim3A_265, %broadcast_in_dim3A_266 : vector<16xi1>, vector<16xi32>
          %add3A_268 = arith.addi %add3A_252, %select_n3A_267 : vector<16xi32>
          %mul3A_269 = arith.constant 16 : i32
          %mul3A_270 = arith.muli %mul3A_269, %scan3A_45 : i32
          %add3A_271 = arith.constant 14 : i32
          %add3A_272 = arith.addi %mul3A_270, %add3A_271 : i32
          %mul3A_273 = arith.constant 16 : i32
          %mul3A_274 = arith.muli %add3A_272, %mul3A_273 : i32
          %get3A_275 = arith.index_cast %mul3A_274 : i32 to index
          %get3A_276 = tpu.vector_load %arg5[%get3A_275] {strides = array<i32>} : memref<2048xi32, #tpu.memory_space<vmem>>, vector<16xi32>,
          %ge3A_277 = vector.broadcast %or3A : i32 to vector<16xi32>
          %ge3A_278 = arith.cmpi sge, %get3A_276, %ge3A_277 : vector<16xi32>
          %jit3A_279 = arith.constant 1 : i32
          %jit3A_280 = arith.constant 0 : i32
          %broadcast_in_dim3A_281 = vector.broadcast %jit3A_279 : i32 to vector<16xi32>
          %broadcast_in_dim3A_282 = vector.broadcast %jit3A_280 : i32 to vector<16xi32>
          %select_n3A_283 = arith.select %ge3A_278, %broadcast_in_dim3A_281, %broadcast_in_dim3A_282 : vector<16xi1>, vector<16xi32>
          %add3A_284 = arith.addi %add3A_268, %select_n3A_283 : vector<16xi32>
          %mul3A_285 = arith.constant 16 : i32
          %mul3A_286 = arith.muli %mul3A_285, %scan3A_45 : i32
          %add3A_287 = arith.constant 15 : i32
          %add3A_288 = arith.addi %mul3A_286, %add3A_287 : i32
          %mul3A_289 = arith.constant 16 : i32
          %mul3A_290 = arith.muli %add3A_288, %mul3A_289 : i32
          %get3A_291 = arith.index_cast %mul3A_290 : i32 to index
          %get3A_292 = tpu.vector_load %arg5[%get3A_291] {strides = array<i32>} : memref<2048xi32, #tpu.memory_space<vmem>>, vector<16xi32>,
          %ge3A_293 = vector.broadcast %or3A : i32 to vector<16xi32>
          %ge3A_294 = arith.cmpi sge, %get3A_292, %ge3A_293 : vector<16xi32>
          %jit3A_295 = arith.constant 1 : i32
          %jit3A_296 = arith.constant 0 : i32
          %broadcast_in_dim3A_297 = vector.broadcast %jit3A_295 : i32 to vector<16xi32>
          %broadcast_in_dim3A_298 = vector.broadcast %jit3A_296 : i32 to vector<16xi32>
          %select_n3A_299 = arith.select %ge3A_294, %broadcast_in_dim3A_297, %broadcast_in_dim3A_298 : vector<16xi1>, vector<16xi32>
          %add3A_300 = arith.addi %add3A_284, %select_n3A_299 : vector<16xi32>
          %reduce_sum3A = arith.constant true
          %reduce_sum3A_301 = vector.broadcast %reduce_sum3A : i1 to vector<16xi1>
          %reduce_sum3A_302 = tpu.scan <sum>, %add3A_300 masked %reduce_sum3A_301 : vector<16xi32>, vector<16xi1> -> vector<16xi32>
          %reduce_sum3A_303 = vector.extract %reduce_sum3A_302[15] : i32 from vector<16xi32>
          %add3A_304 = arith.addi %scan3A_46, %reduce_sum3A_303 : i32
          scf.yield %add3A_304 : i32
        }
        %scan3A_43 = arith.constant 8 : i32
        %ge3A = arith.constant 158 : i32
        %ge3A_44 = arith.cmpi sge, %scan3A_42, %ge3A : i32
        %select_n3A = arith.select %ge3A_44, %or3A, %scan3A_33 : i32
        scf.yield %select_n3A : i32
      }
      %scan3A_15 = arith.constant 31 : i32
      %add3A = arith.constant 1 : i32
      %add3A_16 = arith.addi %scan3A_14, %add3A : i32
      %scan3A_17 = arith.constant 0 : i32
      %scan3A_18 = arith.constant 0 : i32
      %scan3A_19 = arith.constant 8 : i32
      %scan3A_20 = arith.addi %scan3A_18, %scan3A_19 : i32
      %scan3A_21 = arith.constant 1 : i32
      %scan3A_22 = scf.for %scan3A_32 = %scan3A_18 to %scan3A_20 step %scan3A_21 iter_args(%scan3A_33 = %scan3A_17) -> (i32)  : i32 {
        %broadcast_in_dim3A = arith.constant 0 : i32
        %broadcast_in_dim3A_34 = vector.broadcast %broadcast_in_dim3A : i32 to vector<16xi32>
        %mul3A = arith.constant 16 : i32
        %mul3A_35 = arith.muli %mul3A, %scan3A_32 : i32
        %add3A_36 = arith.constant 0 : i32
        %add3A_37 = arith.addi %mul3A_35, %add3A_36 : i32
        %mul3A_38 = arith.constant 16 : i32
        %mul3A_39 = arith.muli %add3A_37, %mul3A_38 : i32
        %get3A = arith.index_cast %mul3A_39 : i32 to index
        %get3A_40 = tpu.vector_load %arg5[%get3A] {strides = array<i32>} : memref<2048xi32, #tpu.memory_space<vmem>>, vector<16xi32>,
        %ge3A = vector.broadcast %add3A_16 : i32 to vector<16xi32>
        %ge3A_41 = arith.cmpi sge, %get3A_40, %ge3A : vector<16xi32>
        %jit3A = arith.constant 1 : i32
        %jit3A_42 = arith.constant 0 : i32
        %broadcast_in_dim3A_43 = vector.broadcast %jit3A : i32 to vector<16xi32>
        %broadcast_in_dim3A_44 = vector.broadcast %jit3A_42 : i32 to vector<16xi32>
        %select_n3A = arith.select %ge3A_41, %broadcast_in_dim3A_43, %broadcast_in_dim3A_44 : vector<16xi1>, vector<16xi32>
        %add3A_45 = arith.addi %broadcast_in_dim3A_34, %select_n3A : vector<16xi32>
        %mul3A_46 = arith.constant 16 : i32
        %mul3A_47 = arith.muli %mul3A_46, %scan3A_32 : i32
        %add3A_48 = arith.constant 1 : i32
        %add3A_49 = arith.addi %mul3A_47, %add3A_48 : i32
        %mul3A_50 = arith.constant 16 : i32
        %mul3A_51 = arith.muli %add3A_49, %mul3A_50 : i32
        %get3A_52 = arith.index_cast %mul3A_51 : i32 to index
        %get3A_53 = tpu.vector_load %arg5[%get3A_52] {strides = array<i32>} : memref<2048xi32, #tpu.memory_space<vmem>>, vector<16xi32>,
        %ge3A_54 = vector.broadcast %add3A_16 : i32 to vector<16xi32>
        %ge3A_55 = arith.cmpi sge, %get3A_53, %ge3A_54 : vector<16xi32>
        %jit3A_56 = arith.constant 1 : i32
        %jit3A_57 = arith.constant 0 : i32
        %broadcast_in_dim3A_58 = vector.broadcast %jit3A_56 : i32 to vector<16xi32>
        %broadcast_in_dim3A_59 = vector.broadcast %jit3A_57 : i32 to vector<16xi32>
        %select_n3A_60 = arith.select %ge3A_55, %broadcast_in_dim3A_58, %broadcast_in_dim3A_59 : vector<16xi1>, vector<16xi32>
        %add3A_61 = arith.addi %add3A_45, %select_n3A_60 : vector<16xi32>
        %mul3A_62 = arith.constant 16 : i32
        %mul3A_63 = arith.muli %mul3A_62, %scan3A_32 : i32
        %add3A_64 = arith.constant 2 : i32
        %add3A_65 = arith.addi %mul3A_63, %add3A_64 : i32
        %mul3A_66 = arith.constant 16 : i32
        %mul3A_67 = arith.muli %add3A_65, %mul3A_66 : i32
        %get3A_68 = arith.index_cast %mul3A_67 : i32 to index
        %get3A_69 = tpu.vector_load %arg5[%get3A_68] {strides = array<i32>} : memref<2048xi32, #tpu.memory_space<vmem>>, vector<16xi32>,
        %ge3A_70 = vector.broadcast %add3A_16 : i32 to vector<16xi32>
        %ge3A_71 = arith.cmpi sge, %get3A_69, %ge3A_70 : vector<16xi32>
        %jit3A_72 = arith.constant 1 : i32
        %jit3A_73 = arith.constant 0 : i32
        %broadcast_in_dim3A_74 = vector.broadcast %jit3A_72 : i32 to vector<16xi32>
        %broadcast_in_dim3A_75 = vector.broadcast %jit3A_73 : i32 to vector<16xi32>
        %select_n3A_76 = arith.select %ge3A_71, %broadcast_in_dim3A_74, %broadcast_in_dim3A_75 : vector<16xi1>, vector<16xi32>
        %add3A_77 = arith.addi %add3A_61, %select_n3A_76 : vector<16xi32>
        %mul3A_78 = arith.constant 16 : i32
        %mul3A_79 = arith.muli %mul3A_78, %scan3A_32 : i32
        %add3A_80 = arith.constant 3 : i32
        %add3A_81 = arith.addi %mul3A_79, %add3A_80 : i32
        %mul3A_82 = arith.constant 16 : i32
        %mul3A_83 = arith.muli %add3A_81, %mul3A_82 : i32
        %get3A_84 = arith.index_cast %mul3A_83 : i32 to index
        %get3A_85 = tpu.vector_load %arg5[%get3A_84] {strides = array<i32>} : memref<2048xi32, #tpu.memory_space<vmem>>, vector<16xi32>,
        %ge3A_86 = vector.broadcast %add3A_16 : i32 to vector<16xi32>
        %ge3A_87 = arith.cmpi sge, %get3A_85, %ge3A_86 : vector<16xi32>
        %jit3A_88 = arith.constant 1 : i32
        %jit3A_89 = arith.constant 0 : i32
        %broadcast_in_dim3A_90 = vector.broadcast %jit3A_88 : i32 to vector<16xi32>
        %broadcast_in_dim3A_91 = vector.broadcast %jit3A_89 : i32 to vector<16xi32>
        %select_n3A_92 = arith.select %ge3A_87, %broadcast_in_dim3A_90, %broadcast_in_dim3A_91 : vector<16xi1>, vector<16xi32>
        %add3A_93 = arith.addi %add3A_77, %select_n3A_92 : vector<16xi32>
        %mul3A_94 = arith.constant 16 : i32
        %mul3A_95 = arith.muli %mul3A_94, %scan3A_32 : i32
        %add3A_96 = arith.constant 4 : i32
        %add3A_97 = arith.addi %mul3A_95, %add3A_96 : i32
        %mul3A_98 = arith.constant 16 : i32
        %mul3A_99 = arith.muli %add3A_97, %mul3A_98 : i32
        %get3A_100 = arith.index_cast %mul3A_99 : i32 to index
        %get3A_101 = tpu.vector_load %arg5[%get3A_100] {strides = array<i32>} : memref<2048xi32, #tpu.memory_space<vmem>>, vector<16xi32>,
        %ge3A_102 = vector.broadcast %add3A_16 : i32 to vector<16xi32>
        %ge3A_103 = arith.cmpi sge, %get3A_101, %ge3A_102 : vector<16xi32>
        %jit3A_104 = arith.constant 1 : i32
        %jit3A_105 = arith.constant 0 : i32
        %broadcast_in_dim3A_106 = vector.broadcast %jit3A_104 : i32 to vector<16xi32>
        %broadcast_in_dim3A_107 = vector.broadcast %jit3A_105 : i32 to vector<16xi32>
        %select_n3A_108 = arith.select %ge3A_103, %broadcast_in_dim3A_106, %broadcast_in_dim3A_107 : vector<16xi1>, vector<16xi32>
        %add3A_109 = arith.addi %add3A_93, %select_n3A_108 : vector<16xi32>
        %mul3A_110 = arith.constant 16 : i32
        %mul3A_111 = arith.muli %mul3A_110, %scan3A_32 : i32
        %add3A_112 = arith.constant 5 : i32
        %add3A_113 = arith.addi %mul3A_111, %add3A_112 : i32
        %mul3A_114 = arith.constant 16 : i32
        %mul3A_115 = arith.muli %add3A_113, %mul3A_114 : i32
        %get3A_116 = arith.index_cast %mul3A_115 : i32 to index
        %get3A_117 = tpu.vector_load %arg5[%get3A_116] {strides = array<i32>} : memref<2048xi32, #tpu.memory_space<vmem>>, vector<16xi32>,
        %ge3A_118 = vector.broadcast %add3A_16 : i32 to vector<16xi32>
        %ge3A_119 = arith.cmpi sge, %get3A_117, %ge3A_118 : vector<16xi32>
        %jit3A_120 = arith.constant 1 : i32
        %jit3A_121 = arith.constant 0 : i32
        %broadcast_in_dim3A_122 = vector.broadcast %jit3A_120 : i32 to vector<16xi32>
        %broadcast_in_dim3A_123 = vector.broadcast %jit3A_121 : i32 to vector<16xi32>
        %select_n3A_124 = arith.select %ge3A_119, %broadcast_in_dim3A_122, %broadcast_in_dim3A_123 : vector<16xi1>, vector<16xi32>
        %add3A_125 = arith.addi %add3A_109, %select_n3A_124 : vector<16xi32>
        %mul3A_126 = arith.constant 16 : i32
        %mul3A_127 = arith.muli %mul3A_126, %scan3A_32 : i32
        %add3A_128 = arith.constant 6 : i32
        %add3A_129 = arith.addi %mul3A_127, %add3A_128 : i32
        %mul3A_130 = arith.constant 16 : i32
        %mul3A_131 = arith.muli %add3A_129, %mul3A_130 : i32
        %get3A_132 = arith.index_cast %mul3A_131 : i32 to index
        %get3A_133 = tpu.vector_load %arg5[%get3A_132] {strides = array<i32>} : memref<2048xi32, #tpu.memory_space<vmem>>, vector<16xi32>,
        %ge3A_134 = vector.broadcast %add3A_16 : i32 to vector<16xi32>
        %ge3A_135 = arith.cmpi sge, %get3A_133, %ge3A_134 : vector<16xi32>
        %jit3A_136 = arith.constant 1 : i32
        %jit3A_137 = arith.constant 0 : i32
        %broadcast_in_dim3A_138 = vector.broadcast %jit3A_136 : i32 to vector<16xi32>
        %broadcast_in_dim3A_139 = vector.broadcast %jit3A_137 : i32 to vector<16xi32>
        %select_n3A_140 = arith.select %ge3A_135, %broadcast_in_dim3A_138, %broadcast_in_dim3A_139 : vector<16xi1>, vector<16xi32>
        %add3A_141 = arith.addi %add3A_125, %select_n3A_140 : vector<16xi32>
        %mul3A_142 = arith.constant 16 : i32
        %mul3A_143 = arith.muli %mul3A_142, %scan3A_32 : i32
        %add3A_144 = arith.constant 7 : i32
        %add3A_145 = arith.addi %mul3A_143, %add3A_144 : i32
        %mul3A_146 = arith.constant 16 : i32
        %mul3A_147 = arith.muli %add3A_145, %mul3A_146 : i32
        %get3A_148 = arith.index_cast %mul3A_147 : i32 to index
        %get3A_149 = tpu.vector_load %arg5[%get3A_148] {strides = array<i32>} : memref<2048xi32, #tpu.memory_space<vmem>>, vector<16xi32>,
        %ge3A_150 = vector.broadcast %add3A_16 : i32 to vector<16xi32>
        %ge3A_151 = arith.cmpi sge, %get3A_149, %ge3A_150 : vector<16xi32>
        %jit3A_152 = arith.constant 1 : i32
        %jit3A_153 = arith.constant 0 : i32
        %broadcast_in_dim3A_154 = vector.broadcast %jit3A_152 : i32 to vector<16xi32>
        %broadcast_in_dim3A_155 = vector.broadcast %jit3A_153 : i32 to vector<16xi32>
        %select_n3A_156 = arith.select %ge3A_151, %broadcast_in_dim3A_154, %broadcast_in_dim3A_155 : vector<16xi1>, vector<16xi32>
        %add3A_157 = arith.addi %add3A_141, %select_n3A_156 : vector<16xi32>
        %mul3A_158 = arith.constant 16 : i32
        %mul3A_159 = arith.muli %mul3A_158, %scan3A_32 : i32
        %add3A_160 = arith.constant 8 : i32
        %add3A_161 = arith.addi %mul3A_159, %add3A_160 : i32
        %mul3A_162 = arith.constant 16 : i32
        %mul3A_163 = arith.muli %add3A_161, %mul3A_162 : i32
        %get3A_164 = arith.index_cast %mul3A_163 : i32 to index
        %get3A_165 = tpu.vector_load %arg5[%get3A_164] {strides = array<i32>} : memref<2048xi32, #tpu.memory_space<vmem>>, vector<16xi32>,
        %ge3A_166 = vector.broadcast %add3A_16 : i32 to vector<16xi32>
        %ge3A_167 = arith.cmpi sge, %get3A_165, %ge3A_166 : vector<16xi32>
        %jit3A_168 = arith.constant 1 : i32
        %jit3A_169 = arith.constant 0 : i32
        %broadcast_in_dim3A_170 = vector.broadcast %jit3A_168 : i32 to vector<16xi32>
        %broadcast_in_dim3A_171 = vector.broadcast %jit3A_169 : i32 to vector<16xi32>
        %select_n3A_172 = arith.select %ge3A_167, %broadcast_in_dim3A_170, %broadcast_in_dim3A_171 : vector<16xi1>, vector<16xi32>
        %add3A_173 = arith.addi %add3A_157, %select_n3A_172 : vector<16xi32>
        %mul3A_174 = arith.constant 16 : i32
        %mul3A_175 = arith.muli %mul3A_174, %scan3A_32 : i32
        %add3A_176 = arith.constant 9 : i32
        %add3A_177 = arith.addi %mul3A_175, %add3A_176 : i32
        %mul3A_178 = arith.constant 16 : i32
        %mul3A_179 = arith.muli %add3A_177, %mul3A_178 : i32
        %get3A_180 = arith.index_cast %mul3A_179 : i32 to index
        %get3A_181 = tpu.vector_load %arg5[%get3A_180] {strides = array<i32>} : memref<2048xi32, #tpu.memory_space<vmem>>, vector<16xi32>,
        %ge3A_182 = vector.broadcast %add3A_16 : i32 to vector<16xi32>
        %ge3A_183 = arith.cmpi sge, %get3A_181, %ge3A_182 : vector<16xi32>
        %jit3A_184 = arith.constant 1 : i32
        %jit3A_185 = arith.constant 0 : i32
        %broadcast_in_dim3A_186 = vector.broadcast %jit3A_184 : i32 to vector<16xi32>
        %broadcast_in_dim3A_187 = vector.broadcast %jit3A_185 : i32 to vector<16xi32>
        %select_n3A_188 = arith.select %ge3A_183, %broadcast_in_dim3A_186, %broadcast_in_dim3A_187 : vector<16xi1>, vector<16xi32>
        %add3A_189 = arith.addi %add3A_173, %select_n3A_188 : vector<16xi32>
        %mul3A_190 = arith.constant 16 : i32
        %mul3A_191 = arith.muli %mul3A_190, %scan3A_32 : i32
        %add3A_192 = arith.constant 10 : i32
        %add3A_193 = arith.addi %mul3A_191, %add3A_192 : i32
        %mul3A_194 = arith.constant 16 : i32
        %mul3A_195 = arith.muli %add3A_193, %mul3A_194 : i32
        %get3A_196 = arith.index_cast %mul3A_195 : i32 to index
        %get3A_197 = tpu.vector_load %arg5[%get3A_196] {strides = array<i32>} : memref<2048xi32, #tpu.memory_space<vmem>>, vector<16xi32>,
        %ge3A_198 = vector.broadcast %add3A_16 : i32 to vector<16xi32>
        %ge3A_199 = arith.cmpi sge, %get3A_197, %ge3A_198 : vector<16xi32>
        %jit3A_200 = arith.constant 1 : i32
        %jit3A_201 = arith.constant 0 : i32
        %broadcast_in_dim3A_202 = vector.broadcast %jit3A_200 : i32 to vector<16xi32>
        %broadcast_in_dim3A_203 = vector.broadcast %jit3A_201 : i32 to vector<16xi32>
        %select_n3A_204 = arith.select %ge3A_199, %broadcast_in_dim3A_202, %broadcast_in_dim3A_203 : vector<16xi1>, vector<16xi32>
        %add3A_205 = arith.addi %add3A_189, %select_n3A_204 : vector<16xi32>
        %mul3A_206 = arith.constant 16 : i32
        %mul3A_207 = arith.muli %mul3A_206, %scan3A_32 : i32
        %add3A_208 = arith.constant 11 : i32
        %add3A_209 = arith.addi %mul3A_207, %add3A_208 : i32
        %mul3A_210 = arith.constant 16 : i32
        %mul3A_211 = arith.muli %add3A_209, %mul3A_210 : i32
        %get3A_212 = arith.index_cast %mul3A_211 : i32 to index
        %get3A_213 = tpu.vector_load %arg5[%get3A_212] {strides = array<i32>} : memref<2048xi32, #tpu.memory_space<vmem>>, vector<16xi32>,
        %ge3A_214 = vector.broadcast %add3A_16 : i32 to vector<16xi32>
        %ge3A_215 = arith.cmpi sge, %get3A_213, %ge3A_214 : vector<16xi32>
        %jit3A_216 = arith.constant 1 : i32
        %jit3A_217 = arith.constant 0 : i32
        %broadcast_in_dim3A_218 = vector.broadcast %jit3A_216 : i32 to vector<16xi32>
        %broadcast_in_dim3A_219 = vector.broadcast %jit3A_217 : i32 to vector<16xi32>
        %select_n3A_220 = arith.select %ge3A_215, %broadcast_in_dim3A_218, %broadcast_in_dim3A_219 : vector<16xi1>, vector<16xi32>
        %add3A_221 = arith.addi %add3A_205, %select_n3A_220 : vector<16xi32>
        %mul3A_222 = arith.constant 16 : i32
        %mul3A_223 = arith.muli %mul3A_222, %scan3A_32 : i32
        %add3A_224 = arith.constant 12 : i32
        %add3A_225 = arith.addi %mul3A_223, %add3A_224 : i32
        %mul3A_226 = arith.constant 16 : i32
        %mul3A_227 = arith.muli %add3A_225, %mul3A_226 : i32
        %get3A_228 = arith.index_cast %mul3A_227 : i32 to index
        %get3A_229 = tpu.vector_load %arg5[%get3A_228] {strides = array<i32>} : memref<2048xi32, #tpu.memory_space<vmem>>, vector<16xi32>,
        %ge3A_230 = vector.broadcast %add3A_16 : i32 to vector<16xi32>
        %ge3A_231 = arith.cmpi sge, %get3A_229, %ge3A_230 : vector<16xi32>
        %jit3A_232 = arith.constant 1 : i32
        %jit3A_233 = arith.constant 0 : i32
        %broadcast_in_dim3A_234 = vector.broadcast %jit3A_232 : i32 to vector<16xi32>
        %broadcast_in_dim3A_235 = vector.broadcast %jit3A_233 : i32 to vector<16xi32>
        %select_n3A_236 = arith.select %ge3A_231, %broadcast_in_dim3A_234, %broadcast_in_dim3A_235 : vector<16xi1>, vector<16xi32>
        %add3A_237 = arith.addi %add3A_221, %select_n3A_236 : vector<16xi32>
        %mul3A_238 = arith.constant 16 : i32
        %mul3A_239 = arith.muli %mul3A_238, %scan3A_32 : i32
        %add3A_240 = arith.constant 13 : i32
        %add3A_241 = arith.addi %mul3A_239, %add3A_240 : i32
        %mul3A_242 = arith.constant 16 : i32
        %mul3A_243 = arith.muli %add3A_241, %mul3A_242 : i32
        %get3A_244 = arith.index_cast %mul3A_243 : i32 to index
        %get3A_245 = tpu.vector_load %arg5[%get3A_244] {strides = array<i32>} : memref<2048xi32, #tpu.memory_space<vmem>>, vector<16xi32>,
        %ge3A_246 = vector.broadcast %add3A_16 : i32 to vector<16xi32>
        %ge3A_247 = arith.cmpi sge, %get3A_245, %ge3A_246 : vector<16xi32>
        %jit3A_248 = arith.constant 1 : i32
        %jit3A_249 = arith.constant 0 : i32
        %broadcast_in_dim3A_250 = vector.broadcast %jit3A_248 : i32 to vector<16xi32>
        %broadcast_in_dim3A_251 = vector.broadcast %jit3A_249 : i32 to vector<16xi32>
        %select_n3A_252 = arith.select %ge3A_247, %broadcast_in_dim3A_250, %broadcast_in_dim3A_251 : vector<16xi1>, vector<16xi32>
        %add3A_253 = arith.addi %add3A_237, %select_n3A_252 : vector<16xi32>
        %mul3A_254 = arith.constant 16 : i32
        %mul3A_255 = arith.muli %mul3A_254, %scan3A_32 : i32
        %add3A_256 = arith.constant 14 : i32
        %add3A_257 = arith.addi %mul3A_255, %add3A_256 : i32
        %mul3A_258 = arith.constant 16 : i32
        %mul3A_259 = arith.muli %add3A_257, %mul3A_258 : i32
        %get3A_260 = arith.index_cast %mul3A_259 : i32 to index
        %get3A_261 = tpu.vector_load %arg5[%get3A_260] {strides = array<i32>} : memref<2048xi32, #tpu.memory_space<vmem>>, vector<16xi32>,
        %ge3A_262 = vector.broadcast %add3A_16 : i32 to vector<16xi32>
        %ge3A_263 = arith.cmpi sge, %get3A_261, %ge3A_262 : vector<16xi32>
        %jit3A_264 = arith.constant 1 : i32
        %jit3A_265 = arith.constant 0 : i32
        %broadcast_in_dim3A_266 = vector.broadcast %jit3A_264 : i32 to vector<16xi32>
        %broadcast_in_dim3A_267 = vector.broadcast %jit3A_265 : i32 to vector<16xi32>
        %select_n3A_268 = arith.select %ge3A_263, %broadcast_in_dim3A_266, %broadcast_in_dim3A_267 : vector<16xi1>, vector<16xi32>
        %add3A_269 = arith.addi %add3A_253, %select_n3A_268 : vector<16xi32>
        %mul3A_270 = arith.constant 16 : i32
        %mul3A_271 = arith.muli %mul3A_270, %scan3A_32 : i32
        %add3A_272 = arith.constant 15 : i32
        %add3A_273 = arith.addi %mul3A_271, %add3A_272 : i32
        %mul3A_274 = arith.constant 16 : i32
        %mul3A_275 = arith.muli %add3A_273, %mul3A_274 : i32
        %get3A_276 = arith.index_cast %mul3A_275 : i32 to index
        %get3A_277 = tpu.vector_load %arg5[%get3A_276] {strides = array<i32>} : memref<2048xi32, #tpu.memory_space<vmem>>, vector<16xi32>,
        %ge3A_278 = vector.broadcast %add3A_16 : i32 to vector<16xi32>
        %ge3A_279 = arith.cmpi sge, %get3A_277, %ge3A_278 : vector<16xi32>
        %jit3A_280 = arith.constant 1 : i32
        %jit3A_281 = arith.constant 0 : i32
        %broadcast_in_dim3A_282 = vector.broadcast %jit3A_280 : i32 to vector<16xi32>
        %broadcast_in_dim3A_283 = vector.broadcast %jit3A_281 : i32 to vector<16xi32>
        %select_n3A_284 = arith.select %ge3A_279, %broadcast_in_dim3A_282, %broadcast_in_dim3A_283 : vector<16xi1>, vector<16xi32>
        %add3A_285 = arith.addi %add3A_269, %select_n3A_284 : vector<16xi32>
        %reduce_sum3A = arith.constant true
        %reduce_sum3A_286 = vector.broadcast %reduce_sum3A : i1 to vector<16xi1>
        %reduce_sum3A_287 = tpu.scan <sum>, %add3A_285 masked %reduce_sum3A_286 : vector<16xi32>, vector<16xi1> -> vector<16xi32>
        %reduce_sum3A_288 = vector.extract %reduce_sum3A_287[15] : i32 from vector<16xi32>
        %add3A_289 = arith.addi %scan3A_33, %reduce_sum3A_288 : i32
        scf.yield %add3A_289 : i32
      }
      %scan3A_23 = arith.constant 8 : i32
      %sub3A = arith.constant 158 : i32
      %sub3A_24 = arith.subi %sub3A, %scan3A_22 : i32
      %scan3A_25 = arith.constant 0 : i32
      %scan3A_26 = arith.constant 0 : i32
      %scan3A_27 = arith.constant 128 : i32
      %scan3A_28 = arith.addi %scan3A_26, %scan3A_27 : i32
      %scan3A_29 = arith.constant 1 : i32
      %scan3A_30 = scf.for %scan3A_32 = %scan3A_26 to %scan3A_28 step %scan3A_29 iter_args(%scan3A_33 = %scan3A_25) -> (i32)  : i32 {
        %mul3A = arith.constant 16 : i32
        %mul3A_34 = arith.muli %scan3A_32, %mul3A : i32
        %get3A = arith.index_cast %mul3A_34 : i32 to index
        %get3A_35 = tpu.vector_load %arg5[%get3A] {strides = array<i32>} : memref<2048xi32, #tpu.memory_space<vmem>>, vector<16xi32>,
        %eq3A_36 = vector.broadcast %scan3A_14 : i32 to vector<16xi32>
        %eq3A_37 = arith.cmpi eq, %get3A_35, %eq3A_36 : vector<16xi32>
        %jit3A = arith.constant 1 : i32
        %jit3A_38 = arith.constant 0 : i32
        %broadcast_in_dim3A = vector.broadcast %jit3A : i32 to vector<16xi32>
        %broadcast_in_dim3A_39 = vector.broadcast %jit3A_38 : i32 to vector<16xi32>
        %select_n3A = arith.select %eq3A_37, %broadcast_in_dim3A, %broadcast_in_dim3A_39 : vector<16xi1>, vector<16xi32>
        %cumsum3A = arith.constant true
        %cumsum3A_40 = vector.broadcast %cumsum3A : i1 to vector<16xi1>
        %cumsum3A_41 = tpu.scan <sum>, %select_n3A masked %cumsum3A_40 : vector<16xi32>, vector<16xi1> -> vector<16xi32>
        %add3A_42 = vector.broadcast %scan3A_33 : i32 to vector<16xi32>
        %add3A_43 = arith.addi %cumsum3A_41, %add3A_42 : vector<16xi32>
        %gt3A = vector.broadcast %scan3A_14 : i32 to vector<16xi32>
        %gt3A_44 = arith.cmpi sgt, %get3A_35, %gt3A : vector<16xi32>
        %le3A = vector.broadcast %sub3A_24 : i32 to vector<16xi32>
        %le3A_45 = arith.cmpi sle, %add3A_43, %le3A : vector<16xi32>
        %and3A_46 = arith.andi %eq3A_37, %le3A_45 : vector<16xi1>
        %or3A = arith.ori %gt3A_44, %and3A_46 : vector<16xi1>
        %jit3A_47 = arith.constant 1.000000e+00 : f32
        %jit3A_48 = arith.constant 0.000000e+00 : f32
        %broadcast_in_dim3A_49 = vector.broadcast %jit3A_47 : f32 to vector<16xf32>
        %broadcast_in_dim3A_50 = vector.broadcast %jit3A_48 : f32 to vector<16xf32>
        %select_n3A_51 = arith.select %or3A, %broadcast_in_dim3A_49, %broadcast_in_dim3A_50 : vector<16xi1>, vector<16xf32>
        %mul3A_52 = arith.constant 16 : i32
        %mul3A_53 = arith.muli %scan3A_32, %mul3A_52 : i32
        %swap3A = arith.index_cast %mul3A_53 : i32 to index
        %swap3A_54 = tpu.vector_load %arg6[%swap3A] {strides = array<i32>} : memref<2048xf32, #tpu.memory_space<vmem>>, vector<16xf32>,
        tpu.vector_store %arg6[%swap3A], %select_n3A_51 {strides = array<i32>} : memref<2048xf32, #tpu.memory_space<vmem>>, vector<16xf32>,
        %reduce_sum3A = arith.constant true
        %reduce_sum3A_55 = vector.broadcast %reduce_sum3A : i1 to vector<16xi1>
        %reduce_sum3A_56 = tpu.scan <sum>, %select_n3A masked %reduce_sum3A_55 : vector<16xi32>, vector<16xi1> -> vector<16xi32>
        %reduce_sum3A_57 = vector.extract %reduce_sum3A_56[15] : i32 from vector<16xi32>
        %add3A_58 = arith.addi %scan3A_33, %reduce_sum3A_57 : i32
        scf.yield %add3A_58 : i32
      }
      %scan3A_31 = arith.constant 128 : i32
      "tpu.region"() ({
        %run_scoped3A = tpu.sem_alloc : memref<!tpu.dma_semaphore, #tpu.memory_space<semaphore_mem>>
        tpu.enqueue_dma source(%arg6 : memref<2048xf32, #tpu.memory_space<vmem>>) target(%arg3 : memref<2048xf32, #tpu.memory_space<hbm>>) target_semaphore(%run_scoped3A : memref<!tpu.dma_semaphore, #tpu.memory_space<semaphore_mem>>)
        tpu.wait_dma2 semaphore(%run_scoped3A : memref<!tpu.dma_semaphore, #tpu.memory_space<semaphore_mem>>) src(%arg6 : memref<2048xf32, #tpu.memory_space<vmem>>) dst(%arg3 : memref<2048xf32, #tpu.memory_space<hbm>>)
        tpu.yield
      }) : () -> ()
    } else {
    }
    return
  }
}

module attributes {stable_mosaic.version = 14 : i64} {
  func.func @_mega_kernel(%arg0: memref<2048x1024xf32, #tpu.memory_space<hbm>>, %arg1: memref<1024x1024xf32, #tpu.memory_space<hbm>>, %arg2: memref<1024x512xf32, #tpu.memory_space<hbm>>, %arg3: memref<16x2048x2048xf32, #tpu.memory_space<hbm>>, %arg4: memref<2048x1024xf32, #tpu.memory_space<hbm>>, %arg5: memref<2048x512xf32, #tpu.memory_space<hbm>>, %arg6: memref<16x2048xf32, #tpu.memory_space<hbm>>, %arg7: memref<1x2048xf32, #tpu.memory_space<hbm>>, %arg8: memref<2048x1024xf32, #tpu.memory_space<vmem>>, %arg9: memref<1024x1024xf32, #tpu.memory_space<vmem>>, %arg10: memref<1024x512xf32, #tpu.memory_space<vmem>>, %arg11: memref<2048x512xf32, #tpu.memory_space<vmem>>, %arg12: memref<512x2048xf32, #tpu.memory_space<vmem>>, %arg13: memref<512x2048xf32, #tpu.memory_space<vmem>>, %arg14: memref<16x2048xf32, #tpu.memory_space<vmem>>, %arg15: memref<1x2048xf32, #tpu.memory_space<vmem>>, %arg16: memref<128x!tpu.dma_semaphore, #tpu.memory_space<semaphore_mem>>) attributes {dimension_semantics = [], scalar_prefetch = 0 : i64, scratch_operands = 9 : i64, tpu.core_type = #tpu.core_type<tc>} {
    %dma_start3A = arith.constant 120 : i32
    %dma_start3A_0 = tpu.memref_slice %arg16[%dma_start3A] : memref<128x!tpu.dma_semaphore, #tpu.memory_space<semaphore_mem>> -> memref<1x!tpu.dma_semaphore, #tpu.memory_space<semaphore_mem>>
    %dma_start3A_1 = tpu.memref_squeeze %dma_start3A_0 : memref<1x!tpu.dma_semaphore, #tpu.memory_space<semaphore_mem>> -> memref<!tpu.dma_semaphore, #tpu.memory_space<semaphore_mem>>
    tpu.enqueue_dma source(%arg0 : memref<2048x1024xf32, #tpu.memory_space<hbm>>) target(%arg8 : memref<2048x1024xf32, #tpu.memory_space<vmem>>) target_semaphore(%dma_start3A_1 : memref<!tpu.dma_semaphore, #tpu.memory_space<semaphore_mem>>)
    %dma_start3A_2 = arith.constant 122 : i32
    %dma_start3A_3 = tpu.memref_slice %arg16[%dma_start3A_2] : memref<128x!tpu.dma_semaphore, #tpu.memory_space<semaphore_mem>> -> memref<1x!tpu.dma_semaphore, #tpu.memory_space<semaphore_mem>>
    %dma_start3A_4 = tpu.memref_squeeze %dma_start3A_3 : memref<1x!tpu.dma_semaphore, #tpu.memory_space<semaphore_mem>> -> memref<!tpu.dma_semaphore, #tpu.memory_space<semaphore_mem>>
    tpu.enqueue_dma source(%arg2 : memref<1024x512xf32, #tpu.memory_space<hbm>>) target(%arg10 : memref<1024x512xf32, #tpu.memory_space<vmem>>) target_semaphore(%dma_start3A_4 : memref<!tpu.dma_semaphore, #tpu.memory_space<semaphore_mem>>)
    %dma_start3A_5 = arith.constant 121 : i32
    %dma_start3A_6 = tpu.memref_slice %arg16[%dma_start3A_5] : memref<128x!tpu.dma_semaphore, #tpu.memory_space<semaphore_mem>> -> memref<1x!tpu.dma_semaphore, #tpu.memory_space<semaphore_mem>>
    %dma_start3A_7 = tpu.memref_squeeze %dma_start3A_6 : memref<1x!tpu.dma_semaphore, #tpu.memory_space<semaphore_mem>> -> memref<!tpu.dma_semaphore, #tpu.memory_space<semaphore_mem>>
    tpu.enqueue_dma source(%arg1 : memref<1024x1024xf32, #tpu.memory_space<hbm>>) target(%arg9 : memref<1024x1024xf32, #tpu.memory_space<vmem>>) target_semaphore(%dma_start3A_7 : memref<!tpu.dma_semaphore, #tpu.memory_space<semaphore_mem>>)
    %broadcast_in_dim3A = arith.constant 0.000000e+00 : f32
    %broadcast_in_dim3A_8 = vector.broadcast %broadcast_in_dim3A : f32 to vector<512x2048xf32>
    %swap3A = arith.constant 0 : index
    %swap3A_9 = arith.constant 0 : index
    %swap3A_10 = vector.load %arg12[%swap3A, %swap3A_9] : memref<512x2048xf32, #tpu.memory_space<vmem>>, vector<512x2048xf32>
    tpu.vector_store %arg12[%swap3A, %swap3A_9], %broadcast_in_dim3A_8 {strides = array<i32>} : memref<512x2048xf32, #tpu.memory_space<vmem>>, vector<512x2048xf32>,
    %broadcast_in_dim3A_11 = arith.constant 0.000000e+00 : f32
    %broadcast_in_dim3A_12 = vector.broadcast %broadcast_in_dim3A_11 : f32 to vector<512x2048xf32>
    %swap3A_13 = arith.constant 0 : index
    %swap3A_14 = arith.constant 0 : index
    %swap3A_15 = vector.load %arg13[%swap3A_13, %swap3A_14] : memref<512x2048xf32, #tpu.memory_space<vmem>>, vector<512x2048xf32>
    tpu.vector_store %arg13[%swap3A_13, %swap3A_14], %broadcast_in_dim3A_12 {strides = array<i32>} : memref<512x2048xf32, #tpu.memory_space<vmem>>, vector<512x2048xf32>,
    %dma_start3A_16 = arith.constant 0 : i32
    %dma_start3A_17 = arith.constant 0 : i32
    %dma_start3A_18 = tpu.memref_slice %arg16[%dma_start3A_17] : memref<128x!tpu.dma_semaphore, #tpu.memory_space<semaphore_mem>> -> memref<1x!tpu.dma_semaphore, #tpu.memory_space<semaphore_mem>>
    %dma_start3A_19 = tpu.memref_squeeze %dma_start3A_18 : memref<1x!tpu.dma_semaphore, #tpu.memory_space<semaphore_mem>> -> memref<!tpu.dma_semaphore, #tpu.memory_space<semaphore_mem>>
    %dma_start3A_20 = arith.constant 0 : i32
    %dma_start3A_21 = arith.constant 0 : i32
    %dma_start3A_22 = tpu.memref_slice %arg3[%dma_start3A_16, %dma_start3A_20, %dma_start3A_21] : memref<16x2048x2048xf32, #tpu.memory_space<hbm>> -> memref<1x512x2048xf32, #tpu.memory_space<hbm>>
    %dma_start3A_23 = tpu.memref_squeeze %dma_start3A_22 : memref<1x512x2048xf32, #tpu.memory_space<hbm>> -> memref<512x2048xf32, #tpu.memory_space<hbm>>
    tpu.enqueue_dma source(%arg12 : memref<512x2048xf32, #tpu.memory_space<vmem>>) target(%dma_start3A_23 : memref<512x2048xf32, #tpu.memory_space<hbm>>) target_semaphore(%dma_start3A_19 : memref<!tpu.dma_semaphore, #tpu.memory_space<semaphore_mem>>)
    %dma_start3A_24 = arith.constant 0 : i32
    %dma_start3A_25 = arith.constant 1 : i32
    %dma_start3A_26 = tpu.memref_slice %arg16[%dma_start3A_25] : memref<128x!tpu.dma_semaphore, #tpu.memory_space<semaphore_mem>> -> memref<1x!tpu.dma_semaphore, #tpu.memory_space<semaphore_mem>>
    %dma_start3A_27 = tpu.memref_squeeze %dma_start3A_26 : memref<1x!tpu.dma_semaphore, #tpu.memory_space<semaphore_mem>> -> memref<!tpu.dma_semaphore, #tpu.memory_space<semaphore_mem>>
    %dma_start3A_28 = arith.constant 512 : i32
    %dma_start3A_29 = arith.constant 0 : i32
    %dma_start3A_30 = tpu.memref_slice %arg3[%dma_start3A_24, %dma_start3A_28, %dma_start3A_29] : memref<16x2048x2048xf32, #tpu.memory_space<hbm>> -> memref<1x512x2048xf32, #tpu.memory_space<hbm>>
    %dma_start3A_31 = tpu.memref_squeeze %dma_start3A_30 : memref<1x512x2048xf32, #tpu.memory_space<hbm>> -> memref<512x2048xf32, #tpu.memory_space<hbm>>
    tpu.enqueue_dma source(%arg13 : memref<512x2048xf32, #tpu.memory_space<vmem>>) target(%dma_start3A_31 : memref<512x2048xf32, #tpu.memory_space<hbm>>) target_semaphore(%dma_start3A_27 : memref<!tpu.dma_semaphore, #tpu.memory_space<semaphore_mem>>)
    %dma_start3A_32 = arith.constant 0 : i32
    %dma_start3A_33 = arith.constant 2 : i32
    %dma_start3A_34 = tpu.memref_slice %arg16[%dma_start3A_33] : memref<128x!tpu.dma_semaphore, #tpu.memory_space<semaphore_mem>> -> memref<1x!tpu.dma_semaphore, #tpu.memory_space<semaphore_mem>>
    %dma_start3A_35 = tpu.memref_squeeze %dma_start3A_34 : memref<1x!tpu.dma_semaphore, #tpu.memory_space<semaphore_mem>> -> memref<!tpu.dma_semaphore, #tpu.memory_space<semaphore_mem>>
    %dma_start3A_36 = arith.constant 1024 : i32
    %dma_start3A_37 = arith.constant 0 : i32
    %dma_start3A_38 = tpu.memref_slice %arg3[%dma_start3A_32, %dma_start3A_36, %dma_start3A_37] : memref<16x2048x2048xf32, #tpu.memory_space<hbm>> -> memref<1x512x2048xf32, #tpu.memory_space<hbm>>
    %dma_start3A_39 = tpu.memref_squeeze %dma_start3A_38 : memref<1x512x2048xf32, #tpu.memory_space<hbm>> -> memref<512x2048xf32, #tpu.memory_space<hbm>>
    tpu.enqueue_dma source(%arg12 : memref<512x2048xf32, #tpu.memory_space<vmem>>) target(%dma_start3A_39 : memref<512x2048xf32, #tpu.memory_space<hbm>>) target_semaphore(%dma_start3A_35 : memref<!tpu.dma_semaphore, #tpu.memory_space<semaphore_mem>>)
    %dma_start3A_40 = arith.constant 0 : i32
    %dma_start3A_41 = arith.constant 3 : i32
    %dma_start3A_42 = tpu.memref_slice %arg16[%dma_start3A_41] : memref<128x!tpu.dma_semaphore, #tpu.memory_space<semaphore_mem>> -> memref<1x!tpu.dma_semaphore, #tpu.memory_space<semaphore_mem>>
    %dma_start3A_43 = tpu.memref_squeeze %dma_start3A_42 : memref<1x!tpu.dma_semaphore, #tpu.memory_space<semaphore_mem>> -> memref<!tpu.dma_semaphore, #tpu.memory_space<semaphore_mem>>
    %dma_start3A_44 = arith.constant 1536 : i32
    %dma_start3A_45 = arith.constant 0 : i32
    %dma_start3A_46 = tpu.memref_slice %arg3[%dma_start3A_40, %dma_start3A_44, %dma_start3A_45] : memref<16x2048x2048xf32, #tpu.memory_space<hbm>> -> memref<1x504x2048xf32, #tpu.memory_space<hbm>>
    %dma_start3A_47 = tpu.memref_squeeze %dma_start3A_46 : memref<1x504x2048xf32, #tpu.memory_space<hbm>> -> memref<504x2048xf32, #tpu.memory_space<hbm>>
    %dma_start3A_48 = arith.constant 0 : i32
    %dma_start3A_49 = arith.constant 0 : i32
    %dma_start3A_50 = tpu.memref_slice %arg13[%dma_start3A_48, %dma_start3A_49] : memref<512x2048xf32, #tpu.memory_space<vmem>> -> memref<504x2048xf32, #tpu.memory_space<vmem>>
    tpu.enqueue_dma source(%dma_start3A_50 : memref<504x2048xf32, #tpu.memory_space<vmem>>) target(%dma_start3A_47 : memref<504x2048xf32, #tpu.memory_space<hbm>>) target_semaphore(%dma_start3A_43 : memref<!tpu.dma_semaphore, #tpu.memory_space<semaphore_mem>>)
    %dma_start3A_51 = arith.constant 1 : i32
    %dma_start3A_52 = arith.constant 4 : i32
    %dma_start3A_53 = tpu.memref_slice %arg16[%dma_start3A_52] : memref<128x!tpu.dma_semaphore, #tpu.memory_space<semaphore_mem>> -> memref<1x!tpu.dma_semaphore, #tpu.memory_space<semaphore_mem>>
    %dma_start3A_54 = tpu.memref_squeeze %dma_start3A_53 : memref<1x!tpu.dma_semaphore, #tpu.memory_space<semaphore_mem>> -> memref<!tpu.dma_semaphore, #tpu.memory_space<semaphore_mem>>
    %dma_start3A_55 = arith.constant 0 : i32
    %dma_start3A_56 = arith.constant 0 : i32
    %dma_start3A_57 = tpu.memref_slice %arg3[%dma_start3A_51, %dma_start3A_55, %dma_start3A_56] : memref<16x2048x2048xf32, #tpu.memory_space<hbm>> -> memref<1x512x2048xf32, #tpu.memory_space<hbm>>
    %dma_start3A_58 = tpu.memref_squeeze %dma_start3A_57 : memref<1x512x2048xf32, #tpu.memory_space<hbm>> -> memref<512x2048xf32, #tpu.memory_space<hbm>>
    tpu.enqueue_dma source(%arg12 : memref<512x2048xf32, #tpu.memory_space<vmem>>) target(%dma_start3A_58 : memref<512x2048xf32, #tpu.memory_space<hbm>>) target_semaphore(%dma_start3A_54 : memref<!tpu.dma_semaphore, #tpu.memory_space<semaphore_mem>>)
    %dma_start3A_59 = arith.constant 1 : i32
    %dma_start3A_60 = arith.constant 5 : i32
    %dma_start3A_61 = tpu.memref_slice %arg16[%dma_start3A_60] : memref<128x!tpu.dma_semaphore, #tpu.memory_space<semaphore_mem>> -> memref<1x!tpu.dma_semaphore, #tpu.memory_space<semaphore_mem>>
    %dma_start3A_62 = tpu.memref_squeeze %dma_start3A_61 : memref<1x!tpu.dma_semaphore, #tpu.memory_space<semaphore_mem>> -> memref<!tpu.dma_semaphore, #tpu.memory_space<semaphore_mem>>
    %dma_start3A_63 = arith.constant 512 : i32
    %dma_start3A_64 = arith.constant 0 : i32
    %dma_start3A_65 = tpu.memref_slice %arg3[%dma_start3A_59, %dma_start3A_63, %dma_start3A_64] : memref<16x2048x2048xf32, #tpu.memory_space<hbm>> -> memref<1x512x2048xf32, #tpu.memory_space<hbm>>
    %dma_start3A_66 = tpu.memref_squeeze %dma_start3A_65 : memref<1x512x2048xf32, #tpu.memory_space<hbm>> -> memref<512x2048xf32, #tpu.memory_space<hbm>>
    tpu.enqueue_dma source(%arg13 : memref<512x2048xf32, #tpu.memory_space<vmem>>) target(%dma_start3A_66 : memref<512x2048xf32, #tpu.memory_space<hbm>>) target_semaphore(%dma_start3A_62 : memref<!tpu.dma_semaphore, #tpu.memory_space<semaphore_mem>>)
    %dma_start3A_67 = arith.constant 1 : i32
    %dma_start3A_68 = arith.constant 6 : i32
    %dma_start3A_69 = tpu.memref_slice %arg16[%dma_start3A_68] : memref<128x!tpu.dma_semaphore, #tpu.memory_space<semaphore_mem>> -> memref<1x!tpu.dma_semaphore, #tpu.memory_space<semaphore_mem>>
    %dma_start3A_70 = tpu.memref_squeeze %dma_start3A_69 : memref<1x!tpu.dma_semaphore, #tpu.memory_space<semaphore_mem>> -> memref<!tpu.dma_semaphore, #tpu.memory_space<semaphore_mem>>
    %dma_start3A_71 = arith.constant 1024 : i32
    %dma_start3A_72 = arith.constant 0 : i32
    %dma_start3A_73 = tpu.memref_slice %arg3[%dma_start3A_67, %dma_start3A_71, %dma_start3A_72] : memref<16x2048x2048xf32, #tpu.memory_space<hbm>> -> memref<1x512x2048xf32, #tpu.memory_space<hbm>>
    %dma_start3A_74 = tpu.memref_squeeze %dma_start3A_73 : memref<1x512x2048xf32, #tpu.memory_space<hbm>> -> memref<512x2048xf32, #tpu.memory_space<hbm>>
    tpu.enqueue_dma source(%arg12 : memref<512x2048xf32, #tpu.memory_space<vmem>>) target(%dma_start3A_74 : memref<512x2048xf32, #tpu.memory_space<hbm>>) target_semaphore(%dma_start3A_70 : memref<!tpu.dma_semaphore, #tpu.memory_space<semaphore_mem>>)
    %dma_start3A_75 = arith.constant 1 : i32
    %dma_start3A_76 = arith.constant 7 : i32
    %dma_start3A_77 = tpu.memref_slice %arg16[%dma_start3A_76] : memref<128x!tpu.dma_semaphore, #tpu.memory_space<semaphore_mem>> -> memref<1x!tpu.dma_semaphore, #tpu.memory_space<semaphore_mem>>
    %dma_start3A_78 = tpu.memref_squeeze %dma_start3A_77 : memref<1x!tpu.dma_semaphore, #tpu.memory_space<semaphore_mem>> -> memref<!tpu.dma_semaphore, #tpu.memory_space<semaphore_mem>>
    %dma_start3A_79 = arith.constant 1536 : i32
    %dma_start3A_80 = arith.constant 0 : i32
    %dma_start3A_81 = tpu.memref_slice %arg3[%dma_start3A_75, %dma_start3A_79, %dma_start3A_80] : memref<16x2048x2048xf32, #tpu.memory_space<hbm>> -> memref<1x504x2048xf32, #tpu.memory_space<hbm>>
    %dma_start3A_82 = tpu.memref_squeeze %dma_start3A_81 : memref<1x504x2048xf32, #tpu.memory_space<hbm>> -> memref<504x2048xf32, #tpu.memory_space<hbm>>
    %dma_start3A_83 = arith.constant 0 : i32
    %dma_start3A_84 = arith.constant 0 : i32
    %dma_start3A_85 = tpu.memref_slice %arg13[%dma_start3A_83, %dma_start3A_84] : memref<512x2048xf32, #tpu.memory_space<vmem>> -> memref<504x2048xf32, #tpu.memory_space<vmem>>
    tpu.enqueue_dma source(%dma_start3A_85 : memref<504x2048xf32, #tpu.memory_space<vmem>>) target(%dma_start3A_82 : memref<504x2048xf32, #tpu.memory_space<hbm>>) target_semaphore(%dma_start3A_78 : memref<!tpu.dma_semaphore, #tpu.memory_space<semaphore_mem>>)
    %dma_start3A_86 = arith.constant 2 : i32
    %dma_start3A_87 = arith.constant 8 : i32
    %dma_start3A_88 = tpu.memref_slice %arg16[%dma_start3A_87] : memref<128x!tpu.dma_semaphore, #tpu.memory_space<semaphore_mem>> -> memref<1x!tpu.dma_semaphore, #tpu.memory_space<semaphore_mem>>
    %dma_start3A_89 = tpu.memref_squeeze %dma_start3A_88 : memref<1x!tpu.dma_semaphore, #tpu.memory_space<semaphore_mem>> -> memref<!tpu.dma_semaphore, #tpu.memory_space<semaphore_mem>>
    %dma_start3A_90 = arith.constant 0 : i32
    %dma_start3A_91 = arith.constant 0 : i32
    %dma_start3A_92 = tpu.memref_slice %arg3[%dma_start3A_86, %dma_start3A_90, %dma_start3A_91] : memref<16x2048x2048xf32, #tpu.memory_space<hbm>> -> memref<1x512x2048xf32, #tpu.memory_space<hbm>>
    %dma_start3A_93 = tpu.memref_squeeze %dma_start3A_92 : memref<1x512x2048xf32, #tpu.memory_space<hbm>> -> memref<512x2048xf32, #tpu.memory_space<hbm>>
    tpu.enqueue_dma source(%arg12 : memref<512x2048xf32, #tpu.memory_space<vmem>>) target(%dma_start3A_93 : memref<512x2048xf32, #tpu.memory_space<hbm>>) target_semaphore(%dma_start3A_89 : memref<!tpu.dma_semaphore, #tpu.memory_space<semaphore_mem>>)
    %dma_start3A_94 = arith.constant 2 : i32
    %dma_start3A_95 = arith.constant 9 : i32
    %dma_start3A_96 = tpu.memref_slice %arg16[%dma_start3A_95] : memref<128x!tpu.dma_semaphore, #tpu.memory_space<semaphore_mem>> -> memref<1x!tpu.dma_semaphore, #tpu.memory_space<semaphore_mem>>
    %dma_start3A_97 = tpu.memref_squeeze %dma_start3A_96 : memref<1x!tpu.dma_semaphore, #tpu.memory_space<semaphore_mem>> -> memref<!tpu.dma_semaphore, #tpu.memory_space<semaphore_mem>>
    %dma_start3A_98 = arith.constant 512 : i32
    %dma_start3A_99 = arith.constant 0 : i32
    %dma_start3A_100 = tpu.memref_slice %arg3[%dma_start3A_94, %dma_start3A_98, %dma_start3A_99] : memref<16x2048x2048xf32, #tpu.memory_space<hbm>> -> memref<1x512x2048xf32, #tpu.memory_space<hbm>>
    %dma_start3A_101 = tpu.memref_squeeze %dma_start3A_100 : memref<1x512x2048xf32, #tpu.memory_space<hbm>> -> memref<512x2048xf32, #tpu.memory_space<hbm>>
    tpu.enqueue_dma source(%arg13 : memref<512x2048xf32, #tpu.memory_space<vmem>>) target(%dma_start3A_101 : memref<512x2048xf32, #tpu.memory_space<hbm>>) target_semaphore(%dma_start3A_97 : memref<!tpu.dma_semaphore, #tpu.memory_space<semaphore_mem>>)
    %dma_start3A_102 = arith.constant 2 : i32
    %dma_start3A_103 = arith.constant 10 : i32
    %dma_start3A_104 = tpu.memref_slice %arg16[%dma_start3A_103] : memref<128x!tpu.dma_semaphore, #tpu.memory_space<semaphore_mem>> -> memref<1x!tpu.dma_semaphore, #tpu.memory_space<semaphore_mem>>
    %dma_start3A_105 = tpu.memref_squeeze %dma_start3A_104 : memref<1x!tpu.dma_semaphore, #tpu.memory_space<semaphore_mem>> -> memref<!tpu.dma_semaphore, #tpu.memory_space<semaphore_mem>>
    %dma_start3A_106 = arith.constant 1024 : i32
    %dma_start3A_107 = arith.constant 0 : i32
    %dma_start3A_108 = tpu.memref_slice %arg3[%dma_start3A_102, %dma_start3A_106, %dma_start3A_107] : memref<16x2048x2048xf32, #tpu.memory_space<hbm>> -> memref<1x512x2048xf32, #tpu.memory_space<hbm>>
    %dma_start3A_109 = tpu.memref_squeeze %dma_start3A_108 : memref<1x512x2048xf32, #tpu.memory_space<hbm>> -> memref<512x2048xf32, #tpu.memory_space<hbm>>
    tpu.enqueue_dma source(%arg12 : memref<512x2048xf32, #tpu.memory_space<vmem>>) target(%dma_start3A_109 : memref<512x2048xf32, #tpu.memory_space<hbm>>) target_semaphore(%dma_start3A_105 : memref<!tpu.dma_semaphore, #tpu.memory_space<semaphore_mem>>)
    %dma_start3A_110 = arith.constant 2 : i32
    %dma_start3A_111 = arith.constant 11 : i32
    %dma_start3A_112 = tpu.memref_slice %arg16[%dma_start3A_111] : memref<128x!tpu.dma_semaphore, #tpu.memory_space<semaphore_mem>> -> memref<1x!tpu.dma_semaphore, #tpu.memory_space<semaphore_mem>>
    %dma_start3A_113 = tpu.memref_squeeze %dma_start3A_112 : memref<1x!tpu.dma_semaphore, #tpu.memory_space<semaphore_mem>> -> memref<!tpu.dma_semaphore, #tpu.memory_space<semaphore_mem>>
    %dma_start3A_114 = arith.constant 1536 : i32
    %dma_start3A_115 = arith.constant 0 : i32
    %dma_start3A_116 = tpu.memref_slice %arg3[%dma_start3A_110, %dma_start3A_114, %dma_start3A_115] : memref<16x2048x2048xf32, #tpu.memory_space<hbm>> -> memref<1x504x2048xf32, #tpu.memory_space<hbm>>
    %dma_start3A_117 = tpu.memref_squeeze %dma_start3A_116 : memref<1x504x2048xf32, #tpu.memory_space<hbm>> -> memref<504x2048xf32, #tpu.memory_space<hbm>>
    %dma_start3A_118 = arith.constant 0 : i32
    %dma_start3A_119 = arith.constant 0 : i32
    %dma_start3A_120 = tpu.memref_slice %arg13[%dma_start3A_118, %dma_start3A_119] : memref<512x2048xf32, #tpu.memory_space<vmem>> -> memref<504x2048xf32, #tpu.memory_space<vmem>>
    tpu.enqueue_dma source(%dma_start3A_120 : memref<504x2048xf32, #tpu.memory_space<vmem>>) target(%dma_start3A_117 : memref<504x2048xf32, #tpu.memory_space<hbm>>) target_semaphore(%dma_start3A_113 : memref<!tpu.dma_semaphore, #tpu.memory_space<semaphore_mem>>)
    %dma_start3A_121 = arith.constant 3 : i32
    %dma_start3A_122 = arith.constant 12 : i32
    %dma_start3A_123 = tpu.memref_slice %arg16[%dma_start3A_122] : memref<128x!tpu.dma_semaphore, #tpu.memory_space<semaphore_mem>> -> memref<1x!tpu.dma_semaphore, #tpu.memory_space<semaphore_mem>>
    %dma_start3A_124 = tpu.memref_squeeze %dma_start3A_123 : memref<1x!tpu.dma_semaphore, #tpu.memory_space<semaphore_mem>> -> memref<!tpu.dma_semaphore, #tpu.memory_space<semaphore_mem>>
    %dma_start3A_125 = arith.constant 0 : i32
    %dma_start3A_126 = arith.constant 0 : i32
    %dma_start3A_127 = tpu.memref_slice %arg3[%dma_start3A_121, %dma_start3A_125, %dma_start3A_126] : memref<16x2048x2048xf32, #tpu.memory_space<hbm>> -> memref<1x512x2048xf32, #tpu.memory_space<hbm>>
    %dma_start3A_128 = tpu.memref_squeeze %dma_start3A_127 : memref<1x512x2048xf32, #tpu.memory_space<hbm>> -> memref<512x2048xf32, #tpu.memory_space<hbm>>
    tpu.enqueue_dma source(%arg12 : memref<512x2048xf32, #tpu.memory_space<vmem>>) target(%dma_start3A_128 : memref<512x2048xf32, #tpu.memory_space<hbm>>) target_semaphore(%dma_start3A_124 : memref<!tpu.dma_semaphore, #tpu.memory_space<semaphore_mem>>)
    %dma_start3A_129 = arith.constant 3 : i32
    %dma_start3A_130 = arith.constant 13 : i32
    %dma_start3A_131 = tpu.memref_slice %arg16[%dma_start3A_130] : memref<128x!tpu.dma_semaphore, #tpu.memory_space<semaphore_mem>> -> memref<1x!tpu.dma_semaphore, #tpu.memory_space<semaphore_mem>>
    %dma_start3A_132 = tpu.memref_squeeze %dma_start3A_131 : memref<1x!tpu.dma_semaphore, #tpu.memory_space<semaphore_mem>> -> memref<!tpu.dma_semaphore, #tpu.memory_space<semaphore_mem>>
    %dma_start3A_133 = arith.constant 512 : i32
    %dma_start3A_134 = arith.constant 0 : i32
    %dma_start3A_135 = tpu.memref_slice %arg3[%dma_start3A_129, %dma_start3A_133, %dma_start3A_134] : memref<16x2048x2048xf32, #tpu.memory_space<hbm>> -> memref<1x512x2048xf32, #tpu.memory_space<hbm>>
    %dma_start3A_136 = tpu.memref_squeeze %dma_start3A_135 : memref<1x512x2048xf32, #tpu.memory_space<hbm>> -> memref<512x2048xf32, #tpu.memory_space<hbm>>
    tpu.enqueue_dma source(%arg13 : memref<512x2048xf32, #tpu.memory_space<vmem>>) target(%dma_start3A_136 : memref<512x2048xf32, #tpu.memory_space<hbm>>) target_semaphore(%dma_start3A_132 : memref<!tpu.dma_semaphore, #tpu.memory_space<semaphore_mem>>)
    %dma_start3A_137 = arith.constant 3 : i32
    %dma_start3A_138 = arith.constant 14 : i32
    %dma_start3A_139 = tpu.memref_slice %arg16[%dma_start3A_138] : memref<128x!tpu.dma_semaphore, #tpu.memory_space<semaphore_mem>> -> memref<1x!tpu.dma_semaphore, #tpu.memory_space<semaphore_mem>>
    %dma_start3A_140 = tpu.memref_squeeze %dma_start3A_139 : memref<1x!tpu.dma_semaphore, #tpu.memory_space<semaphore_mem>> -> memref<!tpu.dma_semaphore, #tpu.memory_space<semaphore_mem>>
    %dma_start3A_141 = arith.constant 1024 : i32
    %dma_start3A_142 = arith.constant 0 : i32
    %dma_start3A_143 = tpu.memref_slice %arg3[%dma_start3A_137, %dma_start3A_141, %dma_start3A_142] : memref<16x2048x2048xf32, #tpu.memory_space<hbm>> -> memref<1x512x2048xf32, #tpu.memory_space<hbm>>
    %dma_start3A_144 = tpu.memref_squeeze %dma_start3A_143 : memref<1x512x2048xf32, #tpu.memory_space<hbm>> -> memref<512x2048xf32, #tpu.memory_space<hbm>>
    tpu.enqueue_dma source(%arg12 : memref<512x2048xf32, #tpu.memory_space<vmem>>) target(%dma_start3A_144 : memref<512x2048xf32, #tpu.memory_space<hbm>>) target_semaphore(%dma_start3A_140 : memref<!tpu.dma_semaphore, #tpu.memory_space<semaphore_mem>>)
    %dma_start3A_145 = arith.constant 3 : i32
    %dma_start3A_146 = arith.constant 15 : i32
    %dma_start3A_147 = tpu.memref_slice %arg16[%dma_start3A_146] : memref<128x!tpu.dma_semaphore, #tpu.memory_space<semaphore_mem>> -> memref<1x!tpu.dma_semaphore, #tpu.memory_space<semaphore_mem>>
    %dma_start3A_148 = tpu.memref_squeeze %dma_start3A_147 : memref<1x!tpu.dma_semaphore, #tpu.memory_space<semaphore_mem>> -> memref<!tpu.dma_semaphore, #tpu.memory_space<semaphore_mem>>
    %dma_start3A_149 = arith.constant 1536 : i32
    %dma_start3A_150 = arith.constant 0 : i32
    %dma_start3A_151 = tpu.memref_slice %arg3[%dma_start3A_145, %dma_start3A_149, %dma_start3A_150] : memref<16x2048x2048xf32, #tpu.memory_space<hbm>> -> memref<1x504x2048xf32, #tpu.memory_space<hbm>>
    %dma_start3A_152 = tpu.memref_squeeze %dma_start3A_151 : memref<1x504x2048xf32, #tpu.memory_space<hbm>> -> memref<504x2048xf32, #tpu.memory_space<hbm>>
    %dma_start3A_153 = arith.constant 0 : i32
    %dma_start3A_154 = arith.constant 0 : i32
    %dma_start3A_155 = tpu.memref_slice %arg13[%dma_start3A_153, %dma_start3A_154] : memref<512x2048xf32, #tpu.memory_space<vmem>> -> memref<504x2048xf32, #tpu.memory_space<vmem>>
    tpu.enqueue_dma source(%dma_start3A_155 : memref<504x2048xf32, #tpu.memory_space<vmem>>) target(%dma_start3A_152 : memref<504x2048xf32, #tpu.memory_space<hbm>>) target_semaphore(%dma_start3A_148 : memref<!tpu.dma_semaphore, #tpu.memory_space<semaphore_mem>>)
    %dma_start3A_156 = arith.constant 4 : i32
    %dma_start3A_157 = arith.constant 16 : i32
    %dma_start3A_158 = tpu.memref_slice %arg16[%dma_start3A_157] : memref<128x!tpu.dma_semaphore, #tpu.memory_space<semaphore_mem>> -> memref<1x!tpu.dma_semaphore, #tpu.memory_space<semaphore_mem>>
    %dma_start3A_159 = tpu.memref_squeeze %dma_start3A_158 : memref<1x!tpu.dma_semaphore, #tpu.memory_space<semaphore_mem>> -> memref<!tpu.dma_semaphore, #tpu.memory_space<semaphore_mem>>
    %dma_start3A_160 = arith.constant 0 : i32
    %dma_start3A_161 = arith.constant 0 : i32
    %dma_start3A_162 = tpu.memref_slice %arg3[%dma_start3A_156, %dma_start3A_160, %dma_start3A_161] : memref<16x2048x2048xf32, #tpu.memory_space<hbm>> -> memref<1x512x2048xf32, #tpu.memory_space<hbm>>
    %dma_start3A_163 = tpu.memref_squeeze %dma_start3A_162 : memref<1x512x2048xf32, #tpu.memory_space<hbm>> -> memref<512x2048xf32, #tpu.memory_space<hbm>>
    tpu.enqueue_dma source(%arg12 : memref<512x2048xf32, #tpu.memory_space<vmem>>) target(%dma_start3A_163 : memref<512x2048xf32, #tpu.memory_space<hbm>>) target_semaphore(%dma_start3A_159 : memref<!tpu.dma_semaphore, #tpu.memory_space<semaphore_mem>>)
    %dma_start3A_164 = arith.constant 4 : i32
    %dma_start3A_165 = arith.constant 17 : i32
    %dma_start3A_166 = tpu.memref_slice %arg16[%dma_start3A_165] : memref<128x!tpu.dma_semaphore, #tpu.memory_space<semaphore_mem>> -> memref<1x!tpu.dma_semaphore, #tpu.memory_space<semaphore_mem>>
    %dma_start3A_167 = tpu.memref_squeeze %dma_start3A_166 : memref<1x!tpu.dma_semaphore, #tpu.memory_space<semaphore_mem>> -> memref<!tpu.dma_semaphore, #tpu.memory_space<semaphore_mem>>
    %dma_start3A_168 = arith.constant 512 : i32
    %dma_start3A_169 = arith.constant 0 : i32
    %dma_start3A_170 = tpu.memref_slice %arg3[%dma_start3A_164, %dma_start3A_168, %dma_start3A_169] : memref<16x2048x2048xf32, #tpu.memory_space<hbm>> -> memref<1x512x2048xf32, #tpu.memory_space<hbm>>
    %dma_start3A_171 = tpu.memref_squeeze %dma_start3A_170 : memref<1x512x2048xf32, #tpu.memory_space<hbm>> -> memref<512x2048xf32, #tpu.memory_space<hbm>>
    tpu.enqueue_dma source(%arg13 : memref<512x2048xf32, #tpu.memory_space<vmem>>) target(%dma_start3A_171 : memref<512x2048xf32, #tpu.memory_space<hbm>>) target_semaphore(%dma_start3A_167 : memref<!tpu.dma_semaphore, #tpu.memory_space<semaphore_mem>>)
    %dma_start3A_172 = arith.constant 4 : i32
    %dma_start3A_173 = arith.constant 18 : i32
    %dma_start3A_174 = tpu.memref_slice %arg16[%dma_start3A_173] : memref<128x!tpu.dma_semaphore, #tpu.memory_space<semaphore_mem>> -> memref<1x!tpu.dma_semaphore, #tpu.memory_space<semaphore_mem>>
    %dma_start3A_175 = tpu.memref_squeeze %dma_start3A_174 : memref<1x!tpu.dma_semaphore, #tpu.memory_space<semaphore_mem>> -> memref<!tpu.dma_semaphore, #tpu.memory_space<semaphore_mem>>
    %dma_start3A_176 = arith.constant 1024 : i32
    %dma_start3A_177 = arith.constant 0 : i32
    %dma_start3A_178 = tpu.memref_slice %arg3[%dma_start3A_172, %dma_start3A_176, %dma_start3A_177] : memref<16x2048x2048xf32, #tpu.memory_space<hbm>> -> memref<1x512x2048xf32, #tpu.memory_space<hbm>>
    %dma_start3A_179 = tpu.memref_squeeze %dma_start3A_178 : memref<1x512x2048xf32, #tpu.memory_space<hbm>> -> memref<512x2048xf32, #tpu.memory_space<hbm>>
    tpu.enqueue_dma source(%arg12 : memref<512x2048xf32, #tpu.memory_space<vmem>>) target(%dma_start3A_179 : memref<512x2048xf32, #tpu.memory_space<hbm>>) target_semaphore(%dma_start3A_175 : memref<!tpu.dma_semaphore, #tpu.memory_space<semaphore_mem>>)
    %dma_start3A_180 = arith.constant 4 : i32
    %dma_start3A_181 = arith.constant 19 : i32
    %dma_start3A_182 = tpu.memref_slice %arg16[%dma_start3A_181] : memref<128x!tpu.dma_semaphore, #tpu.memory_space<semaphore_mem>> -> memref<1x!tpu.dma_semaphore, #tpu.memory_space<semaphore_mem>>
    %dma_start3A_183 = tpu.memref_squeeze %dma_start3A_182 : memref<1x!tpu.dma_semaphore, #tpu.memory_space<semaphore_mem>> -> memref<!tpu.dma_semaphore, #tpu.memory_space<semaphore_mem>>
    %dma_start3A_184 = arith.constant 1536 : i32
    %dma_start3A_185 = arith.constant 0 : i32
    %dma_start3A_186 = tpu.memref_slice %arg3[%dma_start3A_180, %dma_start3A_184, %dma_start3A_185] : memref<16x2048x2048xf32, #tpu.memory_space<hbm>> -> memref<1x504x2048xf32, #tpu.memory_space<hbm>>
    %dma_start3A_187 = tpu.memref_squeeze %dma_start3A_186 : memref<1x504x2048xf32, #tpu.memory_space<hbm>> -> memref<504x2048xf32, #tpu.memory_space<hbm>>
    %dma_start3A_188 = arith.constant 0 : i32
    %dma_start3A_189 = arith.constant 0 : i32
    %dma_start3A_190 = tpu.memref_slice %arg13[%dma_start3A_188, %dma_start3A_189] : memref<512x2048xf32, #tpu.memory_space<vmem>> -> memref<504x2048xf32, #tpu.memory_space<vmem>>
    tpu.enqueue_dma source(%dma_start3A_190 : memref<504x2048xf32, #tpu.memory_space<vmem>>) target(%dma_start3A_187 : memref<504x2048xf32, #tpu.memory_space<hbm>>) target_semaphore(%dma_start3A_183 : memref<!tpu.dma_semaphore, #tpu.memory_space<semaphore_mem>>)
    %dma_start3A_191 = arith.constant 5 : i32
    %dma_start3A_192 = arith.constant 20 : i32
    %dma_start3A_193 = tpu.memref_slice %arg16[%dma_start3A_192] : memref<128x!tpu.dma_semaphore, #tpu.memory_space<semaphore_mem>> -> memref<1x!tpu.dma_semaphore, #tpu.memory_space<semaphore_mem>>
    %dma_start3A_194 = tpu.memref_squeeze %dma_start3A_193 : memref<1x!tpu.dma_semaphore, #tpu.memory_space<semaphore_mem>> -> memref<!tpu.dma_semaphore, #tpu.memory_space<semaphore_mem>>
    %dma_start3A_195 = arith.constant 0 : i32
    %dma_start3A_196 = arith.constant 0 : i32
    %dma_start3A_197 = tpu.memref_slice %arg3[%dma_start3A_191, %dma_start3A_195, %dma_start3A_196] : memref<16x2048x2048xf32, #tpu.memory_space<hbm>> -> memref<1x512x2048xf32, #tpu.memory_space<hbm>>
    %dma_start3A_198 = tpu.memref_squeeze %dma_start3A_197 : memref<1x512x2048xf32, #tpu.memory_space<hbm>> -> memref<512x2048xf32, #tpu.memory_space<hbm>>
    tpu.enqueue_dma source(%arg12 : memref<512x2048xf32, #tpu.memory_space<vmem>>) target(%dma_start3A_198 : memref<512x2048xf32, #tpu.memory_space<hbm>>) target_semaphore(%dma_start3A_194 : memref<!tpu.dma_semaphore, #tpu.memory_space<semaphore_mem>>)
    %dma_start3A_199 = arith.constant 5 : i32
    %dma_start3A_200 = arith.constant 21 : i32
    %dma_start3A_201 = tpu.memref_slice %arg16[%dma_start3A_200] : memref<128x!tpu.dma_semaphore, #tpu.memory_space<semaphore_mem>> -> memref<1x!tpu.dma_semaphore, #tpu.memory_space<semaphore_mem>>
    %dma_start3A_202 = tpu.memref_squeeze %dma_start3A_201 : memref<1x!tpu.dma_semaphore, #tpu.memory_space<semaphore_mem>> -> memref<!tpu.dma_semaphore, #tpu.memory_space<semaphore_mem>>
    %dma_start3A_203 = arith.constant 512 : i32
    %dma_start3A_204 = arith.constant 0 : i32
    %dma_start3A_205 = tpu.memref_slice %arg3[%dma_start3A_199, %dma_start3A_203, %dma_start3A_204] : memref<16x2048x2048xf32, #tpu.memory_space<hbm>> -> memref<1x512x2048xf32, #tpu.memory_space<hbm>>
    %dma_start3A_206 = tpu.memref_squeeze %dma_start3A_205 : memref<1x512x2048xf32, #tpu.memory_space<hbm>> -> memref<512x2048xf32, #tpu.memory_space<hbm>>
    tpu.enqueue_dma source(%arg13 : memref<512x2048xf32, #tpu.memory_space<vmem>>) target(%dma_start3A_206 : memref<512x2048xf32, #tpu.memory_space<hbm>>) target_semaphore(%dma_start3A_202 : memref<!tpu.dma_semaphore, #tpu.memory_space<semaphore_mem>>)
    %dma_start3A_207 = arith.constant 5 : i32
    %dma_start3A_208 = arith.constant 22 : i32
    %dma_start3A_209 = tpu.memref_slice %arg16[%dma_start3A_208] : memref<128x!tpu.dma_semaphore, #tpu.memory_space<semaphore_mem>> -> memref<1x!tpu.dma_semaphore, #tpu.memory_space<semaphore_mem>>
    %dma_start3A_210 = tpu.memref_squeeze %dma_start3A_209 : memref<1x!tpu.dma_semaphore, #tpu.memory_space<semaphore_mem>> -> memref<!tpu.dma_semaphore, #tpu.memory_space<semaphore_mem>>
    %dma_start3A_211 = arith.constant 1024 : i32
    %dma_start3A_212 = arith.constant 0 : i32
    %dma_start3A_213 = tpu.memref_slice %arg3[%dma_start3A_207, %dma_start3A_211, %dma_start3A_212] : memref<16x2048x2048xf32, #tpu.memory_space<hbm>> -> memref<1x512x2048xf32, #tpu.memory_space<hbm>>
    %dma_start3A_214 = tpu.memref_squeeze %dma_start3A_213 : memref<1x512x2048xf32, #tpu.memory_space<hbm>> -> memref<512x2048xf32, #tpu.memory_space<hbm>>
    tpu.enqueue_dma source(%arg12 : memref<512x2048xf32, #tpu.memory_space<vmem>>) target(%dma_start3A_214 : memref<512x2048xf32, #tpu.memory_space<hbm>>) target_semaphore(%dma_start3A_210 : memref<!tpu.dma_semaphore, #tpu.memory_space<semaphore_mem>>)
    %dma_start3A_215 = arith.constant 5 : i32
    %dma_start3A_216 = arith.constant 23 : i32
    %dma_start3A_217 = tpu.memref_slice %arg16[%dma_start3A_216] : memref<128x!tpu.dma_semaphore, #tpu.memory_space<semaphore_mem>> -> memref<1x!tpu.dma_semaphore, #tpu.memory_space<semaphore_mem>>
    %dma_start3A_218 = tpu.memref_squeeze %dma_start3A_217 : memref<1x!tpu.dma_semaphore, #tpu.memory_space<semaphore_mem>> -> memref<!tpu.dma_semaphore, #tpu.memory_space<semaphore_mem>>
    %dma_start3A_219 = arith.constant 1536 : i32
    %dma_start3A_220 = arith.constant 0 : i32
    %dma_start3A_221 = tpu.memref_slice %arg3[%dma_start3A_215, %dma_start3A_219, %dma_start3A_220] : memref<16x2048x2048xf32, #tpu.memory_space<hbm>> -> memref<1x504x2048xf32, #tpu.memory_space<hbm>>
    %dma_start3A_222 = tpu.memref_squeeze %dma_start3A_221 : memref<1x504x2048xf32, #tpu.memory_space<hbm>> -> memref<504x2048xf32, #tpu.memory_space<hbm>>
    %dma_start3A_223 = arith.constant 0 : i32
    %dma_start3A_224 = arith.constant 0 : i32
    %dma_start3A_225 = tpu.memref_slice %arg13[%dma_start3A_223, %dma_start3A_224] : memref<512x2048xf32, #tpu.memory_space<vmem>> -> memref<504x2048xf32, #tpu.memory_space<vmem>>
    tpu.enqueue_dma source(%dma_start3A_225 : memref<504x2048xf32, #tpu.memory_space<vmem>>) target(%dma_start3A_222 : memref<504x2048xf32, #tpu.memory_space<hbm>>) target_semaphore(%dma_start3A_218 : memref<!tpu.dma_semaphore, #tpu.memory_space<semaphore_mem>>)
    %dma_start3A_226 = arith.constant 6 : i32
    %dma_start3A_227 = arith.constant 24 : i32
    %dma_start3A_228 = tpu.memref_slice %arg16[%dma_start3A_227] : memref<128x!tpu.dma_semaphore, #tpu.memory_space<semaphore_mem>> -> memref<1x!tpu.dma_semaphore, #tpu.memory_space<semaphore_mem>>
    %dma_start3A_229 = tpu.memref_squeeze %dma_start3A_228 : memref<1x!tpu.dma_semaphore, #tpu.memory_space<semaphore_mem>> -> memref<!tpu.dma_semaphore, #tpu.memory_space<semaphore_mem>>
    %dma_start3A_230 = arith.constant 0 : i32
    %dma_start3A_231 = arith.constant 0 : i32
    %dma_start3A_232 = tpu.memref_slice %arg3[%dma_start3A_226, %dma_start3A_230, %dma_start3A_231] : memref<16x2048x2048xf32, #tpu.memory_space<hbm>> -> memref<1x512x2048xf32, #tpu.memory_space<hbm>>
    %dma_start3A_233 = tpu.memref_squeeze %dma_start3A_232 : memref<1x512x2048xf32, #tpu.memory_space<hbm>> -> memref<512x2048xf32, #tpu.memory_space<hbm>>
    tpu.enqueue_dma source(%arg12 : memref<512x2048xf32, #tpu.memory_space<vmem>>) target(%dma_start3A_233 : memref<512x2048xf32, #tpu.memory_space<hbm>>) target_semaphore(%dma_start3A_229 : memref<!tpu.dma_semaphore, #tpu.memory_space<semaphore_mem>>)
    %dma_start3A_234 = arith.constant 6 : i32
    %dma_start3A_235 = arith.constant 25 : i32
    %dma_start3A_236 = tpu.memref_slice %arg16[%dma_start3A_235] : memref<128x!tpu.dma_semaphore, #tpu.memory_space<semaphore_mem>> -> memref<1x!tpu.dma_semaphore, #tpu.memory_space<semaphore_mem>>
    %dma_start3A_237 = tpu.memref_squeeze %dma_start3A_236 : memref<1x!tpu.dma_semaphore, #tpu.memory_space<semaphore_mem>> -> memref<!tpu.dma_semaphore, #tpu.memory_space<semaphore_mem>>
    %dma_start3A_238 = arith.constant 512 : i32
    %dma_start3A_239 = arith.constant 0 : i32
    %dma_start3A_240 = tpu.memref_slice %arg3[%dma_start3A_234, %dma_start3A_238, %dma_start3A_239] : memref<16x2048x2048xf32, #tpu.memory_space<hbm>> -> memref<1x512x2048xf32, #tpu.memory_space<hbm>>
    %dma_start3A_241 = tpu.memref_squeeze %dma_start3A_240 : memref<1x512x2048xf32, #tpu.memory_space<hbm>> -> memref<512x2048xf32, #tpu.memory_space<hbm>>
    tpu.enqueue_dma source(%arg13 : memref<512x2048xf32, #tpu.memory_space<vmem>>) target(%dma_start3A_241 : memref<512x2048xf32, #tpu.memory_space<hbm>>) target_semaphore(%dma_start3A_237 : memref<!tpu.dma_semaphore, #tpu.memory_space<semaphore_mem>>)
    %dma_start3A_242 = arith.constant 6 : i32
    %dma_start3A_243 = arith.constant 26 : i32
    %dma_start3A_244 = tpu.memref_slice %arg16[%dma_start3A_243] : memref<128x!tpu.dma_semaphore, #tpu.memory_space<semaphore_mem>> -> memref<1x!tpu.dma_semaphore, #tpu.memory_space<semaphore_mem>>
    %dma_start3A_245 = tpu.memref_squeeze %dma_start3A_244 : memref<1x!tpu.dma_semaphore, #tpu.memory_space<semaphore_mem>> -> memref<!tpu.dma_semaphore, #tpu.memory_space<semaphore_mem>>
    %dma_start3A_246 = arith.constant 1024 : i32
    %dma_start3A_247 = arith.constant 0 : i32
    %dma_start3A_248 = tpu.memref_slice %arg3[%dma_start3A_242, %dma_start3A_246, %dma_start3A_247] : memref<16x2048x2048xf32, #tpu.memory_space<hbm>> -> memref<1x512x2048xf32, #tpu.memory_space<hbm>>
    %dma_start3A_249 = tpu.memref_squeeze %dma_start3A_248 : memref<1x512x2048xf32, #tpu.memory_space<hbm>> -> memref<512x2048xf32, #tpu.memory_space<hbm>>
    tpu.enqueue_dma source(%arg12 : memref<512x2048xf32, #tpu.memory_space<vmem>>) target(%dma_start3A_249 : memref<512x2048xf32, #tpu.memory_space<hbm>>) target_semaphore(%dma_start3A_245 : memref<!tpu.dma_semaphore, #tpu.memory_space<semaphore_mem>>)
    %dma_start3A_250 = arith.constant 6 : i32
    %dma_start3A_251 = arith.constant 27 : i32
    %dma_start3A_252 = tpu.memref_slice %arg16[%dma_start3A_251] : memref<128x!tpu.dma_semaphore, #tpu.memory_space<semaphore_mem>> -> memref<1x!tpu.dma_semaphore, #tpu.memory_space<semaphore_mem>>
    %dma_start3A_253 = tpu.memref_squeeze %dma_start3A_252 : memref<1x!tpu.dma_semaphore, #tpu.memory_space<semaphore_mem>> -> memref<!tpu.dma_semaphore, #tpu.memory_space<semaphore_mem>>
    %dma_start3A_254 = arith.constant 1536 : i32
    %dma_start3A_255 = arith.constant 0 : i32
    %dma_start3A_256 = tpu.memref_slice %arg3[%dma_start3A_250, %dma_start3A_254, %dma_start3A_255] : memref<16x2048x2048xf32, #tpu.memory_space<hbm>> -> memref<1x504x2048xf32, #tpu.memory_space<hbm>>
    %dma_start3A_257 = tpu.memref_squeeze %dma_start3A_256 : memref<1x504x2048xf32, #tpu.memory_space<hbm>> -> memref<504x2048xf32, #tpu.memory_space<hbm>>
    %dma_start3A_258 = arith.constant 0 : i32
    %dma_start3A_259 = arith.constant 0 : i32
    %dma_start3A_260 = tpu.memref_slice %arg13[%dma_start3A_258, %dma_start3A_259] : memref<512x2048xf32, #tpu.memory_space<vmem>> -> memref<504x2048xf32, #tpu.memory_space<vmem>>
    tpu.enqueue_dma source(%dma_start3A_260 : memref<504x2048xf32, #tpu.memory_space<vmem>>) target(%dma_start3A_257 : memref<504x2048xf32, #tpu.memory_space<hbm>>) target_semaphore(%dma_start3A_253 : memref<!tpu.dma_semaphore, #tpu.memory_space<semaphore_mem>>)
    %dma_start3A_261 = arith.constant 7 : i32
    %dma_start3A_262 = arith.constant 28 : i32
    %dma_start3A_263 = tpu.memref_slice %arg16[%dma_start3A_262] : memref<128x!tpu.dma_semaphore, #tpu.memory_space<semaphore_mem>> -> memref<1x!tpu.dma_semaphore, #tpu.memory_space<semaphore_mem>>
    %dma_start3A_264 = tpu.memref_squeeze %dma_start3A_263 : memref<1x!tpu.dma_semaphore, #tpu.memory_space<semaphore_mem>> -> memref<!tpu.dma_semaphore, #tpu.memory_space<semaphore_mem>>
    %dma_start3A_265 = arith.constant 0 : i32
    %dma_start3A_266 = arith.constant 0 : i32
    %dma_start3A_267 = tpu.memref_slice %arg3[%dma_start3A_261, %dma_start3A_265, %dma_start3A_266] : memref<16x2048x2048xf32, #tpu.memory_space<hbm>> -> memref<1x512x2048xf32, #tpu.memory_space<hbm>>
    %dma_start3A_268 = tpu.memref_squeeze %dma_start3A_267 : memref<1x512x2048xf32, #tpu.memory_space<hbm>> -> memref<512x2048xf32, #tpu.memory_space<hbm>>
    tpu.enqueue_dma source(%arg12 : memref<512x2048xf32, #tpu.memory_space<vmem>>) target(%dma_start3A_268 : memref<512x2048xf32, #tpu.memory_space<hbm>>) target_semaphore(%dma_start3A_264 : memref<!tpu.dma_semaphore, #tpu.memory_space<semaphore_mem>>)
    %dma_start3A_269 = arith.constant 7 : i32
    %dma_start3A_270 = arith.constant 29 : i32
    %dma_start3A_271 = tpu.memref_slice %arg16[%dma_start3A_270] : memref<128x!tpu.dma_semaphore, #tpu.memory_space<semaphore_mem>> -> memref<1x!tpu.dma_semaphore, #tpu.memory_space<semaphore_mem>>
    %dma_start3A_272 = tpu.memref_squeeze %dma_start3A_271 : memref<1x!tpu.dma_semaphore, #tpu.memory_space<semaphore_mem>> -> memref<!tpu.dma_semaphore, #tpu.memory_space<semaphore_mem>>
    %dma_start3A_273 = arith.constant 512 : i32
    %dma_start3A_274 = arith.constant 0 : i32
    %dma_start3A_275 = tpu.memref_slice %arg3[%dma_start3A_269, %dma_start3A_273, %dma_start3A_274] : memref<16x2048x2048xf32, #tpu.memory_space<hbm>> -> memref<1x512x2048xf32, #tpu.memory_space<hbm>>
    %dma_start3A_276 = tpu.memref_squeeze %dma_start3A_275 : memref<1x512x2048xf32, #tpu.memory_space<hbm>> -> memref<512x2048xf32, #tpu.memory_space<hbm>>
    tpu.enqueue_dma source(%arg13 : memref<512x2048xf32, #tpu.memory_space<vmem>>) target(%dma_start3A_276 : memref<512x2048xf32, #tpu.memory_space<hbm>>) target_semaphore(%dma_start3A_272 : memref<!tpu.dma_semaphore, #tpu.memory_space<semaphore_mem>>)
    %dma_start3A_277 = arith.constant 7 : i32
    %dma_start3A_278 = arith.constant 30 : i32
    %dma_start3A_279 = tpu.memref_slice %arg16[%dma_start3A_278] : memref<128x!tpu.dma_semaphore, #tpu.memory_space<semaphore_mem>> -> memref<1x!tpu.dma_semaphore, #tpu.memory_space<semaphore_mem>>
    %dma_start3A_280 = tpu.memref_squeeze %dma_start3A_279 : memref<1x!tpu.dma_semaphore, #tpu.memory_space<semaphore_mem>> -> memref<!tpu.dma_semaphore, #tpu.memory_space<semaphore_mem>>
    %dma_start3A_281 = arith.constant 1024 : i32
    %dma_start3A_282 = arith.constant 0 : i32
    %dma_start3A_283 = tpu.memref_slice %arg3[%dma_start3A_277, %dma_start3A_281, %dma_start3A_282] : memref<16x2048x2048xf32, #tpu.memory_space<hbm>> -> memref<1x512x2048xf32, #tpu.memory_space<hbm>>
    %dma_start3A_284 = tpu.memref_squeeze %dma_start3A_283 : memref<1x512x2048xf32, #tpu.memory_space<hbm>> -> memref<512x2048xf32, #tpu.memory_space<hbm>>
    tpu.enqueue_dma source(%arg12 : memref<512x2048xf32, #tpu.memory_space<vmem>>) target(%dma_start3A_284 : memref<512x2048xf32, #tpu.memory_space<hbm>>) target_semaphore(%dma_start3A_280 : memref<!tpu.dma_semaphore, #tpu.memory_space<semaphore_mem>>)
    %dma_start3A_285 = arith.constant 7 : i32
    %dma_start3A_286 = arith.constant 31 : i32
    %dma_start3A_287 = tpu.memref_slice %arg16[%dma_start3A_286] : memref<128x!tpu.dma_semaphore, #tpu.memory_space<semaphore_mem>> -> memref<1x!tpu.dma_semaphore, #tpu.memory_space<semaphore_mem>>
    %dma_start3A_288 = tpu.memref_squeeze %dma_start3A_287 : memref<1x!tpu.dma_semaphore, #tpu.memory_space<semaphore_mem>> -> memref<!tpu.dma_semaphore, #tpu.memory_space<semaphore_mem>>
    %dma_start3A_289 = arith.constant 1536 : i32
    %dma_start3A_290 = arith.constant 0 : i32
    %dma_start3A_291 = tpu.memref_slice %arg3[%dma_start3A_285, %dma_start3A_289, %dma_start3A_290] : memref<16x2048x2048xf32, #tpu.memory_space<hbm>> -> memref<1x504x2048xf32, #tpu.memory_space<hbm>>
    %dma_start3A_292 = tpu.memref_squeeze %dma_start3A_291 : memref<1x504x2048xf32, #tpu.memory_space<hbm>> -> memref<504x2048xf32, #tpu.memory_space<hbm>>
    %dma_start3A_293 = arith.constant 0 : i32
    %dma_start3A_294 = arith.constant 0 : i32
    %dma_start3A_295 = tpu.memref_slice %arg13[%dma_start3A_293, %dma_start3A_294] : memref<512x2048xf32, #tpu.memory_space<vmem>> -> memref<504x2048xf32, #tpu.memory_space<vmem>>
    tpu.enqueue_dma source(%dma_start3A_295 : memref<504x2048xf32, #tpu.memory_space<vmem>>) target(%dma_start3A_292 : memref<504x2048xf32, #tpu.memory_space<hbm>>) target_semaphore(%dma_start3A_288 : memref<!tpu.dma_semaphore, #tpu.memory_space<semaphore_mem>>)
    %dma_start3A_296 = arith.constant 8 : i32
    %dma_start3A_297 = arith.constant 32 : i32
    %dma_start3A_298 = tpu.memref_slice %arg16[%dma_start3A_297] : memref<128x!tpu.dma_semaphore, #tpu.memory_space<semaphore_mem>> -> memref<1x!tpu.dma_semaphore, #tpu.memory_space<semaphore_mem>>
    %dma_start3A_299 = tpu.memref_squeeze %dma_start3A_298 : memref<1x!tpu.dma_semaphore, #tpu.memory_space<semaphore_mem>> -> memref<!tpu.dma_semaphore, #tpu.memory_space<semaphore_mem>>
    %dma_start3A_300 = arith.constant 0 : i32
    %dma_start3A_301 = arith.constant 0 : i32
    %dma_start3A_302 = tpu.memref_slice %arg3[%dma_start3A_296, %dma_start3A_300, %dma_start3A_301] : memref<16x2048x2048xf32, #tpu.memory_space<hbm>> -> memref<1x512x2048xf32, #tpu.memory_space<hbm>>
    %dma_start3A_303 = tpu.memref_squeeze %dma_start3A_302 : memref<1x512x2048xf32, #tpu.memory_space<hbm>> -> memref<512x2048xf32, #tpu.memory_space<hbm>>
    tpu.enqueue_dma source(%arg12 : memref<512x2048xf32, #tpu.memory_space<vmem>>) target(%dma_start3A_303 : memref<512x2048xf32, #tpu.memory_space<hbm>>) target_semaphore(%dma_start3A_299 : memref<!tpu.dma_semaphore, #tpu.memory_space<semaphore_mem>>)
    %dma_start3A_304 = arith.constant 8 : i32
    %dma_start3A_305 = arith.constant 33 : i32
    %dma_start3A_306 = tpu.memref_slice %arg16[%dma_start3A_305] : memref<128x!tpu.dma_semaphore, #tpu.memory_space<semaphore_mem>> -> memref<1x!tpu.dma_semaphore, #tpu.memory_space<semaphore_mem>>
    %dma_start3A_307 = tpu.memref_squeeze %dma_start3A_306 : memref<1x!tpu.dma_semaphore, #tpu.memory_space<semaphore_mem>> -> memref<!tpu.dma_semaphore, #tpu.memory_space<semaphore_mem>>
    %dma_start3A_308 = arith.constant 512 : i32
    %dma_start3A_309 = arith.constant 0 : i32
    %dma_start3A_310 = tpu.memref_slice %arg3[%dma_start3A_304, %dma_start3A_308, %dma_start3A_309] : memref<16x2048x2048xf32, #tpu.memory_space<hbm>> -> memref<1x512x2048xf32, #tpu.memory_space<hbm>>
    %dma_start3A_311 = tpu.memref_squeeze %dma_start3A_310 : memref<1x512x2048xf32, #tpu.memory_space<hbm>> -> memref<512x2048xf32, #tpu.memory_space<hbm>>
    tpu.enqueue_dma source(%arg13 : memref<512x2048xf32, #tpu.memory_space<vmem>>) target(%dma_start3A_311 : memref<512x2048xf32, #tpu.memory_space<hbm>>) target_semaphore(%dma_start3A_307 : memref<!tpu.dma_semaphore, #tpu.memory_space<semaphore_mem>>)
    %dma_start3A_312 = arith.constant 8 : i32
    %dma_start3A_313 = arith.constant 34 : i32
    %dma_start3A_314 = tpu.memref_slice %arg16[%dma_start3A_313] : memref<128x!tpu.dma_semaphore, #tpu.memory_space<semaphore_mem>> -> memref<1x!tpu.dma_semaphore, #tpu.memory_space<semaphore_mem>>
    %dma_start3A_315 = tpu.memref_squeeze %dma_start3A_314 : memref<1x!tpu.dma_semaphore, #tpu.memory_space<semaphore_mem>> -> memref<!tpu.dma_semaphore, #tpu.memory_space<semaphore_mem>>
    %dma_start3A_316 = arith.constant 1024 : i32
    %dma_start3A_317 = arith.constant 0 : i32
    %dma_start3A_318 = tpu.memref_slice %arg3[%dma_start3A_312, %dma_start3A_316, %dma_start3A_317] : memref<16x2048x2048xf32, #tpu.memory_space<hbm>> -> memref<1x512x2048xf32, #tpu.memory_space<hbm>>
    %dma_start3A_319 = tpu.memref_squeeze %dma_start3A_318 : memref<1x512x2048xf32, #tpu.memory_space<hbm>> -> memref<512x2048xf32, #tpu.memory_space<hbm>>
    tpu.enqueue_dma source(%arg12 : memref<512x2048xf32, #tpu.memory_space<vmem>>) target(%dma_start3A_319 : memref<512x2048xf32, #tpu.memory_space<hbm>>) target_semaphore(%dma_start3A_315 : memref<!tpu.dma_semaphore, #tpu.memory_space<semaphore_mem>>)
    %dma_start3A_320 = arith.constant 8 : i32
    %dma_start3A_321 = arith.constant 35 : i32
    %dma_start3A_322 = tpu.memref_slice %arg16[%dma_start3A_321] : memref<128x!tpu.dma_semaphore, #tpu.memory_space<semaphore_mem>> -> memref<1x!tpu.dma_semaphore, #tpu.memory_space<semaphore_mem>>
    %dma_start3A_323 = tpu.memref_squeeze %dma_start3A_322 : memref<1x!tpu.dma_semaphore, #tpu.memory_space<semaphore_mem>> -> memref<!tpu.dma_semaphore, #tpu.memory_space<semaphore_mem>>
    %dma_start3A_324 = arith.constant 1536 : i32
    %dma_start3A_325 = arith.constant 0 : i32
    %dma_start3A_326 = tpu.memref_slice %arg3[%dma_start3A_320, %dma_start3A_324, %dma_start3A_325] : memref<16x2048x2048xf32, #tpu.memory_space<hbm>> -> memref<1x504x2048xf32, #tpu.memory_space<hbm>>
    %dma_start3A_327 = tpu.memref_squeeze %dma_start3A_326 : memref<1x504x2048xf32, #tpu.memory_space<hbm>> -> memref<504x2048xf32, #tpu.memory_space<hbm>>
    %dma_start3A_328 = arith.constant 0 : i32
    %dma_start3A_329 = arith.constant 0 : i32
    %dma_start3A_330 = tpu.memref_slice %arg13[%dma_start3A_328, %dma_start3A_329] : memref<512x2048xf32, #tpu.memory_space<vmem>> -> memref<504x2048xf32, #tpu.memory_space<vmem>>
    tpu.enqueue_dma source(%dma_start3A_330 : memref<504x2048xf32, #tpu.memory_space<vmem>>) target(%dma_start3A_327 : memref<504x2048xf32, #tpu.memory_space<hbm>>) target_semaphore(%dma_start3A_323 : memref<!tpu.dma_semaphore, #tpu.memory_space<semaphore_mem>>)
    %dma_start3A_331 = arith.constant 9 : i32
    %dma_start3A_332 = arith.constant 36 : i32
    %dma_start3A_333 = tpu.memref_slice %arg16[%dma_start3A_332] : memref<128x!tpu.dma_semaphore, #tpu.memory_space<semaphore_mem>> -> memref<1x!tpu.dma_semaphore, #tpu.memory_space<semaphore_mem>>
    %dma_start3A_334 = tpu.memref_squeeze %dma_start3A_333 : memref<1x!tpu.dma_semaphore, #tpu.memory_space<semaphore_mem>> -> memref<!tpu.dma_semaphore, #tpu.memory_space<semaphore_mem>>
    %dma_start3A_335 = arith.constant 0 : i32
    %dma_start3A_336 = arith.constant 0 : i32
    %dma_start3A_337 = tpu.memref_slice %arg3[%dma_start3A_331, %dma_start3A_335, %dma_start3A_336] : memref<16x2048x2048xf32, #tpu.memory_space<hbm>> -> memref<1x512x2048xf32, #tpu.memory_space<hbm>>
    %dma_start3A_338 = tpu.memref_squeeze %dma_start3A_337 : memref<1x512x2048xf32, #tpu.memory_space<hbm>> -> memref<512x2048xf32, #tpu.memory_space<hbm>>
    tpu.enqueue_dma source(%arg12 : memref<512x2048xf32, #tpu.memory_space<vmem>>) target(%dma_start3A_338 : memref<512x2048xf32, #tpu.memory_space<hbm>>) target_semaphore(%dma_start3A_334 : memref<!tpu.dma_semaphore, #tpu.memory_space<semaphore_mem>>)
    %dma_start3A_339 = arith.constant 9 : i32
    %dma_start3A_340 = arith.constant 37 : i32
    %dma_start3A_341 = tpu.memref_slice %arg16[%dma_start3A_340] : memref<128x!tpu.dma_semaphore, #tpu.memory_space<semaphore_mem>> -> memref<1x!tpu.dma_semaphore, #tpu.memory_space<semaphore_mem>>
    %dma_start3A_342 = tpu.memref_squeeze %dma_start3A_341 : memref<1x!tpu.dma_semaphore, #tpu.memory_space<semaphore_mem>> -> memref<!tpu.dma_semaphore, #tpu.memory_space<semaphore_mem>>
    %dma_start3A_343 = arith.constant 512 : i32
    %dma_start3A_344 = arith.constant 0 : i32
    %dma_start3A_345 = tpu.memref_slice %arg3[%dma_start3A_339, %dma_start3A_343, %dma_start3A_344] : memref<16x2048x2048xf32, #tpu.memory_space<hbm>> -> memref<1x512x2048xf32, #tpu.memory_space<hbm>>
    %dma_start3A_346 = tpu.memref_squeeze %dma_start3A_345 : memref<1x512x2048xf32, #tpu.memory_space<hbm>> -> memref<512x2048xf32, #tpu.memory_space<hbm>>
    tpu.enqueue_dma source(%arg13 : memref<512x2048xf32, #tpu.memory_space<vmem>>) target(%dma_start3A_346 : memref<512x2048xf32, #tpu.memory_space<hbm>>) target_semaphore(%dma_start3A_342 : memref<!tpu.dma_semaphore, #tpu.memory_space<semaphore_mem>>)
    %dma_start3A_347 = arith.constant 9 : i32
    %dma_start3A_348 = arith.constant 38 : i32
    %dma_start3A_349 = tpu.memref_slice %arg16[%dma_start3A_348] : memref<128x!tpu.dma_semaphore, #tpu.memory_space<semaphore_mem>> -> memref<1x!tpu.dma_semaphore, #tpu.memory_space<semaphore_mem>>
    %dma_start3A_350 = tpu.memref_squeeze %dma_start3A_349 : memref<1x!tpu.dma_semaphore, #tpu.memory_space<semaphore_mem>> -> memref<!tpu.dma_semaphore, #tpu.memory_space<semaphore_mem>>
    %dma_start3A_351 = arith.constant 1024 : i32
    %dma_start3A_352 = arith.constant 0 : i32
    %dma_start3A_353 = tpu.memref_slice %arg3[%dma_start3A_347, %dma_start3A_351, %dma_start3A_352] : memref<16x2048x2048xf32, #tpu.memory_space<hbm>> -> memref<1x512x2048xf32, #tpu.memory_space<hbm>>
    %dma_start3A_354 = tpu.memref_squeeze %dma_start3A_353 : memref<1x512x2048xf32, #tpu.memory_space<hbm>> -> memref<512x2048xf32, #tpu.memory_space<hbm>>
    tpu.enqueue_dma source(%arg12 : memref<512x2048xf32, #tpu.memory_space<vmem>>) target(%dma_start3A_354 : memref<512x2048xf32, #tpu.memory_space<hbm>>) target_semaphore(%dma_start3A_350 : memref<!tpu.dma_semaphore, #tpu.memory_space<semaphore_mem>>)
    %dma_start3A_355 = arith.constant 9 : i32
    %dma_start3A_356 = arith.constant 39 : i32
    %dma_start3A_357 = tpu.memref_slice %arg16[%dma_start3A_356] : memref<128x!tpu.dma_semaphore, #tpu.memory_space<semaphore_mem>> -> memref<1x!tpu.dma_semaphore, #tpu.memory_space<semaphore_mem>>
    %dma_start3A_358 = tpu.memref_squeeze %dma_start3A_357 : memref<1x!tpu.dma_semaphore, #tpu.memory_space<semaphore_mem>> -> memref<!tpu.dma_semaphore, #tpu.memory_space<semaphore_mem>>
    %dma_start3A_359 = arith.constant 1536 : i32
    %dma_start3A_360 = arith.constant 0 : i32
    %dma_start3A_361 = tpu.memref_slice %arg3[%dma_start3A_355, %dma_start3A_359, %dma_start3A_360] : memref<16x2048x2048xf32, #tpu.memory_space<hbm>> -> memref<1x504x2048xf32, #tpu.memory_space<hbm>>
    %dma_start3A_362 = tpu.memref_squeeze %dma_start3A_361 : memref<1x504x2048xf32, #tpu.memory_space<hbm>> -> memref<504x2048xf32, #tpu.memory_space<hbm>>
    %dma_start3A_363 = arith.constant 0 : i32
    %dma_start3A_364 = arith.constant 0 : i32
    %dma_start3A_365 = tpu.memref_slice %arg13[%dma_start3A_363, %dma_start3A_364] : memref<512x2048xf32, #tpu.memory_space<vmem>> -> memref<504x2048xf32, #tpu.memory_space<vmem>>
    tpu.enqueue_dma source(%dma_start3A_365 : memref<504x2048xf32, #tpu.memory_space<vmem>>) target(%dma_start3A_362 : memref<504x2048xf32, #tpu.memory_space<hbm>>) target_semaphore(%dma_start3A_358 : memref<!tpu.dma_semaphore, #tpu.memory_space<semaphore_mem>>)
    %dma_start3A_366 = arith.constant 10 : i32
    %dma_start3A_367 = arith.constant 40 : i32
    %dma_start3A_368 = tpu.memref_slice %arg16[%dma_start3A_367] : memref<128x!tpu.dma_semaphore, #tpu.memory_space<semaphore_mem>> -> memref<1x!tpu.dma_semaphore, #tpu.memory_space<semaphore_mem>>
    %dma_start3A_369 = tpu.memref_squeeze %dma_start3A_368 : memref<1x!tpu.dma_semaphore, #tpu.memory_space<semaphore_mem>> -> memref<!tpu.dma_semaphore, #tpu.memory_space<semaphore_mem>>
    %dma_start3A_370 = arith.constant 0 : i32
    %dma_start3A_371 = arith.constant 0 : i32
    %dma_start3A_372 = tpu.memref_slice %arg3[%dma_start3A_366, %dma_start3A_370, %dma_start3A_371] : memref<16x2048x2048xf32, #tpu.memory_space<hbm>> -> memref<1x512x2048xf32, #tpu.memory_space<hbm>>
    %dma_start3A_373 = tpu.memref_squeeze %dma_start3A_372 : memref<1x512x2048xf32, #tpu.memory_space<hbm>> -> memref<512x2048xf32, #tpu.memory_space<hbm>>
    tpu.enqueue_dma source(%arg12 : memref<512x2048xf32, #tpu.memory_space<vmem>>) target(%dma_start3A_373 : memref<512x2048xf32, #tpu.memory_space<hbm>>) target_semaphore(%dma_start3A_369 : memref<!tpu.dma_semaphore, #tpu.memory_space<semaphore_mem>>)
    %dma_start3A_374 = arith.constant 10 : i32
    %dma_start3A_375 = arith.constant 41 : i32
    %dma_start3A_376 = tpu.memref_slice %arg16[%dma_start3A_375] : memref<128x!tpu.dma_semaphore, #tpu.memory_space<semaphore_mem>> -> memref<1x!tpu.dma_semaphore, #tpu.memory_space<semaphore_mem>>
    %dma_start3A_377 = tpu.memref_squeeze %dma_start3A_376 : memref<1x!tpu.dma_semaphore, #tpu.memory_space<semaphore_mem>> -> memref<!tpu.dma_semaphore, #tpu.memory_space<semaphore_mem>>
    %dma_start3A_378 = arith.constant 512 : i32
    %dma_start3A_379 = arith.constant 0 : i32
    %dma_start3A_380 = tpu.memref_slice %arg3[%dma_start3A_374, %dma_start3A_378, %dma_start3A_379] : memref<16x2048x2048xf32, #tpu.memory_space<hbm>> -> memref<1x512x2048xf32, #tpu.memory_space<hbm>>
    %dma_start3A_381 = tpu.memref_squeeze %dma_start3A_380 : memref<1x512x2048xf32, #tpu.memory_space<hbm>> -> memref<512x2048xf32, #tpu.memory_space<hbm>>
    tpu.enqueue_dma source(%arg13 : memref<512x2048xf32, #tpu.memory_space<vmem>>) target(%dma_start3A_381 : memref<512x2048xf32, #tpu.memory_space<hbm>>) target_semaphore(%dma_start3A_377 : memref<!tpu.dma_semaphore, #tpu.memory_space<semaphore_mem>>)
    %dma_start3A_382 = arith.constant 10 : i32
    %dma_start3A_383 = arith.constant 42 : i32
    %dma_start3A_384 = tpu.memref_slice %arg16[%dma_start3A_383] : memref<128x!tpu.dma_semaphore, #tpu.memory_space<semaphore_mem>> -> memref<1x!tpu.dma_semaphore, #tpu.memory_space<semaphore_mem>>
    %dma_start3A_385 = tpu.memref_squeeze %dma_start3A_384 : memref<1x!tpu.dma_semaphore, #tpu.memory_space<semaphore_mem>> -> memref<!tpu.dma_semaphore, #tpu.memory_space<semaphore_mem>>
    %dma_start3A_386 = arith.constant 1024 : i32
    %dma_start3A_387 = arith.constant 0 : i32
    %dma_start3A_388 = tpu.memref_slice %arg3[%dma_start3A_382, %dma_start3A_386, %dma_start3A_387] : memref<16x2048x2048xf32, #tpu.memory_space<hbm>> -> memref<1x512x2048xf32, #tpu.memory_space<hbm>>
    %dma_start3A_389 = tpu.memref_squeeze %dma_start3A_388 : memref<1x512x2048xf32, #tpu.memory_space<hbm>> -> memref<512x2048xf32, #tpu.memory_space<hbm>>
    tpu.enqueue_dma source(%arg12 : memref<512x2048xf32, #tpu.memory_space<vmem>>) target(%dma_start3A_389 : memref<512x2048xf32, #tpu.memory_space<hbm>>) target_semaphore(%dma_start3A_385 : memref<!tpu.dma_semaphore, #tpu.memory_space<semaphore_mem>>)
    %dma_start3A_390 = arith.constant 10 : i32
    %dma_start3A_391 = arith.constant 43 : i32
    %dma_start3A_392 = tpu.memref_slice %arg16[%dma_start3A_391] : memref<128x!tpu.dma_semaphore, #tpu.memory_space<semaphore_mem>> -> memref<1x!tpu.dma_semaphore, #tpu.memory_space<semaphore_mem>>
    %dma_start3A_393 = tpu.memref_squeeze %dma_start3A_392 : memref<1x!tpu.dma_semaphore, #tpu.memory_space<semaphore_mem>> -> memref<!tpu.dma_semaphore, #tpu.memory_space<semaphore_mem>>
    %dma_start3A_394 = arith.constant 1536 : i32
    %dma_start3A_395 = arith.constant 0 : i32
    %dma_start3A_396 = tpu.memref_slice %arg3[%dma_start3A_390, %dma_start3A_394, %dma_start3A_395] : memref<16x2048x2048xf32, #tpu.memory_space<hbm>> -> memref<1x504x2048xf32, #tpu.memory_space<hbm>>
    %dma_start3A_397 = tpu.memref_squeeze %dma_start3A_396 : memref<1x504x2048xf32, #tpu.memory_space<hbm>> -> memref<504x2048xf32, #tpu.memory_space<hbm>>
    %dma_start3A_398 = arith.constant 0 : i32
    %dma_start3A_399 = arith.constant 0 : i32
    %dma_start3A_400 = tpu.memref_slice %arg13[%dma_start3A_398, %dma_start3A_399] : memref<512x2048xf32, #tpu.memory_space<vmem>> -> memref<504x2048xf32, #tpu.memory_space<vmem>>
    tpu.enqueue_dma source(%dma_start3A_400 : memref<504x2048xf32, #tpu.memory_space<vmem>>) target(%dma_start3A_397 : memref<504x2048xf32, #tpu.memory_space<hbm>>) target_semaphore(%dma_start3A_393 : memref<!tpu.dma_semaphore, #tpu.memory_space<semaphore_mem>>)
    %dma_start3A_401 = arith.constant 11 : i32
    %dma_start3A_402 = arith.constant 44 : i32
    %dma_start3A_403 = tpu.memref_slice %arg16[%dma_start3A_402] : memref<128x!tpu.dma_semaphore, #tpu.memory_space<semaphore_mem>> -> memref<1x!tpu.dma_semaphore, #tpu.memory_space<semaphore_mem>>
    %dma_start3A_404 = tpu.memref_squeeze %dma_start3A_403 : memref<1x!tpu.dma_semaphore, #tpu.memory_space<semaphore_mem>> -> memref<!tpu.dma_semaphore, #tpu.memory_space<semaphore_mem>>
    %dma_start3A_405 = arith.constant 0 : i32
    %dma_start3A_406 = arith.constant 0 : i32
    %dma_start3A_407 = tpu.memref_slice %arg3[%dma_start3A_401, %dma_start3A_405, %dma_start3A_406] : memref<16x2048x2048xf32, #tpu.memory_space<hbm>> -> memref<1x512x2048xf32, #tpu.memory_space<hbm>>
    %dma_start3A_408 = tpu.memref_squeeze %dma_start3A_407 : memref<1x512x2048xf32, #tpu.memory_space<hbm>> -> memref<512x2048xf32, #tpu.memory_space<hbm>>
    tpu.enqueue_dma source(%arg12 : memref<512x2048xf32, #tpu.memory_space<vmem>>) target(%dma_start3A_408 : memref<512x2048xf32, #tpu.memory_space<hbm>>) target_semaphore(%dma_start3A_404 : memref<!tpu.dma_semaphore, #tpu.memory_space<semaphore_mem>>)
    %dma_start3A_409 = arith.constant 11 : i32
    %dma_start3A_410 = arith.constant 45 : i32
    %dma_start3A_411 = tpu.memref_slice %arg16[%dma_start3A_410] : memref<128x!tpu.dma_semaphore, #tpu.memory_space<semaphore_mem>> -> memref<1x!tpu.dma_semaphore, #tpu.memory_space<semaphore_mem>>
    %dma_start3A_412 = tpu.memref_squeeze %dma_start3A_411 : memref<1x!tpu.dma_semaphore, #tpu.memory_space<semaphore_mem>> -> memref<!tpu.dma_semaphore, #tpu.memory_space<semaphore_mem>>
    %dma_start3A_413 = arith.constant 512 : i32
    %dma_start3A_414 = arith.constant 0 : i32
    %dma_start3A_415 = tpu.memref_slice %arg3[%dma_start3A_409, %dma_start3A_413, %dma_start3A_414] : memref<16x2048x2048xf32, #tpu.memory_space<hbm>> -> memref<1x512x2048xf32, #tpu.memory_space<hbm>>
    %dma_start3A_416 = tpu.memref_squeeze %dma_start3A_415 : memref<1x512x2048xf32, #tpu.memory_space<hbm>> -> memref<512x2048xf32, #tpu.memory_space<hbm>>
    tpu.enqueue_dma source(%arg13 : memref<512x2048xf32, #tpu.memory_space<vmem>>) target(%dma_start3A_416 : memref<512x2048xf32, #tpu.memory_space<hbm>>) target_semaphore(%dma_start3A_412 : memref<!tpu.dma_semaphore, #tpu.memory_space<semaphore_mem>>)
    %dma_start3A_417 = arith.constant 11 : i32
    %dma_start3A_418 = arith.constant 46 : i32
    %dma_start3A_419 = tpu.memref_slice %arg16[%dma_start3A_418] : memref<128x!tpu.dma_semaphore, #tpu.memory_space<semaphore_mem>> -> memref<1x!tpu.dma_semaphore, #tpu.memory_space<semaphore_mem>>
    %dma_start3A_420 = tpu.memref_squeeze %dma_start3A_419 : memref<1x!tpu.dma_semaphore, #tpu.memory_space<semaphore_mem>> -> memref<!tpu.dma_semaphore, #tpu.memory_space<semaphore_mem>>
    %dma_start3A_421 = arith.constant 1024 : i32
    %dma_start3A_422 = arith.constant 0 : i32
    %dma_start3A_423 = tpu.memref_slice %arg3[%dma_start3A_417, %dma_start3A_421, %dma_start3A_422] : memref<16x2048x2048xf32, #tpu.memory_space<hbm>> -> memref<1x512x2048xf32, #tpu.memory_space<hbm>>
    %dma_start3A_424 = tpu.memref_squeeze %dma_start3A_423 : memref<1x512x2048xf32, #tpu.memory_space<hbm>> -> memref<512x2048xf32, #tpu.memory_space<hbm>>
    tpu.enqueue_dma source(%arg12 : memref<512x2048xf32, #tpu.memory_space<vmem>>) target(%dma_start3A_424 : memref<512x2048xf32, #tpu.memory_space<hbm>>) target_semaphore(%dma_start3A_420 : memref<!tpu.dma_semaphore, #tpu.memory_space<semaphore_mem>>)
    %dma_start3A_425 = arith.constant 11 : i32
    %dma_start3A_426 = arith.constant 47 : i32
    %dma_start3A_427 = tpu.memref_slice %arg16[%dma_start3A_426] : memref<128x!tpu.dma_semaphore, #tpu.memory_space<semaphore_mem>> -> memref<1x!tpu.dma_semaphore, #tpu.memory_space<semaphore_mem>>
    %dma_start3A_428 = tpu.memref_squeeze %dma_start3A_427 : memref<1x!tpu.dma_semaphore, #tpu.memory_space<semaphore_mem>> -> memref<!tpu.dma_semaphore, #tpu.memory_space<semaphore_mem>>
    %dma_start3A_429 = arith.constant 1536 : i32
    %dma_start3A_430 = arith.constant 0 : i32
    %dma_start3A_431 = tpu.memref_slice %arg3[%dma_start3A_425, %dma_start3A_429, %dma_start3A_430] : memref<16x2048x2048xf32, #tpu.memory_space<hbm>> -> memref<1x504x2048xf32, #tpu.memory_space<hbm>>
    %dma_start3A_432 = tpu.memref_squeeze %dma_start3A_431 : memref<1x504x2048xf32, #tpu.memory_space<hbm>> -> memref<504x2048xf32, #tpu.memory_space<hbm>>
    %dma_start3A_433 = arith.constant 0 : i32
    %dma_start3A_434 = arith.constant 0 : i32
    %dma_start3A_435 = tpu.memref_slice %arg13[%dma_start3A_433, %dma_start3A_434] : memref<512x2048xf32, #tpu.memory_space<vmem>> -> memref<504x2048xf32, #tpu.memory_space<vmem>>
    tpu.enqueue_dma source(%dma_start3A_435 : memref<504x2048xf32, #tpu.memory_space<vmem>>) target(%dma_start3A_432 : memref<504x2048xf32, #tpu.memory_space<hbm>>) target_semaphore(%dma_start3A_428 : memref<!tpu.dma_semaphore, #tpu.memory_space<semaphore_mem>>)
    %dma_start3A_436 = arith.constant 12 : i32
    %dma_start3A_437 = arith.constant 48 : i32
    %dma_start3A_438 = tpu.memref_slice %arg16[%dma_start3A_437] : memref<128x!tpu.dma_semaphore, #tpu.memory_space<semaphore_mem>> -> memref<1x!tpu.dma_semaphore, #tpu.memory_space<semaphore_mem>>
    %dma_start3A_439 = tpu.memref_squeeze %dma_start3A_438 : memref<1x!tpu.dma_semaphore, #tpu.memory_space<semaphore_mem>> -> memref<!tpu.dma_semaphore, #tpu.memory_space<semaphore_mem>>
    %dma_start3A_440 = arith.constant 0 : i32
    %dma_start3A_441 = arith.constant 0 : i32
    %dma_start3A_442 = tpu.memref_slice %arg3[%dma_start3A_436, %dma_start3A_440, %dma_start3A_441] : memref<16x2048x2048xf32, #tpu.memory_space<hbm>> -> memref<1x512x2048xf32, #tpu.memory_space<hbm>>
    %dma_start3A_443 = tpu.memref_squeeze %dma_start3A_442 : memref<1x512x2048xf32, #tpu.memory_space<hbm>> -> memref<512x2048xf32, #tpu.memory_space<hbm>>
    tpu.enqueue_dma source(%arg12 : memref<512x2048xf32, #tpu.memory_space<vmem>>) target(%dma_start3A_443 : memref<512x2048xf32, #tpu.memory_space<hbm>>) target_semaphore(%dma_start3A_439 : memref<!tpu.dma_semaphore, #tpu.memory_space<semaphore_mem>>)
    %dma_start3A_444 = arith.constant 12 : i32
    %dma_start3A_445 = arith.constant 49 : i32
    %dma_start3A_446 = tpu.memref_slice %arg16[%dma_start3A_445] : memref<128x!tpu.dma_semaphore, #tpu.memory_space<semaphore_mem>> -> memref<1x!tpu.dma_semaphore, #tpu.memory_space<semaphore_mem>>
    %dma_start3A_447 = tpu.memref_squeeze %dma_start3A_446 : memref<1x!tpu.dma_semaphore, #tpu.memory_space<semaphore_mem>> -> memref<!tpu.dma_semaphore, #tpu.memory_space<semaphore_mem>>
    %dma_start3A_448 = arith.constant 512 : i32
    %dma_start3A_449 = arith.constant 0 : i32
    %dma_start3A_450 = tpu.memref_slice %arg3[%dma_start3A_444, %dma_start3A_448, %dma_start3A_449] : memref<16x2048x2048xf32, #tpu.memory_space<hbm>> -> memref<1x512x2048xf32, #tpu.memory_space<hbm>>
    %dma_start3A_451 = tpu.memref_squeeze %dma_start3A_450 : memref<1x512x2048xf32, #tpu.memory_space<hbm>> -> memref<512x2048xf32, #tpu.memory_space<hbm>>
    tpu.enqueue_dma source(%arg13 : memref<512x2048xf32, #tpu.memory_space<vmem>>) target(%dma_start3A_451 : memref<512x2048xf32, #tpu.memory_space<hbm>>) target_semaphore(%dma_start3A_447 : memref<!tpu.dma_semaphore, #tpu.memory_space<semaphore_mem>>)
    %dma_start3A_452 = arith.constant 12 : i32
    %dma_start3A_453 = arith.constant 50 : i32
    %dma_start3A_454 = tpu.memref_slice %arg16[%dma_start3A_453] : memref<128x!tpu.dma_semaphore, #tpu.memory_space<semaphore_mem>> -> memref<1x!tpu.dma_semaphore, #tpu.memory_space<semaphore_mem>>
    %dma_start3A_455 = tpu.memref_squeeze %dma_start3A_454 : memref<1x!tpu.dma_semaphore, #tpu.memory_space<semaphore_mem>> -> memref<!tpu.dma_semaphore, #tpu.memory_space<semaphore_mem>>
    %dma_start3A_456 = arith.constant 1024 : i32
    %dma_start3A_457 = arith.constant 0 : i32
    %dma_start3A_458 = tpu.memref_slice %arg3[%dma_start3A_452, %dma_start3A_456, %dma_start3A_457] : memref<16x2048x2048xf32, #tpu.memory_space<hbm>> -> memref<1x512x2048xf32, #tpu.memory_space<hbm>>
    %dma_start3A_459 = tpu.memref_squeeze %dma_start3A_458 : memref<1x512x2048xf32, #tpu.memory_space<hbm>> -> memref<512x2048xf32, #tpu.memory_space<hbm>>
    tpu.enqueue_dma source(%arg12 : memref<512x2048xf32, #tpu.memory_space<vmem>>) target(%dma_start3A_459 : memref<512x2048xf32, #tpu.memory_space<hbm>>) target_semaphore(%dma_start3A_455 : memref<!tpu.dma_semaphore, #tpu.memory_space<semaphore_mem>>)
    %dma_start3A_460 = arith.constant 12 : i32
    %dma_start3A_461 = arith.constant 51 : i32
    %dma_start3A_462 = tpu.memref_slice %arg16[%dma_start3A_461] : memref<128x!tpu.dma_semaphore, #tpu.memory_space<semaphore_mem>> -> memref<1x!tpu.dma_semaphore, #tpu.memory_space<semaphore_mem>>
    %dma_start3A_463 = tpu.memref_squeeze %dma_start3A_462 : memref<1x!tpu.dma_semaphore, #tpu.memory_space<semaphore_mem>> -> memref<!tpu.dma_semaphore, #tpu.memory_space<semaphore_mem>>
    %dma_start3A_464 = arith.constant 1536 : i32
    %dma_start3A_465 = arith.constant 0 : i32
    %dma_start3A_466 = tpu.memref_slice %arg3[%dma_start3A_460, %dma_start3A_464, %dma_start3A_465] : memref<16x2048x2048xf32, #tpu.memory_space<hbm>> -> memref<1x504x2048xf32, #tpu.memory_space<hbm>>
    %dma_start3A_467 = tpu.memref_squeeze %dma_start3A_466 : memref<1x504x2048xf32, #tpu.memory_space<hbm>> -> memref<504x2048xf32, #tpu.memory_space<hbm>>
    %dma_start3A_468 = arith.constant 0 : i32
    %dma_start3A_469 = arith.constant 0 : i32
    %dma_start3A_470 = tpu.memref_slice %arg13[%dma_start3A_468, %dma_start3A_469] : memref<512x2048xf32, #tpu.memory_space<vmem>> -> memref<504x2048xf32, #tpu.memory_space<vmem>>
    tpu.enqueue_dma source(%dma_start3A_470 : memref<504x2048xf32, #tpu.memory_space<vmem>>) target(%dma_start3A_467 : memref<504x2048xf32, #tpu.memory_space<hbm>>) target_semaphore(%dma_start3A_463 : memref<!tpu.dma_semaphore, #tpu.memory_space<semaphore_mem>>)
    %dma_start3A_471 = arith.constant 13 : i32
    %dma_start3A_472 = arith.constant 52 : i32
    %dma_start3A_473 = tpu.memref_slice %arg16[%dma_start3A_472] : memref<128x!tpu.dma_semaphore, #tpu.memory_space<semaphore_mem>> -> memref<1x!tpu.dma_semaphore, #tpu.memory_space<semaphore_mem>>
    %dma_start3A_474 = tpu.memref_squeeze %dma_start3A_473 : memref<1x!tpu.dma_semaphore, #tpu.memory_space<semaphore_mem>> -> memref<!tpu.dma_semaphore, #tpu.memory_space<semaphore_mem>>
    %dma_start3A_475 = arith.constant 0 : i32
    %dma_start3A_476 = arith.constant 0 : i32
    %dma_start3A_477 = tpu.memref_slice %arg3[%dma_start3A_471, %dma_start3A_475, %dma_start3A_476] : memref<16x2048x2048xf32, #tpu.memory_space<hbm>> -> memref<1x512x2048xf32, #tpu.memory_space<hbm>>
    %dma_start3A_478 = tpu.memref_squeeze %dma_start3A_477 : memref<1x512x2048xf32, #tpu.memory_space<hbm>> -> memref<512x2048xf32, #tpu.memory_space<hbm>>
    tpu.enqueue_dma source(%arg12 : memref<512x2048xf32, #tpu.memory_space<vmem>>) target(%dma_start3A_478 : memref<512x2048xf32, #tpu.memory_space<hbm>>) target_semaphore(%dma_start3A_474 : memref<!tpu.dma_semaphore, #tpu.memory_space<semaphore_mem>>)
    %dma_start3A_479 = arith.constant 13 : i32
    %dma_start3A_480 = arith.constant 53 : i32
    %dma_start3A_481 = tpu.memref_slice %arg16[%dma_start3A_480] : memref<128x!tpu.dma_semaphore, #tpu.memory_space<semaphore_mem>> -> memref<1x!tpu.dma_semaphore, #tpu.memory_space<semaphore_mem>>
    %dma_start3A_482 = tpu.memref_squeeze %dma_start3A_481 : memref<1x!tpu.dma_semaphore, #tpu.memory_space<semaphore_mem>> -> memref<!tpu.dma_semaphore, #tpu.memory_space<semaphore_mem>>
    %dma_start3A_483 = arith.constant 512 : i32
    %dma_start3A_484 = arith.constant 0 : i32
    %dma_start3A_485 = tpu.memref_slice %arg3[%dma_start3A_479, %dma_start3A_483, %dma_start3A_484] : memref<16x2048x2048xf32, #tpu.memory_space<hbm>> -> memref<1x512x2048xf32, #tpu.memory_space<hbm>>
    %dma_start3A_486 = tpu.memref_squeeze %dma_start3A_485 : memref<1x512x2048xf32, #tpu.memory_space<hbm>> -> memref<512x2048xf32, #tpu.memory_space<hbm>>
    tpu.enqueue_dma source(%arg13 : memref<512x2048xf32, #tpu.memory_space<vmem>>) target(%dma_start3A_486 : memref<512x2048xf32, #tpu.memory_space<hbm>>) target_semaphore(%dma_start3A_482 : memref<!tpu.dma_semaphore, #tpu.memory_space<semaphore_mem>>)
    %dma_start3A_487 = arith.constant 13 : i32
    %dma_start3A_488 = arith.constant 54 : i32
    %dma_start3A_489 = tpu.memref_slice %arg16[%dma_start3A_488] : memref<128x!tpu.dma_semaphore, #tpu.memory_space<semaphore_mem>> -> memref<1x!tpu.dma_semaphore, #tpu.memory_space<semaphore_mem>>
    %dma_start3A_490 = tpu.memref_squeeze %dma_start3A_489 : memref<1x!tpu.dma_semaphore, #tpu.memory_space<semaphore_mem>> -> memref<!tpu.dma_semaphore, #tpu.memory_space<semaphore_mem>>
    %dma_start3A_491 = arith.constant 1024 : i32
    %dma_start3A_492 = arith.constant 0 : i32
    %dma_start3A_493 = tpu.memref_slice %arg3[%dma_start3A_487, %dma_start3A_491, %dma_start3A_492] : memref<16x2048x2048xf32, #tpu.memory_space<hbm>> -> memref<1x512x2048xf32, #tpu.memory_space<hbm>>
    %dma_start3A_494 = tpu.memref_squeeze %dma_start3A_493 : memref<1x512x2048xf32, #tpu.memory_space<hbm>> -> memref<512x2048xf32, #tpu.memory_space<hbm>>
    tpu.enqueue_dma source(%arg12 : memref<512x2048xf32, #tpu.memory_space<vmem>>) target(%dma_start3A_494 : memref<512x2048xf32, #tpu.memory_space<hbm>>) target_semaphore(%dma_start3A_490 : memref<!tpu.dma_semaphore, #tpu.memory_space<semaphore_mem>>)
    %dma_start3A_495 = arith.constant 13 : i32
    %dma_start3A_496 = arith.constant 55 : i32
    %dma_start3A_497 = tpu.memref_slice %arg16[%dma_start3A_496] : memref<128x!tpu.dma_semaphore, #tpu.memory_space<semaphore_mem>> -> memref<1x!tpu.dma_semaphore, #tpu.memory_space<semaphore_mem>>
    %dma_start3A_498 = tpu.memref_squeeze %dma_start3A_497 : memref<1x!tpu.dma_semaphore, #tpu.memory_space<semaphore_mem>> -> memref<!tpu.dma_semaphore, #tpu.memory_space<semaphore_mem>>
    %dma_start3A_499 = arith.constant 1536 : i32
    %dma_start3A_500 = arith.constant 0 : i32
    %dma_start3A_501 = tpu.memref_slice %arg3[%dma_start3A_495, %dma_start3A_499, %dma_start3A_500] : memref<16x2048x2048xf32, #tpu.memory_space<hbm>> -> memref<1x504x2048xf32, #tpu.memory_space<hbm>>
    %dma_start3A_502 = tpu.memref_squeeze %dma_start3A_501 : memref<1x504x2048xf32, #tpu.memory_space<hbm>> -> memref<504x2048xf32, #tpu.memory_space<hbm>>
    %dma_start3A_503 = arith.constant 0 : i32
    %dma_start3A_504 = arith.constant 0 : i32
    %dma_start3A_505 = tpu.memref_slice %arg13[%dma_start3A_503, %dma_start3A_504] : memref<512x2048xf32, #tpu.memory_space<vmem>> -> memref<504x2048xf32, #tpu.memory_space<vmem>>
    tpu.enqueue_dma source(%dma_start3A_505 : memref<504x2048xf32, #tpu.memory_space<vmem>>) target(%dma_start3A_502 : memref<504x2048xf32, #tpu.memory_space<hbm>>) target_semaphore(%dma_start3A_498 : memref<!tpu.dma_semaphore, #tpu.memory_space<semaphore_mem>>)
    %dma_start3A_506 = arith.constant 14 : i32
    %dma_start3A_507 = arith.constant 56 : i32
    %dma_start3A_508 = tpu.memref_slice %arg16[%dma_start3A_507] : memref<128x!tpu.dma_semaphore, #tpu.memory_space<semaphore_mem>> -> memref<1x!tpu.dma_semaphore, #tpu.memory_space<semaphore_mem>>
    %dma_start3A_509 = tpu.memref_squeeze %dma_start3A_508 : memref<1x!tpu.dma_semaphore, #tpu.memory_space<semaphore_mem>> -> memref<!tpu.dma_semaphore, #tpu.memory_space<semaphore_mem>>
    %dma_start3A_510 = arith.constant 0 : i32
    %dma_start3A_511 = arith.constant 0 : i32
    %dma_start3A_512 = tpu.memref_slice %arg3[%dma_start3A_506, %dma_start3A_510, %dma_start3A_511] : memref<16x2048x2048xf32, #tpu.memory_space<hbm>> -> memref<1x512x2048xf32, #tpu.memory_space<hbm>>
    %dma_start3A_513 = tpu.memref_squeeze %dma_start3A_512 : memref<1x512x2048xf32, #tpu.memory_space<hbm>> -> memref<512x2048xf32, #tpu.memory_space<hbm>>
    tpu.enqueue_dma source(%arg12 : memref<512x2048xf32, #tpu.memory_space<vmem>>) target(%dma_start3A_513 : memref<512x2048xf32, #tpu.memory_space<hbm>>) target_semaphore(%dma_start3A_509 : memref<!tpu.dma_semaphore, #tpu.memory_space<semaphore_mem>>)
    %dma_start3A_514 = arith.constant 14 : i32
    %dma_start3A_515 = arith.constant 57 : i32
    %dma_start3A_516 = tpu.memref_slice %arg16[%dma_start3A_515] : memref<128x!tpu.dma_semaphore, #tpu.memory_space<semaphore_mem>> -> memref<1x!tpu.dma_semaphore, #tpu.memory_space<semaphore_mem>>
    %dma_start3A_517 = tpu.memref_squeeze %dma_start3A_516 : memref<1x!tpu.dma_semaphore, #tpu.memory_space<semaphore_mem>> -> memref<!tpu.dma_semaphore, #tpu.memory_space<semaphore_mem>>
    %dma_start3A_518 = arith.constant 512 : i32
    %dma_start3A_519 = arith.constant 0 : i32
    %dma_start3A_520 = tpu.memref_slice %arg3[%dma_start3A_514, %dma_start3A_518, %dma_start3A_519] : memref<16x2048x2048xf32, #tpu.memory_space<hbm>> -> memref<1x512x2048xf32, #tpu.memory_space<hbm>>
    %dma_start3A_521 = tpu.memref_squeeze %dma_start3A_520 : memref<1x512x2048xf32, #tpu.memory_space<hbm>> -> memref<512x2048xf32, #tpu.memory_space<hbm>>
    tpu.enqueue_dma source(%arg13 : memref<512x2048xf32, #tpu.memory_space<vmem>>) target(%dma_start3A_521 : memref<512x2048xf32, #tpu.memory_space<hbm>>) target_semaphore(%dma_start3A_517 : memref<!tpu.dma_semaphore, #tpu.memory_space<semaphore_mem>>)
    %dma_start3A_522 = arith.constant 14 : i32
    %dma_start3A_523 = arith.constant 58 : i32
    %dma_start3A_524 = tpu.memref_slice %arg16[%dma_start3A_523] : memref<128x!tpu.dma_semaphore, #tpu.memory_space<semaphore_mem>> -> memref<1x!tpu.dma_semaphore, #tpu.memory_space<semaphore_mem>>
    %dma_start3A_525 = tpu.memref_squeeze %dma_start3A_524 : memref<1x!tpu.dma_semaphore, #tpu.memory_space<semaphore_mem>> -> memref<!tpu.dma_semaphore, #tpu.memory_space<semaphore_mem>>
    %dma_start3A_526 = arith.constant 1024 : i32
    %dma_start3A_527 = arith.constant 0 : i32
    %dma_start3A_528 = tpu.memref_slice %arg3[%dma_start3A_522, %dma_start3A_526, %dma_start3A_527] : memref<16x2048x2048xf32, #tpu.memory_space<hbm>> -> memref<1x512x2048xf32, #tpu.memory_space<hbm>>
    %dma_start3A_529 = tpu.memref_squeeze %dma_start3A_528 : memref<1x512x2048xf32, #tpu.memory_space<hbm>> -> memref<512x2048xf32, #tpu.memory_space<hbm>>
    tpu.enqueue_dma source(%arg12 : memref<512x2048xf32, #tpu.memory_space<vmem>>) target(%dma_start3A_529 : memref<512x2048xf32, #tpu.memory_space<hbm>>) target_semaphore(%dma_start3A_525 : memref<!tpu.dma_semaphore, #tpu.memory_space<semaphore_mem>>)
    %dma_start3A_530 = arith.constant 14 : i32
    %dma_start3A_531 = arith.constant 59 : i32
    %dma_start3A_532 = tpu.memref_slice %arg16[%dma_start3A_531] : memref<128x!tpu.dma_semaphore, #tpu.memory_space<semaphore_mem>> -> memref<1x!tpu.dma_semaphore, #tpu.memory_space<semaphore_mem>>
    %dma_start3A_533 = tpu.memref_squeeze %dma_start3A_532 : memref<1x!tpu.dma_semaphore, #tpu.memory_space<semaphore_mem>> -> memref<!tpu.dma_semaphore, #tpu.memory_space<semaphore_mem>>
    %dma_start3A_534 = arith.constant 1536 : i32
    %dma_start3A_535 = arith.constant 0 : i32
    %dma_start3A_536 = tpu.memref_slice %arg3[%dma_start3A_530, %dma_start3A_534, %dma_start3A_535] : memref<16x2048x2048xf32, #tpu.memory_space<hbm>> -> memref<1x504x2048xf32, #tpu.memory_space<hbm>>
    %dma_start3A_537 = tpu.memref_squeeze %dma_start3A_536 : memref<1x504x2048xf32, #tpu.memory_space<hbm>> -> memref<504x2048xf32, #tpu.memory_space<hbm>>
    %dma_start3A_538 = arith.constant 0 : i32
    %dma_start3A_539 = arith.constant 0 : i32
    %dma_start3A_540 = tpu.memref_slice %arg13[%dma_start3A_538, %dma_start3A_539] : memref<512x2048xf32, #tpu.memory_space<vmem>> -> memref<504x2048xf32, #tpu.memory_space<vmem>>
    tpu.enqueue_dma source(%dma_start3A_540 : memref<504x2048xf32, #tpu.memory_space<vmem>>) target(%dma_start3A_537 : memref<504x2048xf32, #tpu.memory_space<hbm>>) target_semaphore(%dma_start3A_533 : memref<!tpu.dma_semaphore, #tpu.memory_space<semaphore_mem>>)
    %dma_start3A_541 = arith.constant 15 : i32
    %dma_start3A_542 = arith.constant 60 : i32
    %dma_start3A_543 = tpu.memref_slice %arg16[%dma_start3A_542] : memref<128x!tpu.dma_semaphore, #tpu.memory_space<semaphore_mem>> -> memref<1x!tpu.dma_semaphore, #tpu.memory_space<semaphore_mem>>
    %dma_start3A_544 = tpu.memref_squeeze %dma_start3A_543 : memref<1x!tpu.dma_semaphore, #tpu.memory_space<semaphore_mem>> -> memref<!tpu.dma_semaphore, #tpu.memory_space<semaphore_mem>>
    %dma_start3A_545 = arith.constant 0 : i32
    %dma_start3A_546 = arith.constant 0 : i32
    %dma_start3A_547 = tpu.memref_slice %arg3[%dma_start3A_541, %dma_start3A_545, %dma_start3A_546] : memref<16x2048x2048xf32, #tpu.memory_space<hbm>> -> memref<1x512x2048xf32, #tpu.memory_space<hbm>>
    %dma_start3A_548 = tpu.memref_squeeze %dma_start3A_547 : memref<1x512x2048xf32, #tpu.memory_space<hbm>> -> memref<512x2048xf32, #tpu.memory_space<hbm>>
    tpu.enqueue_dma source(%arg12 : memref<512x2048xf32, #tpu.memory_space<vmem>>) target(%dma_start3A_548 : memref<512x2048xf32, #tpu.memory_space<hbm>>) target_semaphore(%dma_start3A_544 : memref<!tpu.dma_semaphore, #tpu.memory_space<semaphore_mem>>)
    %dma_start3A_549 = arith.constant 15 : i32
    %dma_start3A_550 = arith.constant 61 : i32
    %dma_start3A_551 = tpu.memref_slice %arg16[%dma_start3A_550] : memref<128x!tpu.dma_semaphore, #tpu.memory_space<semaphore_mem>> -> memref<1x!tpu.dma_semaphore, #tpu.memory_space<semaphore_mem>>
    %dma_start3A_552 = tpu.memref_squeeze %dma_start3A_551 : memref<1x!tpu.dma_semaphore, #tpu.memory_space<semaphore_mem>> -> memref<!tpu.dma_semaphore, #tpu.memory_space<semaphore_mem>>
    %dma_start3A_553 = arith.constant 512 : i32
    %dma_start3A_554 = arith.constant 0 : i32
    %dma_start3A_555 = tpu.memref_slice %arg3[%dma_start3A_549, %dma_start3A_553, %dma_start3A_554] : memref<16x2048x2048xf32, #tpu.memory_space<hbm>> -> memref<1x512x2048xf32, #tpu.memory_space<hbm>>
    %dma_start3A_556 = tpu.memref_squeeze %dma_start3A_555 : memref<1x512x2048xf32, #tpu.memory_space<hbm>> -> memref<512x2048xf32, #tpu.memory_space<hbm>>
    tpu.enqueue_dma source(%arg13 : memref<512x2048xf32, #tpu.memory_space<vmem>>) target(%dma_start3A_556 : memref<512x2048xf32, #tpu.memory_space<hbm>>) target_semaphore(%dma_start3A_552 : memref<!tpu.dma_semaphore, #tpu.memory_space<semaphore_mem>>)
    %dma_start3A_557 = arith.constant 15 : i32
    %dma_start3A_558 = arith.constant 62 : i32
    %dma_start3A_559 = tpu.memref_slice %arg16[%dma_start3A_558] : memref<128x!tpu.dma_semaphore, #tpu.memory_space<semaphore_mem>> -> memref<1x!tpu.dma_semaphore, #tpu.memory_space<semaphore_mem>>
    %dma_start3A_560 = tpu.memref_squeeze %dma_start3A_559 : memref<1x!tpu.dma_semaphore, #tpu.memory_space<semaphore_mem>> -> memref<!tpu.dma_semaphore, #tpu.memory_space<semaphore_mem>>
    %dma_start3A_561 = arith.constant 1024 : i32
    %dma_start3A_562 = arith.constant 0 : i32
    %dma_start3A_563 = tpu.memref_slice %arg3[%dma_start3A_557, %dma_start3A_561, %dma_start3A_562] : memref<16x2048x2048xf32, #tpu.memory_space<hbm>> -> memref<1x512x2048xf32, #tpu.memory_space<hbm>>
    %dma_start3A_564 = tpu.memref_squeeze %dma_start3A_563 : memref<1x512x2048xf32, #tpu.memory_space<hbm>> -> memref<512x2048xf32, #tpu.memory_space<hbm>>
    tpu.enqueue_dma source(%arg12 : memref<512x2048xf32, #tpu.memory_space<vmem>>) target(%dma_start3A_564 : memref<512x2048xf32, #tpu.memory_space<hbm>>) target_semaphore(%dma_start3A_560 : memref<!tpu.dma_semaphore, #tpu.memory_space<semaphore_mem>>)
    %dma_start3A_565 = arith.constant 15 : i32
    %dma_start3A_566 = arith.constant 63 : i32
    %dma_start3A_567 = tpu.memref_slice %arg16[%dma_start3A_566] : memref<128x!tpu.dma_semaphore, #tpu.memory_space<semaphore_mem>> -> memref<1x!tpu.dma_semaphore, #tpu.memory_space<semaphore_mem>>
    %dma_start3A_568 = tpu.memref_squeeze %dma_start3A_567 : memref<1x!tpu.dma_semaphore, #tpu.memory_space<semaphore_mem>> -> memref<!tpu.dma_semaphore, #tpu.memory_space<semaphore_mem>>
    %dma_start3A_569 = arith.constant 1536 : i32
    %dma_start3A_570 = arith.constant 0 : i32
    %dma_start3A_571 = tpu.memref_slice %arg3[%dma_start3A_565, %dma_start3A_569, %dma_start3A_570] : memref<16x2048x2048xf32, #tpu.memory_space<hbm>> -> memref<1x504x2048xf32, #tpu.memory_space<hbm>>
    %dma_start3A_572 = tpu.memref_squeeze %dma_start3A_571 : memref<1x504x2048xf32, #tpu.memory_space<hbm>> -> memref<504x2048xf32, #tpu.memory_space<hbm>>
    %dma_start3A_573 = arith.constant 0 : i32
    %dma_start3A_574 = arith.constant 0 : i32
    %dma_start3A_575 = tpu.memref_slice %arg13[%dma_start3A_573, %dma_start3A_574] : memref<512x2048xf32, #tpu.memory_space<vmem>> -> memref<504x2048xf32, #tpu.memory_space<vmem>>
    tpu.enqueue_dma source(%dma_start3A_575 : memref<504x2048xf32, #tpu.memory_space<vmem>>) target(%dma_start3A_572 : memref<504x2048xf32, #tpu.memory_space<hbm>>) target_semaphore(%dma_start3A_568 : memref<!tpu.dma_semaphore, #tpu.memory_space<semaphore_mem>>)
    %dma_start3A_576 = arith.constant 64 : i32
    %dma_start3A_577 = tpu.memref_slice %arg16[%dma_start3A_576] : memref<128x!tpu.dma_semaphore, #tpu.memory_space<semaphore_mem>> -> memref<1x!tpu.dma_semaphore, #tpu.memory_space<semaphore_mem>>
    %dma_start3A_578 = tpu.memref_squeeze %dma_start3A_577 : memref<1x!tpu.dma_semaphore, #tpu.memory_space<semaphore_mem>> -> memref<!tpu.dma_semaphore, #tpu.memory_space<semaphore_mem>>
    %dma_start3A_579 = arith.constant 0 : i32
    %dma_start3A_580 = arith.constant 0 : i32
    %dma_start3A_581 = tpu.memref_slice %arg4[%dma_start3A_579, %dma_start3A_580] : memref<2048x1024xf32, #tpu.memory_space<hbm>> -> memref<512x1024xf32, #tpu.memory_space<hbm>>
    %dma_start3A_582 = arith.constant 0 : i32
    %dma_start3A_583 = arith.constant 0 : i32
    %dma_start3A_584 = tpu.memref_slice %arg12[%dma_start3A_582, %dma_start3A_583] : memref<512x2048xf32, #tpu.memory_space<vmem>> -> memref<512x1024xf32, #tpu.memory_space<vmem>>
    tpu.enqueue_dma source(%dma_start3A_584 : memref<512x1024xf32, #tpu.memory_space<vmem>>) target(%dma_start3A_581 : memref<512x1024xf32, #tpu.memory_space<hbm>>) target_semaphore(%dma_start3A_578 : memref<!tpu.dma_semaphore, #tpu.memory_space<semaphore_mem>>)
    %dma_start3A_585 = arith.constant 65 : i32
    %dma_start3A_586 = tpu.memref_slice %arg16[%dma_start3A_585] : memref<128x!tpu.dma_semaphore, #tpu.memory_space<semaphore_mem>> -> memref<1x!tpu.dma_semaphore, #tpu.memory_space<semaphore_mem>>
    %dma_start3A_587 = tpu.memref_squeeze %dma_start3A_586 : memref<1x!tpu.dma_semaphore, #tpu.memory_space<semaphore_mem>> -> memref<!tpu.dma_semaphore, #tpu.memory_space<semaphore_mem>>
    %dma_start3A_588 = arith.constant 512 : i32
    %dma_start3A_589 = arith.constant 0 : i32
    %dma_start3A_590 = tpu.memref_slice %arg4[%dma_start3A_588, %dma_start3A_589] : memref<2048x1024xf32, #tpu.memory_space<hbm>> -> memref<512x1024xf32, #tpu.memory_space<hbm>>
    %dma_start3A_591 = arith.constant 0 : i32
    %dma_start3A_592 = arith.constant 0 : i32
    %dma_start3A_593 = tpu.memref_slice %arg13[%dma_start3A_591, %dma_start3A_592] : memref<512x2048xf32, #tpu.memory_space<vmem>> -> memref<512x1024xf32, #tpu.memory_space<vmem>>
    tpu.enqueue_dma source(%dma_start3A_593 : memref<512x1024xf32, #tpu.memory_space<vmem>>) target(%dma_start3A_590 : memref<512x1024xf32, #tpu.memory_space<hbm>>) target_semaphore(%dma_start3A_587 : memref<!tpu.dma_semaphore, #tpu.memory_space<semaphore_mem>>)
    %dma_start3A_594 = arith.constant 66 : i32
    %dma_start3A_595 = tpu.memref_slice %arg16[%dma_start3A_594] : memref<128x!tpu.dma_semaphore, #tpu.memory_space<semaphore_mem>> -> memref<1x!tpu.dma_semaphore, #tpu.memory_space<semaphore_mem>>
    %dma_start3A_596 = tpu.memref_squeeze %dma_start3A_595 : memref<1x!tpu.dma_semaphore, #tpu.memory_space<semaphore_mem>> -> memref<!tpu.dma_semaphore, #tpu.memory_space<semaphore_mem>>
    %dma_start3A_597 = arith.constant 1024 : i32
    %dma_start3A_598 = arith.constant 0 : i32
    %dma_start3A_599 = tpu.memref_slice %arg4[%dma_start3A_597, %dma_start3A_598] : memref<2048x1024xf32, #tpu.memory_space<hbm>> -> memref<512x1024xf32, #tpu.memory_space<hbm>>
    %dma_start3A_600 = arith.constant 0 : i32
    %dma_start3A_601 = arith.constant 0 : i32
    %dma_start3A_602 = tpu.memref_slice %arg12[%dma_start3A_600, %dma_start3A_601] : memref<512x2048xf32, #tpu.memory_space<vmem>> -> memref<512x1024xf32, #tpu.memory_space<vmem>>
    tpu.enqueue_dma source(%dma_start3A_602 : memref<512x1024xf32, #tpu.memory_space<vmem>>) target(%dma_start3A_599 : memref<512x1024xf32, #tpu.memory_space<hbm>>) target_semaphore(%dma_start3A_596 : memref<!tpu.dma_semaphore, #tpu.memory_space<semaphore_mem>>)
    %dma_start3A_603 = arith.constant 67 : i32
    %dma_start3A_604 = tpu.memref_slice %arg16[%dma_start3A_603] : memref<128x!tpu.dma_semaphore, #tpu.memory_space<semaphore_mem>> -> memref<1x!tpu.dma_semaphore, #tpu.memory_space<semaphore_mem>>
    %dma_start3A_605 = tpu.memref_squeeze %dma_start3A_604 : memref<1x!tpu.dma_semaphore, #tpu.memory_space<semaphore_mem>> -> memref<!tpu.dma_semaphore, #tpu.memory_space<semaphore_mem>>
    %dma_start3A_606 = arith.constant 1536 : i32
    %dma_start3A_607 = arith.constant 0 : i32
    %dma_start3A_608 = tpu.memref_slice %arg4[%dma_start3A_606, %dma_start3A_607] : memref<2048x1024xf32, #tpu.memory_space<hbm>> -> memref<504x1024xf32, #tpu.memory_space<hbm>>
    %dma_start3A_609 = arith.constant 0 : i32
    %dma_start3A_610 = arith.constant 0 : i32
    %dma_start3A_611 = tpu.memref_slice %arg12[%dma_start3A_609, %dma_start3A_610] : memref<512x2048xf32, #tpu.memory_space<vmem>> -> memref<504x1024xf32, #tpu.memory_space<vmem>>
    tpu.enqueue_dma source(%dma_start3A_611 : memref<504x1024xf32, #tpu.memory_space<vmem>>) target(%dma_start3A_608 : memref<504x1024xf32, #tpu.memory_space<hbm>>) target_semaphore(%dma_start3A_605 : memref<!tpu.dma_semaphore, #tpu.memory_space<semaphore_mem>>)
    %dma_wait3A = arith.constant 120 : i32
    %dma_wait3A_612 = tpu.memref_slice %arg16[%dma_wait3A] : memref<128x!tpu.dma_semaphore, #tpu.memory_space<semaphore_mem>> -> memref<1x!tpu.dma_semaphore, #tpu.memory_space<semaphore_mem>>
    %dma_wait3A_613 = tpu.memref_squeeze %dma_wait3A_612 : memref<1x!tpu.dma_semaphore, #tpu.memory_space<semaphore_mem>> -> memref<!tpu.dma_semaphore, #tpu.memory_space<semaphore_mem>>
    tpu.wait_dma2 semaphore(%dma_wait3A_613 : memref<!tpu.dma_semaphore, #tpu.memory_space<semaphore_mem>>) src(%arg0 : memref<2048x1024xf32, #tpu.memory_space<hbm>>) dst(%arg8 : memref<2048x1024xf32, #tpu.memory_space<vmem>>)
    %dma_wait3A_614 = arith.constant 122 : i32
    %dma_wait3A_615 = tpu.memref_slice %arg16[%dma_wait3A_614] : memref<128x!tpu.dma_semaphore, #tpu.memory_space<semaphore_mem>> -> memref<1x!tpu.dma_semaphore, #tpu.memory_space<semaphore_mem>>
    %dma_wait3A_616 = tpu.memref_squeeze %dma_wait3A_615 : memref<1x!tpu.dma_semaphore, #tpu.memory_space<semaphore_mem>> -> memref<!tpu.dma_semaphore, #tpu.memory_space<semaphore_mem>>
    tpu.wait_dma2 semaphore(%dma_wait3A_616 : memref<!tpu.dma_semaphore, #tpu.memory_space<semaphore_mem>>) src(%arg2 : memref<1024x512xf32, #tpu.memory_space<hbm>>) dst(%arg10 : memref<1024x512xf32, #tpu.memory_space<vmem>>)
    %get3A = arith.constant 0 : index
    %get3A_617 = arith.constant 0 : index
    %get3A_618 = vector.load %arg8[%get3A, %get3A_617] : memref<2048x1024xf32, #tpu.memory_space<vmem>>, vector<1024x1024xf32>
    %convert_element_type3A = arith.truncf %get3A_618 : vector<1024x1024xf32> to vector<1024x1024xbf16>
    %get3A_619 = arith.constant 0 : index
    %get3A_620 = arith.constant 0 : index
    %get3A_621 = vector.load %arg10[%get3A_619, %get3A_620] : memref<1024x512xf32, #tpu.memory_space<vmem>>, vector<1024x512xf32>
    %convert_element_type3A_622 = arith.truncf %get3A_621 : vector<1024x512xf32> to vector<1024x512xbf16>
    %dot_general3A = arith.constant dense<0.000000e+00> : vector<1024x512xf32>
    %dot_general3A_623 = tpu.matmul %convert_element_type3A, %convert_element_type3A_622, %dot_general3A {dimension_numbers = #tpu.dot_dimension_numbers<[1], [0], [0], [1], [0, 0, 1, 1], [], []>, transpose_lhs_hint = false} : vector<1024x1024xbf16>, vector<1024x512xbf16>, vector<1024x512xf32> -> vector<1024x512xf32>
    %swap3A_624 = arith.constant 0 : index
    %swap3A_625 = arith.constant 0 : index
    %swap3A_626 = vector.load %arg11[%swap3A_624, %swap3A_625] : memref<2048x512xf32, #tpu.memory_space<vmem>>, vector<1024x512xf32>
    tpu.vector_store %arg11[%swap3A_624, %swap3A_625], %dot_general3A_623 {strides = array<i32>} : memref<2048x512xf32, #tpu.memory_space<vmem>>, vector<1024x512xf32>,
    %dma_start3A_627 = arith.constant 68 : i32
    %dma_start3A_628 = tpu.memref_slice %arg16[%dma_start3A_627] : memref<128x!tpu.dma_semaphore, #tpu.memory_space<semaphore_mem>> -> memref<1x!tpu.dma_semaphore, #tpu.memory_space<semaphore_mem>>
    %dma_start3A_629 = tpu.memref_squeeze %dma_start3A_628 : memref<1x!tpu.dma_semaphore, #tpu.memory_space<semaphore_mem>> -> memref<!tpu.dma_semaphore, #tpu.memory_space<semaphore_mem>>
    %dma_start3A_630 = arith.constant 0 : i32
    %dma_start3A_631 = arith.constant 0 : i32
    %dma_start3A_632 = tpu.memref_slice %arg5[%dma_start3A_630, %dma_start3A_631] : memref<2048x512xf32, #tpu.memory_space<hbm>> -> memref<1024x512xf32, #tpu.memory_space<hbm>>
    %dma_start3A_633 = arith.constant 0 : i32
    %dma_start3A_634 = arith.constant 0 : i32
    %dma_start3A_635 = tpu.memref_slice %arg11[%dma_start3A_633, %dma_start3A_634] : memref<2048x512xf32, #tpu.memory_space<vmem>> -> memref<1024x512xf32, #tpu.memory_space<vmem>>
    tpu.enqueue_dma source(%dma_start3A_635 : memref<1024x512xf32, #tpu.memory_space<vmem>>) target(%dma_start3A_632 : memref<1024x512xf32, #tpu.memory_space<hbm>>) target_semaphore(%dma_start3A_629 : memref<!tpu.dma_semaphore, #tpu.memory_space<semaphore_mem>>)
    %get3A_636 = arith.constant 1024 : index
    %get3A_637 = arith.constant 0 : index
    %get3A_638 = vector.load %arg8[%get3A_636, %get3A_637] : memref<2048x1024xf32, #tpu.memory_space<vmem>>, vector<1024x1024xf32>
    %convert_element_type3A_639 = arith.truncf %get3A_638 : vector<1024x1024xf32> to vector<1024x1024xbf16>
    %get3A_640 = arith.constant 0 : index
    %get3A_641 = arith.constant 0 : index
    %get3A_642 = vector.load %arg10[%get3A_640, %get3A_641] : memref<1024x512xf32, #tpu.memory_space<vmem>>, vector<1024x512xf32>
    %convert_element_type3A_643 = arith.truncf %get3A_642 : vector<1024x512xf32> to vector<1024x512xbf16>
    %dot_general3A_644 = arith.constant dense<0.000000e+00> : vector<1024x512xf32>
    %dot_general3A_645 = tpu.matmul %convert_element_type3A_639, %convert_element_type3A_643, %dot_general3A_644 {dimension_numbers = #tpu.dot_dimension_numbers<[1], [0], [0], [1], [0, 0, 1, 1], [], []>, transpose_lhs_hint = false} : vector<1024x1024xbf16>, vector<1024x512xbf16>, vector<1024x512xf32> -> vector<1024x512xf32>
    %swap3A_646 = arith.constant 1024 : index
    %swap3A_647 = arith.constant 0 : index
    %swap3A_648 = vector.load %arg11[%swap3A_646, %swap3A_647] : memref<2048x512xf32, #tpu.memory_space<vmem>>, vector<1024x512xf32>
    tpu.vector_store %arg11[%swap3A_646, %swap3A_647], %dot_general3A_645 {strides = array<i32>} : memref<2048x512xf32, #tpu.memory_space<vmem>>, vector<1024x512xf32>,
    %dma_start3A_649 = arith.constant 69 : i32
    %dma_start3A_650 = tpu.memref_slice %arg16[%dma_start3A_649] : memref<128x!tpu.dma_semaphore, #tpu.memory_space<semaphore_mem>> -> memref<1x!tpu.dma_semaphore, #tpu.memory_space<semaphore_mem>>
    %dma_start3A_651 = tpu.memref_squeeze %dma_start3A_650 : memref<1x!tpu.dma_semaphore, #tpu.memory_space<semaphore_mem>> -> memref<!tpu.dma_semaphore, #tpu.memory_space<semaphore_mem>>
    %dma_start3A_652 = arith.constant 1024 : i32
    %dma_start3A_653 = arith.constant 0 : i32
    %dma_start3A_654 = tpu.memref_slice %arg5[%dma_start3A_652, %dma_start3A_653] : memref<2048x512xf32, #tpu.memory_space<hbm>> -> memref<1024x512xf32, #tpu.memory_space<hbm>>
    %dma_start3A_655 = arith.constant 1024 : i32
    %dma_start3A_656 = arith.constant 0 : i32
    %dma_start3A_657 = tpu.memref_slice %arg11[%dma_start3A_655, %dma_start3A_656] : memref<2048x512xf32, #tpu.memory_space<vmem>> -> memref<1024x512xf32, #tpu.memory_space<vmem>>
    tpu.enqueue_dma source(%dma_start3A_657 : memref<1024x512xf32, #tpu.memory_space<vmem>>) target(%dma_start3A_654 : memref<1024x512xf32, #tpu.memory_space<hbm>>) target_semaphore(%dma_start3A_651 : memref<!tpu.dma_semaphore, #tpu.memory_space<semaphore_mem>>)
    %get3A_658 = arith.constant 0 : index
    %get3A_659 = arith.constant 0 : index
    %get3A_660 = vector.load %arg11[%get3A_658, %get3A_659] : memref<2048x512xf32, #tpu.memory_space<vmem>>, vector<2048x256xf32>
    %dma_wait3A_661 = arith.constant 121 : i32
    %dma_wait3A_662 = tpu.memref_slice %arg16[%dma_wait3A_661] : memref<128x!tpu.dma_semaphore, #tpu.memory_space<semaphore_mem>> -> memref<1x!tpu.dma_semaphore, #tpu.memory_space<semaphore_mem>>
    %dma_wait3A_663 = tpu.memref_squeeze %dma_wait3A_662 : memref<1x!tpu.dma_semaphore, #tpu.memory_space<semaphore_mem>> -> memref<!tpu.dma_semaphore, #tpu.memory_space<semaphore_mem>>
    tpu.wait_dma2 semaphore(%dma_wait3A_663 : memref<!tpu.dma_semaphore, #tpu.memory_space<semaphore_mem>>) src(%arg1 : memref<1024x1024xf32, #tpu.memory_space<hbm>>) dst(%arg9 : memref<1024x1024xf32, #tpu.memory_space<vmem>>)
    %get3A_664 = arith.constant 2047 : index
    %get3A_665 = arith.constant 0 : index
    %get3A_666 = vector.load %arg8[%get3A_664, %get3A_665] : memref<2048x1024xf32, #tpu.memory_space<vmem>>, vector<1x1024xf32>
    %convert_element_type3A_667 = arith.truncf %get3A_666 : vector<1x1024xf32> to vector<1x1024xbf16>
    %get3A_668 = arith.constant 0 : index
    %get3A_669 = arith.constant 0 : index
    %get3A_670 = vector.load %arg9[%get3A_668, %get3A_669] : memref<1024x1024xf32, #tpu.memory_space<vmem>>, vector<1024x1024xf32>
    %convert_element_type3A_671 = arith.truncf %get3A_670 : vector<1024x1024xf32> to vector<1024x1024xbf16>
    %dot_general3A_672 = arith.constant dense<0.000000e+00> : vector<1x1024xf32>
    %dot_general3A_673 = tpu.matmul %convert_element_type3A_667, %convert_element_type3A_671, %dot_general3A_672 {dimension_numbers = #tpu.dot_dimension_numbers<[1], [0], [0], [1], [0, 0, 1, 1], [], []>, transpose_lhs_hint = false} : vector<1x1024xbf16>, vector<1024x1024xbf16>, vector<1x1024xf32> -> vector<1x1024xf32>
    %slice3A = vector.extract_strided_slice %dot_general3A_673 {offsets = [0, 0], sizes = [1, 64], strides = [1, 1]} : vector<1x1024xf32> to vector<1x64xf32>
    %convert_element_type3A_674 = arith.truncf %slice3A : vector<1x64xf32> to vector<1x64xbf16>
    %slice3A_675 = vector.extract_strided_slice %get3A_660 {offsets = [0, 0], sizes = [2048, 64], strides = [1, 1]} : vector<2048x256xf32> to vector<2048x64xf32>
    %convert_element_type3A_676 = arith.truncf %slice3A_675 : vector<2048x64xf32> to vector<2048x64xbf16>
    %dot_general3A_677 = arith.constant dense<0.000000e+00> : vector<1x2048xf32>
    %dot_general3A_678 = tpu.matmul %convert_element_type3A_674, %convert_element_type3A_676, %dot_general3A_677 {dimension_numbers = #tpu.dot_dimension_numbers<[1], [1], [0], [0], [0, 0, 1, 0], [], []>, transpose_lhs_hint = false} : vector<1x64xbf16>, vector<2048x64xbf16>, vector<1x2048xf32> -> vector<1x2048xf32>
    %slice3A_679 = vector.extract_strided_slice %dot_general3A_673 {offsets = [0, 64], sizes = [1, 64], strides = [1, 1]} : vector<1x1024xf32> to vector<1x64xf32>
    %convert_element_type3A_680 = arith.truncf %slice3A_679 : vector<1x64xf32> to vector<1x64xbf16>
    %slice3A_681 = vector.extract_strided_slice %get3A_660 {offsets = [0, 0], sizes = [2048, 64], strides = [1, 1]} : vector<2048x256xf32> to vector<2048x64xf32>
    %convert_element_type3A_682 = arith.truncf %slice3A_681 : vector<2048x64xf32> to vector<2048x64xbf16>
    %dot_general3A_683 = arith.constant dense<0.000000e+00> : vector<1x2048xf32>
    %dot_general3A_684 = tpu.matmul %convert_element_type3A_680, %convert_element_type3A_682, %dot_general3A_683 {dimension_numbers = #tpu.dot_dimension_numbers<[1], [1], [0], [0], [0, 0, 1, 0], [], []>, transpose_lhs_hint = false} : vector<1x64xbf16>, vector<2048x64xbf16>, vector<1x2048xf32> -> vector<1x2048xf32>
    %slice3A_685 = vector.extract_strided_slice %dot_general3A_673 {offsets = [0, 128], sizes = [1, 64], strides = [1, 1]} : vector<1x1024xf32> to vector<1x64xf32>
    %convert_element_type3A_686 = arith.truncf %slice3A_685 : vector<1x64xf32> to vector<1x64xbf16>
    %slice3A_687 = vector.extract_strided_slice %get3A_660 {offsets = [0, 0], sizes = [2048, 64], strides = [1, 1]} : vector<2048x256xf32> to vector<2048x64xf32>
    %convert_element_type3A_688 = arith.truncf %slice3A_687 : vector<2048x64xf32> to vector<2048x64xbf16>
    %dot_general3A_689 = arith.constant dense<0.000000e+00> : vector<1x2048xf32>
    %dot_general3A_690 = tpu.matmul %convert_element_type3A_686, %convert_element_type3A_688, %dot_general3A_689 {dimension_numbers = #tpu.dot_dimension_numbers<[1], [1], [0], [0], [0, 0, 1, 0], [], []>, transpose_lhs_hint = false} : vector<1x64xbf16>, vector<2048x64xbf16>, vector<1x2048xf32> -> vector<1x2048xf32>
    %slice3A_691 = vector.extract_strided_slice %dot_general3A_673 {offsets = [0, 192], sizes = [1, 64], strides = [1, 1]} : vector<1x1024xf32> to vector<1x64xf32>
    %convert_element_type3A_692 = arith.truncf %slice3A_691 : vector<1x64xf32> to vector<1x64xbf16>
    %slice3A_693 = vector.extract_strided_slice %get3A_660 {offsets = [0, 0], sizes = [2048, 64], strides = [1, 1]} : vector<2048x256xf32> to vector<2048x64xf32>
    %convert_element_type3A_694 = arith.truncf %slice3A_693 : vector<2048x64xf32> to vector<2048x64xbf16>
    %dot_general3A_695 = arith.constant dense<0.000000e+00> : vector<1x2048xf32>
    %dot_general3A_696 = tpu.matmul %convert_element_type3A_692, %convert_element_type3A_694, %dot_general3A_695 {dimension_numbers = #tpu.dot_dimension_numbers<[1], [1], [0], [0], [0, 0, 1, 0], [], []>, transpose_lhs_hint = false} : vector<1x64xbf16>, vector<2048x64xbf16>, vector<1x2048xf32> -> vector<1x2048xf32>
    %slice3A_697 = vector.extract_strided_slice %dot_general3A_673 {offsets = [0, 256], sizes = [1, 64], strides = [1, 1]} : vector<1x1024xf32> to vector<1x64xf32>
    %convert_element_type3A_698 = arith.truncf %slice3A_697 : vector<1x64xf32> to vector<1x64xbf16>
    %slice3A_699 = vector.extract_strided_slice %get3A_660 {offsets = [0, 64], sizes = [2048, 64], strides = [1, 1]} : vector<2048x256xf32> to vector<2048x64xf32>
    %convert_element_type3A_700 = arith.truncf %slice3A_699 : vector<2048x64xf32> to vector<2048x64xbf16>
    %dot_general3A_701 = arith.constant dense<0.000000e+00> : vector<1x2048xf32>
    %dot_general3A_702 = tpu.matmul %convert_element_type3A_698, %convert_element_type3A_700, %dot_general3A_701 {dimension_numbers = #tpu.dot_dimension_numbers<[1], [1], [0], [0], [0, 0, 1, 0], [], []>, transpose_lhs_hint = false} : vector<1x64xbf16>, vector<2048x64xbf16>, vector<1x2048xf32> -> vector<1x2048xf32>
    %slice3A_703 = vector.extract_strided_slice %dot_general3A_673 {offsets = [0, 320], sizes = [1, 64], strides = [1, 1]} : vector<1x1024xf32> to vector<1x64xf32>
    %convert_element_type3A_704 = arith.truncf %slice3A_703 : vector<1x64xf32> to vector<1x64xbf16>
    %slice3A_705 = vector.extract_strided_slice %get3A_660 {offsets = [0, 64], sizes = [2048, 64], strides = [1, 1]} : vector<2048x256xf32> to vector<2048x64xf32>
    %convert_element_type3A_706 = arith.truncf %slice3A_705 : vector<2048x64xf32> to vector<2048x64xbf16>
    %dot_general3A_707 = arith.constant dense<0.000000e+00> : vector<1x2048xf32>
    %dot_general3A_708 = tpu.matmul %convert_element_type3A_704, %convert_element_type3A_706, %dot_general3A_707 {dimension_numbers = #tpu.dot_dimension_numbers<[1], [1], [0], [0], [0, 0, 1, 0], [], []>, transpose_lhs_hint = false} : vector<1x64xbf16>, vector<2048x64xbf16>, vector<1x2048xf32> -> vector<1x2048xf32>
    %slice3A_709 = vector.extract_strided_slice %dot_general3A_673 {offsets = [0, 384], sizes = [1, 64], strides = [1, 1]} : vector<1x1024xf32> to vector<1x64xf32>
    %convert_element_type3A_710 = arith.truncf %slice3A_709 : vector<1x64xf32> to vector<1x64xbf16>
    %slice3A_711 = vector.extract_strided_slice %get3A_660 {offsets = [0, 64], sizes = [2048, 64], strides = [1, 1]} : vector<2048x256xf32> to vector<2048x64xf32>
    %convert_element_type3A_712 = arith.truncf %slice3A_711 : vector<2048x64xf32> to vector<2048x64xbf16>
    %dot_general3A_713 = arith.constant dense<0.000000e+00> : vector<1x2048xf32>
    %dot_general3A_714 = tpu.matmul %convert_element_type3A_710, %convert_element_type3A_712, %dot_general3A_713 {dimension_numbers = #tpu.dot_dimension_numbers<[1], [1], [0], [0], [0, 0, 1, 0], [], []>, transpose_lhs_hint = false} : vector<1x64xbf16>, vector<2048x64xbf16>, vector<1x2048xf32> -> vector<1x2048xf32>
    %slice3A_715 = vector.extract_strided_slice %dot_general3A_673 {offsets = [0, 448], sizes = [1, 64], strides = [1, 1]} : vector<1x1024xf32> to vector<1x64xf32>
    %convert_element_type3A_716 = arith.truncf %slice3A_715 : vector<1x64xf32> to vector<1x64xbf16>
    %slice3A_717 = vector.extract_strided_slice %get3A_660 {offsets = [0, 64], sizes = [2048, 64], strides = [1, 1]} : vector<2048x256xf32> to vector<2048x64xf32>
    %convert_element_type3A_718 = arith.truncf %slice3A_717 : vector<2048x64xf32> to vector<2048x64xbf16>
    %dot_general3A_719 = arith.constant dense<0.000000e+00> : vector<1x2048xf32>
    %dot_general3A_720 = tpu.matmul %convert_element_type3A_716, %convert_element_type3A_718, %dot_general3A_719 {dimension_numbers = #tpu.dot_dimension_numbers<[1], [1], [0], [0], [0, 0, 1, 0], [], []>, transpose_lhs_hint = false} : vector<1x64xbf16>, vector<2048x64xbf16>, vector<1x2048xf32> -> vector<1x2048xf32>
    %slice3A_721 = vector.extract_strided_slice %dot_general3A_673 {offsets = [0, 512], sizes = [1, 64], strides = [1, 1]} : vector<1x1024xf32> to vector<1x64xf32>
    %convert_element_type3A_722 = arith.truncf %slice3A_721 : vector<1x64xf32> to vector<1x64xbf16>
    %slice3A_723 = vector.extract_strided_slice %get3A_660 {offsets = [0, 128], sizes = [2048, 64], strides = [1, 1]} : vector<2048x256xf32> to vector<2048x64xf32>
    %convert_element_type3A_724 = arith.truncf %slice3A_723 : vector<2048x64xf32> to vector<2048x64xbf16>
    %dot_general3A_725 = arith.constant dense<0.000000e+00> : vector<1x2048xf32>
    %dot_general3A_726 = tpu.matmul %convert_element_type3A_722, %convert_element_type3A_724, %dot_general3A_725 {dimension_numbers = #tpu.dot_dimension_numbers<[1], [1], [0], [0], [0, 0, 1, 0], [], []>, transpose_lhs_hint = false} : vector<1x64xbf16>, vector<2048x64xbf16>, vector<1x2048xf32> -> vector<1x2048xf32>
    %slice3A_727 = vector.extract_strided_slice %dot_general3A_673 {offsets = [0, 576], sizes = [1, 64], strides = [1, 1]} : vector<1x1024xf32> to vector<1x64xf32>
    %convert_element_type3A_728 = arith.truncf %slice3A_727 : vector<1x64xf32> to vector<1x64xbf16>
    %slice3A_729 = vector.extract_strided_slice %get3A_660 {offsets = [0, 128], sizes = [2048, 64], strides = [1, 1]} : vector<2048x256xf32> to vector<2048x64xf32>
    %convert_element_type3A_730 = arith.truncf %slice3A_729 : vector<2048x64xf32> to vector<2048x64xbf16>
    %dot_general3A_731 = arith.constant dense<0.000000e+00> : vector<1x2048xf32>
    %dot_general3A_732 = tpu.matmul %convert_element_type3A_728, %convert_element_type3A_730, %dot_general3A_731 {dimension_numbers = #tpu.dot_dimension_numbers<[1], [1], [0], [0], [0, 0, 1, 0], [], []>, transpose_lhs_hint = false} : vector<1x64xbf16>, vector<2048x64xbf16>, vector<1x2048xf32> -> vector<1x2048xf32>
    %slice3A_733 = vector.extract_strided_slice %dot_general3A_673 {offsets = [0, 640], sizes = [1, 64], strides = [1, 1]} : vector<1x1024xf32> to vector<1x64xf32>
    %convert_element_type3A_734 = arith.truncf %slice3A_733 : vector<1x64xf32> to vector<1x64xbf16>
    %slice3A_735 = vector.extract_strided_slice %get3A_660 {offsets = [0, 128], sizes = [2048, 64], strides = [1, 1]} : vector<2048x256xf32> to vector<2048x64xf32>
    %convert_element_type3A_736 = arith.truncf %slice3A_735 : vector<2048x64xf32> to vector<2048x64xbf16>
    %dot_general3A_737 = arith.constant dense<0.000000e+00> : vector<1x2048xf32>
    %dot_general3A_738 = tpu.matmul %convert_element_type3A_734, %convert_element_type3A_736, %dot_general3A_737 {dimension_numbers = #tpu.dot_dimension_numbers<[1], [1], [0], [0], [0, 0, 1, 0], [], []>, transpose_lhs_hint = false} : vector<1x64xbf16>, vector<2048x64xbf16>, vector<1x2048xf32> -> vector<1x2048xf32>
    %slice3A_739 = vector.extract_strided_slice %dot_general3A_673 {offsets = [0, 704], sizes = [1, 64], strides = [1, 1]} : vector<1x1024xf32> to vector<1x64xf32>
    %convert_element_type3A_740 = arith.truncf %slice3A_739 : vector<1x64xf32> to vector<1x64xbf16>
    %slice3A_741 = vector.extract_strided_slice %get3A_660 {offsets = [0, 128], sizes = [2048, 64], strides = [1, 1]} : vector<2048x256xf32> to vector<2048x64xf32>
    %convert_element_type3A_742 = arith.truncf %slice3A_741 : vector<2048x64xf32> to vector<2048x64xbf16>
    %dot_general3A_743 = arith.constant dense<0.000000e+00> : vector<1x2048xf32>
    %dot_general3A_744 = tpu.matmul %convert_element_type3A_740, %convert_element_type3A_742, %dot_general3A_743 {dimension_numbers = #tpu.dot_dimension_numbers<[1], [1], [0], [0], [0, 0, 1, 0], [], []>, transpose_lhs_hint = false} : vector<1x64xbf16>, vector<2048x64xbf16>, vector<1x2048xf32> -> vector<1x2048xf32>
    %slice3A_745 = vector.extract_strided_slice %dot_general3A_673 {offsets = [0, 768], sizes = [1, 64], strides = [1, 1]} : vector<1x1024xf32> to vector<1x64xf32>
    %convert_element_type3A_746 = arith.truncf %slice3A_745 : vector<1x64xf32> to vector<1x64xbf16>
    %slice3A_747 = vector.extract_strided_slice %get3A_660 {offsets = [0, 192], sizes = [2048, 64], strides = [1, 1]} : vector<2048x256xf32> to vector<2048x64xf32>
    %convert_element_type3A_748 = arith.truncf %slice3A_747 : vector<2048x64xf32> to vector<2048x64xbf16>
    %dot_general3A_749 = arith.constant dense<0.000000e+00> : vector<1x2048xf32>
    %dot_general3A_750 = tpu.matmul %convert_element_type3A_746, %convert_element_type3A_748, %dot_general3A_749 {dimension_numbers = #tpu.dot_dimension_numbers<[1], [1], [0], [0], [0, 0, 1, 0], [], []>, transpose_lhs_hint = false} : vector<1x64xbf16>, vector<2048x64xbf16>, vector<1x2048xf32> -> vector<1x2048xf32>
    %slice3A_751 = vector.extract_strided_slice %dot_general3A_673 {offsets = [0, 832], sizes = [1, 64], strides = [1, 1]} : vector<1x1024xf32> to vector<1x64xf32>
    %convert_element_type3A_752 = arith.truncf %slice3A_751 : vector<1x64xf32> to vector<1x64xbf16>
    %slice3A_753 = vector.extract_strided_slice %get3A_660 {offsets = [0, 192], sizes = [2048, 64], strides = [1, 1]} : vector<2048x256xf32> to vector<2048x64xf32>
    %convert_element_type3A_754 = arith.truncf %slice3A_753 : vector<2048x64xf32> to vector<2048x64xbf16>
    %dot_general3A_755 = arith.constant dense<0.000000e+00> : vector<1x2048xf32>
    %dot_general3A_756 = tpu.matmul %convert_element_type3A_752, %convert_element_type3A_754, %dot_general3A_755 {dimension_numbers = #tpu.dot_dimension_numbers<[1], [1], [0], [0], [0, 0, 1, 0], [], []>, transpose_lhs_hint = false} : vector<1x64xbf16>, vector<2048x64xbf16>, vector<1x2048xf32> -> vector<1x2048xf32>
    %slice3A_757 = vector.extract_strided_slice %dot_general3A_673 {offsets = [0, 896], sizes = [1, 64], strides = [1, 1]} : vector<1x1024xf32> to vector<1x64xf32>
    %convert_element_type3A_758 = arith.truncf %slice3A_757 : vector<1x64xf32> to vector<1x64xbf16>
    %slice3A_759 = vector.extract_strided_slice %get3A_660 {offsets = [0, 192], sizes = [2048, 64], strides = [1, 1]} : vector<2048x256xf32> to vector<2048x64xf32>
    %convert_element_type3A_760 = arith.truncf %slice3A_759 : vector<2048x64xf32> to vector<2048x64xbf16>
    %dot_general3A_761 = arith.constant dense<0.000000e+00> : vector<1x2048xf32>
    %dot_general3A_762 = tpu.matmul %convert_element_type3A_758, %convert_element_type3A_760, %dot_general3A_761 {dimension_numbers = #tpu.dot_dimension_numbers<[1], [1], [0], [0], [0, 0, 1, 0], [], []>, transpose_lhs_hint = false} : vector<1x64xbf16>, vector<2048x64xbf16>, vector<1x2048xf32> -> vector<1x2048xf32>
    %slice3A_763 = vector.extract_strided_slice %dot_general3A_673 {offsets = [0, 960], sizes = [1, 64], strides = [1, 1]} : vector<1x1024xf32> to vector<1x64xf32>
    %convert_element_type3A_764 = arith.truncf %slice3A_763 : vector<1x64xf32> to vector<1x64xbf16>
    %slice3A_765 = vector.extract_strided_slice %get3A_660 {offsets = [0, 192], sizes = [2048, 64], strides = [1, 1]} : vector<2048x256xf32> to vector<2048x64xf32>
    %convert_element_type3A_766 = arith.truncf %slice3A_765 : vector<2048x64xf32> to vector<2048x64xbf16>
    %dot_general3A_767 = arith.constant dense<0.000000e+00> : vector<1x2048xf32>
    %dot_general3A_768 = tpu.matmul %convert_element_type3A_764, %convert_element_type3A_766, %dot_general3A_767 {dimension_numbers = #tpu.dot_dimension_numbers<[1], [1], [0], [0], [0, 0, 1, 0], [], []>, transpose_lhs_hint = false} : vector<1x64xbf16>, vector<2048x64xbf16>, vector<1x2048xf32> -> vector<1x2048xf32>
    %concatenate3A = tpu.concatenate %dot_general3A_678, %dot_general3A_684, %dot_general3A_690, %dot_general3A_696, %dot_general3A_702, %dot_general3A_708, %dot_general3A_714, %dot_general3A_720, %dot_general3A_726, %dot_general3A_732, %dot_general3A_738, %dot_general3A_744, %dot_general3A_750, %dot_general3A_756, %dot_general3A_762, %dot_general3A_768 in 0 : vector<1x2048xf32>, vector<1x2048xf32>, vector<1x2048xf32>, vector<1x2048xf32>, vector<1x2048xf32>, vector<1x2048xf32>, vector<1x2048xf32>, vector<1x2048xf32>, vector<1x2048xf32>, vector<1x2048xf32>, vector<1x2048xf32>, vector<1x2048xf32>, vector<1x2048xf32>, vector<1x2048xf32>, vector<1x2048xf32>, vector<1x2048xf32> -> vector<16x2048xf32>
    %mul3A = arith.constant 1.250000e-01 : f32
    %mul3A_769 = vector.broadcast %mul3A : f32 to vector<16x2048xf32>
    %mul3A_770 = arith.mulf %concatenate3A, %mul3A_769 : vector<16x2048xf32>
    %reduce_max3A = arith.constant dense<0xFF800000> : vector<16xf32>
    %reduce_max3A_771 = vector.multi_reduction <maximumf>, %mul3A_770, %reduce_max3A [1] : vector<16x2048xf32> to vector<16xf32>
    %broadcast_in_dim3A_772 = vector.shape_cast %reduce_max3A_771 : vector<16xf32> to vector<16x1xf32>
    %sub3A = vector.broadcast %broadcast_in_dim3A_772 : vector<16x1xf32> to vector<16x2048xf32>
    %sub3A_773 = arith.subf %mul3A_770, %sub3A : vector<16x2048xf32>
    %exp3A = math.exp %sub3A_773 : vector<16x2048xf32>
    %reduce_sum3A = arith.constant dense<0.000000e+00> : vector<16xf32>
    %reduce_sum3A_774 = vector.multi_reduction <add>, %exp3A, %reduce_sum3A [1] : vector<16x2048xf32> to vector<16xf32>
    %broadcast_in_dim3A_775 = vector.shape_cast %reduce_sum3A_774 : vector<16xf32> to vector<16x1xf32>
    %div3A = vector.broadcast %broadcast_in_dim3A_775 : vector<16x1xf32> to vector<16x2048xf32>
    %div3A_776 = arith.divf %exp3A, %div3A : vector<16x2048xf32>
    %swap3A_777 = arith.constant 0 : index
    %swap3A_778 = arith.constant 0 : index
    %swap3A_779 = vector.load %arg14[%swap3A_777, %swap3A_778] : memref<16x2048xf32, #tpu.memory_space<vmem>>, vector<16x2048xf32>
    tpu.vector_store %arg14[%swap3A_777, %swap3A_778], %div3A_776 {strides = array<i32>} : memref<16x2048xf32, #tpu.memory_space<vmem>>, vector<16x2048xf32>,
    %reduce_sum3A_780 = arith.constant dense<0.000000e+00> : vector<2048xf32>
    %reduce_sum3A_781 = vector.multi_reduction <add>, %div3A_776, %reduce_sum3A_780 [0] : vector<16x2048xf32> to vector<2048xf32>
    %broadcast_in_dim3A_782 = vector.shape_cast %reduce_sum3A_781 : vector<2048xf32> to vector<1x2048xf32>
    %div3A_783 = arith.constant 1.600000e+01 : f32
    %div3A_784 = vector.broadcast %div3A_783 : f32 to vector<1x2048xf32>
    %div3A_785 = arith.divf %broadcast_in_dim3A_782, %div3A_784 : vector<1x2048xf32>
    %iota3A = tpu.iota {dimensions = array<i32: 1>} : vector<1x2048xi32>
    %eq3A = arith.constant 0 : i32
    %eq3A_786 = vector.broadcast %eq3A : i32 to vector<1x2048xi32>
    %eq3A_787 = arith.cmpi eq, %iota3A, %eq3A_786 : vector<1x2048xi32>
    %eq3A_788 = arith.constant 1 : i32
    %eq3A_789 = vector.broadcast %eq3A_788 : i32 to vector<1x2048xi32>
    %eq3A_790 = arith.cmpi eq, %iota3A, %eq3A_789 : vector<1x2048xi32>
    %eq3A_791 = arith.constant 2 : i32
    %eq3A_792 = vector.broadcast %eq3A_791 : i32 to vector<1x2048xi32>
    %eq3A_793 = arith.cmpi eq, %iota3A, %eq3A_792 : vector<1x2048xi32>
    %eq3A_794 = arith.constant 3 : i32
    %eq3A_795 = vector.broadcast %eq3A_794 : i32 to vector<1x2048xi32>
    %eq3A_796 = arith.cmpi eq, %iota3A, %eq3A_795 : vector<1x2048xi32>
    %eq3A_797 = arith.constant 50 : i32
    %eq3A_798 = vector.broadcast %eq3A_797 : i32 to vector<1x2048xi32>
    %eq3A_799 = arith.cmpi eq, %iota3A, %eq3A_798 : vector<1x2048xi32>
    %eq3A_800 = arith.constant 100 : i32
    %eq3A_801 = vector.broadcast %eq3A_800 : i32 to vector<1x2048xi32>
    %eq3A_802 = arith.cmpi eq, %iota3A, %eq3A_801 : vector<1x2048xi32>
    %or3A = arith.ori %eq3A_787, %eq3A_790 : vector<1x2048xi1>
    %or3A_803 = arith.ori %or3A, %eq3A_793 : vector<1x2048xi1>
    %or3A_804 = arith.ori %or3A_803, %eq3A_796 : vector<1x2048xi1>
    %or3A_805 = arith.ori %or3A_804, %eq3A_799 : vector<1x2048xi1>
    %or3A_806 = arith.ori %or3A_805, %eq3A_802 : vector<1x2048xi1>
    %mul3A_807 = arith.constant 2.500000e+00 : f32
    %mul3A_808 = vector.broadcast %mul3A_807 : f32 to vector<1x2048xf32>
    %mul3A_809 = arith.mulf %div3A_785, %mul3A_808 : vector<1x2048xf32>
    %select_n3A = arith.select %or3A_806, %mul3A_809, %div3A_785 : vector<1x2048xi1>, vector<1x2048xf32>
    %swap3A_810 = arith.constant 0 : index
    %swap3A_811 = arith.constant 0 : index
    %swap3A_812 = vector.load %arg15[%swap3A_810, %swap3A_811] : memref<1x2048xf32, #tpu.memory_space<vmem>>, vector<1x2048xf32>
    tpu.vector_store %arg15[%swap3A_810, %swap3A_811], %select_n3A {strides = array<i32>} : memref<1x2048xf32, #tpu.memory_space<vmem>>, vector<1x2048xf32>,
    %dma_start3A_813 = arith.constant 70 : i32
    %dma_start3A_814 = tpu.memref_slice %arg16[%dma_start3A_813] : memref<128x!tpu.dma_semaphore, #tpu.memory_space<semaphore_mem>> -> memref<1x!tpu.dma_semaphore, #tpu.memory_space<semaphore_mem>>
    %dma_start3A_815 = tpu.memref_squeeze %dma_start3A_814 : memref<1x!tpu.dma_semaphore, #tpu.memory_space<semaphore_mem>> -> memref<!tpu.dma_semaphore, #tpu.memory_space<semaphore_mem>>
    tpu.enqueue_dma source(%arg14 : memref<16x2048xf32, #tpu.memory_space<vmem>>) target(%arg6 : memref<16x2048xf32, #tpu.memory_space<hbm>>) target_semaphore(%dma_start3A_815 : memref<!tpu.dma_semaphore, #tpu.memory_space<semaphore_mem>>)
    %dma_start3A_816 = arith.constant 71 : i32
    %dma_start3A_817 = tpu.memref_slice %arg16[%dma_start3A_816] : memref<128x!tpu.dma_semaphore, #tpu.memory_space<semaphore_mem>> -> memref<1x!tpu.dma_semaphore, #tpu.memory_space<semaphore_mem>>
    %dma_start3A_818 = tpu.memref_squeeze %dma_start3A_817 : memref<1x!tpu.dma_semaphore, #tpu.memory_space<semaphore_mem>> -> memref<!tpu.dma_semaphore, #tpu.memory_space<semaphore_mem>>
    tpu.enqueue_dma source(%arg15 : memref<1x2048xf32, #tpu.memory_space<vmem>>) target(%arg7 : memref<1x2048xf32, #tpu.memory_space<hbm>>) target_semaphore(%dma_start3A_818 : memref<!tpu.dma_semaphore, #tpu.memory_space<semaphore_mem>>)
    %dma_wait3A_819 = arith.constant 0 : i32
    %dma_wait3A_820 = arith.constant 0 : i32
    %dma_wait3A_821 = tpu.memref_slice %arg16[%dma_wait3A_820] : memref<128x!tpu.dma_semaphore, #tpu.memory_space<semaphore_mem>> -> memref<1x!tpu.dma_semaphore, #tpu.memory_space<semaphore_mem>>
    %dma_wait3A_822 = tpu.memref_squeeze %dma_wait3A_821 : memref<1x!tpu.dma_semaphore, #tpu.memory_space<semaphore_mem>> -> memref<!tpu.dma_semaphore, #tpu.memory_space<semaphore_mem>>
    %dma_wait3A_823 = arith.constant 0 : i32
    %dma_wait3A_824 = arith.constant 0 : i32
    %dma_wait3A_825 = tpu.memref_slice %arg3[%dma_wait3A_819, %dma_wait3A_823, %dma_wait3A_824] : memref<16x2048x2048xf32, #tpu.memory_space<hbm>> -> memref<1x512x2048xf32, #tpu.memory_space<hbm>>
    %dma_wait3A_826 = tpu.memref_squeeze %dma_wait3A_825 : memref<1x512x2048xf32, #tpu.memory_space<hbm>> -> memref<512x2048xf32, #tpu.memory_space<hbm>>
    tpu.wait_dma2 semaphore(%dma_wait3A_822 : memref<!tpu.dma_semaphore, #tpu.memory_space<semaphore_mem>>) src(%arg12 : memref<512x2048xf32, #tpu.memory_space<vmem>>) dst(%dma_wait3A_826 : memref<512x2048xf32, #tpu.memory_space<hbm>>)
    %dma_wait3A_827 = arith.constant 0 : i32
    %dma_wait3A_828 = arith.constant 1 : i32
    %dma_wait3A_829 = tpu.memref_slice %arg16[%dma_wait3A_828] : memref<128x!tpu.dma_semaphore, #tpu.memory_space<semaphore_mem>> -> memref<1x!tpu.dma_semaphore, #tpu.memory_space<semaphore_mem>>
    %dma_wait3A_830 = tpu.memref_squeeze %dma_wait3A_829 : memref<1x!tpu.dma_semaphore, #tpu.memory_space<semaphore_mem>> -> memref<!tpu.dma_semaphore, #tpu.memory_space<semaphore_mem>>
    %dma_wait3A_831 = arith.constant 512 : i32
    %dma_wait3A_832 = arith.constant 0 : i32
    %dma_wait3A_833 = tpu.memref_slice %arg3[%dma_wait3A_827, %dma_wait3A_831, %dma_wait3A_832] : memref<16x2048x2048xf32, #tpu.memory_space<hbm>> -> memref<1x512x2048xf32, #tpu.memory_space<hbm>>
    %dma_wait3A_834 = tpu.memref_squeeze %dma_wait3A_833 : memref<1x512x2048xf32, #tpu.memory_space<hbm>> -> memref<512x2048xf32, #tpu.memory_space<hbm>>
    tpu.wait_dma2 semaphore(%dma_wait3A_830 : memref<!tpu.dma_semaphore, #tpu.memory_space<semaphore_mem>>) src(%arg13 : memref<512x2048xf32, #tpu.memory_space<vmem>>) dst(%dma_wait3A_834 : memref<512x2048xf32, #tpu.memory_space<hbm>>)
    %dma_wait3A_835 = arith.constant 0 : i32
    %dma_wait3A_836 = arith.constant 2 : i32
    %dma_wait3A_837 = tpu.memref_slice %arg16[%dma_wait3A_836] : memref<128x!tpu.dma_semaphore, #tpu.memory_space<semaphore_mem>> -> memref<1x!tpu.dma_semaphore, #tpu.memory_space<semaphore_mem>>
    %dma_wait3A_838 = tpu.memref_squeeze %dma_wait3A_837 : memref<1x!tpu.dma_semaphore, #tpu.memory_space<semaphore_mem>> -> memref<!tpu.dma_semaphore, #tpu.memory_space<semaphore_mem>>
    %dma_wait3A_839 = arith.constant 1024 : i32
    %dma_wait3A_840 = arith.constant 0 : i32
    %dma_wait3A_841 = tpu.memref_slice %arg3[%dma_wait3A_835, %dma_wait3A_839, %dma_wait3A_840] : memref<16x2048x2048xf32, #tpu.memory_space<hbm>> -> memref<1x512x2048xf32, #tpu.memory_space<hbm>>
    %dma_wait3A_842 = tpu.memref_squeeze %dma_wait3A_841 : memref<1x512x2048xf32, #tpu.memory_space<hbm>> -> memref<512x2048xf32, #tpu.memory_space<hbm>>
    tpu.wait_dma2 semaphore(%dma_wait3A_838 : memref<!tpu.dma_semaphore, #tpu.memory_space<semaphore_mem>>) src(%arg12 : memref<512x2048xf32, #tpu.memory_space<vmem>>) dst(%dma_wait3A_842 : memref<512x2048xf32, #tpu.memory_space<hbm>>)
    %dma_wait3A_843 = arith.constant 0 : i32
    %dma_wait3A_844 = arith.constant 3 : i32
    %dma_wait3A_845 = tpu.memref_slice %arg16[%dma_wait3A_844] : memref<128x!tpu.dma_semaphore, #tpu.memory_space<semaphore_mem>> -> memref<1x!tpu.dma_semaphore, #tpu.memory_space<semaphore_mem>>
    %dma_wait3A_846 = tpu.memref_squeeze %dma_wait3A_845 : memref<1x!tpu.dma_semaphore, #tpu.memory_space<semaphore_mem>> -> memref<!tpu.dma_semaphore, #tpu.memory_space<semaphore_mem>>
    %dma_wait3A_847 = arith.constant 1536 : i32
    %dma_wait3A_848 = arith.constant 0 : i32
    %dma_wait3A_849 = tpu.memref_slice %arg3[%dma_wait3A_843, %dma_wait3A_847, %dma_wait3A_848] : memref<16x2048x2048xf32, #tpu.memory_space<hbm>> -> memref<1x504x2048xf32, #tpu.memory_space<hbm>>
    %dma_wait3A_850 = tpu.memref_squeeze %dma_wait3A_849 : memref<1x504x2048xf32, #tpu.memory_space<hbm>> -> memref<504x2048xf32, #tpu.memory_space<hbm>>
    %dma_wait3A_851 = arith.constant 0 : i32
    %dma_wait3A_852 = arith.constant 0 : i32
    %dma_wait3A_853 = tpu.memref_slice %arg13[%dma_wait3A_851, %dma_wait3A_852] : memref<512x2048xf32, #tpu.memory_space<vmem>> -> memref<504x2048xf32, #tpu.memory_space<vmem>>
    tpu.wait_dma2 semaphore(%dma_wait3A_846 : memref<!tpu.dma_semaphore, #tpu.memory_space<semaphore_mem>>) src(%dma_wait3A_853 : memref<504x2048xf32, #tpu.memory_space<vmem>>) dst(%dma_wait3A_850 : memref<504x2048xf32, #tpu.memory_space<hbm>>)
    %dma_wait3A_854 = arith.constant 1 : i32
    %dma_wait3A_855 = arith.constant 4 : i32
    %dma_wait3A_856 = tpu.memref_slice %arg16[%dma_wait3A_855] : memref<128x!tpu.dma_semaphore, #tpu.memory_space<semaphore_mem>> -> memref<1x!tpu.dma_semaphore, #tpu.memory_space<semaphore_mem>>
    %dma_wait3A_857 = tpu.memref_squeeze %dma_wait3A_856 : memref<1x!tpu.dma_semaphore, #tpu.memory_space<semaphore_mem>> -> memref<!tpu.dma_semaphore, #tpu.memory_space<semaphore_mem>>
    %dma_wait3A_858 = arith.constant 0 : i32
    %dma_wait3A_859 = arith.constant 0 : i32
    %dma_wait3A_860 = tpu.memref_slice %arg3[%dma_wait3A_854, %dma_wait3A_858, %dma_wait3A_859] : memref<16x2048x2048xf32, #tpu.memory_space<hbm>> -> memref<1x512x2048xf32, #tpu.memory_space<hbm>>
    %dma_wait3A_861 = tpu.memref_squeeze %dma_wait3A_860 : memref<1x512x2048xf32, #tpu.memory_space<hbm>> -> memref<512x2048xf32, #tpu.memory_space<hbm>>
    tpu.wait_dma2 semaphore(%dma_wait3A_857 : memref<!tpu.dma_semaphore, #tpu.memory_space<semaphore_mem>>) src(%arg12 : memref<512x2048xf32, #tpu.memory_space<vmem>>) dst(%dma_wait3A_861 : memref<512x2048xf32, #tpu.memory_space<hbm>>)
    %dma_wait3A_862 = arith.constant 1 : i32
    %dma_wait3A_863 = arith.constant 5 : i32
    %dma_wait3A_864 = tpu.memref_slice %arg16[%dma_wait3A_863] : memref<128x!tpu.dma_semaphore, #tpu.memory_space<semaphore_mem>> -> memref<1x!tpu.dma_semaphore, #tpu.memory_space<semaphore_mem>>
    %dma_wait3A_865 = tpu.memref_squeeze %dma_wait3A_864 : memref<1x!tpu.dma_semaphore, #tpu.memory_space<semaphore_mem>> -> memref<!tpu.dma_semaphore, #tpu.memory_space<semaphore_mem>>
    %dma_wait3A_866 = arith.constant 512 : i32
    %dma_wait3A_867 = arith.constant 0 : i32
    %dma_wait3A_868 = tpu.memref_slice %arg3[%dma_wait3A_862, %dma_wait3A_866, %dma_wait3A_867] : memref<16x2048x2048xf32, #tpu.memory_space<hbm>> -> memref<1x512x2048xf32, #tpu.memory_space<hbm>>
    %dma_wait3A_869 = tpu.memref_squeeze %dma_wait3A_868 : memref<1x512x2048xf32, #tpu.memory_space<hbm>> -> memref<512x2048xf32, #tpu.memory_space<hbm>>
    tpu.wait_dma2 semaphore(%dma_wait3A_865 : memref<!tpu.dma_semaphore, #tpu.memory_space<semaphore_mem>>) src(%arg13 : memref<512x2048xf32, #tpu.memory_space<vmem>>) dst(%dma_wait3A_869 : memref<512x2048xf32, #tpu.memory_space<hbm>>)
    %dma_wait3A_870 = arith.constant 1 : i32
    %dma_wait3A_871 = arith.constant 6 : i32
    %dma_wait3A_872 = tpu.memref_slice %arg16[%dma_wait3A_871] : memref<128x!tpu.dma_semaphore, #tpu.memory_space<semaphore_mem>> -> memref<1x!tpu.dma_semaphore, #tpu.memory_space<semaphore_mem>>
    %dma_wait3A_873 = tpu.memref_squeeze %dma_wait3A_872 : memref<1x!tpu.dma_semaphore, #tpu.memory_space<semaphore_mem>> -> memref<!tpu.dma_semaphore, #tpu.memory_space<semaphore_mem>>
    %dma_wait3A_874 = arith.constant 1024 : i32
    %dma_wait3A_875 = arith.constant 0 : i32
    %dma_wait3A_876 = tpu.memref_slice %arg3[%dma_wait3A_870, %dma_wait3A_874, %dma_wait3A_875] : memref<16x2048x2048xf32, #tpu.memory_space<hbm>> -> memref<1x512x2048xf32, #tpu.memory_space<hbm>>
    %dma_wait3A_877 = tpu.memref_squeeze %dma_wait3A_876 : memref<1x512x2048xf32, #tpu.memory_space<hbm>> -> memref<512x2048xf32, #tpu.memory_space<hbm>>
    tpu.wait_dma2 semaphore(%dma_wait3A_873 : memref<!tpu.dma_semaphore, #tpu.memory_space<semaphore_mem>>) src(%arg12 : memref<512x2048xf32, #tpu.memory_space<vmem>>) dst(%dma_wait3A_877 : memref<512x2048xf32, #tpu.memory_space<hbm>>)
    %dma_wait3A_878 = arith.constant 1 : i32
    %dma_wait3A_879 = arith.constant 7 : i32
    %dma_wait3A_880 = tpu.memref_slice %arg16[%dma_wait3A_879] : memref<128x!tpu.dma_semaphore, #tpu.memory_space<semaphore_mem>> -> memref<1x!tpu.dma_semaphore, #tpu.memory_space<semaphore_mem>>
    %dma_wait3A_881 = tpu.memref_squeeze %dma_wait3A_880 : memref<1x!tpu.dma_semaphore, #tpu.memory_space<semaphore_mem>> -> memref<!tpu.dma_semaphore, #tpu.memory_space<semaphore_mem>>
    %dma_wait3A_882 = arith.constant 1536 : i32
    %dma_wait3A_883 = arith.constant 0 : i32
    %dma_wait3A_884 = tpu.memref_slice %arg3[%dma_wait3A_878, %dma_wait3A_882, %dma_wait3A_883] : memref<16x2048x2048xf32, #tpu.memory_space<hbm>> -> memref<1x504x2048xf32, #tpu.memory_space<hbm>>
    %dma_wait3A_885 = tpu.memref_squeeze %dma_wait3A_884 : memref<1x504x2048xf32, #tpu.memory_space<hbm>> -> memref<504x2048xf32, #tpu.memory_space<hbm>>
    %dma_wait3A_886 = arith.constant 0 : i32
    %dma_wait3A_887 = arith.constant 0 : i32
    %dma_wait3A_888 = tpu.memref_slice %arg13[%dma_wait3A_886, %dma_wait3A_887] : memref<512x2048xf32, #tpu.memory_space<vmem>> -> memref<504x2048xf32, #tpu.memory_space<vmem>>
    tpu.wait_dma2 semaphore(%dma_wait3A_881 : memref<!tpu.dma_semaphore, #tpu.memory_space<semaphore_mem>>) src(%dma_wait3A_888 : memref<504x2048xf32, #tpu.memory_space<vmem>>) dst(%dma_wait3A_885 : memref<504x2048xf32, #tpu.memory_space<hbm>>)
    %dma_wait3A_889 = arith.constant 2 : i32
    %dma_wait3A_890 = arith.constant 8 : i32
    %dma_wait3A_891 = tpu.memref_slice %arg16[%dma_wait3A_890] : memref<128x!tpu.dma_semaphore, #tpu.memory_space<semaphore_mem>> -> memref<1x!tpu.dma_semaphore, #tpu.memory_space<semaphore_mem>>
    %dma_wait3A_892 = tpu.memref_squeeze %dma_wait3A_891 : memref<1x!tpu.dma_semaphore, #tpu.memory_space<semaphore_mem>> -> memref<!tpu.dma_semaphore, #tpu.memory_space<semaphore_mem>>
    %dma_wait3A_893 = arith.constant 0 : i32
    %dma_wait3A_894 = arith.constant 0 : i32
    %dma_wait3A_895 = tpu.memref_slice %arg3[%dma_wait3A_889, %dma_wait3A_893, %dma_wait3A_894] : memref<16x2048x2048xf32, #tpu.memory_space<hbm>> -> memref<1x512x2048xf32, #tpu.memory_space<hbm>>
    %dma_wait3A_896 = tpu.memref_squeeze %dma_wait3A_895 : memref<1x512x2048xf32, #tpu.memory_space<hbm>> -> memref<512x2048xf32, #tpu.memory_space<hbm>>
    tpu.wait_dma2 semaphore(%dma_wait3A_892 : memref<!tpu.dma_semaphore, #tpu.memory_space<semaphore_mem>>) src(%arg12 : memref<512x2048xf32, #tpu.memory_space<vmem>>) dst(%dma_wait3A_896 : memref<512x2048xf32, #tpu.memory_space<hbm>>)
    %dma_wait3A_897 = arith.constant 2 : i32
    %dma_wait3A_898 = arith.constant 9 : i32
    %dma_wait3A_899 = tpu.memref_slice %arg16[%dma_wait3A_898] : memref<128x!tpu.dma_semaphore, #tpu.memory_space<semaphore_mem>> -> memref<1x!tpu.dma_semaphore, #tpu.memory_space<semaphore_mem>>
    %dma_wait3A_900 = tpu.memref_squeeze %dma_wait3A_899 : memref<1x!tpu.dma_semaphore, #tpu.memory_space<semaphore_mem>> -> memref<!tpu.dma_semaphore, #tpu.memory_space<semaphore_mem>>
    %dma_wait3A_901 = arith.constant 512 : i32
    %dma_wait3A_902 = arith.constant 0 : i32
    %dma_wait3A_903 = tpu.memref_slice %arg3[%dma_wait3A_897, %dma_wait3A_901, %dma_wait3A_902] : memref<16x2048x2048xf32, #tpu.memory_space<hbm>> -> memref<1x512x2048xf32, #tpu.memory_space<hbm>>
    %dma_wait3A_904 = tpu.memref_squeeze %dma_wait3A_903 : memref<1x512x2048xf32, #tpu.memory_space<hbm>> -> memref<512x2048xf32, #tpu.memory_space<hbm>>
    tpu.wait_dma2 semaphore(%dma_wait3A_900 : memref<!tpu.dma_semaphore, #tpu.memory_space<semaphore_mem>>) src(%arg13 : memref<512x2048xf32, #tpu.memory_space<vmem>>) dst(%dma_wait3A_904 : memref<512x2048xf32, #tpu.memory_space<hbm>>)
    %dma_wait3A_905 = arith.constant 2 : i32
    %dma_wait3A_906 = arith.constant 10 : i32
    %dma_wait3A_907 = tpu.memref_slice %arg16[%dma_wait3A_906] : memref<128x!tpu.dma_semaphore, #tpu.memory_space<semaphore_mem>> -> memref<1x!tpu.dma_semaphore, #tpu.memory_space<semaphore_mem>>
    %dma_wait3A_908 = tpu.memref_squeeze %dma_wait3A_907 : memref<1x!tpu.dma_semaphore, #tpu.memory_space<semaphore_mem>> -> memref<!tpu.dma_semaphore, #tpu.memory_space<semaphore_mem>>
    %dma_wait3A_909 = arith.constant 1024 : i32
    %dma_wait3A_910 = arith.constant 0 : i32
    %dma_wait3A_911 = tpu.memref_slice %arg3[%dma_wait3A_905, %dma_wait3A_909, %dma_wait3A_910] : memref<16x2048x2048xf32, #tpu.memory_space<hbm>> -> memref<1x512x2048xf32, #tpu.memory_space<hbm>>
    %dma_wait3A_912 = tpu.memref_squeeze %dma_wait3A_911 : memref<1x512x2048xf32, #tpu.memory_space<hbm>> -> memref<512x2048xf32, #tpu.memory_space<hbm>>
    tpu.wait_dma2 semaphore(%dma_wait3A_908 : memref<!tpu.dma_semaphore, #tpu.memory_space<semaphore_mem>>) src(%arg12 : memref<512x2048xf32, #tpu.memory_space<vmem>>) dst(%dma_wait3A_912 : memref<512x2048xf32, #tpu.memory_space<hbm>>)
    %dma_wait3A_913 = arith.constant 2 : i32
    %dma_wait3A_914 = arith.constant 11 : i32
    %dma_wait3A_915 = tpu.memref_slice %arg16[%dma_wait3A_914] : memref<128x!tpu.dma_semaphore, #tpu.memory_space<semaphore_mem>> -> memref<1x!tpu.dma_semaphore, #tpu.memory_space<semaphore_mem>>
    %dma_wait3A_916 = tpu.memref_squeeze %dma_wait3A_915 : memref<1x!tpu.dma_semaphore, #tpu.memory_space<semaphore_mem>> -> memref<!tpu.dma_semaphore, #tpu.memory_space<semaphore_mem>>
    %dma_wait3A_917 = arith.constant 1536 : i32
    %dma_wait3A_918 = arith.constant 0 : i32
    %dma_wait3A_919 = tpu.memref_slice %arg3[%dma_wait3A_913, %dma_wait3A_917, %dma_wait3A_918] : memref<16x2048x2048xf32, #tpu.memory_space<hbm>> -> memref<1x504x2048xf32, #tpu.memory_space<hbm>>
    %dma_wait3A_920 = tpu.memref_squeeze %dma_wait3A_919 : memref<1x504x2048xf32, #tpu.memory_space<hbm>> -> memref<504x2048xf32, #tpu.memory_space<hbm>>
    %dma_wait3A_921 = arith.constant 0 : i32
    %dma_wait3A_922 = arith.constant 0 : i32
    %dma_wait3A_923 = tpu.memref_slice %arg13[%dma_wait3A_921, %dma_wait3A_922] : memref<512x2048xf32, #tpu.memory_space<vmem>> -> memref<504x2048xf32, #tpu.memory_space<vmem>>
    tpu.wait_dma2 semaphore(%dma_wait3A_916 : memref<!tpu.dma_semaphore, #tpu.memory_space<semaphore_mem>>) src(%dma_wait3A_923 : memref<504x2048xf32, #tpu.memory_space<vmem>>) dst(%dma_wait3A_920 : memref<504x2048xf32, #tpu.memory_space<hbm>>)
    %dma_wait3A_924 = arith.constant 3 : i32
    %dma_wait3A_925 = arith.constant 12 : i32
    %dma_wait3A_926 = tpu.memref_slice %arg16[%dma_wait3A_925] : memref<128x!tpu.dma_semaphore, #tpu.memory_space<semaphore_mem>> -> memref<1x!tpu.dma_semaphore, #tpu.memory_space<semaphore_mem>>
    %dma_wait3A_927 = tpu.memref_squeeze %dma_wait3A_926 : memref<1x!tpu.dma_semaphore, #tpu.memory_space<semaphore_mem>> -> memref<!tpu.dma_semaphore, #tpu.memory_space<semaphore_mem>>
    %dma_wait3A_928 = arith.constant 0 : i32
    %dma_wait3A_929 = arith.constant 0 : i32
    %dma_wait3A_930 = tpu.memref_slice %arg3[%dma_wait3A_924, %dma_wait3A_928, %dma_wait3A_929] : memref<16x2048x2048xf32, #tpu.memory_space<hbm>> -> memref<1x512x2048xf32, #tpu.memory_space<hbm>>
    %dma_wait3A_931 = tpu.memref_squeeze %dma_wait3A_930 : memref<1x512x2048xf32, #tpu.memory_space<hbm>> -> memref<512x2048xf32, #tpu.memory_space<hbm>>
    tpu.wait_dma2 semaphore(%dma_wait3A_927 : memref<!tpu.dma_semaphore, #tpu.memory_space<semaphore_mem>>) src(%arg12 : memref<512x2048xf32, #tpu.memory_space<vmem>>) dst(%dma_wait3A_931 : memref<512x2048xf32, #tpu.memory_space<hbm>>)
    %dma_wait3A_932 = arith.constant 3 : i32
    %dma_wait3A_933 = arith.constant 13 : i32
    %dma_wait3A_934 = tpu.memref_slice %arg16[%dma_wait3A_933] : memref<128x!tpu.dma_semaphore, #tpu.memory_space<semaphore_mem>> -> memref<1x!tpu.dma_semaphore, #tpu.memory_space<semaphore_mem>>
    %dma_wait3A_935 = tpu.memref_squeeze %dma_wait3A_934 : memref<1x!tpu.dma_semaphore, #tpu.memory_space<semaphore_mem>> -> memref<!tpu.dma_semaphore, #tpu.memory_space<semaphore_mem>>
    %dma_wait3A_936 = arith.constant 512 : i32
    %dma_wait3A_937 = arith.constant 0 : i32
    %dma_wait3A_938 = tpu.memref_slice %arg3[%dma_wait3A_932, %dma_wait3A_936, %dma_wait3A_937] : memref<16x2048x2048xf32, #tpu.memory_space<hbm>> -> memref<1x512x2048xf32, #tpu.memory_space<hbm>>
    %dma_wait3A_939 = tpu.memref_squeeze %dma_wait3A_938 : memref<1x512x2048xf32, #tpu.memory_space<hbm>> -> memref<512x2048xf32, #tpu.memory_space<hbm>>
    tpu.wait_dma2 semaphore(%dma_wait3A_935 : memref<!tpu.dma_semaphore, #tpu.memory_space<semaphore_mem>>) src(%arg13 : memref<512x2048xf32, #tpu.memory_space<vmem>>) dst(%dma_wait3A_939 : memref<512x2048xf32, #tpu.memory_space<hbm>>)
    %dma_wait3A_940 = arith.constant 3 : i32
    %dma_wait3A_941 = arith.constant 14 : i32
    %dma_wait3A_942 = tpu.memref_slice %arg16[%dma_wait3A_941] : memref<128x!tpu.dma_semaphore, #tpu.memory_space<semaphore_mem>> -> memref<1x!tpu.dma_semaphore, #tpu.memory_space<semaphore_mem>>
    %dma_wait3A_943 = tpu.memref_squeeze %dma_wait3A_942 : memref<1x!tpu.dma_semaphore, #tpu.memory_space<semaphore_mem>> -> memref<!tpu.dma_semaphore, #tpu.memory_space<semaphore_mem>>
    %dma_wait3A_944 = arith.constant 1024 : i32
    %dma_wait3A_945 = arith.constant 0 : i32
    %dma_wait3A_946 = tpu.memref_slice %arg3[%dma_wait3A_940, %dma_wait3A_944, %dma_wait3A_945] : memref<16x2048x2048xf32, #tpu.memory_space<hbm>> -> memref<1x512x2048xf32, #tpu.memory_space<hbm>>
    %dma_wait3A_947 = tpu.memref_squeeze %dma_wait3A_946 : memref<1x512x2048xf32, #tpu.memory_space<hbm>> -> memref<512x2048xf32, #tpu.memory_space<hbm>>
    tpu.wait_dma2 semaphore(%dma_wait3A_943 : memref<!tpu.dma_semaphore, #tpu.memory_space<semaphore_mem>>) src(%arg12 : memref<512x2048xf32, #tpu.memory_space<vmem>>) dst(%dma_wait3A_947 : memref<512x2048xf32, #tpu.memory_space<hbm>>)
    %dma_wait3A_948 = arith.constant 3 : i32
    %dma_wait3A_949 = arith.constant 15 : i32
    %dma_wait3A_950 = tpu.memref_slice %arg16[%dma_wait3A_949] : memref<128x!tpu.dma_semaphore, #tpu.memory_space<semaphore_mem>> -> memref<1x!tpu.dma_semaphore, #tpu.memory_space<semaphore_mem>>
    %dma_wait3A_951 = tpu.memref_squeeze %dma_wait3A_950 : memref<1x!tpu.dma_semaphore, #tpu.memory_space<semaphore_mem>> -> memref<!tpu.dma_semaphore, #tpu.memory_space<semaphore_mem>>
    %dma_wait3A_952 = arith.constant 1536 : i32
    %dma_wait3A_953 = arith.constant 0 : i32
    %dma_wait3A_954 = tpu.memref_slice %arg3[%dma_wait3A_948, %dma_wait3A_952, %dma_wait3A_953] : memref<16x2048x2048xf32, #tpu.memory_space<hbm>> -> memref<1x504x2048xf32, #tpu.memory_space<hbm>>
    %dma_wait3A_955 = tpu.memref_squeeze %dma_wait3A_954 : memref<1x504x2048xf32, #tpu.memory_space<hbm>> -> memref<504x2048xf32, #tpu.memory_space<hbm>>
    %dma_wait3A_956 = arith.constant 0 : i32
    %dma_wait3A_957 = arith.constant 0 : i32
    %dma_wait3A_958 = tpu.memref_slice %arg13[%dma_wait3A_956, %dma_wait3A_957] : memref<512x2048xf32, #tpu.memory_space<vmem>> -> memref<504x2048xf32, #tpu.memory_space<vmem>>
    tpu.wait_dma2 semaphore(%dma_wait3A_951 : memref<!tpu.dma_semaphore, #tpu.memory_space<semaphore_mem>>) src(%dma_wait3A_958 : memref<504x2048xf32, #tpu.memory_space<vmem>>) dst(%dma_wait3A_955 : memref<504x2048xf32, #tpu.memory_space<hbm>>)
    %dma_wait3A_959 = arith.constant 4 : i32
    %dma_wait3A_960 = arith.constant 16 : i32
    %dma_wait3A_961 = tpu.memref_slice %arg16[%dma_wait3A_960] : memref<128x!tpu.dma_semaphore, #tpu.memory_space<semaphore_mem>> -> memref<1x!tpu.dma_semaphore, #tpu.memory_space<semaphore_mem>>
    %dma_wait3A_962 = tpu.memref_squeeze %dma_wait3A_961 : memref<1x!tpu.dma_semaphore, #tpu.memory_space<semaphore_mem>> -> memref<!tpu.dma_semaphore, #tpu.memory_space<semaphore_mem>>
    %dma_wait3A_963 = arith.constant 0 : i32
    %dma_wait3A_964 = arith.constant 0 : i32
    %dma_wait3A_965 = tpu.memref_slice %arg3[%dma_wait3A_959, %dma_wait3A_963, %dma_wait3A_964] : memref<16x2048x2048xf32, #tpu.memory_space<hbm>> -> memref<1x512x2048xf32, #tpu.memory_space<hbm>>
    %dma_wait3A_966 = tpu.memref_squeeze %dma_wait3A_965 : memref<1x512x2048xf32, #tpu.memory_space<hbm>> -> memref<512x2048xf32, #tpu.memory_space<hbm>>
    tpu.wait_dma2 semaphore(%dma_wait3A_962 : memref<!tpu.dma_semaphore, #tpu.memory_space<semaphore_mem>>) src(%arg12 : memref<512x2048xf32, #tpu.memory_space<vmem>>) dst(%dma_wait3A_966 : memref<512x2048xf32, #tpu.memory_space<hbm>>)
    %dma_wait3A_967 = arith.constant 4 : i32
    %dma_wait3A_968 = arith.constant 17 : i32
    %dma_wait3A_969 = tpu.memref_slice %arg16[%dma_wait3A_968] : memref<128x!tpu.dma_semaphore, #tpu.memory_space<semaphore_mem>> -> memref<1x!tpu.dma_semaphore, #tpu.memory_space<semaphore_mem>>
    %dma_wait3A_970 = tpu.memref_squeeze %dma_wait3A_969 : memref<1x!tpu.dma_semaphore, #tpu.memory_space<semaphore_mem>> -> memref<!tpu.dma_semaphore, #tpu.memory_space<semaphore_mem>>
    %dma_wait3A_971 = arith.constant 512 : i32
    %dma_wait3A_972 = arith.constant 0 : i32
    %dma_wait3A_973 = tpu.memref_slice %arg3[%dma_wait3A_967, %dma_wait3A_971, %dma_wait3A_972] : memref<16x2048x2048xf32, #tpu.memory_space<hbm>> -> memref<1x512x2048xf32, #tpu.memory_space<hbm>>
    %dma_wait3A_974 = tpu.memref_squeeze %dma_wait3A_973 : memref<1x512x2048xf32, #tpu.memory_space<hbm>> -> memref<512x2048xf32, #tpu.memory_space<hbm>>
    tpu.wait_dma2 semaphore(%dma_wait3A_970 : memref<!tpu.dma_semaphore, #tpu.memory_space<semaphore_mem>>) src(%arg13 : memref<512x2048xf32, #tpu.memory_space<vmem>>) dst(%dma_wait3A_974 : memref<512x2048xf32, #tpu.memory_space<hbm>>)
    %dma_wait3A_975 = arith.constant 4 : i32
    %dma_wait3A_976 = arith.constant 18 : i32
    %dma_wait3A_977 = tpu.memref_slice %arg16[%dma_wait3A_976] : memref<128x!tpu.dma_semaphore, #tpu.memory_space<semaphore_mem>> -> memref<1x!tpu.dma_semaphore, #tpu.memory_space<semaphore_mem>>
    %dma_wait3A_978 = tpu.memref_squeeze %dma_wait3A_977 : memref<1x!tpu.dma_semaphore, #tpu.memory_space<semaphore_mem>> -> memref<!tpu.dma_semaphore, #tpu.memory_space<semaphore_mem>>
    %dma_wait3A_979 = arith.constant 1024 : i32
    %dma_wait3A_980 = arith.constant 0 : i32
    %dma_wait3A_981 = tpu.memref_slice %arg3[%dma_wait3A_975, %dma_wait3A_979, %dma_wait3A_980] : memref<16x2048x2048xf32, #tpu.memory_space<hbm>> -> memref<1x512x2048xf32, #tpu.memory_space<hbm>>
    %dma_wait3A_982 = tpu.memref_squeeze %dma_wait3A_981 : memref<1x512x2048xf32, #tpu.memory_space<hbm>> -> memref<512x2048xf32, #tpu.memory_space<hbm>>
    tpu.wait_dma2 semaphore(%dma_wait3A_978 : memref<!tpu.dma_semaphore, #tpu.memory_space<semaphore_mem>>) src(%arg12 : memref<512x2048xf32, #tpu.memory_space<vmem>>) dst(%dma_wait3A_982 : memref<512x2048xf32, #tpu.memory_space<hbm>>)
    %dma_wait3A_983 = arith.constant 4 : i32
    %dma_wait3A_984 = arith.constant 19 : i32
    %dma_wait3A_985 = tpu.memref_slice %arg16[%dma_wait3A_984] : memref<128x!tpu.dma_semaphore, #tpu.memory_space<semaphore_mem>> -> memref<1x!tpu.dma_semaphore, #tpu.memory_space<semaphore_mem>>
    %dma_wait3A_986 = tpu.memref_squeeze %dma_wait3A_985 : memref<1x!tpu.dma_semaphore, #tpu.memory_space<semaphore_mem>> -> memref<!tpu.dma_semaphore, #tpu.memory_space<semaphore_mem>>
    %dma_wait3A_987 = arith.constant 1536 : i32
    %dma_wait3A_988 = arith.constant 0 : i32
    %dma_wait3A_989 = tpu.memref_slice %arg3[%dma_wait3A_983, %dma_wait3A_987, %dma_wait3A_988] : memref<16x2048x2048xf32, #tpu.memory_space<hbm>> -> memref<1x504x2048xf32, #tpu.memory_space<hbm>>
    %dma_wait3A_990 = tpu.memref_squeeze %dma_wait3A_989 : memref<1x504x2048xf32, #tpu.memory_space<hbm>> -> memref<504x2048xf32, #tpu.memory_space<hbm>>
    %dma_wait3A_991 = arith.constant 0 : i32
    %dma_wait3A_992 = arith.constant 0 : i32
    %dma_wait3A_993 = tpu.memref_slice %arg13[%dma_wait3A_991, %dma_wait3A_992] : memref<512x2048xf32, #tpu.memory_space<vmem>> -> memref<504x2048xf32, #tpu.memory_space<vmem>>
    tpu.wait_dma2 semaphore(%dma_wait3A_986 : memref<!tpu.dma_semaphore, #tpu.memory_space<semaphore_mem>>) src(%dma_wait3A_993 : memref<504x2048xf32, #tpu.memory_space<vmem>>) dst(%dma_wait3A_990 : memref<504x2048xf32, #tpu.memory_space<hbm>>)
    %dma_wait3A_994 = arith.constant 5 : i32
    %dma_wait3A_995 = arith.constant 20 : i32
    %dma_wait3A_996 = tpu.memref_slice %arg16[%dma_wait3A_995] : memref<128x!tpu.dma_semaphore, #tpu.memory_space<semaphore_mem>> -> memref<1x!tpu.dma_semaphore, #tpu.memory_space<semaphore_mem>>
    %dma_wait3A_997 = tpu.memref_squeeze %dma_wait3A_996 : memref<1x!tpu.dma_semaphore, #tpu.memory_space<semaphore_mem>> -> memref<!tpu.dma_semaphore, #tpu.memory_space<semaphore_mem>>
    %dma_wait3A_998 = arith.constant 0 : i32
    %dma_wait3A_999 = arith.constant 0 : i32
    %dma_wait3A_1000 = tpu.memref_slice %arg3[%dma_wait3A_994, %dma_wait3A_998, %dma_wait3A_999] : memref<16x2048x2048xf32, #tpu.memory_space<hbm>> -> memref<1x512x2048xf32, #tpu.memory_space<hbm>>
    %dma_wait3A_1001 = tpu.memref_squeeze %dma_wait3A_1000 : memref<1x512x2048xf32, #tpu.memory_space<hbm>> -> memref<512x2048xf32, #tpu.memory_space<hbm>>
    tpu.wait_dma2 semaphore(%dma_wait3A_997 : memref<!tpu.dma_semaphore, #tpu.memory_space<semaphore_mem>>) src(%arg12 : memref<512x2048xf32, #tpu.memory_space<vmem>>) dst(%dma_wait3A_1001 : memref<512x2048xf32, #tpu.memory_space<hbm>>)
    %dma_wait3A_1002 = arith.constant 5 : i32
    %dma_wait3A_1003 = arith.constant 21 : i32
    %dma_wait3A_1004 = tpu.memref_slice %arg16[%dma_wait3A_1003] : memref<128x!tpu.dma_semaphore, #tpu.memory_space<semaphore_mem>> -> memref<1x!tpu.dma_semaphore, #tpu.memory_space<semaphore_mem>>
    %dma_wait3A_1005 = tpu.memref_squeeze %dma_wait3A_1004 : memref<1x!tpu.dma_semaphore, #tpu.memory_space<semaphore_mem>> -> memref<!tpu.dma_semaphore, #tpu.memory_space<semaphore_mem>>
    %dma_wait3A_1006 = arith.constant 512 : i32
    %dma_wait3A_1007 = arith.constant 0 : i32
    %dma_wait3A_1008 = tpu.memref_slice %arg3[%dma_wait3A_1002, %dma_wait3A_1006, %dma_wait3A_1007] : memref<16x2048x2048xf32, #tpu.memory_space<hbm>> -> memref<1x512x2048xf32, #tpu.memory_space<hbm>>
    %dma_wait3A_1009 = tpu.memref_squeeze %dma_wait3A_1008 : memref<1x512x2048xf32, #tpu.memory_space<hbm>> -> memref<512x2048xf32, #tpu.memory_space<hbm>>
    tpu.wait_dma2 semaphore(%dma_wait3A_1005 : memref<!tpu.dma_semaphore, #tpu.memory_space<semaphore_mem>>) src(%arg13 : memref<512x2048xf32, #tpu.memory_space<vmem>>) dst(%dma_wait3A_1009 : memref<512x2048xf32, #tpu.memory_space<hbm>>)
    %dma_wait3A_1010 = arith.constant 5 : i32
    %dma_wait3A_1011 = arith.constant 22 : i32
    %dma_wait3A_1012 = tpu.memref_slice %arg16[%dma_wait3A_1011] : memref<128x!tpu.dma_semaphore, #tpu.memory_space<semaphore_mem>> -> memref<1x!tpu.dma_semaphore, #tpu.memory_space<semaphore_mem>>
    %dma_wait3A_1013 = tpu.memref_squeeze %dma_wait3A_1012 : memref<1x!tpu.dma_semaphore, #tpu.memory_space<semaphore_mem>> -> memref<!tpu.dma_semaphore, #tpu.memory_space<semaphore_mem>>
    %dma_wait3A_1014 = arith.constant 1024 : i32
    %dma_wait3A_1015 = arith.constant 0 : i32
    %dma_wait3A_1016 = tpu.memref_slice %arg3[%dma_wait3A_1010, %dma_wait3A_1014, %dma_wait3A_1015] : memref<16x2048x2048xf32, #tpu.memory_space<hbm>> -> memref<1x512x2048xf32, #tpu.memory_space<hbm>>
    %dma_wait3A_1017 = tpu.memref_squeeze %dma_wait3A_1016 : memref<1x512x2048xf32, #tpu.memory_space<hbm>> -> memref<512x2048xf32, #tpu.memory_space<hbm>>
    tpu.wait_dma2 semaphore(%dma_wait3A_1013 : memref<!tpu.dma_semaphore, #tpu.memory_space<semaphore_mem>>) src(%arg12 : memref<512x2048xf32, #tpu.memory_space<vmem>>) dst(%dma_wait3A_1017 : memref<512x2048xf32, #tpu.memory_space<hbm>>)
    %dma_wait3A_1018 = arith.constant 5 : i32
    %dma_wait3A_1019 = arith.constant 23 : i32
    %dma_wait3A_1020 = tpu.memref_slice %arg16[%dma_wait3A_1019] : memref<128x!tpu.dma_semaphore, #tpu.memory_space<semaphore_mem>> -> memref<1x!tpu.dma_semaphore, #tpu.memory_space<semaphore_mem>>
    %dma_wait3A_1021 = tpu.memref_squeeze %dma_wait3A_1020 : memref<1x!tpu.dma_semaphore, #tpu.memory_space<semaphore_mem>> -> memref<!tpu.dma_semaphore, #tpu.memory_space<semaphore_mem>>
    %dma_wait3A_1022 = arith.constant 1536 : i32
    %dma_wait3A_1023 = arith.constant 0 : i32
    %dma_wait3A_1024 = tpu.memref_slice %arg3[%dma_wait3A_1018, %dma_wait3A_1022, %dma_wait3A_1023] : memref<16x2048x2048xf32, #tpu.memory_space<hbm>> -> memref<1x504x2048xf32, #tpu.memory_space<hbm>>
    %dma_wait3A_1025 = tpu.memref_squeeze %dma_wait3A_1024 : memref<1x504x2048xf32, #tpu.memory_space<hbm>> -> memref<504x2048xf32, #tpu.memory_space<hbm>>
    %dma_wait3A_1026 = arith.constant 0 : i32
    %dma_wait3A_1027 = arith.constant 0 : i32
    %dma_wait3A_1028 = tpu.memref_slice %arg13[%dma_wait3A_1026, %dma_wait3A_1027] : memref<512x2048xf32, #tpu.memory_space<vmem>> -> memref<504x2048xf32, #tpu.memory_space<vmem>>
    tpu.wait_dma2 semaphore(%dma_wait3A_1021 : memref<!tpu.dma_semaphore, #tpu.memory_space<semaphore_mem>>) src(%dma_wait3A_1028 : memref<504x2048xf32, #tpu.memory_space<vmem>>) dst(%dma_wait3A_1025 : memref<504x2048xf32, #tpu.memory_space<hbm>>)
    %dma_wait3A_1029 = arith.constant 6 : i32
    %dma_wait3A_1030 = arith.constant 24 : i32
    %dma_wait3A_1031 = tpu.memref_slice %arg16[%dma_wait3A_1030] : memref<128x!tpu.dma_semaphore, #tpu.memory_space<semaphore_mem>> -> memref<1x!tpu.dma_semaphore, #tpu.memory_space<semaphore_mem>>
    %dma_wait3A_1032 = tpu.memref_squeeze %dma_wait3A_1031 : memref<1x!tpu.dma_semaphore, #tpu.memory_space<semaphore_mem>> -> memref<!tpu.dma_semaphore, #tpu.memory_space<semaphore_mem>>
    %dma_wait3A_1033 = arith.constant 0 : i32
    %dma_wait3A_1034 = arith.constant 0 : i32
    %dma_wait3A_1035 = tpu.memref_slice %arg3[%dma_wait3A_1029, %dma_wait3A_1033, %dma_wait3A_1034] : memref<16x2048x2048xf32, #tpu.memory_space<hbm>> -> memref<1x512x2048xf32, #tpu.memory_space<hbm>>
    %dma_wait3A_1036 = tpu.memref_squeeze %dma_wait3A_1035 : memref<1x512x2048xf32, #tpu.memory_space<hbm>> -> memref<512x2048xf32, #tpu.memory_space<hbm>>
    tpu.wait_dma2 semaphore(%dma_wait3A_1032 : memref<!tpu.dma_semaphore, #tpu.memory_space<semaphore_mem>>) src(%arg12 : memref<512x2048xf32, #tpu.memory_space<vmem>>) dst(%dma_wait3A_1036 : memref<512x2048xf32, #tpu.memory_space<hbm>>)
    %dma_wait3A_1037 = arith.constant 6 : i32
    %dma_wait3A_1038 = arith.constant 25 : i32
    %dma_wait3A_1039 = tpu.memref_slice %arg16[%dma_wait3A_1038] : memref<128x!tpu.dma_semaphore, #tpu.memory_space<semaphore_mem>> -> memref<1x!tpu.dma_semaphore, #tpu.memory_space<semaphore_mem>>
    %dma_wait3A_1040 = tpu.memref_squeeze %dma_wait3A_1039 : memref<1x!tpu.dma_semaphore, #tpu.memory_space<semaphore_mem>> -> memref<!tpu.dma_semaphore, #tpu.memory_space<semaphore_mem>>
    %dma_wait3A_1041 = arith.constant 512 : i32
    %dma_wait3A_1042 = arith.constant 0 : i32
    %dma_wait3A_1043 = tpu.memref_slice %arg3[%dma_wait3A_1037, %dma_wait3A_1041, %dma_wait3A_1042] : memref<16x2048x2048xf32, #tpu.memory_space<hbm>> -> memref<1x512x2048xf32, #tpu.memory_space<hbm>>
    %dma_wait3A_1044 = tpu.memref_squeeze %dma_wait3A_1043 : memref<1x512x2048xf32, #tpu.memory_space<hbm>> -> memref<512x2048xf32, #tpu.memory_space<hbm>>
    tpu.wait_dma2 semaphore(%dma_wait3A_1040 : memref<!tpu.dma_semaphore, #tpu.memory_space<semaphore_mem>>) src(%arg13 : memref<512x2048xf32, #tpu.memory_space<vmem>>) dst(%dma_wait3A_1044 : memref<512x2048xf32, #tpu.memory_space<hbm>>)
    %dma_wait3A_1045 = arith.constant 6 : i32
    %dma_wait3A_1046 = arith.constant 26 : i32
    %dma_wait3A_1047 = tpu.memref_slice %arg16[%dma_wait3A_1046] : memref<128x!tpu.dma_semaphore, #tpu.memory_space<semaphore_mem>> -> memref<1x!tpu.dma_semaphore, #tpu.memory_space<semaphore_mem>>
    %dma_wait3A_1048 = tpu.memref_squeeze %dma_wait3A_1047 : memref<1x!tpu.dma_semaphore, #tpu.memory_space<semaphore_mem>> -> memref<!tpu.dma_semaphore, #tpu.memory_space<semaphore_mem>>
    %dma_wait3A_1049 = arith.constant 1024 : i32
    %dma_wait3A_1050 = arith.constant 0 : i32
    %dma_wait3A_1051 = tpu.memref_slice %arg3[%dma_wait3A_1045, %dma_wait3A_1049, %dma_wait3A_1050] : memref<16x2048x2048xf32, #tpu.memory_space<hbm>> -> memref<1x512x2048xf32, #tpu.memory_space<hbm>>
    %dma_wait3A_1052 = tpu.memref_squeeze %dma_wait3A_1051 : memref<1x512x2048xf32, #tpu.memory_space<hbm>> -> memref<512x2048xf32, #tpu.memory_space<hbm>>
    tpu.wait_dma2 semaphore(%dma_wait3A_1048 : memref<!tpu.dma_semaphore, #tpu.memory_space<semaphore_mem>>) src(%arg12 : memref<512x2048xf32, #tpu.memory_space<vmem>>) dst(%dma_wait3A_1052 : memref<512x2048xf32, #tpu.memory_space<hbm>>)
    %dma_wait3A_1053 = arith.constant 6 : i32
    %dma_wait3A_1054 = arith.constant 27 : i32
    %dma_wait3A_1055 = tpu.memref_slice %arg16[%dma_wait3A_1054] : memref<128x!tpu.dma_semaphore, #tpu.memory_space<semaphore_mem>> -> memref<1x!tpu.dma_semaphore, #tpu.memory_space<semaphore_mem>>
    %dma_wait3A_1056 = tpu.memref_squeeze %dma_wait3A_1055 : memref<1x!tpu.dma_semaphore, #tpu.memory_space<semaphore_mem>> -> memref<!tpu.dma_semaphore, #tpu.memory_space<semaphore_mem>>
    %dma_wait3A_1057 = arith.constant 1536 : i32
    %dma_wait3A_1058 = arith.constant 0 : i32
    %dma_wait3A_1059 = tpu.memref_slice %arg3[%dma_wait3A_1053, %dma_wait3A_1057, %dma_wait3A_1058] : memref<16x2048x2048xf32, #tpu.memory_space<hbm>> -> memref<1x504x2048xf32, #tpu.memory_space<hbm>>
    %dma_wait3A_1060 = tpu.memref_squeeze %dma_wait3A_1059 : memref<1x504x2048xf32, #tpu.memory_space<hbm>> -> memref<504x2048xf32, #tpu.memory_space<hbm>>
    %dma_wait3A_1061 = arith.constant 0 : i32
    %dma_wait3A_1062 = arith.constant 0 : i32
    %dma_wait3A_1063 = tpu.memref_slice %arg13[%dma_wait3A_1061, %dma_wait3A_1062] : memref<512x2048xf32, #tpu.memory_space<vmem>> -> memref<504x2048xf32, #tpu.memory_space<vmem>>
    tpu.wait_dma2 semaphore(%dma_wait3A_1056 : memref<!tpu.dma_semaphore, #tpu.memory_space<semaphore_mem>>) src(%dma_wait3A_1063 : memref<504x2048xf32, #tpu.memory_space<vmem>>) dst(%dma_wait3A_1060 : memref<504x2048xf32, #tpu.memory_space<hbm>>)
    %dma_wait3A_1064 = arith.constant 7 : i32
    %dma_wait3A_1065 = arith.constant 28 : i32
    %dma_wait3A_1066 = tpu.memref_slice %arg16[%dma_wait3A_1065] : memref<128x!tpu.dma_semaphore, #tpu.memory_space<semaphore_mem>> -> memref<1x!tpu.dma_semaphore, #tpu.memory_space<semaphore_mem>>
    %dma_wait3A_1067 = tpu.memref_squeeze %dma_wait3A_1066 : memref<1x!tpu.dma_semaphore, #tpu.memory_space<semaphore_mem>> -> memref<!tpu.dma_semaphore, #tpu.memory_space<semaphore_mem>>
    %dma_wait3A_1068 = arith.constant 0 : i32
    %dma_wait3A_1069 = arith.constant 0 : i32
    %dma_wait3A_1070 = tpu.memref_slice %arg3[%dma_wait3A_1064, %dma_wait3A_1068, %dma_wait3A_1069] : memref<16x2048x2048xf32, #tpu.memory_space<hbm>> -> memref<1x512x2048xf32, #tpu.memory_space<hbm>>
    %dma_wait3A_1071 = tpu.memref_squeeze %dma_wait3A_1070 : memref<1x512x2048xf32, #tpu.memory_space<hbm>> -> memref<512x2048xf32, #tpu.memory_space<hbm>>
    tpu.wait_dma2 semaphore(%dma_wait3A_1067 : memref<!tpu.dma_semaphore, #tpu.memory_space<semaphore_mem>>) src(%arg12 : memref<512x2048xf32, #tpu.memory_space<vmem>>) dst(%dma_wait3A_1071 : memref<512x2048xf32, #tpu.memory_space<hbm>>)
    %dma_wait3A_1072 = arith.constant 7 : i32
    %dma_wait3A_1073 = arith.constant 29 : i32
    %dma_wait3A_1074 = tpu.memref_slice %arg16[%dma_wait3A_1073] : memref<128x!tpu.dma_semaphore, #tpu.memory_space<semaphore_mem>> -> memref<1x!tpu.dma_semaphore, #tpu.memory_space<semaphore_mem>>
    %dma_wait3A_1075 = tpu.memref_squeeze %dma_wait3A_1074 : memref<1x!tpu.dma_semaphore, #tpu.memory_space<semaphore_mem>> -> memref<!tpu.dma_semaphore, #tpu.memory_space<semaphore_mem>>
    %dma_wait3A_1076 = arith.constant 512 : i32
    %dma_wait3A_1077 = arith.constant 0 : i32
    %dma_wait3A_1078 = tpu.memref_slice %arg3[%dma_wait3A_1072, %dma_wait3A_1076, %dma_wait3A_1077] : memref<16x2048x2048xf32, #tpu.memory_space<hbm>> -> memref<1x512x2048xf32, #tpu.memory_space<hbm>>
    %dma_wait3A_1079 = tpu.memref_squeeze %dma_wait3A_1078 : memref<1x512x2048xf32, #tpu.memory_space<hbm>> -> memref<512x2048xf32, #tpu.memory_space<hbm>>
    tpu.wait_dma2 semaphore(%dma_wait3A_1075 : memref<!tpu.dma_semaphore, #tpu.memory_space<semaphore_mem>>) src(%arg13 : memref<512x2048xf32, #tpu.memory_space<vmem>>) dst(%dma_wait3A_1079 : memref<512x2048xf32, #tpu.memory_space<hbm>>)
    %dma_wait3A_1080 = arith.constant 7 : i32
    %dma_wait3A_1081 = arith.constant 30 : i32
    %dma_wait3A_1082 = tpu.memref_slice %arg16[%dma_wait3A_1081] : memref<128x!tpu.dma_semaphore, #tpu.memory_space<semaphore_mem>> -> memref<1x!tpu.dma_semaphore, #tpu.memory_space<semaphore_mem>>
    %dma_wait3A_1083 = tpu.memref_squeeze %dma_wait3A_1082 : memref<1x!tpu.dma_semaphore, #tpu.memory_space<semaphore_mem>> -> memref<!tpu.dma_semaphore, #tpu.memory_space<semaphore_mem>>
    %dma_wait3A_1084 = arith.constant 1024 : i32
    %dma_wait3A_1085 = arith.constant 0 : i32
    %dma_wait3A_1086 = tpu.memref_slice %arg3[%dma_wait3A_1080, %dma_wait3A_1084, %dma_wait3A_1085] : memref<16x2048x2048xf32, #tpu.memory_space<hbm>> -> memref<1x512x2048xf32, #tpu.memory_space<hbm>>
    %dma_wait3A_1087 = tpu.memref_squeeze %dma_wait3A_1086 : memref<1x512x2048xf32, #tpu.memory_space<hbm>> -> memref<512x2048xf32, #tpu.memory_space<hbm>>
    tpu.wait_dma2 semaphore(%dma_wait3A_1083 : memref<!tpu.dma_semaphore, #tpu.memory_space<semaphore_mem>>) src(%arg12 : memref<512x2048xf32, #tpu.memory_space<vmem>>) dst(%dma_wait3A_1087 : memref<512x2048xf32, #tpu.memory_space<hbm>>)
    %dma_wait3A_1088 = arith.constant 7 : i32
    %dma_wait3A_1089 = arith.constant 31 : i32
    %dma_wait3A_1090 = tpu.memref_slice %arg16[%dma_wait3A_1089] : memref<128x!tpu.dma_semaphore, #tpu.memory_space<semaphore_mem>> -> memref<1x!tpu.dma_semaphore, #tpu.memory_space<semaphore_mem>>
    %dma_wait3A_1091 = tpu.memref_squeeze %dma_wait3A_1090 : memref<1x!tpu.dma_semaphore, #tpu.memory_space<semaphore_mem>> -> memref<!tpu.dma_semaphore, #tpu.memory_space<semaphore_mem>>
    %dma_wait3A_1092 = arith.constant 1536 : i32
    %dma_wait3A_1093 = arith.constant 0 : i32
    %dma_wait3A_1094 = tpu.memref_slice %arg3[%dma_wait3A_1088, %dma_wait3A_1092, %dma_wait3A_1093] : memref<16x2048x2048xf32, #tpu.memory_space<hbm>> -> memref<1x504x2048xf32, #tpu.memory_space<hbm>>
    %dma_wait3A_1095 = tpu.memref_squeeze %dma_wait3A_1094 : memref<1x504x2048xf32, #tpu.memory_space<hbm>> -> memref<504x2048xf32, #tpu.memory_space<hbm>>
    %dma_wait3A_1096 = arith.constant 0 : i32
    %dma_wait3A_1097 = arith.constant 0 : i32
    %dma_wait3A_1098 = tpu.memref_slice %arg13[%dma_wait3A_1096, %dma_wait3A_1097] : memref<512x2048xf32, #tpu.memory_space<vmem>> -> memref<504x2048xf32, #tpu.memory_space<vmem>>
    tpu.wait_dma2 semaphore(%dma_wait3A_1091 : memref<!tpu.dma_semaphore, #tpu.memory_space<semaphore_mem>>) src(%dma_wait3A_1098 : memref<504x2048xf32, #tpu.memory_space<vmem>>) dst(%dma_wait3A_1095 : memref<504x2048xf32, #tpu.memory_space<hbm>>)
    %dma_wait3A_1099 = arith.constant 8 : i32
    %dma_wait3A_1100 = arith.constant 32 : i32
    %dma_wait3A_1101 = tpu.memref_slice %arg16[%dma_wait3A_1100] : memref<128x!tpu.dma_semaphore, #tpu.memory_space<semaphore_mem>> -> memref<1x!tpu.dma_semaphore, #tpu.memory_space<semaphore_mem>>
    %dma_wait3A_1102 = tpu.memref_squeeze %dma_wait3A_1101 : memref<1x!tpu.dma_semaphore, #tpu.memory_space<semaphore_mem>> -> memref<!tpu.dma_semaphore, #tpu.memory_space<semaphore_mem>>
    %dma_wait3A_1103 = arith.constant 0 : i32
    %dma_wait3A_1104 = arith.constant 0 : i32
    %dma_wait3A_1105 = tpu.memref_slice %arg3[%dma_wait3A_1099, %dma_wait3A_1103, %dma_wait3A_1104] : memref<16x2048x2048xf32, #tpu.memory_space<hbm>> -> memref<1x512x2048xf32, #tpu.memory_space<hbm>>
    %dma_wait3A_1106 = tpu.memref_squeeze %dma_wait3A_1105 : memref<1x512x2048xf32, #tpu.memory_space<hbm>> -> memref<512x2048xf32, #tpu.memory_space<hbm>>
    tpu.wait_dma2 semaphore(%dma_wait3A_1102 : memref<!tpu.dma_semaphore, #tpu.memory_space<semaphore_mem>>) src(%arg12 : memref<512x2048xf32, #tpu.memory_space<vmem>>) dst(%dma_wait3A_1106 : memref<512x2048xf32, #tpu.memory_space<hbm>>)
    %dma_wait3A_1107 = arith.constant 8 : i32
    %dma_wait3A_1108 = arith.constant 33 : i32
    %dma_wait3A_1109 = tpu.memref_slice %arg16[%dma_wait3A_1108] : memref<128x!tpu.dma_semaphore, #tpu.memory_space<semaphore_mem>> -> memref<1x!tpu.dma_semaphore, #tpu.memory_space<semaphore_mem>>
    %dma_wait3A_1110 = tpu.memref_squeeze %dma_wait3A_1109 : memref<1x!tpu.dma_semaphore, #tpu.memory_space<semaphore_mem>> -> memref<!tpu.dma_semaphore, #tpu.memory_space<semaphore_mem>>
    %dma_wait3A_1111 = arith.constant 512 : i32
    %dma_wait3A_1112 = arith.constant 0 : i32
    %dma_wait3A_1113 = tpu.memref_slice %arg3[%dma_wait3A_1107, %dma_wait3A_1111, %dma_wait3A_1112] : memref<16x2048x2048xf32, #tpu.memory_space<hbm>> -> memref<1x512x2048xf32, #tpu.memory_space<hbm>>
    %dma_wait3A_1114 = tpu.memref_squeeze %dma_wait3A_1113 : memref<1x512x2048xf32, #tpu.memory_space<hbm>> -> memref<512x2048xf32, #tpu.memory_space<hbm>>
    tpu.wait_dma2 semaphore(%dma_wait3A_1110 : memref<!tpu.dma_semaphore, #tpu.memory_space<semaphore_mem>>) src(%arg13 : memref<512x2048xf32, #tpu.memory_space<vmem>>) dst(%dma_wait3A_1114 : memref<512x2048xf32, #tpu.memory_space<hbm>>)
    %dma_wait3A_1115 = arith.constant 8 : i32
    %dma_wait3A_1116 = arith.constant 34 : i32
    %dma_wait3A_1117 = tpu.memref_slice %arg16[%dma_wait3A_1116] : memref<128x!tpu.dma_semaphore, #tpu.memory_space<semaphore_mem>> -> memref<1x!tpu.dma_semaphore, #tpu.memory_space<semaphore_mem>>
    %dma_wait3A_1118 = tpu.memref_squeeze %dma_wait3A_1117 : memref<1x!tpu.dma_semaphore, #tpu.memory_space<semaphore_mem>> -> memref<!tpu.dma_semaphore, #tpu.memory_space<semaphore_mem>>
    %dma_wait3A_1119 = arith.constant 1024 : i32
    %dma_wait3A_1120 = arith.constant 0 : i32
    %dma_wait3A_1121 = tpu.memref_slice %arg3[%dma_wait3A_1115, %dma_wait3A_1119, %dma_wait3A_1120] : memref<16x2048x2048xf32, #tpu.memory_space<hbm>> -> memref<1x512x2048xf32, #tpu.memory_space<hbm>>
    %dma_wait3A_1122 = tpu.memref_squeeze %dma_wait3A_1121 : memref<1x512x2048xf32, #tpu.memory_space<hbm>> -> memref<512x2048xf32, #tpu.memory_space<hbm>>
    tpu.wait_dma2 semaphore(%dma_wait3A_1118 : memref<!tpu.dma_semaphore, #tpu.memory_space<semaphore_mem>>) src(%arg12 : memref<512x2048xf32, #tpu.memory_space<vmem>>) dst(%dma_wait3A_1122 : memref<512x2048xf32, #tpu.memory_space<hbm>>)
    %dma_wait3A_1123 = arith.constant 8 : i32
    %dma_wait3A_1124 = arith.constant 35 : i32
    %dma_wait3A_1125 = tpu.memref_slice %arg16[%dma_wait3A_1124] : memref<128x!tpu.dma_semaphore, #tpu.memory_space<semaphore_mem>> -> memref<1x!tpu.dma_semaphore, #tpu.memory_space<semaphore_mem>>
    %dma_wait3A_1126 = tpu.memref_squeeze %dma_wait3A_1125 : memref<1x!tpu.dma_semaphore, #tpu.memory_space<semaphore_mem>> -> memref<!tpu.dma_semaphore, #tpu.memory_space<semaphore_mem>>
    %dma_wait3A_1127 = arith.constant 1536 : i32
    %dma_wait3A_1128 = arith.constant 0 : i32
    %dma_wait3A_1129 = tpu.memref_slice %arg3[%dma_wait3A_1123, %dma_wait3A_1127, %dma_wait3A_1128] : memref<16x2048x2048xf32, #tpu.memory_space<hbm>> -> memref<1x504x2048xf32, #tpu.memory_space<hbm>>
    %dma_wait3A_1130 = tpu.memref_squeeze %dma_wait3A_1129 : memref<1x504x2048xf32, #tpu.memory_space<hbm>> -> memref<504x2048xf32, #tpu.memory_space<hbm>>
    %dma_wait3A_1131 = arith.constant 0 : i32
    %dma_wait3A_1132 = arith.constant 0 : i32
    %dma_wait3A_1133 = tpu.memref_slice %arg13[%dma_wait3A_1131, %dma_wait3A_1132] : memref<512x2048xf32, #tpu.memory_space<vmem>> -> memref<504x2048xf32, #tpu.memory_space<vmem>>
    tpu.wait_dma2 semaphore(%dma_wait3A_1126 : memref<!tpu.dma_semaphore, #tpu.memory_space<semaphore_mem>>) src(%dma_wait3A_1133 : memref<504x2048xf32, #tpu.memory_space<vmem>>) dst(%dma_wait3A_1130 : memref<504x2048xf32, #tpu.memory_space<hbm>>)
    %dma_wait3A_1134 = arith.constant 9 : i32
    %dma_wait3A_1135 = arith.constant 36 : i32
    %dma_wait3A_1136 = tpu.memref_slice %arg16[%dma_wait3A_1135] : memref<128x!tpu.dma_semaphore, #tpu.memory_space<semaphore_mem>> -> memref<1x!tpu.dma_semaphore, #tpu.memory_space<semaphore_mem>>
    %dma_wait3A_1137 = tpu.memref_squeeze %dma_wait3A_1136 : memref<1x!tpu.dma_semaphore, #tpu.memory_space<semaphore_mem>> -> memref<!tpu.dma_semaphore, #tpu.memory_space<semaphore_mem>>
    %dma_wait3A_1138 = arith.constant 0 : i32
    %dma_wait3A_1139 = arith.constant 0 : i32
    %dma_wait3A_1140 = tpu.memref_slice %arg3[%dma_wait3A_1134, %dma_wait3A_1138, %dma_wait3A_1139] : memref<16x2048x2048xf32, #tpu.memory_space<hbm>> -> memref<1x512x2048xf32, #tpu.memory_space<hbm>>
    %dma_wait3A_1141 = tpu.memref_squeeze %dma_wait3A_1140 : memref<1x512x2048xf32, #tpu.memory_space<hbm>> -> memref<512x2048xf32, #tpu.memory_space<hbm>>
    tpu.wait_dma2 semaphore(%dma_wait3A_1137 : memref<!tpu.dma_semaphore, #tpu.memory_space<semaphore_mem>>) src(%arg12 : memref<512x2048xf32, #tpu.memory_space<vmem>>) dst(%dma_wait3A_1141 : memref<512x2048xf32, #tpu.memory_space<hbm>>)
    %dma_wait3A_1142 = arith.constant 9 : i32
    %dma_wait3A_1143 = arith.constant 37 : i32
    %dma_wait3A_1144 = tpu.memref_slice %arg16[%dma_wait3A_1143] : memref<128x!tpu.dma_semaphore, #tpu.memory_space<semaphore_mem>> -> memref<1x!tpu.dma_semaphore, #tpu.memory_space<semaphore_mem>>
    %dma_wait3A_1145 = tpu.memref_squeeze %dma_wait3A_1144 : memref<1x!tpu.dma_semaphore, #tpu.memory_space<semaphore_mem>> -> memref<!tpu.dma_semaphore, #tpu.memory_space<semaphore_mem>>
    %dma_wait3A_1146 = arith.constant 512 : i32
    %dma_wait3A_1147 = arith.constant 0 : i32
    %dma_wait3A_1148 = tpu.memref_slice %arg3[%dma_wait3A_1142, %dma_wait3A_1146, %dma_wait3A_1147] : memref<16x2048x2048xf32, #tpu.memory_space<hbm>> -> memref<1x512x2048xf32, #tpu.memory_space<hbm>>
    %dma_wait3A_1149 = tpu.memref_squeeze %dma_wait3A_1148 : memref<1x512x2048xf32, #tpu.memory_space<hbm>> -> memref<512x2048xf32, #tpu.memory_space<hbm>>
    tpu.wait_dma2 semaphore(%dma_wait3A_1145 : memref<!tpu.dma_semaphore, #tpu.memory_space<semaphore_mem>>) src(%arg13 : memref<512x2048xf32, #tpu.memory_space<vmem>>) dst(%dma_wait3A_1149 : memref<512x2048xf32, #tpu.memory_space<hbm>>)
    %dma_wait3A_1150 = arith.constant 9 : i32
    %dma_wait3A_1151 = arith.constant 38 : i32
    %dma_wait3A_1152 = tpu.memref_slice %arg16[%dma_wait3A_1151] : memref<128x!tpu.dma_semaphore, #tpu.memory_space<semaphore_mem>> -> memref<1x!tpu.dma_semaphore, #tpu.memory_space<semaphore_mem>>
    %dma_wait3A_1153 = tpu.memref_squeeze %dma_wait3A_1152 : memref<1x!tpu.dma_semaphore, #tpu.memory_space<semaphore_mem>> -> memref<!tpu.dma_semaphore, #tpu.memory_space<semaphore_mem>>
    %dma_wait3A_1154 = arith.constant 1024 : i32
    %dma_wait3A_1155 = arith.constant 0 : i32
    %dma_wait3A_1156 = tpu.memref_slice %arg3[%dma_wait3A_1150, %dma_wait3A_1154, %dma_wait3A_1155] : memref<16x2048x2048xf32, #tpu.memory_space<hbm>> -> memref<1x512x2048xf32, #tpu.memory_space<hbm>>
    %dma_wait3A_1157 = tpu.memref_squeeze %dma_wait3A_1156 : memref<1x512x2048xf32, #tpu.memory_space<hbm>> -> memref<512x2048xf32, #tpu.memory_space<hbm>>
    tpu.wait_dma2 semaphore(%dma_wait3A_1153 : memref<!tpu.dma_semaphore, #tpu.memory_space<semaphore_mem>>) src(%arg12 : memref<512x2048xf32, #tpu.memory_space<vmem>>) dst(%dma_wait3A_1157 : memref<512x2048xf32, #tpu.memory_space<hbm>>)
    %dma_wait3A_1158 = arith.constant 9 : i32
    %dma_wait3A_1159 = arith.constant 39 : i32
    %dma_wait3A_1160 = tpu.memref_slice %arg16[%dma_wait3A_1159] : memref<128x!tpu.dma_semaphore, #tpu.memory_space<semaphore_mem>> -> memref<1x!tpu.dma_semaphore, #tpu.memory_space<semaphore_mem>>
    %dma_wait3A_1161 = tpu.memref_squeeze %dma_wait3A_1160 : memref<1x!tpu.dma_semaphore, #tpu.memory_space<semaphore_mem>> -> memref<!tpu.dma_semaphore, #tpu.memory_space<semaphore_mem>>
    %dma_wait3A_1162 = arith.constant 1536 : i32
    %dma_wait3A_1163 = arith.constant 0 : i32
    %dma_wait3A_1164 = tpu.memref_slice %arg3[%dma_wait3A_1158, %dma_wait3A_1162, %dma_wait3A_1163] : memref<16x2048x2048xf32, #tpu.memory_space<hbm>> -> memref<1x504x2048xf32, #tpu.memory_space<hbm>>
    %dma_wait3A_1165 = tpu.memref_squeeze %dma_wait3A_1164 : memref<1x504x2048xf32, #tpu.memory_space<hbm>> -> memref<504x2048xf32, #tpu.memory_space<hbm>>
    %dma_wait3A_1166 = arith.constant 0 : i32
    %dma_wait3A_1167 = arith.constant 0 : i32
    %dma_wait3A_1168 = tpu.memref_slice %arg13[%dma_wait3A_1166, %dma_wait3A_1167] : memref<512x2048xf32, #tpu.memory_space<vmem>> -> memref<504x2048xf32, #tpu.memory_space<vmem>>
    tpu.wait_dma2 semaphore(%dma_wait3A_1161 : memref<!tpu.dma_semaphore, #tpu.memory_space<semaphore_mem>>) src(%dma_wait3A_1168 : memref<504x2048xf32, #tpu.memory_space<vmem>>) dst(%dma_wait3A_1165 : memref<504x2048xf32, #tpu.memory_space<hbm>>)
    %dma_wait3A_1169 = arith.constant 10 : i32
    %dma_wait3A_1170 = arith.constant 40 : i32
    %dma_wait3A_1171 = tpu.memref_slice %arg16[%dma_wait3A_1170] : memref<128x!tpu.dma_semaphore, #tpu.memory_space<semaphore_mem>> -> memref<1x!tpu.dma_semaphore, #tpu.memory_space<semaphore_mem>>
    %dma_wait3A_1172 = tpu.memref_squeeze %dma_wait3A_1171 : memref<1x!tpu.dma_semaphore, #tpu.memory_space<semaphore_mem>> -> memref<!tpu.dma_semaphore, #tpu.memory_space<semaphore_mem>>
    %dma_wait3A_1173 = arith.constant 0 : i32
    %dma_wait3A_1174 = arith.constant 0 : i32
    %dma_wait3A_1175 = tpu.memref_slice %arg3[%dma_wait3A_1169, %dma_wait3A_1173, %dma_wait3A_1174] : memref<16x2048x2048xf32, #tpu.memory_space<hbm>> -> memref<1x512x2048xf32, #tpu.memory_space<hbm>>
    %dma_wait3A_1176 = tpu.memref_squeeze %dma_wait3A_1175 : memref<1x512x2048xf32, #tpu.memory_space<hbm>> -> memref<512x2048xf32, #tpu.memory_space<hbm>>
    tpu.wait_dma2 semaphore(%dma_wait3A_1172 : memref<!tpu.dma_semaphore, #tpu.memory_space<semaphore_mem>>) src(%arg12 : memref<512x2048xf32, #tpu.memory_space<vmem>>) dst(%dma_wait3A_1176 : memref<512x2048xf32, #tpu.memory_space<hbm>>)
    %dma_wait3A_1177 = arith.constant 10 : i32
    %dma_wait3A_1178 = arith.constant 41 : i32
    %dma_wait3A_1179 = tpu.memref_slice %arg16[%dma_wait3A_1178] : memref<128x!tpu.dma_semaphore, #tpu.memory_space<semaphore_mem>> -> memref<1x!tpu.dma_semaphore, #tpu.memory_space<semaphore_mem>>
    %dma_wait3A_1180 = tpu.memref_squeeze %dma_wait3A_1179 : memref<1x!tpu.dma_semaphore, #tpu.memory_space<semaphore_mem>> -> memref<!tpu.dma_semaphore, #tpu.memory_space<semaphore_mem>>
    %dma_wait3A_1181 = arith.constant 512 : i32
    %dma_wait3A_1182 = arith.constant 0 : i32
    %dma_wait3A_1183 = tpu.memref_slice %arg3[%dma_wait3A_1177, %dma_wait3A_1181, %dma_wait3A_1182] : memref<16x2048x2048xf32, #tpu.memory_space<hbm>> -> memref<1x512x2048xf32, #tpu.memory_space<hbm>>
    %dma_wait3A_1184 = tpu.memref_squeeze %dma_wait3A_1183 : memref<1x512x2048xf32, #tpu.memory_space<hbm>> -> memref<512x2048xf32, #tpu.memory_space<hbm>>
    tpu.wait_dma2 semaphore(%dma_wait3A_1180 : memref<!tpu.dma_semaphore, #tpu.memory_space<semaphore_mem>>) src(%arg13 : memref<512x2048xf32, #tpu.memory_space<vmem>>) dst(%dma_wait3A_1184 : memref<512x2048xf32, #tpu.memory_space<hbm>>)
    %dma_wait3A_1185 = arith.constant 10 : i32
    %dma_wait3A_1186 = arith.constant 42 : i32
    %dma_wait3A_1187 = tpu.memref_slice %arg16[%dma_wait3A_1186] : memref<128x!tpu.dma_semaphore, #tpu.memory_space<semaphore_mem>> -> memref<1x!tpu.dma_semaphore, #tpu.memory_space<semaphore_mem>>
    %dma_wait3A_1188 = tpu.memref_squeeze %dma_wait3A_1187 : memref<1x!tpu.dma_semaphore, #tpu.memory_space<semaphore_mem>> -> memref<!tpu.dma_semaphore, #tpu.memory_space<semaphore_mem>>
    %dma_wait3A_1189 = arith.constant 1024 : i32
    %dma_wait3A_1190 = arith.constant 0 : i32
    %dma_wait3A_1191 = tpu.memref_slice %arg3[%dma_wait3A_1185, %dma_wait3A_1189, %dma_wait3A_1190] : memref<16x2048x2048xf32, #tpu.memory_space<hbm>> -> memref<1x512x2048xf32, #tpu.memory_space<hbm>>
    %dma_wait3A_1192 = tpu.memref_squeeze %dma_wait3A_1191 : memref<1x512x2048xf32, #tpu.memory_space<hbm>> -> memref<512x2048xf32, #tpu.memory_space<hbm>>
    tpu.wait_dma2 semaphore(%dma_wait3A_1188 : memref<!tpu.dma_semaphore, #tpu.memory_space<semaphore_mem>>) src(%arg12 : memref<512x2048xf32, #tpu.memory_space<vmem>>) dst(%dma_wait3A_1192 : memref<512x2048xf32, #tpu.memory_space<hbm>>)
    %dma_wait3A_1193 = arith.constant 10 : i32
    %dma_wait3A_1194 = arith.constant 43 : i32
    %dma_wait3A_1195 = tpu.memref_slice %arg16[%dma_wait3A_1194] : memref<128x!tpu.dma_semaphore, #tpu.memory_space<semaphore_mem>> -> memref<1x!tpu.dma_semaphore, #tpu.memory_space<semaphore_mem>>
    %dma_wait3A_1196 = tpu.memref_squeeze %dma_wait3A_1195 : memref<1x!tpu.dma_semaphore, #tpu.memory_space<semaphore_mem>> -> memref<!tpu.dma_semaphore, #tpu.memory_space<semaphore_mem>>
    %dma_wait3A_1197 = arith.constant 1536 : i32
    %dma_wait3A_1198 = arith.constant 0 : i32
    %dma_wait3A_1199 = tpu.memref_slice %arg3[%dma_wait3A_1193, %dma_wait3A_1197, %dma_wait3A_1198] : memref<16x2048x2048xf32, #tpu.memory_space<hbm>> -> memref<1x504x2048xf32, #tpu.memory_space<hbm>>
    %dma_wait3A_1200 = tpu.memref_squeeze %dma_wait3A_1199 : memref<1x504x2048xf32, #tpu.memory_space<hbm>> -> memref<504x2048xf32, #tpu.memory_space<hbm>>
    %dma_wait3A_1201 = arith.constant 0 : i32
    %dma_wait3A_1202 = arith.constant 0 : i32
    %dma_wait3A_1203 = tpu.memref_slice %arg13[%dma_wait3A_1201, %dma_wait3A_1202] : memref<512x2048xf32, #tpu.memory_space<vmem>> -> memref<504x2048xf32, #tpu.memory_space<vmem>>
    tpu.wait_dma2 semaphore(%dma_wait3A_1196 : memref<!tpu.dma_semaphore, #tpu.memory_space<semaphore_mem>>) src(%dma_wait3A_1203 : memref<504x2048xf32, #tpu.memory_space<vmem>>) dst(%dma_wait3A_1200 : memref<504x2048xf32, #tpu.memory_space<hbm>>)
    %dma_wait3A_1204 = arith.constant 11 : i32
    %dma_wait3A_1205 = arith.constant 44 : i32
    %dma_wait3A_1206 = tpu.memref_slice %arg16[%dma_wait3A_1205] : memref<128x!tpu.dma_semaphore, #tpu.memory_space<semaphore_mem>> -> memref<1x!tpu.dma_semaphore, #tpu.memory_space<semaphore_mem>>
    %dma_wait3A_1207 = tpu.memref_squeeze %dma_wait3A_1206 : memref<1x!tpu.dma_semaphore, #tpu.memory_space<semaphore_mem>> -> memref<!tpu.dma_semaphore, #tpu.memory_space<semaphore_mem>>
    %dma_wait3A_1208 = arith.constant 0 : i32
    %dma_wait3A_1209 = arith.constant 0 : i32
    %dma_wait3A_1210 = tpu.memref_slice %arg3[%dma_wait3A_1204, %dma_wait3A_1208, %dma_wait3A_1209] : memref<16x2048x2048xf32, #tpu.memory_space<hbm>> -> memref<1x512x2048xf32, #tpu.memory_space<hbm>>
    %dma_wait3A_1211 = tpu.memref_squeeze %dma_wait3A_1210 : memref<1x512x2048xf32, #tpu.memory_space<hbm>> -> memref<512x2048xf32, #tpu.memory_space<hbm>>
    tpu.wait_dma2 semaphore(%dma_wait3A_1207 : memref<!tpu.dma_semaphore, #tpu.memory_space<semaphore_mem>>) src(%arg12 : memref<512x2048xf32, #tpu.memory_space<vmem>>) dst(%dma_wait3A_1211 : memref<512x2048xf32, #tpu.memory_space<hbm>>)
    %dma_wait3A_1212 = arith.constant 11 : i32
    %dma_wait3A_1213 = arith.constant 45 : i32
    %dma_wait3A_1214 = tpu.memref_slice %arg16[%dma_wait3A_1213] : memref<128x!tpu.dma_semaphore, #tpu.memory_space<semaphore_mem>> -> memref<1x!tpu.dma_semaphore, #tpu.memory_space<semaphore_mem>>
    %dma_wait3A_1215 = tpu.memref_squeeze %dma_wait3A_1214 : memref<1x!tpu.dma_semaphore, #tpu.memory_space<semaphore_mem>> -> memref<!tpu.dma_semaphore, #tpu.memory_space<semaphore_mem>>
    %dma_wait3A_1216 = arith.constant 512 : i32
    %dma_wait3A_1217 = arith.constant 0 : i32
    %dma_wait3A_1218 = tpu.memref_slice %arg3[%dma_wait3A_1212, %dma_wait3A_1216, %dma_wait3A_1217] : memref<16x2048x2048xf32, #tpu.memory_space<hbm>> -> memref<1x512x2048xf32, #tpu.memory_space<hbm>>
    %dma_wait3A_1219 = tpu.memref_squeeze %dma_wait3A_1218 : memref<1x512x2048xf32, #tpu.memory_space<hbm>> -> memref<512x2048xf32, #tpu.memory_space<hbm>>
    tpu.wait_dma2 semaphore(%dma_wait3A_1215 : memref<!tpu.dma_semaphore, #tpu.memory_space<semaphore_mem>>) src(%arg13 : memref<512x2048xf32, #tpu.memory_space<vmem>>) dst(%dma_wait3A_1219 : memref<512x2048xf32, #tpu.memory_space<hbm>>)
    %dma_wait3A_1220 = arith.constant 11 : i32
    %dma_wait3A_1221 = arith.constant 46 : i32
    %dma_wait3A_1222 = tpu.memref_slice %arg16[%dma_wait3A_1221] : memref<128x!tpu.dma_semaphore, #tpu.memory_space<semaphore_mem>> -> memref<1x!tpu.dma_semaphore, #tpu.memory_space<semaphore_mem>>
    %dma_wait3A_1223 = tpu.memref_squeeze %dma_wait3A_1222 : memref<1x!tpu.dma_semaphore, #tpu.memory_space<semaphore_mem>> -> memref<!tpu.dma_semaphore, #tpu.memory_space<semaphore_mem>>
    %dma_wait3A_1224 = arith.constant 1024 : i32
    %dma_wait3A_1225 = arith.constant 0 : i32
    %dma_wait3A_1226 = tpu.memref_slice %arg3[%dma_wait3A_1220, %dma_wait3A_1224, %dma_wait3A_1225] : memref<16x2048x2048xf32, #tpu.memory_space<hbm>> -> memref<1x512x2048xf32, #tpu.memory_space<hbm>>
    %dma_wait3A_1227 = tpu.memref_squeeze %dma_wait3A_1226 : memref<1x512x2048xf32, #tpu.memory_space<hbm>> -> memref<512x2048xf32, #tpu.memory_space<hbm>>
    tpu.wait_dma2 semaphore(%dma_wait3A_1223 : memref<!tpu.dma_semaphore, #tpu.memory_space<semaphore_mem>>) src(%arg12 : memref<512x2048xf32, #tpu.memory_space<vmem>>) dst(%dma_wait3A_1227 : memref<512x2048xf32, #tpu.memory_space<hbm>>)
    %dma_wait3A_1228 = arith.constant 11 : i32
    %dma_wait3A_1229 = arith.constant 47 : i32
    %dma_wait3A_1230 = tpu.memref_slice %arg16[%dma_wait3A_1229] : memref<128x!tpu.dma_semaphore, #tpu.memory_space<semaphore_mem>> -> memref<1x!tpu.dma_semaphore, #tpu.memory_space<semaphore_mem>>
    %dma_wait3A_1231 = tpu.memref_squeeze %dma_wait3A_1230 : memref<1x!tpu.dma_semaphore, #tpu.memory_space<semaphore_mem>> -> memref<!tpu.dma_semaphore, #tpu.memory_space<semaphore_mem>>
    %dma_wait3A_1232 = arith.constant 1536 : i32
    %dma_wait3A_1233 = arith.constant 0 : i32
    %dma_wait3A_1234 = tpu.memref_slice %arg3[%dma_wait3A_1228, %dma_wait3A_1232, %dma_wait3A_1233] : memref<16x2048x2048xf32, #tpu.memory_space<hbm>> -> memref<1x504x2048xf32, #tpu.memory_space<hbm>>
    %dma_wait3A_1235 = tpu.memref_squeeze %dma_wait3A_1234 : memref<1x504x2048xf32, #tpu.memory_space<hbm>> -> memref<504x2048xf32, #tpu.memory_space<hbm>>
    %dma_wait3A_1236 = arith.constant 0 : i32
    %dma_wait3A_1237 = arith.constant 0 : i32
    %dma_wait3A_1238 = tpu.memref_slice %arg13[%dma_wait3A_1236, %dma_wait3A_1237] : memref<512x2048xf32, #tpu.memory_space<vmem>> -> memref<504x2048xf32, #tpu.memory_space<vmem>>
    tpu.wait_dma2 semaphore(%dma_wait3A_1231 : memref<!tpu.dma_semaphore, #tpu.memory_space<semaphore_mem>>) src(%dma_wait3A_1238 : memref<504x2048xf32, #tpu.memory_space<vmem>>) dst(%dma_wait3A_1235 : memref<504x2048xf32, #tpu.memory_space<hbm>>)
    %dma_wait3A_1239 = arith.constant 12 : i32
    %dma_wait3A_1240 = arith.constant 48 : i32
    %dma_wait3A_1241 = tpu.memref_slice %arg16[%dma_wait3A_1240] : memref<128x!tpu.dma_semaphore, #tpu.memory_space<semaphore_mem>> -> memref<1x!tpu.dma_semaphore, #tpu.memory_space<semaphore_mem>>
    %dma_wait3A_1242 = tpu.memref_squeeze %dma_wait3A_1241 : memref<1x!tpu.dma_semaphore, #tpu.memory_space<semaphore_mem>> -> memref<!tpu.dma_semaphore, #tpu.memory_space<semaphore_mem>>
    %dma_wait3A_1243 = arith.constant 0 : i32
    %dma_wait3A_1244 = arith.constant 0 : i32
    %dma_wait3A_1245 = tpu.memref_slice %arg3[%dma_wait3A_1239, %dma_wait3A_1243, %dma_wait3A_1244] : memref<16x2048x2048xf32, #tpu.memory_space<hbm>> -> memref<1x512x2048xf32, #tpu.memory_space<hbm>>
    %dma_wait3A_1246 = tpu.memref_squeeze %dma_wait3A_1245 : memref<1x512x2048xf32, #tpu.memory_space<hbm>> -> memref<512x2048xf32, #tpu.memory_space<hbm>>
    tpu.wait_dma2 semaphore(%dma_wait3A_1242 : memref<!tpu.dma_semaphore, #tpu.memory_space<semaphore_mem>>) src(%arg12 : memref<512x2048xf32, #tpu.memory_space<vmem>>) dst(%dma_wait3A_1246 : memref<512x2048xf32, #tpu.memory_space<hbm>>)
    %dma_wait3A_1247 = arith.constant 12 : i32
    %dma_wait3A_1248 = arith.constant 49 : i32
    %dma_wait3A_1249 = tpu.memref_slice %arg16[%dma_wait3A_1248] : memref<128x!tpu.dma_semaphore, #tpu.memory_space<semaphore_mem>> -> memref<1x!tpu.dma_semaphore, #tpu.memory_space<semaphore_mem>>
    %dma_wait3A_1250 = tpu.memref_squeeze %dma_wait3A_1249 : memref<1x!tpu.dma_semaphore, #tpu.memory_space<semaphore_mem>> -> memref<!tpu.dma_semaphore, #tpu.memory_space<semaphore_mem>>
    %dma_wait3A_1251 = arith.constant 512 : i32
    %dma_wait3A_1252 = arith.constant 0 : i32
    %dma_wait3A_1253 = tpu.memref_slice %arg3[%dma_wait3A_1247, %dma_wait3A_1251, %dma_wait3A_1252] : memref<16x2048x2048xf32, #tpu.memory_space<hbm>> -> memref<1x512x2048xf32, #tpu.memory_space<hbm>>
    %dma_wait3A_1254 = tpu.memref_squeeze %dma_wait3A_1253 : memref<1x512x2048xf32, #tpu.memory_space<hbm>> -> memref<512x2048xf32, #tpu.memory_space<hbm>>
    tpu.wait_dma2 semaphore(%dma_wait3A_1250 : memref<!tpu.dma_semaphore, #tpu.memory_space<semaphore_mem>>) src(%arg13 : memref<512x2048xf32, #tpu.memory_space<vmem>>) dst(%dma_wait3A_1254 : memref<512x2048xf32, #tpu.memory_space<hbm>>)
    %dma_wait3A_1255 = arith.constant 12 : i32
    %dma_wait3A_1256 = arith.constant 50 : i32
    %dma_wait3A_1257 = tpu.memref_slice %arg16[%dma_wait3A_1256] : memref<128x!tpu.dma_semaphore, #tpu.memory_space<semaphore_mem>> -> memref<1x!tpu.dma_semaphore, #tpu.memory_space<semaphore_mem>>
    %dma_wait3A_1258 = tpu.memref_squeeze %dma_wait3A_1257 : memref<1x!tpu.dma_semaphore, #tpu.memory_space<semaphore_mem>> -> memref<!tpu.dma_semaphore, #tpu.memory_space<semaphore_mem>>
    %dma_wait3A_1259 = arith.constant 1024 : i32
    %dma_wait3A_1260 = arith.constant 0 : i32
    %dma_wait3A_1261 = tpu.memref_slice %arg3[%dma_wait3A_1255, %dma_wait3A_1259, %dma_wait3A_1260] : memref<16x2048x2048xf32, #tpu.memory_space<hbm>> -> memref<1x512x2048xf32, #tpu.memory_space<hbm>>
    %dma_wait3A_1262 = tpu.memref_squeeze %dma_wait3A_1261 : memref<1x512x2048xf32, #tpu.memory_space<hbm>> -> memref<512x2048xf32, #tpu.memory_space<hbm>>
    tpu.wait_dma2 semaphore(%dma_wait3A_1258 : memref<!tpu.dma_semaphore, #tpu.memory_space<semaphore_mem>>) src(%arg12 : memref<512x2048xf32, #tpu.memory_space<vmem>>) dst(%dma_wait3A_1262 : memref<512x2048xf32, #tpu.memory_space<hbm>>)
    %dma_wait3A_1263 = arith.constant 12 : i32
    %dma_wait3A_1264 = arith.constant 51 : i32
    %dma_wait3A_1265 = tpu.memref_slice %arg16[%dma_wait3A_1264] : memref<128x!tpu.dma_semaphore, #tpu.memory_space<semaphore_mem>> -> memref<1x!tpu.dma_semaphore, #tpu.memory_space<semaphore_mem>>
    %dma_wait3A_1266 = tpu.memref_squeeze %dma_wait3A_1265 : memref<1x!tpu.dma_semaphore, #tpu.memory_space<semaphore_mem>> -> memref<!tpu.dma_semaphore, #tpu.memory_space<semaphore_mem>>
    %dma_wait3A_1267 = arith.constant 1536 : i32
    %dma_wait3A_1268 = arith.constant 0 : i32
    %dma_wait3A_1269 = tpu.memref_slice %arg3[%dma_wait3A_1263, %dma_wait3A_1267, %dma_wait3A_1268] : memref<16x2048x2048xf32, #tpu.memory_space<hbm>> -> memref<1x504x2048xf32, #tpu.memory_space<hbm>>
    %dma_wait3A_1270 = tpu.memref_squeeze %dma_wait3A_1269 : memref<1x504x2048xf32, #tpu.memory_space<hbm>> -> memref<504x2048xf32, #tpu.memory_space<hbm>>
    %dma_wait3A_1271 = arith.constant 0 : i32
    %dma_wait3A_1272 = arith.constant 0 : i32
    %dma_wait3A_1273 = tpu.memref_slice %arg13[%dma_wait3A_1271, %dma_wait3A_1272] : memref<512x2048xf32, #tpu.memory_space<vmem>> -> memref<504x2048xf32, #tpu.memory_space<vmem>>
    tpu.wait_dma2 semaphore(%dma_wait3A_1266 : memref<!tpu.dma_semaphore, #tpu.memory_space<semaphore_mem>>) src(%dma_wait3A_1273 : memref<504x2048xf32, #tpu.memory_space<vmem>>) dst(%dma_wait3A_1270 : memref<504x2048xf32, #tpu.memory_space<hbm>>)
    %dma_wait3A_1274 = arith.constant 13 : i32
    %dma_wait3A_1275 = arith.constant 52 : i32
    %dma_wait3A_1276 = tpu.memref_slice %arg16[%dma_wait3A_1275] : memref<128x!tpu.dma_semaphore, #tpu.memory_space<semaphore_mem>> -> memref<1x!tpu.dma_semaphore, #tpu.memory_space<semaphore_mem>>
    %dma_wait3A_1277 = tpu.memref_squeeze %dma_wait3A_1276 : memref<1x!tpu.dma_semaphore, #tpu.memory_space<semaphore_mem>> -> memref<!tpu.dma_semaphore, #tpu.memory_space<semaphore_mem>>
    %dma_wait3A_1278 = arith.constant 0 : i32
    %dma_wait3A_1279 = arith.constant 0 : i32
    %dma_wait3A_1280 = tpu.memref_slice %arg3[%dma_wait3A_1274, %dma_wait3A_1278, %dma_wait3A_1279] : memref<16x2048x2048xf32, #tpu.memory_space<hbm>> -> memref<1x512x2048xf32, #tpu.memory_space<hbm>>
    %dma_wait3A_1281 = tpu.memref_squeeze %dma_wait3A_1280 : memref<1x512x2048xf32, #tpu.memory_space<hbm>> -> memref<512x2048xf32, #tpu.memory_space<hbm>>
    tpu.wait_dma2 semaphore(%dma_wait3A_1277 : memref<!tpu.dma_semaphore, #tpu.memory_space<semaphore_mem>>) src(%arg12 : memref<512x2048xf32, #tpu.memory_space<vmem>>) dst(%dma_wait3A_1281 : memref<512x2048xf32, #tpu.memory_space<hbm>>)
    %dma_wait3A_1282 = arith.constant 13 : i32
    %dma_wait3A_1283 = arith.constant 53 : i32
    %dma_wait3A_1284 = tpu.memref_slice %arg16[%dma_wait3A_1283] : memref<128x!tpu.dma_semaphore, #tpu.memory_space<semaphore_mem>> -> memref<1x!tpu.dma_semaphore, #tpu.memory_space<semaphore_mem>>
    %dma_wait3A_1285 = tpu.memref_squeeze %dma_wait3A_1284 : memref<1x!tpu.dma_semaphore, #tpu.memory_space<semaphore_mem>> -> memref<!tpu.dma_semaphore, #tpu.memory_space<semaphore_mem>>
    %dma_wait3A_1286 = arith.constant 512 : i32
    %dma_wait3A_1287 = arith.constant 0 : i32
    %dma_wait3A_1288 = tpu.memref_slice %arg3[%dma_wait3A_1282, %dma_wait3A_1286, %dma_wait3A_1287] : memref<16x2048x2048xf32, #tpu.memory_space<hbm>> -> memref<1x512x2048xf32, #tpu.memory_space<hbm>>
    %dma_wait3A_1289 = tpu.memref_squeeze %dma_wait3A_1288 : memref<1x512x2048xf32, #tpu.memory_space<hbm>> -> memref<512x2048xf32, #tpu.memory_space<hbm>>
    tpu.wait_dma2 semaphore(%dma_wait3A_1285 : memref<!tpu.dma_semaphore, #tpu.memory_space<semaphore_mem>>) src(%arg13 : memref<512x2048xf32, #tpu.memory_space<vmem>>) dst(%dma_wait3A_1289 : memref<512x2048xf32, #tpu.memory_space<hbm>>)
    %dma_wait3A_1290 = arith.constant 13 : i32
    %dma_wait3A_1291 = arith.constant 54 : i32
    %dma_wait3A_1292 = tpu.memref_slice %arg16[%dma_wait3A_1291] : memref<128x!tpu.dma_semaphore, #tpu.memory_space<semaphore_mem>> -> memref<1x!tpu.dma_semaphore, #tpu.memory_space<semaphore_mem>>
    %dma_wait3A_1293 = tpu.memref_squeeze %dma_wait3A_1292 : memref<1x!tpu.dma_semaphore, #tpu.memory_space<semaphore_mem>> -> memref<!tpu.dma_semaphore, #tpu.memory_space<semaphore_mem>>
    %dma_wait3A_1294 = arith.constant 1024 : i32
    %dma_wait3A_1295 = arith.constant 0 : i32
    %dma_wait3A_1296 = tpu.memref_slice %arg3[%dma_wait3A_1290, %dma_wait3A_1294, %dma_wait3A_1295] : memref<16x2048x2048xf32, #tpu.memory_space<hbm>> -> memref<1x512x2048xf32, #tpu.memory_space<hbm>>
    %dma_wait3A_1297 = tpu.memref_squeeze %dma_wait3A_1296 : memref<1x512x2048xf32, #tpu.memory_space<hbm>> -> memref<512x2048xf32, #tpu.memory_space<hbm>>
    tpu.wait_dma2 semaphore(%dma_wait3A_1293 : memref<!tpu.dma_semaphore, #tpu.memory_space<semaphore_mem>>) src(%arg12 : memref<512x2048xf32, #tpu.memory_space<vmem>>) dst(%dma_wait3A_1297 : memref<512x2048xf32, #tpu.memory_space<hbm>>)
    %dma_wait3A_1298 = arith.constant 13 : i32
    %dma_wait3A_1299 = arith.constant 55 : i32
    %dma_wait3A_1300 = tpu.memref_slice %arg16[%dma_wait3A_1299] : memref<128x!tpu.dma_semaphore, #tpu.memory_space<semaphore_mem>> -> memref<1x!tpu.dma_semaphore, #tpu.memory_space<semaphore_mem>>
    %dma_wait3A_1301 = tpu.memref_squeeze %dma_wait3A_1300 : memref<1x!tpu.dma_semaphore, #tpu.memory_space<semaphore_mem>> -> memref<!tpu.dma_semaphore, #tpu.memory_space<semaphore_mem>>
    %dma_wait3A_1302 = arith.constant 1536 : i32
    %dma_wait3A_1303 = arith.constant 0 : i32
    %dma_wait3A_1304 = tpu.memref_slice %arg3[%dma_wait3A_1298, %dma_wait3A_1302, %dma_wait3A_1303] : memref<16x2048x2048xf32, #tpu.memory_space<hbm>> -> memref<1x504x2048xf32, #tpu.memory_space<hbm>>
    %dma_wait3A_1305 = tpu.memref_squeeze %dma_wait3A_1304 : memref<1x504x2048xf32, #tpu.memory_space<hbm>> -> memref<504x2048xf32, #tpu.memory_space<hbm>>
    %dma_wait3A_1306 = arith.constant 0 : i32
    %dma_wait3A_1307 = arith.constant 0 : i32
    %dma_wait3A_1308 = tpu.memref_slice %arg13[%dma_wait3A_1306, %dma_wait3A_1307] : memref<512x2048xf32, #tpu.memory_space<vmem>> -> memref<504x2048xf32, #tpu.memory_space<vmem>>
    tpu.wait_dma2 semaphore(%dma_wait3A_1301 : memref<!tpu.dma_semaphore, #tpu.memory_space<semaphore_mem>>) src(%dma_wait3A_1308 : memref<504x2048xf32, #tpu.memory_space<vmem>>) dst(%dma_wait3A_1305 : memref<504x2048xf32, #tpu.memory_space<hbm>>)
    %dma_wait3A_1309 = arith.constant 14 : i32
    %dma_wait3A_1310 = arith.constant 56 : i32
    %dma_wait3A_1311 = tpu.memref_slice %arg16[%dma_wait3A_1310] : memref<128x!tpu.dma_semaphore, #tpu.memory_space<semaphore_mem>> -> memref<1x!tpu.dma_semaphore, #tpu.memory_space<semaphore_mem>>
    %dma_wait3A_1312 = tpu.memref_squeeze %dma_wait3A_1311 : memref<1x!tpu.dma_semaphore, #tpu.memory_space<semaphore_mem>> -> memref<!tpu.dma_semaphore, #tpu.memory_space<semaphore_mem>>
    %dma_wait3A_1313 = arith.constant 0 : i32
    %dma_wait3A_1314 = arith.constant 0 : i32
    %dma_wait3A_1315 = tpu.memref_slice %arg3[%dma_wait3A_1309, %dma_wait3A_1313, %dma_wait3A_1314] : memref<16x2048x2048xf32, #tpu.memory_space<hbm>> -> memref<1x512x2048xf32, #tpu.memory_space<hbm>>
    %dma_wait3A_1316 = tpu.memref_squeeze %dma_wait3A_1315 : memref<1x512x2048xf32, #tpu.memory_space<hbm>> -> memref<512x2048xf32, #tpu.memory_space<hbm>>
    tpu.wait_dma2 semaphore(%dma_wait3A_1312 : memref<!tpu.dma_semaphore, #tpu.memory_space<semaphore_mem>>) src(%arg12 : memref<512x2048xf32, #tpu.memory_space<vmem>>) dst(%dma_wait3A_1316 : memref<512x2048xf32, #tpu.memory_space<hbm>>)
    %dma_wait3A_1317 = arith.constant 14 : i32
    %dma_wait3A_1318 = arith.constant 57 : i32
    %dma_wait3A_1319 = tpu.memref_slice %arg16[%dma_wait3A_1318] : memref<128x!tpu.dma_semaphore, #tpu.memory_space<semaphore_mem>> -> memref<1x!tpu.dma_semaphore, #tpu.memory_space<semaphore_mem>>
    %dma_wait3A_1320 = tpu.memref_squeeze %dma_wait3A_1319 : memref<1x!tpu.dma_semaphore, #tpu.memory_space<semaphore_mem>> -> memref<!tpu.dma_semaphore, #tpu.memory_space<semaphore_mem>>
    %dma_wait3A_1321 = arith.constant 512 : i32
    %dma_wait3A_1322 = arith.constant 0 : i32
    %dma_wait3A_1323 = tpu.memref_slice %arg3[%dma_wait3A_1317, %dma_wait3A_1321, %dma_wait3A_1322] : memref<16x2048x2048xf32, #tpu.memory_space<hbm>> -> memref<1x512x2048xf32, #tpu.memory_space<hbm>>
    %dma_wait3A_1324 = tpu.memref_squeeze %dma_wait3A_1323 : memref<1x512x2048xf32, #tpu.memory_space<hbm>> -> memref<512x2048xf32, #tpu.memory_space<hbm>>
    tpu.wait_dma2 semaphore(%dma_wait3A_1320 : memref<!tpu.dma_semaphore, #tpu.memory_space<semaphore_mem>>) src(%arg13 : memref<512x2048xf32, #tpu.memory_space<vmem>>) dst(%dma_wait3A_1324 : memref<512x2048xf32, #tpu.memory_space<hbm>>)
    %dma_wait3A_1325 = arith.constant 14 : i32
    %dma_wait3A_1326 = arith.constant 58 : i32
    %dma_wait3A_1327 = tpu.memref_slice %arg16[%dma_wait3A_1326] : memref<128x!tpu.dma_semaphore, #tpu.memory_space<semaphore_mem>> -> memref<1x!tpu.dma_semaphore, #tpu.memory_space<semaphore_mem>>
    %dma_wait3A_1328 = tpu.memref_squeeze %dma_wait3A_1327 : memref<1x!tpu.dma_semaphore, #tpu.memory_space<semaphore_mem>> -> memref<!tpu.dma_semaphore, #tpu.memory_space<semaphore_mem>>
    %dma_wait3A_1329 = arith.constant 1024 : i32
    %dma_wait3A_1330 = arith.constant 0 : i32
    %dma_wait3A_1331 = tpu.memref_slice %arg3[%dma_wait3A_1325, %dma_wait3A_1329, %dma_wait3A_1330] : memref<16x2048x2048xf32, #tpu.memory_space<hbm>> -> memref<1x512x2048xf32, #tpu.memory_space<hbm>>
    %dma_wait3A_1332 = tpu.memref_squeeze %dma_wait3A_1331 : memref<1x512x2048xf32, #tpu.memory_space<hbm>> -> memref<512x2048xf32, #tpu.memory_space<hbm>>
    tpu.wait_dma2 semaphore(%dma_wait3A_1328 : memref<!tpu.dma_semaphore, #tpu.memory_space<semaphore_mem>>) src(%arg12 : memref<512x2048xf32, #tpu.memory_space<vmem>>) dst(%dma_wait3A_1332 : memref<512x2048xf32, #tpu.memory_space<hbm>>)
    %dma_wait3A_1333 = arith.constant 14 : i32
    %dma_wait3A_1334 = arith.constant 59 : i32
    %dma_wait3A_1335 = tpu.memref_slice %arg16[%dma_wait3A_1334] : memref<128x!tpu.dma_semaphore, #tpu.memory_space<semaphore_mem>> -> memref<1x!tpu.dma_semaphore, #tpu.memory_space<semaphore_mem>>
    %dma_wait3A_1336 = tpu.memref_squeeze %dma_wait3A_1335 : memref<1x!tpu.dma_semaphore, #tpu.memory_space<semaphore_mem>> -> memref<!tpu.dma_semaphore, #tpu.memory_space<semaphore_mem>>
    %dma_wait3A_1337 = arith.constant 1536 : i32
    %dma_wait3A_1338 = arith.constant 0 : i32
    %dma_wait3A_1339 = tpu.memref_slice %arg3[%dma_wait3A_1333, %dma_wait3A_1337, %dma_wait3A_1338] : memref<16x2048x2048xf32, #tpu.memory_space<hbm>> -> memref<1x504x2048xf32, #tpu.memory_space<hbm>>
    %dma_wait3A_1340 = tpu.memref_squeeze %dma_wait3A_1339 : memref<1x504x2048xf32, #tpu.memory_space<hbm>> -> memref<504x2048xf32, #tpu.memory_space<hbm>>
    %dma_wait3A_1341 = arith.constant 0 : i32
    %dma_wait3A_1342 = arith.constant 0 : i32
    %dma_wait3A_1343 = tpu.memref_slice %arg13[%dma_wait3A_1341, %dma_wait3A_1342] : memref<512x2048xf32, #tpu.memory_space<vmem>> -> memref<504x2048xf32, #tpu.memory_space<vmem>>
    tpu.wait_dma2 semaphore(%dma_wait3A_1336 : memref<!tpu.dma_semaphore, #tpu.memory_space<semaphore_mem>>) src(%dma_wait3A_1343 : memref<504x2048xf32, #tpu.memory_space<vmem>>) dst(%dma_wait3A_1340 : memref<504x2048xf32, #tpu.memory_space<hbm>>)
    %dma_wait3A_1344 = arith.constant 15 : i32
    %dma_wait3A_1345 = arith.constant 60 : i32
    %dma_wait3A_1346 = tpu.memref_slice %arg16[%dma_wait3A_1345] : memref<128x!tpu.dma_semaphore, #tpu.memory_space<semaphore_mem>> -> memref<1x!tpu.dma_semaphore, #tpu.memory_space<semaphore_mem>>
    %dma_wait3A_1347 = tpu.memref_squeeze %dma_wait3A_1346 : memref<1x!tpu.dma_semaphore, #tpu.memory_space<semaphore_mem>> -> memref<!tpu.dma_semaphore, #tpu.memory_space<semaphore_mem>>
    %dma_wait3A_1348 = arith.constant 0 : i32
    %dma_wait3A_1349 = arith.constant 0 : i32
    %dma_wait3A_1350 = tpu.memref_slice %arg3[%dma_wait3A_1344, %dma_wait3A_1348, %dma_wait3A_1349] : memref<16x2048x2048xf32, #tpu.memory_space<hbm>> -> memref<1x512x2048xf32, #tpu.memory_space<hbm>>
    %dma_wait3A_1351 = tpu.memref_squeeze %dma_wait3A_1350 : memref<1x512x2048xf32, #tpu.memory_space<hbm>> -> memref<512x2048xf32, #tpu.memory_space<hbm>>
    tpu.wait_dma2 semaphore(%dma_wait3A_1347 : memref<!tpu.dma_semaphore, #tpu.memory_space<semaphore_mem>>) src(%arg12 : memref<512x2048xf32, #tpu.memory_space<vmem>>) dst(%dma_wait3A_1351 : memref<512x2048xf32, #tpu.memory_space<hbm>>)
    %dma_wait3A_1352 = arith.constant 15 : i32
    %dma_wait3A_1353 = arith.constant 61 : i32
    %dma_wait3A_1354 = tpu.memref_slice %arg16[%dma_wait3A_1353] : memref<128x!tpu.dma_semaphore, #tpu.memory_space<semaphore_mem>> -> memref<1x!tpu.dma_semaphore, #tpu.memory_space<semaphore_mem>>
    %dma_wait3A_1355 = tpu.memref_squeeze %dma_wait3A_1354 : memref<1x!tpu.dma_semaphore, #tpu.memory_space<semaphore_mem>> -> memref<!tpu.dma_semaphore, #tpu.memory_space<semaphore_mem>>
    %dma_wait3A_1356 = arith.constant 512 : i32
    %dma_wait3A_1357 = arith.constant 0 : i32
    %dma_wait3A_1358 = tpu.memref_slice %arg3[%dma_wait3A_1352, %dma_wait3A_1356, %dma_wait3A_1357] : memref<16x2048x2048xf32, #tpu.memory_space<hbm>> -> memref<1x512x2048xf32, #tpu.memory_space<hbm>>
    %dma_wait3A_1359 = tpu.memref_squeeze %dma_wait3A_1358 : memref<1x512x2048xf32, #tpu.memory_space<hbm>> -> memref<512x2048xf32, #tpu.memory_space<hbm>>
    tpu.wait_dma2 semaphore(%dma_wait3A_1355 : memref<!tpu.dma_semaphore, #tpu.memory_space<semaphore_mem>>) src(%arg13 : memref<512x2048xf32, #tpu.memory_space<vmem>>) dst(%dma_wait3A_1359 : memref<512x2048xf32, #tpu.memory_space<hbm>>)
    %dma_wait3A_1360 = arith.constant 15 : i32
    %dma_wait3A_1361 = arith.constant 62 : i32
    %dma_wait3A_1362 = tpu.memref_slice %arg16[%dma_wait3A_1361] : memref<128x!tpu.dma_semaphore, #tpu.memory_space<semaphore_mem>> -> memref<1x!tpu.dma_semaphore, #tpu.memory_space<semaphore_mem>>
    %dma_wait3A_1363 = tpu.memref_squeeze %dma_wait3A_1362 : memref<1x!tpu.dma_semaphore, #tpu.memory_space<semaphore_mem>> -> memref<!tpu.dma_semaphore, #tpu.memory_space<semaphore_mem>>
    %dma_wait3A_1364 = arith.constant 1024 : i32
    %dma_wait3A_1365 = arith.constant 0 : i32
    %dma_wait3A_1366 = tpu.memref_slice %arg3[%dma_wait3A_1360, %dma_wait3A_1364, %dma_wait3A_1365] : memref<16x2048x2048xf32, #tpu.memory_space<hbm>> -> memref<1x512x2048xf32, #tpu.memory_space<hbm>>
    %dma_wait3A_1367 = tpu.memref_squeeze %dma_wait3A_1366 : memref<1x512x2048xf32, #tpu.memory_space<hbm>> -> memref<512x2048xf32, #tpu.memory_space<hbm>>
    tpu.wait_dma2 semaphore(%dma_wait3A_1363 : memref<!tpu.dma_semaphore, #tpu.memory_space<semaphore_mem>>) src(%arg12 : memref<512x2048xf32, #tpu.memory_space<vmem>>) dst(%dma_wait3A_1367 : memref<512x2048xf32, #tpu.memory_space<hbm>>)
    %dma_wait3A_1368 = arith.constant 15 : i32
    %dma_wait3A_1369 = arith.constant 63 : i32
    %dma_wait3A_1370 = tpu.memref_slice %arg16[%dma_wait3A_1369] : memref<128x!tpu.dma_semaphore, #tpu.memory_space<semaphore_mem>> -> memref<1x!tpu.dma_semaphore, #tpu.memory_space<semaphore_mem>>
    %dma_wait3A_1371 = tpu.memref_squeeze %dma_wait3A_1370 : memref<1x!tpu.dma_semaphore, #tpu.memory_space<semaphore_mem>> -> memref<!tpu.dma_semaphore, #tpu.memory_space<semaphore_mem>>
    %dma_wait3A_1372 = arith.constant 1536 : i32
    %dma_wait3A_1373 = arith.constant 0 : i32
    %dma_wait3A_1374 = tpu.memref_slice %arg3[%dma_wait3A_1368, %dma_wait3A_1372, %dma_wait3A_1373] : memref<16x2048x2048xf32, #tpu.memory_space<hbm>> -> memref<1x504x2048xf32, #tpu.memory_space<hbm>>
    %dma_wait3A_1375 = tpu.memref_squeeze %dma_wait3A_1374 : memref<1x504x2048xf32, #tpu.memory_space<hbm>> -> memref<504x2048xf32, #tpu.memory_space<hbm>>
    %dma_wait3A_1376 = arith.constant 0 : i32
    %dma_wait3A_1377 = arith.constant 0 : i32
    %dma_wait3A_1378 = tpu.memref_slice %arg13[%dma_wait3A_1376, %dma_wait3A_1377] : memref<512x2048xf32, #tpu.memory_space<vmem>> -> memref<504x2048xf32, #tpu.memory_space<vmem>>
    tpu.wait_dma2 semaphore(%dma_wait3A_1371 : memref<!tpu.dma_semaphore, #tpu.memory_space<semaphore_mem>>) src(%dma_wait3A_1378 : memref<504x2048xf32, #tpu.memory_space<vmem>>) dst(%dma_wait3A_1375 : memref<504x2048xf32, #tpu.memory_space<hbm>>)
    %dma_wait3A_1379 = arith.constant 64 : i32
    %dma_wait3A_1380 = tpu.memref_slice %arg16[%dma_wait3A_1379] : memref<128x!tpu.dma_semaphore, #tpu.memory_space<semaphore_mem>> -> memref<1x!tpu.dma_semaphore, #tpu.memory_space<semaphore_mem>>
    %dma_wait3A_1381 = tpu.memref_squeeze %dma_wait3A_1380 : memref<1x!tpu.dma_semaphore, #tpu.memory_space<semaphore_mem>> -> memref<!tpu.dma_semaphore, #tpu.memory_space<semaphore_mem>>
    %dma_wait3A_1382 = arith.constant 0 : i32
    %dma_wait3A_1383 = arith.constant 0 : i32
    %dma_wait3A_1384 = tpu.memref_slice %arg4[%dma_wait3A_1382, %dma_wait3A_1383] : memref<2048x1024xf32, #tpu.memory_space<hbm>> -> memref<512x1024xf32, #tpu.memory_space<hbm>>
    %dma_wait3A_1385 = arith.constant 0 : i32
    %dma_wait3A_1386 = arith.constant 0 : i32
    %dma_wait3A_1387 = tpu.memref_slice %arg12[%dma_wait3A_1385, %dma_wait3A_1386] : memref<512x2048xf32, #tpu.memory_space<vmem>> -> memref<512x1024xf32, #tpu.memory_space<vmem>>
    tpu.wait_dma2 semaphore(%dma_wait3A_1381 : memref<!tpu.dma_semaphore, #tpu.memory_space<semaphore_mem>>) src(%dma_wait3A_1387 : memref<512x1024xf32, #tpu.memory_space<vmem>>) dst(%dma_wait3A_1384 : memref<512x1024xf32, #tpu.memory_space<hbm>>)
    %dma_wait3A_1388 = arith.constant 65 : i32
    %dma_wait3A_1389 = tpu.memref_slice %arg16[%dma_wait3A_1388] : memref<128x!tpu.dma_semaphore, #tpu.memory_space<semaphore_mem>> -> memref<1x!tpu.dma_semaphore, #tpu.memory_space<semaphore_mem>>
    %dma_wait3A_1390 = tpu.memref_squeeze %dma_wait3A_1389 : memref<1x!tpu.dma_semaphore, #tpu.memory_space<semaphore_mem>> -> memref<!tpu.dma_semaphore, #tpu.memory_space<semaphore_mem>>
    %dma_wait3A_1391 = arith.constant 512 : i32
    %dma_wait3A_1392 = arith.constant 0 : i32
    %dma_wait3A_1393 = tpu.memref_slice %arg4[%dma_wait3A_1391, %dma_wait3A_1392] : memref<2048x1024xf32, #tpu.memory_space<hbm>> -> memref<512x1024xf32, #tpu.memory_space<hbm>>
    %dma_wait3A_1394 = arith.constant 0 : i32
    %dma_wait3A_1395 = arith.constant 0 : i32
    %dma_wait3A_1396 = tpu.memref_slice %arg13[%dma_wait3A_1394, %dma_wait3A_1395] : memref<512x2048xf32, #tpu.memory_space<vmem>> -> memref<512x1024xf32, #tpu.memory_space<vmem>>
    tpu.wait_dma2 semaphore(%dma_wait3A_1390 : memref<!tpu.dma_semaphore, #tpu.memory_space<semaphore_mem>>) src(%dma_wait3A_1396 : memref<512x1024xf32, #tpu.memory_space<vmem>>) dst(%dma_wait3A_1393 : memref<512x1024xf32, #tpu.memory_space<hbm>>)
    %dma_wait3A_1397 = arith.constant 66 : i32
    %dma_wait3A_1398 = tpu.memref_slice %arg16[%dma_wait3A_1397] : memref<128x!tpu.dma_semaphore, #tpu.memory_space<semaphore_mem>> -> memref<1x!tpu.dma_semaphore, #tpu.memory_space<semaphore_mem>>
    %dma_wait3A_1399 = tpu.memref_squeeze %dma_wait3A_1398 : memref<1x!tpu.dma_semaphore, #tpu.memory_space<semaphore_mem>> -> memref<!tpu.dma_semaphore, #tpu.memory_space<semaphore_mem>>
    %dma_wait3A_1400 = arith.constant 1024 : i32
    %dma_wait3A_1401 = arith.constant 0 : i32
    %dma_wait3A_1402 = tpu.memref_slice %arg4[%dma_wait3A_1400, %dma_wait3A_1401] : memref<2048x1024xf32, #tpu.memory_space<hbm>> -> memref<512x1024xf32, #tpu.memory_space<hbm>>
    %dma_wait3A_1403 = arith.constant 0 : i32
    %dma_wait3A_1404 = arith.constant 0 : i32
    %dma_wait3A_1405 = tpu.memref_slice %arg12[%dma_wait3A_1403, %dma_wait3A_1404] : memref<512x2048xf32, #tpu.memory_space<vmem>> -> memref<512x1024xf32, #tpu.memory_space<vmem>>
    tpu.wait_dma2 semaphore(%dma_wait3A_1399 : memref<!tpu.dma_semaphore, #tpu.memory_space<semaphore_mem>>) src(%dma_wait3A_1405 : memref<512x1024xf32, #tpu.memory_space<vmem>>) dst(%dma_wait3A_1402 : memref<512x1024xf32, #tpu.memory_space<hbm>>)
    %dma_wait3A_1406 = arith.constant 67 : i32
    %dma_wait3A_1407 = tpu.memref_slice %arg16[%dma_wait3A_1406] : memref<128x!tpu.dma_semaphore, #tpu.memory_space<semaphore_mem>> -> memref<1x!tpu.dma_semaphore, #tpu.memory_space<semaphore_mem>>
    %dma_wait3A_1408 = tpu.memref_squeeze %dma_wait3A_1407 : memref<1x!tpu.dma_semaphore, #tpu.memory_space<semaphore_mem>> -> memref<!tpu.dma_semaphore, #tpu.memory_space<semaphore_mem>>
    %dma_wait3A_1409 = arith.constant 1536 : i32
    %dma_wait3A_1410 = arith.constant 0 : i32
    %dma_wait3A_1411 = tpu.memref_slice %arg4[%dma_wait3A_1409, %dma_wait3A_1410] : memref<2048x1024xf32, #tpu.memory_space<hbm>> -> memref<504x1024xf32, #tpu.memory_space<hbm>>
    %dma_wait3A_1412 = arith.constant 0 : i32
    %dma_wait3A_1413 = arith.constant 0 : i32
    %dma_wait3A_1414 = tpu.memref_slice %arg12[%dma_wait3A_1412, %dma_wait3A_1413] : memref<512x2048xf32, #tpu.memory_space<vmem>> -> memref<504x1024xf32, #tpu.memory_space<vmem>>
    tpu.wait_dma2 semaphore(%dma_wait3A_1408 : memref<!tpu.dma_semaphore, #tpu.memory_space<semaphore_mem>>) src(%dma_wait3A_1414 : memref<504x1024xf32, #tpu.memory_space<vmem>>) dst(%dma_wait3A_1411 : memref<504x1024xf32, #tpu.memory_space<hbm>>)
    %dma_wait3A_1415 = arith.constant 68 : i32
    %dma_wait3A_1416 = tpu.memref_slice %arg16[%dma_wait3A_1415] : memref<128x!tpu.dma_semaphore, #tpu.memory_space<semaphore_mem>> -> memref<1x!tpu.dma_semaphore, #tpu.memory_space<semaphore_mem>>
    %dma_wait3A_1417 = tpu.memref_squeeze %dma_wait3A_1416 : memref<1x!tpu.dma_semaphore, #tpu.memory_space<semaphore_mem>> -> memref<!tpu.dma_semaphore, #tpu.memory_space<semaphore_mem>>
    %dma_wait3A_1418 = arith.constant 0 : i32
    %dma_wait3A_1419 = arith.constant 0 : i32
    %dma_wait3A_1420 = tpu.memref_slice %arg5[%dma_wait3A_1418, %dma_wait3A_1419] : memref<2048x512xf32, #tpu.memory_space<hbm>> -> memref<1024x512xf32, #tpu.memory_space<hbm>>
    %dma_wait3A_1421 = arith.constant 0 : i32
    %dma_wait3A_1422 = arith.constant 0 : i32
    %dma_wait3A_1423 = tpu.memref_slice %arg11[%dma_wait3A_1421, %dma_wait3A_1422] : memref<2048x512xf32, #tpu.memory_space<vmem>> -> memref<1024x512xf32, #tpu.memory_space<vmem>>
    tpu.wait_dma2 semaphore(%dma_wait3A_1417 : memref<!tpu.dma_semaphore, #tpu.memory_space<semaphore_mem>>) src(%dma_wait3A_1423 : memref<1024x512xf32, #tpu.memory_space<vmem>>) dst(%dma_wait3A_1420 : memref<1024x512xf32, #tpu.memory_space<hbm>>)
    %dma_wait3A_1424 = arith.constant 69 : i32
    %dma_wait3A_1425 = tpu.memref_slice %arg16[%dma_wait3A_1424] : memref<128x!tpu.dma_semaphore, #tpu.memory_space<semaphore_mem>> -> memref<1x!tpu.dma_semaphore, #tpu.memory_space<semaphore_mem>>
    %dma_wait3A_1426 = tpu.memref_squeeze %dma_wait3A_1425 : memref<1x!tpu.dma_semaphore, #tpu.memory_space<semaphore_mem>> -> memref<!tpu.dma_semaphore, #tpu.memory_space<semaphore_mem>>
    %dma_wait3A_1427 = arith.constant 1024 : i32
    %dma_wait3A_1428 = arith.constant 0 : i32
    %dma_wait3A_1429 = tpu.memref_slice %arg5[%dma_wait3A_1427, %dma_wait3A_1428] : memref<2048x512xf32, #tpu.memory_space<hbm>> -> memref<1024x512xf32, #tpu.memory_space<hbm>>
    %dma_wait3A_1430 = arith.constant 1024 : i32
    %dma_wait3A_1431 = arith.constant 0 : i32
    %dma_wait3A_1432 = tpu.memref_slice %arg11[%dma_wait3A_1430, %dma_wait3A_1431] : memref<2048x512xf32, #tpu.memory_space<vmem>> -> memref<1024x512xf32, #tpu.memory_space<vmem>>
    tpu.wait_dma2 semaphore(%dma_wait3A_1426 : memref<!tpu.dma_semaphore, #tpu.memory_space<semaphore_mem>>) src(%dma_wait3A_1432 : memref<1024x512xf32, #tpu.memory_space<vmem>>) dst(%dma_wait3A_1429 : memref<1024x512xf32, #tpu.memory_space<hbm>>)
    %dma_wait3A_1433 = arith.constant 70 : i32
    %dma_wait3A_1434 = tpu.memref_slice %arg16[%dma_wait3A_1433] : memref<128x!tpu.dma_semaphore, #tpu.memory_space<semaphore_mem>> -> memref<1x!tpu.dma_semaphore, #tpu.memory_space<semaphore_mem>>
    %dma_wait3A_1435 = tpu.memref_squeeze %dma_wait3A_1434 : memref<1x!tpu.dma_semaphore, #tpu.memory_space<semaphore_mem>> -> memref<!tpu.dma_semaphore, #tpu.memory_space<semaphore_mem>>
    tpu.wait_dma2 semaphore(%dma_wait3A_1435 : memref<!tpu.dma_semaphore, #tpu.memory_space<semaphore_mem>>) src(%arg14 : memref<16x2048xf32, #tpu.memory_space<vmem>>) dst(%arg6 : memref<16x2048xf32, #tpu.memory_space<hbm>>)
    %dma_wait3A_1436 = arith.constant 71 : i32
    %dma_wait3A_1437 = tpu.memref_slice %arg16[%dma_wait3A_1436] : memref<128x!tpu.dma_semaphore, #tpu.memory_space<semaphore_mem>> -> memref<1x!tpu.dma_semaphore, #tpu.memory_space<semaphore_mem>>
    %dma_wait3A_1438 = tpu.memref_squeeze %dma_wait3A_1437 : memref<1x!tpu.dma_semaphore, #tpu.memory_space<semaphore_mem>> -> memref<!tpu.dma_semaphore, #tpu.memory_space<semaphore_mem>>
    tpu.wait_dma2 semaphore(%dma_wait3A_1438 : memref<!tpu.dma_semaphore, #tpu.memory_space<semaphore_mem>>) src(%arg15 : memref<1x2048xf32, #tpu.memory_space<vmem>>) dst(%arg7 : memref<1x2048xf32, #tpu.memory_space<hbm>>)
    return
  }
}

module attributes {stable_mosaic.version = 14 : i64} {
  func.func @_tail_kernel(%arg0: memref<16x2048xf32, #tpu.memory_space<vmem>>, %arg1: memref<1x2048xf32, #tpu.memory_space<vmem>>, %arg2: memref<2048x512xf32, #tpu.memory_space<hbm>>, %arg3: memref<1024x1024xf32, #tpu.memory_space<hbm>>, %arg4: memref<16x2048x2048xf32, #tpu.memory_space<hbm>>, %arg5: memref<2048x1024xf32, #tpu.memory_space<hbm>>, %arg6: memref<16x2048x2048xf32, #tpu.memory_space<hbm>>, %arg7: memref<2048x1024xf32, #tpu.memory_space<hbm>>, %arg8: memref<2048x256xf32, #tpu.memory_space<vmem>>, %arg9: memref<1024x1024xf32, #tpu.memory_space<vmem>>, %arg10: memref<128x2048xf32, #tpu.memory_space<vmem>>, %arg11: memref<8x1024xf32, #tpu.memory_space<vmem>>, %arg12: memref<64x!tpu.dma_semaphore, #tpu.memory_space<semaphore_mem>>) attributes {dimension_semantics = [], scalar_prefetch = 0 : i64, scratch_operands = 5 : i64, tpu.core_type = #tpu.core_type<tc>} {
    %dma_start3A = arith.constant 30 : i32
    %dma_start3A_0 = tpu.memref_slice %arg12[%dma_start3A] : memref<64x!tpu.dma_semaphore, #tpu.memory_space<semaphore_mem>> -> memref<1x!tpu.dma_semaphore, #tpu.memory_space<semaphore_mem>>
    %dma_start3A_1 = tpu.memref_squeeze %dma_start3A_0 : memref<1x!tpu.dma_semaphore, #tpu.memory_space<semaphore_mem>> -> memref<!tpu.dma_semaphore, #tpu.memory_space<semaphore_mem>>
    %dma_start3A_2 = arith.constant 0 : i32
    %dma_start3A_3 = arith.constant 256 : i32
    %dma_start3A_4 = tpu.memref_slice %arg2[%dma_start3A_2, %dma_start3A_3] : memref<2048x512xf32, #tpu.memory_space<hbm>> -> memref<2048x256xf32, #tpu.memory_space<hbm>>
    tpu.enqueue_dma source(%dma_start3A_4 : memref<2048x256xf32, #tpu.memory_space<hbm>>) target(%arg8 : memref<2048x256xf32, #tpu.memory_space<vmem>>) target_semaphore(%dma_start3A_1 : memref<!tpu.dma_semaphore, #tpu.memory_space<semaphore_mem>>)
    %dma_start3A_5 = arith.constant 31 : i32
    %dma_start3A_6 = tpu.memref_slice %arg12[%dma_start3A_5] : memref<64x!tpu.dma_semaphore, #tpu.memory_space<semaphore_mem>> -> memref<1x!tpu.dma_semaphore, #tpu.memory_space<semaphore_mem>>
    %dma_start3A_7 = tpu.memref_squeeze %dma_start3A_6 : memref<1x!tpu.dma_semaphore, #tpu.memory_space<semaphore_mem>> -> memref<!tpu.dma_semaphore, #tpu.memory_space<semaphore_mem>>
    tpu.enqueue_dma source(%arg3 : memref<1024x1024xf32, #tpu.memory_space<hbm>>) target(%arg9 : memref<1024x1024xf32, #tpu.memory_space<vmem>>) target_semaphore(%dma_start3A_7 : memref<!tpu.dma_semaphore, #tpu.memory_space<semaphore_mem>>)
    %get3A = arith.constant 0 : index
    %get3A_8 = arith.constant 0 : index
    %get3A_9 = vector.load %arg0[%get3A, %get3A_8] : memref<16x2048xf32, #tpu.memory_space<vmem>>, vector<16x2048xf32>
    %get3A_10 = arith.constant 0 : index
    %get3A_11 = arith.constant 0 : index
    %get3A_12 = vector.load %arg1[%get3A_10, %get3A_11] : memref<1x2048xf32, #tpu.memory_space<vmem>>, vector<1x2048xf32>
    %mul3A = vector.broadcast %get3A_12 : vector<1x2048xf32> to vector<16x2048xf32>
    %mul3A_13 = arith.mulf %get3A_9, %mul3A : vector<16x2048xf32>
    %broadcast_in_dim3A = arith.constant 0.000000e+00 : f32
    %broadcast_in_dim3A_14 = vector.broadcast %broadcast_in_dim3A : f32 to vector<128x2048xf32>
    %swap3A = arith.constant 0 : index
    %swap3A_15 = arith.constant 0 : index
    %swap3A_16 = vector.load %arg10[%swap3A, %swap3A_15] : memref<128x2048xf32, #tpu.memory_space<vmem>>, vector<128x2048xf32>
    tpu.vector_store %arg10[%swap3A, %swap3A_15], %broadcast_in_dim3A_14 {strides = array<i32>} : memref<128x2048xf32, #tpu.memory_space<vmem>>, vector<128x2048xf32>,
    %slice3A = vector.extract_strided_slice %mul3A_13 {offsets = [0, 0], sizes = [1, 2048], strides = [1, 1]} : vector<16x2048xf32> to vector<1x2048xf32>
    %swap3A_17 = arith.constant 7 : index
    %swap3A_18 = arith.constant 0 : index
    %swap3A_19 = vector.load %arg10[%swap3A_17, %swap3A_18] : memref<128x2048xf32, #tpu.memory_space<vmem>>, vector<1x2048xf32>
    tpu.vector_store %arg10[%swap3A_17, %swap3A_18], %slice3A {strides = array<i32>} : memref<128x2048xf32, #tpu.memory_space<vmem>>, vector<1x2048xf32>,
    %slice3A_20 = vector.extract_strided_slice %mul3A_13 {offsets = [1, 0], sizes = [1, 2048], strides = [1, 1]} : vector<16x2048xf32> to vector<1x2048xf32>
    %swap3A_21 = arith.constant 15 : index
    %swap3A_22 = arith.constant 0 : index
    %swap3A_23 = vector.load %arg10[%swap3A_21, %swap3A_22] : memref<128x2048xf32, #tpu.memory_space<vmem>>, vector<1x2048xf32>
    tpu.vector_store %arg10[%swap3A_21, %swap3A_22], %slice3A_20 {strides = array<i32>} : memref<128x2048xf32, #tpu.memory_space<vmem>>, vector<1x2048xf32>,
    %slice3A_24 = vector.extract_strided_slice %mul3A_13 {offsets = [2, 0], sizes = [1, 2048], strides = [1, 1]} : vector<16x2048xf32> to vector<1x2048xf32>
    %swap3A_25 = arith.constant 23 : index
    %swap3A_26 = arith.constant 0 : index
    %swap3A_27 = vector.load %arg10[%swap3A_25, %swap3A_26] : memref<128x2048xf32, #tpu.memory_space<vmem>>, vector<1x2048xf32>
    tpu.vector_store %arg10[%swap3A_25, %swap3A_26], %slice3A_24 {strides = array<i32>} : memref<128x2048xf32, #tpu.memory_space<vmem>>, vector<1x2048xf32>,
    %slice3A_28 = vector.extract_strided_slice %mul3A_13 {offsets = [3, 0], sizes = [1, 2048], strides = [1, 1]} : vector<16x2048xf32> to vector<1x2048xf32>
    %swap3A_29 = arith.constant 31 : index
    %swap3A_30 = arith.constant 0 : index
    %swap3A_31 = vector.load %arg10[%swap3A_29, %swap3A_30] : memref<128x2048xf32, #tpu.memory_space<vmem>>, vector<1x2048xf32>
    tpu.vector_store %arg10[%swap3A_29, %swap3A_30], %slice3A_28 {strides = array<i32>} : memref<128x2048xf32, #tpu.memory_space<vmem>>, vector<1x2048xf32>,
    %slice3A_32 = vector.extract_strided_slice %mul3A_13 {offsets = [4, 0], sizes = [1, 2048], strides = [1, 1]} : vector<16x2048xf32> to vector<1x2048xf32>
    %swap3A_33 = arith.constant 39 : index
    %swap3A_34 = arith.constant 0 : index
    %swap3A_35 = vector.load %arg10[%swap3A_33, %swap3A_34] : memref<128x2048xf32, #tpu.memory_space<vmem>>, vector<1x2048xf32>
    tpu.vector_store %arg10[%swap3A_33, %swap3A_34], %slice3A_32 {strides = array<i32>} : memref<128x2048xf32, #tpu.memory_space<vmem>>, vector<1x2048xf32>,
    %slice3A_36 = vector.extract_strided_slice %mul3A_13 {offsets = [5, 0], sizes = [1, 2048], strides = [1, 1]} : vector<16x2048xf32> to vector<1x2048xf32>
    %swap3A_37 = arith.constant 47 : index
    %swap3A_38 = arith.constant 0 : index
    %swap3A_39 = vector.load %arg10[%swap3A_37, %swap3A_38] : memref<128x2048xf32, #tpu.memory_space<vmem>>, vector<1x2048xf32>
    tpu.vector_store %arg10[%swap3A_37, %swap3A_38], %slice3A_36 {strides = array<i32>} : memref<128x2048xf32, #tpu.memory_space<vmem>>, vector<1x2048xf32>,
    %slice3A_40 = vector.extract_strided_slice %mul3A_13 {offsets = [6, 0], sizes = [1, 2048], strides = [1, 1]} : vector<16x2048xf32> to vector<1x2048xf32>
    %swap3A_41 = arith.constant 55 : index
    %swap3A_42 = arith.constant 0 : index
    %swap3A_43 = vector.load %arg10[%swap3A_41, %swap3A_42] : memref<128x2048xf32, #tpu.memory_space<vmem>>, vector<1x2048xf32>
    tpu.vector_store %arg10[%swap3A_41, %swap3A_42], %slice3A_40 {strides = array<i32>} : memref<128x2048xf32, #tpu.memory_space<vmem>>, vector<1x2048xf32>,
    %slice3A_44 = vector.extract_strided_slice %mul3A_13 {offsets = [7, 0], sizes = [1, 2048], strides = [1, 1]} : vector<16x2048xf32> to vector<1x2048xf32>
    %swap3A_45 = arith.constant 63 : index
    %swap3A_46 = arith.constant 0 : index
    %swap3A_47 = vector.load %arg10[%swap3A_45, %swap3A_46] : memref<128x2048xf32, #tpu.memory_space<vmem>>, vector<1x2048xf32>
    tpu.vector_store %arg10[%swap3A_45, %swap3A_46], %slice3A_44 {strides = array<i32>} : memref<128x2048xf32, #tpu.memory_space<vmem>>, vector<1x2048xf32>,
    %slice3A_48 = vector.extract_strided_slice %mul3A_13 {offsets = [8, 0], sizes = [1, 2048], strides = [1, 1]} : vector<16x2048xf32> to vector<1x2048xf32>
    %swap3A_49 = arith.constant 71 : index
    %swap3A_50 = arith.constant 0 : index
    %swap3A_51 = vector.load %arg10[%swap3A_49, %swap3A_50] : memref<128x2048xf32, #tpu.memory_space<vmem>>, vector<1x2048xf32>
    tpu.vector_store %arg10[%swap3A_49, %swap3A_50], %slice3A_48 {strides = array<i32>} : memref<128x2048xf32, #tpu.memory_space<vmem>>, vector<1x2048xf32>,
    %slice3A_52 = vector.extract_strided_slice %mul3A_13 {offsets = [9, 0], sizes = [1, 2048], strides = [1, 1]} : vector<16x2048xf32> to vector<1x2048xf32>
    %swap3A_53 = arith.constant 79 : index
    %swap3A_54 = arith.constant 0 : index
    %swap3A_55 = vector.load %arg10[%swap3A_53, %swap3A_54] : memref<128x2048xf32, #tpu.memory_space<vmem>>, vector<1x2048xf32>
    tpu.vector_store %arg10[%swap3A_53, %swap3A_54], %slice3A_52 {strides = array<i32>} : memref<128x2048xf32, #tpu.memory_space<vmem>>, vector<1x2048xf32>,
    %slice3A_56 = vector.extract_strided_slice %mul3A_13 {offsets = [10, 0], sizes = [1, 2048], strides = [1, 1]} : vector<16x2048xf32> to vector<1x2048xf32>
    %swap3A_57 = arith.constant 87 : index
    %swap3A_58 = arith.constant 0 : index
    %swap3A_59 = vector.load %arg10[%swap3A_57, %swap3A_58] : memref<128x2048xf32, #tpu.memory_space<vmem>>, vector<1x2048xf32>
    tpu.vector_store %arg10[%swap3A_57, %swap3A_58], %slice3A_56 {strides = array<i32>} : memref<128x2048xf32, #tpu.memory_space<vmem>>, vector<1x2048xf32>,
    %slice3A_60 = vector.extract_strided_slice %mul3A_13 {offsets = [11, 0], sizes = [1, 2048], strides = [1, 1]} : vector<16x2048xf32> to vector<1x2048xf32>
    %swap3A_61 = arith.constant 95 : index
    %swap3A_62 = arith.constant 0 : index
    %swap3A_63 = vector.load %arg10[%swap3A_61, %swap3A_62] : memref<128x2048xf32, #tpu.memory_space<vmem>>, vector<1x2048xf32>
    tpu.vector_store %arg10[%swap3A_61, %swap3A_62], %slice3A_60 {strides = array<i32>} : memref<128x2048xf32, #tpu.memory_space<vmem>>, vector<1x2048xf32>,
    %slice3A_64 = vector.extract_strided_slice %mul3A_13 {offsets = [12, 0], sizes = [1, 2048], strides = [1, 1]} : vector<16x2048xf32> to vector<1x2048xf32>
    %swap3A_65 = arith.constant 103 : index
    %swap3A_66 = arith.constant 0 : index
    %swap3A_67 = vector.load %arg10[%swap3A_65, %swap3A_66] : memref<128x2048xf32, #tpu.memory_space<vmem>>, vector<1x2048xf32>
    tpu.vector_store %arg10[%swap3A_65, %swap3A_66], %slice3A_64 {strides = array<i32>} : memref<128x2048xf32, #tpu.memory_space<vmem>>, vector<1x2048xf32>,
    %slice3A_68 = vector.extract_strided_slice %mul3A_13 {offsets = [13, 0], sizes = [1, 2048], strides = [1, 1]} : vector<16x2048xf32> to vector<1x2048xf32>
    %swap3A_69 = arith.constant 111 : index
    %swap3A_70 = arith.constant 0 : index
    %swap3A_71 = vector.load %arg10[%swap3A_69, %swap3A_70] : memref<128x2048xf32, #tpu.memory_space<vmem>>, vector<1x2048xf32>
    tpu.vector_store %arg10[%swap3A_69, %swap3A_70], %slice3A_68 {strides = array<i32>} : memref<128x2048xf32, #tpu.memory_space<vmem>>, vector<1x2048xf32>,
    %slice3A_72 = vector.extract_strided_slice %mul3A_13 {offsets = [14, 0], sizes = [1, 2048], strides = [1, 1]} : vector<16x2048xf32> to vector<1x2048xf32>
    %swap3A_73 = arith.constant 119 : index
    %swap3A_74 = arith.constant 0 : index
    %swap3A_75 = vector.load %arg10[%swap3A_73, %swap3A_74] : memref<128x2048xf32, #tpu.memory_space<vmem>>, vector<1x2048xf32>
    tpu.vector_store %arg10[%swap3A_73, %swap3A_74], %slice3A_72 {strides = array<i32>} : memref<128x2048xf32, #tpu.memory_space<vmem>>, vector<1x2048xf32>,
    %slice3A_76 = vector.extract_strided_slice %mul3A_13 {offsets = [15, 0], sizes = [1, 2048], strides = [1, 1]} : vector<16x2048xf32> to vector<1x2048xf32>
    %swap3A_77 = arith.constant 127 : index
    %swap3A_78 = arith.constant 0 : index
    %swap3A_79 = vector.load %arg10[%swap3A_77, %swap3A_78] : memref<128x2048xf32, #tpu.memory_space<vmem>>, vector<1x2048xf32>
    tpu.vector_store %arg10[%swap3A_77, %swap3A_78], %slice3A_76 {strides = array<i32>} : memref<128x2048xf32, #tpu.memory_space<vmem>>, vector<1x2048xf32>,
    %dma_start3A_80 = arith.constant 0 : i32
    %dma_start3A_81 = arith.constant 0 : i32
    %dma_start3A_82 = tpu.memref_slice %arg12[%dma_start3A_81] : memref<64x!tpu.dma_semaphore, #tpu.memory_space<semaphore_mem>> -> memref<1x!tpu.dma_semaphore, #tpu.memory_space<semaphore_mem>>
    %dma_start3A_83 = tpu.memref_squeeze %dma_start3A_82 : memref<1x!tpu.dma_semaphore, #tpu.memory_space<semaphore_mem>> -> memref<!tpu.dma_semaphore, #tpu.memory_space<semaphore_mem>>
    %dma_start3A_84 = arith.constant 2040 : i32
    %dma_start3A_85 = arith.constant 0 : i32
    %dma_start3A_86 = tpu.memref_slice %arg6[%dma_start3A_80, %dma_start3A_84, %dma_start3A_85] : memref<16x2048x2048xf32, #tpu.memory_space<hbm>> -> memref<1x8x2048xf32, #tpu.memory_space<hbm>>
    %dma_start3A_87 = tpu.memref_squeeze %dma_start3A_86 : memref<1x8x2048xf32, #tpu.memory_space<hbm>> -> memref<8x2048xf32, #tpu.memory_space<hbm>>
    %dma_start3A_88 = arith.constant 0 : i32
    %dma_start3A_89 = arith.constant 0 : i32
    %dma_start3A_90 = tpu.memref_slice %arg10[%dma_start3A_88, %dma_start3A_89] : memref<128x2048xf32, #tpu.memory_space<vmem>> -> memref<8x2048xf32, #tpu.memory_space<vmem>>
    tpu.enqueue_dma source(%dma_start3A_90 : memref<8x2048xf32, #tpu.memory_space<vmem>>) target(%dma_start3A_87 : memref<8x2048xf32, #tpu.memory_space<hbm>>) target_semaphore(%dma_start3A_83 : memref<!tpu.dma_semaphore, #tpu.memory_space<semaphore_mem>>)
    %dma_start3A_91 = arith.constant 1 : i32
    %dma_start3A_92 = arith.constant 1 : i32
    %dma_start3A_93 = tpu.memref_slice %arg12[%dma_start3A_92] : memref<64x!tpu.dma_semaphore, #tpu.memory_space<semaphore_mem>> -> memref<1x!tpu.dma_semaphore, #tpu.memory_space<semaphore_mem>>
    %dma_start3A_94 = tpu.memref_squeeze %dma_start3A_93 : memref<1x!tpu.dma_semaphore, #tpu.memory_space<semaphore_mem>> -> memref<!tpu.dma_semaphore, #tpu.memory_space<semaphore_mem>>
    %dma_start3A_95 = arith.constant 2040 : i32
    %dma_start3A_96 = arith.constant 0 : i32
    %dma_start3A_97 = tpu.memref_slice %arg6[%dma_start3A_91, %dma_start3A_95, %dma_start3A_96] : memref<16x2048x2048xf32, #tpu.memory_space<hbm>> -> memref<1x8x2048xf32, #tpu.memory_space<hbm>>
    %dma_start3A_98 = tpu.memref_squeeze %dma_start3A_97 : memref<1x8x2048xf32, #tpu.memory_space<hbm>> -> memref<8x2048xf32, #tpu.memory_space<hbm>>
    %dma_start3A_99 = arith.constant 8 : i32
    %dma_start3A_100 = arith.constant 0 : i32
    %dma_start3A_101 = tpu.memref_slice %arg10[%dma_start3A_99, %dma_start3A_100] : memref<128x2048xf32, #tpu.memory_space<vmem>> -> memref<8x2048xf32, #tpu.memory_space<vmem>>
    tpu.enqueue_dma source(%dma_start3A_101 : memref<8x2048xf32, #tpu.memory_space<vmem>>) target(%dma_start3A_98 : memref<8x2048xf32, #tpu.memory_space<hbm>>) target_semaphore(%dma_start3A_94 : memref<!tpu.dma_semaphore, #tpu.memory_space<semaphore_mem>>)
    %dma_start3A_102 = arith.constant 2 : i32
    %dma_start3A_103 = arith.constant 2 : i32
    %dma_start3A_104 = tpu.memref_slice %arg12[%dma_start3A_103] : memref<64x!tpu.dma_semaphore, #tpu.memory_space<semaphore_mem>> -> memref<1x!tpu.dma_semaphore, #tpu.memory_space<semaphore_mem>>
    %dma_start3A_105 = tpu.memref_squeeze %dma_start3A_104 : memref<1x!tpu.dma_semaphore, #tpu.memory_space<semaphore_mem>> -> memref<!tpu.dma_semaphore, #tpu.memory_space<semaphore_mem>>
    %dma_start3A_106 = arith.constant 2040 : i32
    %dma_start3A_107 = arith.constant 0 : i32
    %dma_start3A_108 = tpu.memref_slice %arg6[%dma_start3A_102, %dma_start3A_106, %dma_start3A_107] : memref<16x2048x2048xf32, #tpu.memory_space<hbm>> -> memref<1x8x2048xf32, #tpu.memory_space<hbm>>
    %dma_start3A_109 = tpu.memref_squeeze %dma_start3A_108 : memref<1x8x2048xf32, #tpu.memory_space<hbm>> -> memref<8x2048xf32, #tpu.memory_space<hbm>>
    %dma_start3A_110 = arith.constant 16 : i32
    %dma_start3A_111 = arith.constant 0 : i32
    %dma_start3A_112 = tpu.memref_slice %arg10[%dma_start3A_110, %dma_start3A_111] : memref<128x2048xf32, #tpu.memory_space<vmem>> -> memref<8x2048xf32, #tpu.memory_space<vmem>>
    tpu.enqueue_dma source(%dma_start3A_112 : memref<8x2048xf32, #tpu.memory_space<vmem>>) target(%dma_start3A_109 : memref<8x2048xf32, #tpu.memory_space<hbm>>) target_semaphore(%dma_start3A_105 : memref<!tpu.dma_semaphore, #tpu.memory_space<semaphore_mem>>)
    %dma_start3A_113 = arith.constant 3 : i32
    %dma_start3A_114 = arith.constant 3 : i32
    %dma_start3A_115 = tpu.memref_slice %arg12[%dma_start3A_114] : memref<64x!tpu.dma_semaphore, #tpu.memory_space<semaphore_mem>> -> memref<1x!tpu.dma_semaphore, #tpu.memory_space<semaphore_mem>>
    %dma_start3A_116 = tpu.memref_squeeze %dma_start3A_115 : memref<1x!tpu.dma_semaphore, #tpu.memory_space<semaphore_mem>> -> memref<!tpu.dma_semaphore, #tpu.memory_space<semaphore_mem>>
    %dma_start3A_117 = arith.constant 2040 : i32
    %dma_start3A_118 = arith.constant 0 : i32
    %dma_start3A_119 = tpu.memref_slice %arg6[%dma_start3A_113, %dma_start3A_117, %dma_start3A_118] : memref<16x2048x2048xf32, #tpu.memory_space<hbm>> -> memref<1x8x2048xf32, #tpu.memory_space<hbm>>
    %dma_start3A_120 = tpu.memref_squeeze %dma_start3A_119 : memref<1x8x2048xf32, #tpu.memory_space<hbm>> -> memref<8x2048xf32, #tpu.memory_space<hbm>>
    %dma_start3A_121 = arith.constant 24 : i32
    %dma_start3A_122 = arith.constant 0 : i32
    %dma_start3A_123 = tpu.memref_slice %arg10[%dma_start3A_121, %dma_start3A_122] : memref<128x2048xf32, #tpu.memory_space<vmem>> -> memref<8x2048xf32, #tpu.memory_space<vmem>>
    tpu.enqueue_dma source(%dma_start3A_123 : memref<8x2048xf32, #tpu.memory_space<vmem>>) target(%dma_start3A_120 : memref<8x2048xf32, #tpu.memory_space<hbm>>) target_semaphore(%dma_start3A_116 : memref<!tpu.dma_semaphore, #tpu.memory_space<semaphore_mem>>)
    %dma_start3A_124 = arith.constant 4 : i32
    %dma_start3A_125 = arith.constant 4 : i32
    %dma_start3A_126 = tpu.memref_slice %arg12[%dma_start3A_125] : memref<64x!tpu.dma_semaphore, #tpu.memory_space<semaphore_mem>> -> memref<1x!tpu.dma_semaphore, #tpu.memory_space<semaphore_mem>>
    %dma_start3A_127 = tpu.memref_squeeze %dma_start3A_126 : memref<1x!tpu.dma_semaphore, #tpu.memory_space<semaphore_mem>> -> memref<!tpu.dma_semaphore, #tpu.memory_space<semaphore_mem>>
    %dma_start3A_128 = arith.constant 2040 : i32
    %dma_start3A_129 = arith.constant 0 : i32
    %dma_start3A_130 = tpu.memref_slice %arg6[%dma_start3A_124, %dma_start3A_128, %dma_start3A_129] : memref<16x2048x2048xf32, #tpu.memory_space<hbm>> -> memref<1x8x2048xf32, #tpu.memory_space<hbm>>
    %dma_start3A_131 = tpu.memref_squeeze %dma_start3A_130 : memref<1x8x2048xf32, #tpu.memory_space<hbm>> -> memref<8x2048xf32, #tpu.memory_space<hbm>>
    %dma_start3A_132 = arith.constant 32 : i32
    %dma_start3A_133 = arith.constant 0 : i32
    %dma_start3A_134 = tpu.memref_slice %arg10[%dma_start3A_132, %dma_start3A_133] : memref<128x2048xf32, #tpu.memory_space<vmem>> -> memref<8x2048xf32, #tpu.memory_space<vmem>>
    tpu.enqueue_dma source(%dma_start3A_134 : memref<8x2048xf32, #tpu.memory_space<vmem>>) target(%dma_start3A_131 : memref<8x2048xf32, #tpu.memory_space<hbm>>) target_semaphore(%dma_start3A_127 : memref<!tpu.dma_semaphore, #tpu.memory_space<semaphore_mem>>)
    %dma_start3A_135 = arith.constant 5 : i32
    %dma_start3A_136 = arith.constant 5 : i32
    %dma_start3A_137 = tpu.memref_slice %arg12[%dma_start3A_136] : memref<64x!tpu.dma_semaphore, #tpu.memory_space<semaphore_mem>> -> memref<1x!tpu.dma_semaphore, #tpu.memory_space<semaphore_mem>>
    %dma_start3A_138 = tpu.memref_squeeze %dma_start3A_137 : memref<1x!tpu.dma_semaphore, #tpu.memory_space<semaphore_mem>> -> memref<!tpu.dma_semaphore, #tpu.memory_space<semaphore_mem>>
    %dma_start3A_139 = arith.constant 2040 : i32
    %dma_start3A_140 = arith.constant 0 : i32
    %dma_start3A_141 = tpu.memref_slice %arg6[%dma_start3A_135, %dma_start3A_139, %dma_start3A_140] : memref<16x2048x2048xf32, #tpu.memory_space<hbm>> -> memref<1x8x2048xf32, #tpu.memory_space<hbm>>
    %dma_start3A_142 = tpu.memref_squeeze %dma_start3A_141 : memref<1x8x2048xf32, #tpu.memory_space<hbm>> -> memref<8x2048xf32, #tpu.memory_space<hbm>>
    %dma_start3A_143 = arith.constant 40 : i32
    %dma_start3A_144 = arith.constant 0 : i32
    %dma_start3A_145 = tpu.memref_slice %arg10[%dma_start3A_143, %dma_start3A_144] : memref<128x2048xf32, #tpu.memory_space<vmem>> -> memref<8x2048xf32, #tpu.memory_space<vmem>>
    tpu.enqueue_dma source(%dma_start3A_145 : memref<8x2048xf32, #tpu.memory_space<vmem>>) target(%dma_start3A_142 : memref<8x2048xf32, #tpu.memory_space<hbm>>) target_semaphore(%dma_start3A_138 : memref<!tpu.dma_semaphore, #tpu.memory_space<semaphore_mem>>)
    %dma_start3A_146 = arith.constant 6 : i32
    %dma_start3A_147 = arith.constant 6 : i32
    %dma_start3A_148 = tpu.memref_slice %arg12[%dma_start3A_147] : memref<64x!tpu.dma_semaphore, #tpu.memory_space<semaphore_mem>> -> memref<1x!tpu.dma_semaphore, #tpu.memory_space<semaphore_mem>>
    %dma_start3A_149 = tpu.memref_squeeze %dma_start3A_148 : memref<1x!tpu.dma_semaphore, #tpu.memory_space<semaphore_mem>> -> memref<!tpu.dma_semaphore, #tpu.memory_space<semaphore_mem>>
    %dma_start3A_150 = arith.constant 2040 : i32
    %dma_start3A_151 = arith.constant 0 : i32
    %dma_start3A_152 = tpu.memref_slice %arg6[%dma_start3A_146, %dma_start3A_150, %dma_start3A_151] : memref<16x2048x2048xf32, #tpu.memory_space<hbm>> -> memref<1x8x2048xf32, #tpu.memory_space<hbm>>
    %dma_start3A_153 = tpu.memref_squeeze %dma_start3A_152 : memref<1x8x2048xf32, #tpu.memory_space<hbm>> -> memref<8x2048xf32, #tpu.memory_space<hbm>>
    %dma_start3A_154 = arith.constant 48 : i32
    %dma_start3A_155 = arith.constant 0 : i32
    %dma_start3A_156 = tpu.memref_slice %arg10[%dma_start3A_154, %dma_start3A_155] : memref<128x2048xf32, #tpu.memory_space<vmem>> -> memref<8x2048xf32, #tpu.memory_space<vmem>>
    tpu.enqueue_dma source(%dma_start3A_156 : memref<8x2048xf32, #tpu.memory_space<vmem>>) target(%dma_start3A_153 : memref<8x2048xf32, #tpu.memory_space<hbm>>) target_semaphore(%dma_start3A_149 : memref<!tpu.dma_semaphore, #tpu.memory_space<semaphore_mem>>)
    %dma_start3A_157 = arith.constant 7 : i32
    %dma_start3A_158 = arith.constant 7 : i32
    %dma_start3A_159 = tpu.memref_slice %arg12[%dma_start3A_158] : memref<64x!tpu.dma_semaphore, #tpu.memory_space<semaphore_mem>> -> memref<1x!tpu.dma_semaphore, #tpu.memory_space<semaphore_mem>>
    %dma_start3A_160 = tpu.memref_squeeze %dma_start3A_159 : memref<1x!tpu.dma_semaphore, #tpu.memory_space<semaphore_mem>> -> memref<!tpu.dma_semaphore, #tpu.memory_space<semaphore_mem>>
    %dma_start3A_161 = arith.constant 2040 : i32
    %dma_start3A_162 = arith.constant 0 : i32
    %dma_start3A_163 = tpu.memref_slice %arg6[%dma_start3A_157, %dma_start3A_161, %dma_start3A_162] : memref<16x2048x2048xf32, #tpu.memory_space<hbm>> -> memref<1x8x2048xf32, #tpu.memory_space<hbm>>
    %dma_start3A_164 = tpu.memref_squeeze %dma_start3A_163 : memref<1x8x2048xf32, #tpu.memory_space<hbm>> -> memref<8x2048xf32, #tpu.memory_space<hbm>>
    %dma_start3A_165 = arith.constant 56 : i32
    %dma_start3A_166 = arith.constant 0 : i32
    %dma_start3A_167 = tpu.memref_slice %arg10[%dma_start3A_165, %dma_start3A_166] : memref<128x2048xf32, #tpu.memory_space<vmem>> -> memref<8x2048xf32, #tpu.memory_space<vmem>>
    tpu.enqueue_dma source(%dma_start3A_167 : memref<8x2048xf32, #tpu.memory_space<vmem>>) target(%dma_start3A_164 : memref<8x2048xf32, #tpu.memory_space<hbm>>) target_semaphore(%dma_start3A_160 : memref<!tpu.dma_semaphore, #tpu.memory_space<semaphore_mem>>)
    %dma_start3A_168 = arith.constant 8 : i32
    %dma_start3A_169 = arith.constant 8 : i32
    %dma_start3A_170 = tpu.memref_slice %arg12[%dma_start3A_169] : memref<64x!tpu.dma_semaphore, #tpu.memory_space<semaphore_mem>> -> memref<1x!tpu.dma_semaphore, #tpu.memory_space<semaphore_mem>>
    %dma_start3A_171 = tpu.memref_squeeze %dma_start3A_170 : memref<1x!tpu.dma_semaphore, #tpu.memory_space<semaphore_mem>> -> memref<!tpu.dma_semaphore, #tpu.memory_space<semaphore_mem>>
    %dma_start3A_172 = arith.constant 2040 : i32
    %dma_start3A_173 = arith.constant 0 : i32
    %dma_start3A_174 = tpu.memref_slice %arg6[%dma_start3A_168, %dma_start3A_172, %dma_start3A_173] : memref<16x2048x2048xf32, #tpu.memory_space<hbm>> -> memref<1x8x2048xf32, #tpu.memory_space<hbm>>
    %dma_start3A_175 = tpu.memref_squeeze %dma_start3A_174 : memref<1x8x2048xf32, #tpu.memory_space<hbm>> -> memref<8x2048xf32, #tpu.memory_space<hbm>>
    %dma_start3A_176 = arith.constant 64 : i32
    %dma_start3A_177 = arith.constant 0 : i32
    %dma_start3A_178 = tpu.memref_slice %arg10[%dma_start3A_176, %dma_start3A_177] : memref<128x2048xf32, #tpu.memory_space<vmem>> -> memref<8x2048xf32, #tpu.memory_space<vmem>>
    tpu.enqueue_dma source(%dma_start3A_178 : memref<8x2048xf32, #tpu.memory_space<vmem>>) target(%dma_start3A_175 : memref<8x2048xf32, #tpu.memory_space<hbm>>) target_semaphore(%dma_start3A_171 : memref<!tpu.dma_semaphore, #tpu.memory_space<semaphore_mem>>)
    %dma_start3A_179 = arith.constant 9 : i32
    %dma_start3A_180 = arith.constant 9 : i32
    %dma_start3A_181 = tpu.memref_slice %arg12[%dma_start3A_180] : memref<64x!tpu.dma_semaphore, #tpu.memory_space<semaphore_mem>> -> memref<1x!tpu.dma_semaphore, #tpu.memory_space<semaphore_mem>>
    %dma_start3A_182 = tpu.memref_squeeze %dma_start3A_181 : memref<1x!tpu.dma_semaphore, #tpu.memory_space<semaphore_mem>> -> memref<!tpu.dma_semaphore, #tpu.memory_space<semaphore_mem>>
    %dma_start3A_183 = arith.constant 2040 : i32
    %dma_start3A_184 = arith.constant 0 : i32
    %dma_start3A_185 = tpu.memref_slice %arg6[%dma_start3A_179, %dma_start3A_183, %dma_start3A_184] : memref<16x2048x2048xf32, #tpu.memory_space<hbm>> -> memref<1x8x2048xf32, #tpu.memory_space<hbm>>
    %dma_start3A_186 = tpu.memref_squeeze %dma_start3A_185 : memref<1x8x2048xf32, #tpu.memory_space<hbm>> -> memref<8x2048xf32, #tpu.memory_space<hbm>>
    %dma_start3A_187 = arith.constant 72 : i32
    %dma_start3A_188 = arith.constant 0 : i32
    %dma_start3A_189 = tpu.memref_slice %arg10[%dma_start3A_187, %dma_start3A_188] : memref<128x2048xf32, #tpu.memory_space<vmem>> -> memref<8x2048xf32, #tpu.memory_space<vmem>>
    tpu.enqueue_dma source(%dma_start3A_189 : memref<8x2048xf32, #tpu.memory_space<vmem>>) target(%dma_start3A_186 : memref<8x2048xf32, #tpu.memory_space<hbm>>) target_semaphore(%dma_start3A_182 : memref<!tpu.dma_semaphore, #tpu.memory_space<semaphore_mem>>)
    %dma_start3A_190 = arith.constant 10 : i32
    %dma_start3A_191 = arith.constant 10 : i32
    %dma_start3A_192 = tpu.memref_slice %arg12[%dma_start3A_191] : memref<64x!tpu.dma_semaphore, #tpu.memory_space<semaphore_mem>> -> memref<1x!tpu.dma_semaphore, #tpu.memory_space<semaphore_mem>>
    %dma_start3A_193 = tpu.memref_squeeze %dma_start3A_192 : memref<1x!tpu.dma_semaphore, #tpu.memory_space<semaphore_mem>> -> memref<!tpu.dma_semaphore, #tpu.memory_space<semaphore_mem>>
    %dma_start3A_194 = arith.constant 2040 : i32
    %dma_start3A_195 = arith.constant 0 : i32
    %dma_start3A_196 = tpu.memref_slice %arg6[%dma_start3A_190, %dma_start3A_194, %dma_start3A_195] : memref<16x2048x2048xf32, #tpu.memory_space<hbm>> -> memref<1x8x2048xf32, #tpu.memory_space<hbm>>
    %dma_start3A_197 = tpu.memref_squeeze %dma_start3A_196 : memref<1x8x2048xf32, #tpu.memory_space<hbm>> -> memref<8x2048xf32, #tpu.memory_space<hbm>>
    %dma_start3A_198 = arith.constant 80 : i32
    %dma_start3A_199 = arith.constant 0 : i32
    %dma_start3A_200 = tpu.memref_slice %arg10[%dma_start3A_198, %dma_start3A_199] : memref<128x2048xf32, #tpu.memory_space<vmem>> -> memref<8x2048xf32, #tpu.memory_space<vmem>>
    tpu.enqueue_dma source(%dma_start3A_200 : memref<8x2048xf32, #tpu.memory_space<vmem>>) target(%dma_start3A_197 : memref<8x2048xf32, #tpu.memory_space<hbm>>) target_semaphore(%dma_start3A_193 : memref<!tpu.dma_semaphore, #tpu.memory_space<semaphore_mem>>)
    %dma_start3A_201 = arith.constant 11 : i32
    %dma_start3A_202 = arith.constant 11 : i32
    %dma_start3A_203 = tpu.memref_slice %arg12[%dma_start3A_202] : memref<64x!tpu.dma_semaphore, #tpu.memory_space<semaphore_mem>> -> memref<1x!tpu.dma_semaphore, #tpu.memory_space<semaphore_mem>>
    %dma_start3A_204 = tpu.memref_squeeze %dma_start3A_203 : memref<1x!tpu.dma_semaphore, #tpu.memory_space<semaphore_mem>> -> memref<!tpu.dma_semaphore, #tpu.memory_space<semaphore_mem>>
    %dma_start3A_205 = arith.constant 2040 : i32
    %dma_start3A_206 = arith.constant 0 : i32
    %dma_start3A_207 = tpu.memref_slice %arg6[%dma_start3A_201, %dma_start3A_205, %dma_start3A_206] : memref<16x2048x2048xf32, #tpu.memory_space<hbm>> -> memref<1x8x2048xf32, #tpu.memory_space<hbm>>
    %dma_start3A_208 = tpu.memref_squeeze %dma_start3A_207 : memref<1x8x2048xf32, #tpu.memory_space<hbm>> -> memref<8x2048xf32, #tpu.memory_space<hbm>>
    %dma_start3A_209 = arith.constant 88 : i32
    %dma_start3A_210 = arith.constant 0 : i32
    %dma_start3A_211 = tpu.memref_slice %arg10[%dma_start3A_209, %dma_start3A_210] : memref<128x2048xf32, #tpu.memory_space<vmem>> -> memref<8x2048xf32, #tpu.memory_space<vmem>>
    tpu.enqueue_dma source(%dma_start3A_211 : memref<8x2048xf32, #tpu.memory_space<vmem>>) target(%dma_start3A_208 : memref<8x2048xf32, #tpu.memory_space<hbm>>) target_semaphore(%dma_start3A_204 : memref<!tpu.dma_semaphore, #tpu.memory_space<semaphore_mem>>)
    %dma_start3A_212 = arith.constant 12 : i32
    %dma_start3A_213 = arith.constant 12 : i32
    %dma_start3A_214 = tpu.memref_slice %arg12[%dma_start3A_213] : memref<64x!tpu.dma_semaphore, #tpu.memory_space<semaphore_mem>> -> memref<1x!tpu.dma_semaphore, #tpu.memory_space<semaphore_mem>>
    %dma_start3A_215 = tpu.memref_squeeze %dma_start3A_214 : memref<1x!tpu.dma_semaphore, #tpu.memory_space<semaphore_mem>> -> memref<!tpu.dma_semaphore, #tpu.memory_space<semaphore_mem>>
    %dma_start3A_216 = arith.constant 2040 : i32
    %dma_start3A_217 = arith.constant 0 : i32
    %dma_start3A_218 = tpu.memref_slice %arg6[%dma_start3A_212, %dma_start3A_216, %dma_start3A_217] : memref<16x2048x2048xf32, #tpu.memory_space<hbm>> -> memref<1x8x2048xf32, #tpu.memory_space<hbm>>
    %dma_start3A_219 = tpu.memref_squeeze %dma_start3A_218 : memref<1x8x2048xf32, #tpu.memory_space<hbm>> -> memref<8x2048xf32, #tpu.memory_space<hbm>>
    %dma_start3A_220 = arith.constant 96 : i32
    %dma_start3A_221 = arith.constant 0 : i32
    %dma_start3A_222 = tpu.memref_slice %arg10[%dma_start3A_220, %dma_start3A_221] : memref<128x2048xf32, #tpu.memory_space<vmem>> -> memref<8x2048xf32, #tpu.memory_space<vmem>>
    tpu.enqueue_dma source(%dma_start3A_222 : memref<8x2048xf32, #tpu.memory_space<vmem>>) target(%dma_start3A_219 : memref<8x2048xf32, #tpu.memory_space<hbm>>) target_semaphore(%dma_start3A_215 : memref<!tpu.dma_semaphore, #tpu.memory_space<semaphore_mem>>)
    %dma_start3A_223 = arith.constant 13 : i32
    %dma_start3A_224 = arith.constant 13 : i32
    %dma_start3A_225 = tpu.memref_slice %arg12[%dma_start3A_224] : memref<64x!tpu.dma_semaphore, #tpu.memory_space<semaphore_mem>> -> memref<1x!tpu.dma_semaphore, #tpu.memory_space<semaphore_mem>>
    %dma_start3A_226 = tpu.memref_squeeze %dma_start3A_225 : memref<1x!tpu.dma_semaphore, #tpu.memory_space<semaphore_mem>> -> memref<!tpu.dma_semaphore, #tpu.memory_space<semaphore_mem>>
    %dma_start3A_227 = arith.constant 2040 : i32
    %dma_start3A_228 = arith.constant 0 : i32
    %dma_start3A_229 = tpu.memref_slice %arg6[%dma_start3A_223, %dma_start3A_227, %dma_start3A_228] : memref<16x2048x2048xf32, #tpu.memory_space<hbm>> -> memref<1x8x2048xf32, #tpu.memory_space<hbm>>
    %dma_start3A_230 = tpu.memref_squeeze %dma_start3A_229 : memref<1x8x2048xf32, #tpu.memory_space<hbm>> -> memref<8x2048xf32, #tpu.memory_space<hbm>>
    %dma_start3A_231 = arith.constant 104 : i32
    %dma_start3A_232 = arith.constant 0 : i32
    %dma_start3A_233 = tpu.memref_slice %arg10[%dma_start3A_231, %dma_start3A_232] : memref<128x2048xf32, #tpu.memory_space<vmem>> -> memref<8x2048xf32, #tpu.memory_space<vmem>>
    tpu.enqueue_dma source(%dma_start3A_233 : memref<8x2048xf32, #tpu.memory_space<vmem>>) target(%dma_start3A_230 : memref<8x2048xf32, #tpu.memory_space<hbm>>) target_semaphore(%dma_start3A_226 : memref<!tpu.dma_semaphore, #tpu.memory_space<semaphore_mem>>)
    %dma_start3A_234 = arith.constant 14 : i32
    %dma_start3A_235 = arith.constant 14 : i32
    %dma_start3A_236 = tpu.memref_slice %arg12[%dma_start3A_235] : memref<64x!tpu.dma_semaphore, #tpu.memory_space<semaphore_mem>> -> memref<1x!tpu.dma_semaphore, #tpu.memory_space<semaphore_mem>>
    %dma_start3A_237 = tpu.memref_squeeze %dma_start3A_236 : memref<1x!tpu.dma_semaphore, #tpu.memory_space<semaphore_mem>> -> memref<!tpu.dma_semaphore, #tpu.memory_space<semaphore_mem>>
    %dma_start3A_238 = arith.constant 2040 : i32
    %dma_start3A_239 = arith.constant 0 : i32
    %dma_start3A_240 = tpu.memref_slice %arg6[%dma_start3A_234, %dma_start3A_238, %dma_start3A_239] : memref<16x2048x2048xf32, #tpu.memory_space<hbm>> -> memref<1x8x2048xf32, #tpu.memory_space<hbm>>
    %dma_start3A_241 = tpu.memref_squeeze %dma_start3A_240 : memref<1x8x2048xf32, #tpu.memory_space<hbm>> -> memref<8x2048xf32, #tpu.memory_space<hbm>>
    %dma_start3A_242 = arith.constant 112 : i32
    %dma_start3A_243 = arith.constant 0 : i32
    %dma_start3A_244 = tpu.memref_slice %arg10[%dma_start3A_242, %dma_start3A_243] : memref<128x2048xf32, #tpu.memory_space<vmem>> -> memref<8x2048xf32, #tpu.memory_space<vmem>>
    tpu.enqueue_dma source(%dma_start3A_244 : memref<8x2048xf32, #tpu.memory_space<vmem>>) target(%dma_start3A_241 : memref<8x2048xf32, #tpu.memory_space<hbm>>) target_semaphore(%dma_start3A_237 : memref<!tpu.dma_semaphore, #tpu.memory_space<semaphore_mem>>)
    %dma_start3A_245 = arith.constant 15 : i32
    %dma_start3A_246 = arith.constant 15 : i32
    %dma_start3A_247 = tpu.memref_slice %arg12[%dma_start3A_246] : memref<64x!tpu.dma_semaphore, #tpu.memory_space<semaphore_mem>> -> memref<1x!tpu.dma_semaphore, #tpu.memory_space<semaphore_mem>>
    %dma_start3A_248 = tpu.memref_squeeze %dma_start3A_247 : memref<1x!tpu.dma_semaphore, #tpu.memory_space<semaphore_mem>> -> memref<!tpu.dma_semaphore, #tpu.memory_space<semaphore_mem>>
    %dma_start3A_249 = arith.constant 2040 : i32
    %dma_start3A_250 = arith.constant 0 : i32
    %dma_start3A_251 = tpu.memref_slice %arg6[%dma_start3A_245, %dma_start3A_249, %dma_start3A_250] : memref<16x2048x2048xf32, #tpu.memory_space<hbm>> -> memref<1x8x2048xf32, #tpu.memory_space<hbm>>
    %dma_start3A_252 = tpu.memref_squeeze %dma_start3A_251 : memref<1x8x2048xf32, #tpu.memory_space<hbm>> -> memref<8x2048xf32, #tpu.memory_space<hbm>>
    %dma_start3A_253 = arith.constant 120 : i32
    %dma_start3A_254 = arith.constant 0 : i32
    %dma_start3A_255 = tpu.memref_slice %arg10[%dma_start3A_253, %dma_start3A_254] : memref<128x2048xf32, #tpu.memory_space<vmem>> -> memref<8x2048xf32, #tpu.memory_space<vmem>>
    tpu.enqueue_dma source(%dma_start3A_255 : memref<8x2048xf32, #tpu.memory_space<vmem>>) target(%dma_start3A_252 : memref<8x2048xf32, #tpu.memory_space<hbm>>) target_semaphore(%dma_start3A_248 : memref<!tpu.dma_semaphore, #tpu.memory_space<semaphore_mem>>)
    %dma_wait3A = arith.constant 30 : i32
    %dma_wait3A_256 = tpu.memref_slice %arg12[%dma_wait3A] : memref<64x!tpu.dma_semaphore, #tpu.memory_space<semaphore_mem>> -> memref<1x!tpu.dma_semaphore, #tpu.memory_space<semaphore_mem>>
    %dma_wait3A_257 = tpu.memref_squeeze %dma_wait3A_256 : memref<1x!tpu.dma_semaphore, #tpu.memory_space<semaphore_mem>> -> memref<!tpu.dma_semaphore, #tpu.memory_space<semaphore_mem>>
    %dma_wait3A_258 = arith.constant 0 : i32
    %dma_wait3A_259 = arith.constant 256 : i32
    %dma_wait3A_260 = tpu.memref_slice %arg2[%dma_wait3A_258, %dma_wait3A_259] : memref<2048x512xf32, #tpu.memory_space<hbm>> -> memref<2048x256xf32, #tpu.memory_space<hbm>>
    tpu.wait_dma2 semaphore(%dma_wait3A_257 : memref<!tpu.dma_semaphore, #tpu.memory_space<semaphore_mem>>) src(%dma_wait3A_260 : memref<2048x256xf32, #tpu.memory_space<hbm>>) dst(%arg8 : memref<2048x256xf32, #tpu.memory_space<vmem>>)
    %convert_element_type3A = arith.truncf %mul3A_13 : vector<16x2048xf32> to vector<16x2048xbf16>
    %get3A_261 = arith.constant 0 : index
    %get3A_262 = arith.constant 0 : index
    %get3A_263 = vector.load %arg8[%get3A_261, %get3A_262] : memref<2048x256xf32, #tpu.memory_space<vmem>>, vector<2048x256xf32>
    %convert_element_type3A_264 = arith.truncf %get3A_263 : vector<2048x256xf32> to vector<2048x256xbf16>
    %dot_general3A = arith.constant dense<0.000000e+00> : vector<16x256xf32>
    %dot_general3A_265 = tpu.matmul %convert_element_type3A, %convert_element_type3A_264, %dot_general3A {dimension_numbers = #tpu.dot_dimension_numbers<[1], [0], [0], [1], [0, 0, 1, 1], [], []>, transpose_lhs_hint = false} : vector<16x2048xbf16>, vector<2048x256xbf16>, vector<16x256xf32> -> vector<16x256xf32>
    %iota3A = tpu.iota {dimensions = array<i32: 0>} : vector<16x256xi32>
    %iota3A_266 = tpu.iota {dimensions = array<i32: 1>} : vector<16x256xi32>
    %jit3A = arith.constant 64 : i32
    %div3A = vector.broadcast %jit3A : i32 to vector<16x256xi32>
    %div3A_267 = arith.divsi %iota3A_266, %div3A : vector<16x256xi32>
    %sign3A = arith.constant 0 : i32
    %sign3A_268 = vector.broadcast %sign3A : i32 to vector<16x256xi32>
    %sign3A_269 = arith.cmpi sgt, %iota3A_266, %sign3A_268 : vector<16x256xi32>
    %sign3A_270 = arith.extui %sign3A_269 : vector<16x256xi1> to vector<16x256xi32>
    %sign3A_271 = arith.constant 0 : i32
    %sign3A_272 = vector.broadcast %sign3A_271 : i32 to vector<16x256xi32>
    %sign3A_273 = arith.cmpi slt, %iota3A_266, %sign3A_272 : vector<16x256xi32>
    %sign3A_274 = arith.extui %sign3A_273 : vector<16x256xi1> to vector<16x256xi32>
    %sign3A_275 = arith.subi %sign3A_270, %sign3A_274 : vector<16x256xi32>
    %sign3A_276 = arith.constant 0 : i32
    %sign3A_277 = arith.cmpi sgt, %jit3A, %sign3A_276 : i32
    %sign3A_278 = arith.extui %sign3A_277 : i1 to i32
    %sign3A_279 = arith.constant 0 : i32
    %sign3A_280 = arith.cmpi slt, %jit3A, %sign3A_279 : i32
    %sign3A_281 = arith.extui %sign3A_280 : i1 to i32
    %sign3A_282 = arith.subi %sign3A_278, %sign3A_281 : i32
    %ne3A = vector.broadcast %sign3A_282 : i32 to vector<16x256xi32>
    %ne3A_283 = arith.cmpi ne, %sign3A_275, %ne3A : vector<16x256xi32>
    %rem3A = vector.broadcast %jit3A : i32 to vector<16x256xi32>
    %rem3A_284 = arith.remsi %iota3A_266, %rem3A : vector<16x256xi32>
    %ne3A_285 = arith.constant 0 : i32
    %ne3A_286 = vector.broadcast %ne3A_285 : i32 to vector<16x256xi32>
    %ne3A_287 = arith.cmpi ne, %rem3A_284, %ne3A_286 : vector<16x256xi32>
    %and3A = arith.andi %ne3A_283, %ne3A_287 : vector<16x256xi1>
    %sub3A = arith.constant 1 : i32
    %sub3A_288 = vector.broadcast %sub3A : i32 to vector<16x256xi32>
    %sub3A_289 = arith.subi %div3A_267, %sub3A_288 : vector<16x256xi32>
    %select_n3A = arith.select %and3A, %sub3A_289, %div3A_267 : vector<16x256xi1>, vector<16x256xi32>
    %jit3A_290 = arith.constant 4 : i32
    %div3A_291 = vector.broadcast %jit3A_290 : i32 to vector<16x256xi32>
    %div3A_292 = arith.divsi %iota3A, %div3A_291 : vector<16x256xi32>
    %sign3A_293 = arith.constant 0 : i32
    %sign3A_294 = vector.broadcast %sign3A_293 : i32 to vector<16x256xi32>
    %sign3A_295 = arith.cmpi sgt, %iota3A, %sign3A_294 : vector<16x256xi32>
    %sign3A_296 = arith.extui %sign3A_295 : vector<16x256xi1> to vector<16x256xi32>
    %sign3A_297 = arith.constant 0 : i32
    %sign3A_298 = vector.broadcast %sign3A_297 : i32 to vector<16x256xi32>
    %sign3A_299 = arith.cmpi slt, %iota3A, %sign3A_298 : vector<16x256xi32>
    %sign3A_300 = arith.extui %sign3A_299 : vector<16x256xi1> to vector<16x256xi32>
    %sign3A_301 = arith.subi %sign3A_296, %sign3A_300 : vector<16x256xi32>
    %sign3A_302 = arith.constant 0 : i32
    %sign3A_303 = arith.cmpi sgt, %jit3A_290, %sign3A_302 : i32
    %sign3A_304 = arith.extui %sign3A_303 : i1 to i32
    %sign3A_305 = arith.constant 0 : i32
    %sign3A_306 = arith.cmpi slt, %jit3A_290, %sign3A_305 : i32
    %sign3A_307 = arith.extui %sign3A_306 : i1 to i32
    %sign3A_308 = arith.subi %sign3A_304, %sign3A_307 : i32
    %ne3A_309 = vector.broadcast %sign3A_308 : i32 to vector<16x256xi32>
    %ne3A_310 = arith.cmpi ne, %sign3A_301, %ne3A_309 : vector<16x256xi32>
    %rem3A_311 = vector.broadcast %jit3A_290 : i32 to vector<16x256xi32>
    %rem3A_312 = arith.remsi %iota3A, %rem3A_311 : vector<16x256xi32>
    %ne3A_313 = arith.constant 0 : i32
    %ne3A_314 = vector.broadcast %ne3A_313 : i32 to vector<16x256xi32>
    %ne3A_315 = arith.cmpi ne, %rem3A_312, %ne3A_314 : vector<16x256xi32>
    %and3A_316 = arith.andi %ne3A_310, %ne3A_315 : vector<16x256xi1>
    %sub3A_317 = arith.constant 1 : i32
    %sub3A_318 = vector.broadcast %sub3A_317 : i32 to vector<16x256xi32>
    %sub3A_319 = arith.subi %div3A_292, %sub3A_318 : vector<16x256xi32>
    %select_n3A_320 = arith.select %and3A_316, %sub3A_319, %div3A_292 : vector<16x256xi1>, vector<16x256xi32>
    %eq3A = arith.cmpi eq, %select_n3A_320, %select_n3A : vector<16x256xi32>
    %jit3A_321 = arith.constant 0.000000e+00 : f32
    %broadcast_in_dim3A_322 = vector.broadcast %jit3A_321 : f32 to vector<16x256xf32>
    %select_n3A_323 = arith.select %eq3A, %dot_general3A_265, %broadcast_in_dim3A_322 : vector<16x256xi1>, vector<16x256xf32>
    %slice3A_324 = vector.extract_strided_slice %select_n3A_323 {offsets = [0, 0], sizes = [16, 64], strides = [1, 1]} : vector<16x256xf32> to vector<16x64xf32>
    %slice3A_325 = vector.extract_strided_slice %select_n3A_323 {offsets = [0, 64], sizes = [16, 64], strides = [1, 1]} : vector<16x256xf32> to vector<16x64xf32>
    %add3A = arith.addf %slice3A_324, %slice3A_325 : vector<16x64xf32>
    %slice3A_326 = vector.extract_strided_slice %select_n3A_323 {offsets = [0, 128], sizes = [16, 64], strides = [1, 1]} : vector<16x256xf32> to vector<16x64xf32>
    %add3A_327 = arith.addf %add3A, %slice3A_326 : vector<16x64xf32>
    %slice3A_328 = vector.extract_strided_slice %select_n3A_323 {offsets = [0, 192], sizes = [16, 64], strides = [1, 1]} : vector<16x256xf32> to vector<16x64xf32>
    %add3A_329 = arith.addf %add3A_327, %slice3A_328 : vector<16x64xf32>
    %dma_wait3A_330 = arith.constant 31 : i32
    %dma_wait3A_331 = tpu.memref_slice %arg12[%dma_wait3A_330] : memref<64x!tpu.dma_semaphore, #tpu.memory_space<semaphore_mem>> -> memref<1x!tpu.dma_semaphore, #tpu.memory_space<semaphore_mem>>
    %dma_wait3A_332 = tpu.memref_squeeze %dma_wait3A_331 : memref<1x!tpu.dma_semaphore, #tpu.memory_space<semaphore_mem>> -> memref<!tpu.dma_semaphore, #tpu.memory_space<semaphore_mem>>
    tpu.wait_dma2 semaphore(%dma_wait3A_332 : memref<!tpu.dma_semaphore, #tpu.memory_space<semaphore_mem>>) src(%arg3 : memref<1024x1024xf32, #tpu.memory_space<hbm>>) dst(%arg9 : memref<1024x1024xf32, #tpu.memory_space<vmem>>)
    %broadcast_in_dim3A_333 = arith.constant 0.000000e+00 : f32
    %broadcast_in_dim3A_334 = vector.broadcast %broadcast_in_dim3A_333 : f32 to vector<1x1024xf32>
    %slice3A_335 = vector.extract_strided_slice %add3A_329 {offsets = [0, 0], sizes = [1, 64], strides = [1, 1]} : vector<16x64xf32> to vector<1x64xf32>
    %convert_element_type3A_336 = arith.truncf %slice3A_335 : vector<1x64xf32> to vector<1x64xbf16>
    %get3A_337 = arith.constant 0 : index
    %get3A_338 = arith.constant 0 : index
    %get3A_339 = vector.load %arg9[%get3A_337, %get3A_338] : memref<1024x1024xf32, #tpu.memory_space<vmem>>, vector<64x1024xf32>
    %convert_element_type3A_340 = arith.truncf %get3A_339 : vector<64x1024xf32> to vector<64x1024xbf16>
    %dot_general3A_341 = arith.constant dense<0.000000e+00> : vector<1x1024xf32>
    %dot_general3A_342 = tpu.matmul %convert_element_type3A_336, %convert_element_type3A_340, %dot_general3A_341 {dimension_numbers = #tpu.dot_dimension_numbers<[1], [0], [0], [1], [0, 0, 1, 1], [], []>, transpose_lhs_hint = false} : vector<1x64xbf16>, vector<64x1024xbf16>, vector<1x1024xf32> -> vector<1x1024xf32>
    %add3A_343 = arith.addf %broadcast_in_dim3A_334, %dot_general3A_342 : vector<1x1024xf32>
    %slice3A_344 = vector.extract_strided_slice %add3A_329 {offsets = [1, 0], sizes = [1, 64], strides = [1, 1]} : vector<16x64xf32> to vector<1x64xf32>
    %convert_element_type3A_345 = arith.truncf %slice3A_344 : vector<1x64xf32> to vector<1x64xbf16>
    %get3A_346 = arith.constant 64 : index
    %get3A_347 = arith.constant 0 : index
    %get3A_348 = vector.load %arg9[%get3A_346, %get3A_347] : memref<1024x1024xf32, #tpu.memory_space<vmem>>, vector<64x1024xf32>
    %convert_element_type3A_349 = arith.truncf %get3A_348 : vector<64x1024xf32> to vector<64x1024xbf16>
    %dot_general3A_350 = arith.constant dense<0.000000e+00> : vector<1x1024xf32>
    %dot_general3A_351 = tpu.matmul %convert_element_type3A_345, %convert_element_type3A_349, %dot_general3A_350 {dimension_numbers = #tpu.dot_dimension_numbers<[1], [0], [0], [1], [0, 0, 1, 1], [], []>, transpose_lhs_hint = false} : vector<1x64xbf16>, vector<64x1024xbf16>, vector<1x1024xf32> -> vector<1x1024xf32>
    %add3A_352 = arith.addf %add3A_343, %dot_general3A_351 : vector<1x1024xf32>
    %slice3A_353 = vector.extract_strided_slice %add3A_329 {offsets = [2, 0], sizes = [1, 64], strides = [1, 1]} : vector<16x64xf32> to vector<1x64xf32>
    %convert_element_type3A_354 = arith.truncf %slice3A_353 : vector<1x64xf32> to vector<1x64xbf16>
    %get3A_355 = arith.constant 128 : index
    %get3A_356 = arith.constant 0 : index
    %get3A_357 = vector.load %arg9[%get3A_355, %get3A_356] : memref<1024x1024xf32, #tpu.memory_space<vmem>>, vector<64x1024xf32>
    %convert_element_type3A_358 = arith.truncf %get3A_357 : vector<64x1024xf32> to vector<64x1024xbf16>
    %dot_general3A_359 = arith.constant dense<0.000000e+00> : vector<1x1024xf32>
    %dot_general3A_360 = tpu.matmul %convert_element_type3A_354, %convert_element_type3A_358, %dot_general3A_359 {dimension_numbers = #tpu.dot_dimension_numbers<[1], [0], [0], [1], [0, 0, 1, 1], [], []>, transpose_lhs_hint = false} : vector<1x64xbf16>, vector<64x1024xbf16>, vector<1x1024xf32> -> vector<1x1024xf32>
    %add3A_361 = arith.addf %add3A_352, %dot_general3A_360 : vector<1x1024xf32>
    %slice3A_362 = vector.extract_strided_slice %add3A_329 {offsets = [3, 0], sizes = [1, 64], strides = [1, 1]} : vector<16x64xf32> to vector<1x64xf32>
    %convert_element_type3A_363 = arith.truncf %slice3A_362 : vector<1x64xf32> to vector<1x64xbf16>
    %get3A_364 = arith.constant 192 : index
    %get3A_365 = arith.constant 0 : index
    %get3A_366 = vector.load %arg9[%get3A_364, %get3A_365] : memref<1024x1024xf32, #tpu.memory_space<vmem>>, vector<64x1024xf32>
    %convert_element_type3A_367 = arith.truncf %get3A_366 : vector<64x1024xf32> to vector<64x1024xbf16>
    %dot_general3A_368 = arith.constant dense<0.000000e+00> : vector<1x1024xf32>
    %dot_general3A_369 = tpu.matmul %convert_element_type3A_363, %convert_element_type3A_367, %dot_general3A_368 {dimension_numbers = #tpu.dot_dimension_numbers<[1], [0], [0], [1], [0, 0, 1, 1], [], []>, transpose_lhs_hint = false} : vector<1x64xbf16>, vector<64x1024xbf16>, vector<1x1024xf32> -> vector<1x1024xf32>
    %add3A_370 = arith.addf %add3A_361, %dot_general3A_369 : vector<1x1024xf32>
    %slice3A_371 = vector.extract_strided_slice %add3A_329 {offsets = [4, 0], sizes = [1, 64], strides = [1, 1]} : vector<16x64xf32> to vector<1x64xf32>
    %convert_element_type3A_372 = arith.truncf %slice3A_371 : vector<1x64xf32> to vector<1x64xbf16>
    %get3A_373 = arith.constant 256 : index
    %get3A_374 = arith.constant 0 : index
    %get3A_375 = vector.load %arg9[%get3A_373, %get3A_374] : memref<1024x1024xf32, #tpu.memory_space<vmem>>, vector<64x1024xf32>
    %convert_element_type3A_376 = arith.truncf %get3A_375 : vector<64x1024xf32> to vector<64x1024xbf16>
    %dot_general3A_377 = arith.constant dense<0.000000e+00> : vector<1x1024xf32>
    %dot_general3A_378 = tpu.matmul %convert_element_type3A_372, %convert_element_type3A_376, %dot_general3A_377 {dimension_numbers = #tpu.dot_dimension_numbers<[1], [0], [0], [1], [0, 0, 1, 1], [], []>, transpose_lhs_hint = false} : vector<1x64xbf16>, vector<64x1024xbf16>, vector<1x1024xf32> -> vector<1x1024xf32>
    %add3A_379 = arith.addf %add3A_370, %dot_general3A_378 : vector<1x1024xf32>
    %slice3A_380 = vector.extract_strided_slice %add3A_329 {offsets = [5, 0], sizes = [1, 64], strides = [1, 1]} : vector<16x64xf32> to vector<1x64xf32>
    %convert_element_type3A_381 = arith.truncf %slice3A_380 : vector<1x64xf32> to vector<1x64xbf16>
    %get3A_382 = arith.constant 320 : index
    %get3A_383 = arith.constant 0 : index
    %get3A_384 = vector.load %arg9[%get3A_382, %get3A_383] : memref<1024x1024xf32, #tpu.memory_space<vmem>>, vector<64x1024xf32>
    %convert_element_type3A_385 = arith.truncf %get3A_384 : vector<64x1024xf32> to vector<64x1024xbf16>
    %dot_general3A_386 = arith.constant dense<0.000000e+00> : vector<1x1024xf32>
    %dot_general3A_387 = tpu.matmul %convert_element_type3A_381, %convert_element_type3A_385, %dot_general3A_386 {dimension_numbers = #tpu.dot_dimension_numbers<[1], [0], [0], [1], [0, 0, 1, 1], [], []>, transpose_lhs_hint = false} : vector<1x64xbf16>, vector<64x1024xbf16>, vector<1x1024xf32> -> vector<1x1024xf32>
    %add3A_388 = arith.addf %add3A_379, %dot_general3A_387 : vector<1x1024xf32>
    %slice3A_389 = vector.extract_strided_slice %add3A_329 {offsets = [6, 0], sizes = [1, 64], strides = [1, 1]} : vector<16x64xf32> to vector<1x64xf32>
    %convert_element_type3A_390 = arith.truncf %slice3A_389 : vector<1x64xf32> to vector<1x64xbf16>
    %get3A_391 = arith.constant 384 : index
    %get3A_392 = arith.constant 0 : index
    %get3A_393 = vector.load %arg9[%get3A_391, %get3A_392] : memref<1024x1024xf32, #tpu.memory_space<vmem>>, vector<64x1024xf32>
    %convert_element_type3A_394 = arith.truncf %get3A_393 : vector<64x1024xf32> to vector<64x1024xbf16>
    %dot_general3A_395 = arith.constant dense<0.000000e+00> : vector<1x1024xf32>
    %dot_general3A_396 = tpu.matmul %convert_element_type3A_390, %convert_element_type3A_394, %dot_general3A_395 {dimension_numbers = #tpu.dot_dimension_numbers<[1], [0], [0], [1], [0, 0, 1, 1], [], []>, transpose_lhs_hint = false} : vector<1x64xbf16>, vector<64x1024xbf16>, vector<1x1024xf32> -> vector<1x1024xf32>
    %add3A_397 = arith.addf %add3A_388, %dot_general3A_396 : vector<1x1024xf32>
    %slice3A_398 = vector.extract_strided_slice %add3A_329 {offsets = [7, 0], sizes = [1, 64], strides = [1, 1]} : vector<16x64xf32> to vector<1x64xf32>
    %convert_element_type3A_399 = arith.truncf %slice3A_398 : vector<1x64xf32> to vector<1x64xbf16>
    %get3A_400 = arith.constant 448 : index
    %get3A_401 = arith.constant 0 : index
    %get3A_402 = vector.load %arg9[%get3A_400, %get3A_401] : memref<1024x1024xf32, #tpu.memory_space<vmem>>, vector<64x1024xf32>
    %convert_element_type3A_403 = arith.truncf %get3A_402 : vector<64x1024xf32> to vector<64x1024xbf16>
    %dot_general3A_404 = arith.constant dense<0.000000e+00> : vector<1x1024xf32>
    %dot_general3A_405 = tpu.matmul %convert_element_type3A_399, %convert_element_type3A_403, %dot_general3A_404 {dimension_numbers = #tpu.dot_dimension_numbers<[1], [0], [0], [1], [0, 0, 1, 1], [], []>, transpose_lhs_hint = false} : vector<1x64xbf16>, vector<64x1024xbf16>, vector<1x1024xf32> -> vector<1x1024xf32>
    %add3A_406 = arith.addf %add3A_397, %dot_general3A_405 : vector<1x1024xf32>
    %slice3A_407 = vector.extract_strided_slice %add3A_329 {offsets = [8, 0], sizes = [1, 64], strides = [1, 1]} : vector<16x64xf32> to vector<1x64xf32>
    %convert_element_type3A_408 = arith.truncf %slice3A_407 : vector<1x64xf32> to vector<1x64xbf16>
    %get3A_409 = arith.constant 512 : index
    %get3A_410 = arith.constant 0 : index
    %get3A_411 = vector.load %arg9[%get3A_409, %get3A_410] : memref<1024x1024xf32, #tpu.memory_space<vmem>>, vector<64x1024xf32>
    %convert_element_type3A_412 = arith.truncf %get3A_411 : vector<64x1024xf32> to vector<64x1024xbf16>
    %dot_general3A_413 = arith.constant dense<0.000000e+00> : vector<1x1024xf32>
    %dot_general3A_414 = tpu.matmul %convert_element_type3A_408, %convert_element_type3A_412, %dot_general3A_413 {dimension_numbers = #tpu.dot_dimension_numbers<[1], [0], [0], [1], [0, 0, 1, 1], [], []>, transpose_lhs_hint = false} : vector<1x64xbf16>, vector<64x1024xbf16>, vector<1x1024xf32> -> vector<1x1024xf32>
    %add3A_415 = arith.addf %add3A_406, %dot_general3A_414 : vector<1x1024xf32>
    %slice3A_416 = vector.extract_strided_slice %add3A_329 {offsets = [9, 0], sizes = [1, 64], strides = [1, 1]} : vector<16x64xf32> to vector<1x64xf32>
    %convert_element_type3A_417 = arith.truncf %slice3A_416 : vector<1x64xf32> to vector<1x64xbf16>
    %get3A_418 = arith.constant 576 : index
    %get3A_419 = arith.constant 0 : index
    %get3A_420 = vector.load %arg9[%get3A_418, %get3A_419] : memref<1024x1024xf32, #tpu.memory_space<vmem>>, vector<64x1024xf32>
    %convert_element_type3A_421 = arith.truncf %get3A_420 : vector<64x1024xf32> to vector<64x1024xbf16>
    %dot_general3A_422 = arith.constant dense<0.000000e+00> : vector<1x1024xf32>
    %dot_general3A_423 = tpu.matmul %convert_element_type3A_417, %convert_element_type3A_421, %dot_general3A_422 {dimension_numbers = #tpu.dot_dimension_numbers<[1], [0], [0], [1], [0, 0, 1, 1], [], []>, transpose_lhs_hint = false} : vector<1x64xbf16>, vector<64x1024xbf16>, vector<1x1024xf32> -> vector<1x1024xf32>
    %add3A_424 = arith.addf %add3A_415, %dot_general3A_423 : vector<1x1024xf32>
    %slice3A_425 = vector.extract_strided_slice %add3A_329 {offsets = [10, 0], sizes = [1, 64], strides = [1, 1]} : vector<16x64xf32> to vector<1x64xf32>
    %convert_element_type3A_426 = arith.truncf %slice3A_425 : vector<1x64xf32> to vector<1x64xbf16>
    %get3A_427 = arith.constant 640 : index
    %get3A_428 = arith.constant 0 : index
    %get3A_429 = vector.load %arg9[%get3A_427, %get3A_428] : memref<1024x1024xf32, #tpu.memory_space<vmem>>, vector<64x1024xf32>
    %convert_element_type3A_430 = arith.truncf %get3A_429 : vector<64x1024xf32> to vector<64x1024xbf16>
    %dot_general3A_431 = arith.constant dense<0.000000e+00> : vector<1x1024xf32>
    %dot_general3A_432 = tpu.matmul %convert_element_type3A_426, %convert_element_type3A_430, %dot_general3A_431 {dimension_numbers = #tpu.dot_dimension_numbers<[1], [0], [0], [1], [0, 0, 1, 1], [], []>, transpose_lhs_hint = false} : vector<1x64xbf16>, vector<64x1024xbf16>, vector<1x1024xf32> -> vector<1x1024xf32>
    %add3A_433 = arith.addf %add3A_424, %dot_general3A_432 : vector<1x1024xf32>
    %slice3A_434 = vector.extract_strided_slice %add3A_329 {offsets = [11, 0], sizes = [1, 64], strides = [1, 1]} : vector<16x64xf32> to vector<1x64xf32>
    %convert_element_type3A_435 = arith.truncf %slice3A_434 : vector<1x64xf32> to vector<1x64xbf16>
    %get3A_436 = arith.constant 704 : index
    %get3A_437 = arith.constant 0 : index
    %get3A_438 = vector.load %arg9[%get3A_436, %get3A_437] : memref<1024x1024xf32, #tpu.memory_space<vmem>>, vector<64x1024xf32>
    %convert_element_type3A_439 = arith.truncf %get3A_438 : vector<64x1024xf32> to vector<64x1024xbf16>
    %dot_general3A_440 = arith.constant dense<0.000000e+00> : vector<1x1024xf32>
    %dot_general3A_441 = tpu.matmul %convert_element_type3A_435, %convert_element_type3A_439, %dot_general3A_440 {dimension_numbers = #tpu.dot_dimension_numbers<[1], [0], [0], [1], [0, 0, 1, 1], [], []>, transpose_lhs_hint = false} : vector<1x64xbf16>, vector<64x1024xbf16>, vector<1x1024xf32> -> vector<1x1024xf32>
    %add3A_442 = arith.addf %add3A_433, %dot_general3A_441 : vector<1x1024xf32>
    %slice3A_443 = vector.extract_strided_slice %add3A_329 {offsets = [12, 0], sizes = [1, 64], strides = [1, 1]} : vector<16x64xf32> to vector<1x64xf32>
    %convert_element_type3A_444 = arith.truncf %slice3A_443 : vector<1x64xf32> to vector<1x64xbf16>
    %get3A_445 = arith.constant 768 : index
    %get3A_446 = arith.constant 0 : index
    %get3A_447 = vector.load %arg9[%get3A_445, %get3A_446] : memref<1024x1024xf32, #tpu.memory_space<vmem>>, vector<64x1024xf32>
    %convert_element_type3A_448 = arith.truncf %get3A_447 : vector<64x1024xf32> to vector<64x1024xbf16>
    %dot_general3A_449 = arith.constant dense<0.000000e+00> : vector<1x1024xf32>
    %dot_general3A_450 = tpu.matmul %convert_element_type3A_444, %convert_element_type3A_448, %dot_general3A_449 {dimension_numbers = #tpu.dot_dimension_numbers<[1], [0], [0], [1], [0, 0, 1, 1], [], []>, transpose_lhs_hint = false} : vector<1x64xbf16>, vector<64x1024xbf16>, vector<1x1024xf32> -> vector<1x1024xf32>
    %add3A_451 = arith.addf %add3A_442, %dot_general3A_450 : vector<1x1024xf32>
    %slice3A_452 = vector.extract_strided_slice %add3A_329 {offsets = [13, 0], sizes = [1, 64], strides = [1, 1]} : vector<16x64xf32> to vector<1x64xf32>
    %convert_element_type3A_453 = arith.truncf %slice3A_452 : vector<1x64xf32> to vector<1x64xbf16>
    %get3A_454 = arith.constant 832 : index
    %get3A_455 = arith.constant 0 : index
    %get3A_456 = vector.load %arg9[%get3A_454, %get3A_455] : memref<1024x1024xf32, #tpu.memory_space<vmem>>, vector<64x1024xf32>
    %convert_element_type3A_457 = arith.truncf %get3A_456 : vector<64x1024xf32> to vector<64x1024xbf16>
    %dot_general3A_458 = arith.constant dense<0.000000e+00> : vector<1x1024xf32>
    %dot_general3A_459 = tpu.matmul %convert_element_type3A_453, %convert_element_type3A_457, %dot_general3A_458 {dimension_numbers = #tpu.dot_dimension_numbers<[1], [0], [0], [1], [0, 0, 1, 1], [], []>, transpose_lhs_hint = false} : vector<1x64xbf16>, vector<64x1024xbf16>, vector<1x1024xf32> -> vector<1x1024xf32>
    %add3A_460 = arith.addf %add3A_451, %dot_general3A_459 : vector<1x1024xf32>
    %slice3A_461 = vector.extract_strided_slice %add3A_329 {offsets = [14, 0], sizes = [1, 64], strides = [1, 1]} : vector<16x64xf32> to vector<1x64xf32>
    %convert_element_type3A_462 = arith.truncf %slice3A_461 : vector<1x64xf32> to vector<1x64xbf16>
    %get3A_463 = arith.constant 896 : index
    %get3A_464 = arith.constant 0 : index
    %get3A_465 = vector.load %arg9[%get3A_463, %get3A_464] : memref<1024x1024xf32, #tpu.memory_space<vmem>>, vector<64x1024xf32>
    %convert_element_type3A_466 = arith.truncf %get3A_465 : vector<64x1024xf32> to vector<64x1024xbf16>
    %dot_general3A_467 = arith.constant dense<0.000000e+00> : vector<1x1024xf32>
    %dot_general3A_468 = tpu.matmul %convert_element_type3A_462, %convert_element_type3A_466, %dot_general3A_467 {dimension_numbers = #tpu.dot_dimension_numbers<[1], [0], [0], [1], [0, 0, 1, 1], [], []>, transpose_lhs_hint = false} : vector<1x64xbf16>, vector<64x1024xbf16>, vector<1x1024xf32> -> vector<1x1024xf32>
    %add3A_469 = arith.addf %add3A_460, %dot_general3A_468 : vector<1x1024xf32>
    %slice3A_470 = vector.extract_strided_slice %add3A_329 {offsets = [15, 0], sizes = [1, 64], strides = [1, 1]} : vector<16x64xf32> to vector<1x64xf32>
    %convert_element_type3A_471 = arith.truncf %slice3A_470 : vector<1x64xf32> to vector<1x64xbf16>
    %get3A_472 = arith.constant 960 : index
    %get3A_473 = arith.constant 0 : index
    %get3A_474 = vector.load %arg9[%get3A_472, %get3A_473] : memref<1024x1024xf32, #tpu.memory_space<vmem>>, vector<64x1024xf32>
    %convert_element_type3A_475 = arith.truncf %get3A_474 : vector<64x1024xf32> to vector<64x1024xbf16>
    %dot_general3A_476 = arith.constant dense<0.000000e+00> : vector<1x1024xf32>
    %dot_general3A_477 = tpu.matmul %convert_element_type3A_471, %convert_element_type3A_475, %dot_general3A_476 {dimension_numbers = #tpu.dot_dimension_numbers<[1], [0], [0], [1], [0, 0, 1, 1], [], []>, transpose_lhs_hint = false} : vector<1x64xbf16>, vector<64x1024xbf16>, vector<1x1024xf32> -> vector<1x1024xf32>
    %add3A_478 = arith.addf %add3A_469, %dot_general3A_477 : vector<1x1024xf32>
    %broadcast_in_dim3A_479 = arith.constant 0.000000e+00 : f32
    %broadcast_in_dim3A_480 = vector.broadcast %broadcast_in_dim3A_479 : f32 to vector<8x1024xf32>
    %swap3A_481 = arith.constant 0 : index
    %swap3A_482 = arith.constant 0 : index
    %swap3A_483 = vector.load %arg11[%swap3A_481, %swap3A_482] : memref<8x1024xf32, #tpu.memory_space<vmem>>, vector<8x1024xf32>
    tpu.vector_store %arg11[%swap3A_481, %swap3A_482], %broadcast_in_dim3A_480 {strides = array<i32>} : memref<8x1024xf32, #tpu.memory_space<vmem>>, vector<8x1024xf32>,
    %swap3A_484 = arith.constant 7 : index
    %swap3A_485 = arith.constant 0 : index
    %swap3A_486 = vector.load %arg11[%swap3A_484, %swap3A_485] : memref<8x1024xf32, #tpu.memory_space<vmem>>, vector<1x1024xf32>
    tpu.vector_store %arg11[%swap3A_484, %swap3A_485], %add3A_478 {strides = array<i32>} : memref<8x1024xf32, #tpu.memory_space<vmem>>, vector<1x1024xf32>,
    %dma_start3A_487 = arith.constant 16 : i32
    %dma_start3A_488 = tpu.memref_slice %arg12[%dma_start3A_487] : memref<64x!tpu.dma_semaphore, #tpu.memory_space<semaphore_mem>> -> memref<1x!tpu.dma_semaphore, #tpu.memory_space<semaphore_mem>>
    %dma_start3A_489 = tpu.memref_squeeze %dma_start3A_488 : memref<1x!tpu.dma_semaphore, #tpu.memory_space<semaphore_mem>> -> memref<!tpu.dma_semaphore, #tpu.memory_space<semaphore_mem>>
    %dma_start3A_490 = arith.constant 2040 : i32
    %dma_start3A_491 = arith.constant 0 : i32
    %dma_start3A_492 = tpu.memref_slice %arg7[%dma_start3A_490, %dma_start3A_491] : memref<2048x1024xf32, #tpu.memory_space<hbm>> -> memref<8x1024xf32, #tpu.memory_space<hbm>>
    tpu.enqueue_dma source(%arg11 : memref<8x1024xf32, #tpu.memory_space<vmem>>) target(%dma_start3A_492 : memref<8x1024xf32, #tpu.memory_space<hbm>>) target_semaphore(%dma_start3A_489 : memref<!tpu.dma_semaphore, #tpu.memory_space<semaphore_mem>>)
    %dma_wait3A_493 = arith.constant 0 : i32
    %dma_wait3A_494 = arith.constant 0 : i32
    %dma_wait3A_495 = tpu.memref_slice %arg12[%dma_wait3A_494] : memref<64x!tpu.dma_semaphore, #tpu.memory_space<semaphore_mem>> -> memref<1x!tpu.dma_semaphore, #tpu.memory_space<semaphore_mem>>
    %dma_wait3A_496 = tpu.memref_squeeze %dma_wait3A_495 : memref<1x!tpu.dma_semaphore, #tpu.memory_space<semaphore_mem>> -> memref<!tpu.dma_semaphore, #tpu.memory_space<semaphore_mem>>
    %dma_wait3A_497 = arith.constant 2040 : i32
    %dma_wait3A_498 = arith.constant 0 : i32
    %dma_wait3A_499 = tpu.memref_slice %arg6[%dma_wait3A_493, %dma_wait3A_497, %dma_wait3A_498] : memref<16x2048x2048xf32, #tpu.memory_space<hbm>> -> memref<1x8x2048xf32, #tpu.memory_space<hbm>>
    %dma_wait3A_500 = tpu.memref_squeeze %dma_wait3A_499 : memref<1x8x2048xf32, #tpu.memory_space<hbm>> -> memref<8x2048xf32, #tpu.memory_space<hbm>>
    %dma_wait3A_501 = arith.constant 0 : i32
    %dma_wait3A_502 = arith.constant 0 : i32
    %dma_wait3A_503 = tpu.memref_slice %arg10[%dma_wait3A_501, %dma_wait3A_502] : memref<128x2048xf32, #tpu.memory_space<vmem>> -> memref<8x2048xf32, #tpu.memory_space<vmem>>
    tpu.wait_dma2 semaphore(%dma_wait3A_496 : memref<!tpu.dma_semaphore, #tpu.memory_space<semaphore_mem>>) src(%dma_wait3A_503 : memref<8x2048xf32, #tpu.memory_space<vmem>>) dst(%dma_wait3A_500 : memref<8x2048xf32, #tpu.memory_space<hbm>>)
    %dma_wait3A_504 = arith.constant 1 : i32
    %dma_wait3A_505 = arith.constant 1 : i32
    %dma_wait3A_506 = tpu.memref_slice %arg12[%dma_wait3A_505] : memref<64x!tpu.dma_semaphore, #tpu.memory_space<semaphore_mem>> -> memref<1x!tpu.dma_semaphore, #tpu.memory_space<semaphore_mem>>
    %dma_wait3A_507 = tpu.memref_squeeze %dma_wait3A_506 : memref<1x!tpu.dma_semaphore, #tpu.memory_space<semaphore_mem>> -> memref<!tpu.dma_semaphore, #tpu.memory_space<semaphore_mem>>
    %dma_wait3A_508 = arith.constant 2040 : i32
    %dma_wait3A_509 = arith.constant 0 : i32
    %dma_wait3A_510 = tpu.memref_slice %arg6[%dma_wait3A_504, %dma_wait3A_508, %dma_wait3A_509] : memref<16x2048x2048xf32, #tpu.memory_space<hbm>> -> memref<1x8x2048xf32, #tpu.memory_space<hbm>>
    %dma_wait3A_511 = tpu.memref_squeeze %dma_wait3A_510 : memref<1x8x2048xf32, #tpu.memory_space<hbm>> -> memref<8x2048xf32, #tpu.memory_space<hbm>>
    %dma_wait3A_512 = arith.constant 8 : i32
    %dma_wait3A_513 = arith.constant 0 : i32
    %dma_wait3A_514 = tpu.memref_slice %arg10[%dma_wait3A_512, %dma_wait3A_513] : memref<128x2048xf32, #tpu.memory_space<vmem>> -> memref<8x2048xf32, #tpu.memory_space<vmem>>
    tpu.wait_dma2 semaphore(%dma_wait3A_507 : memref<!tpu.dma_semaphore, #tpu.memory_space<semaphore_mem>>) src(%dma_wait3A_514 : memref<8x2048xf32, #tpu.memory_space<vmem>>) dst(%dma_wait3A_511 : memref<8x2048xf32, #tpu.memory_space<hbm>>)
    %dma_wait3A_515 = arith.constant 2 : i32
    %dma_wait3A_516 = arith.constant 2 : i32
    %dma_wait3A_517 = tpu.memref_slice %arg12[%dma_wait3A_516] : memref<64x!tpu.dma_semaphore, #tpu.memory_space<semaphore_mem>> -> memref<1x!tpu.dma_semaphore, #tpu.memory_space<semaphore_mem>>
    %dma_wait3A_518 = tpu.memref_squeeze %dma_wait3A_517 : memref<1x!tpu.dma_semaphore, #tpu.memory_space<semaphore_mem>> -> memref<!tpu.dma_semaphore, #tpu.memory_space<semaphore_mem>>
    %dma_wait3A_519 = arith.constant 2040 : i32
    %dma_wait3A_520 = arith.constant 0 : i32
    %dma_wait3A_521 = tpu.memref_slice %arg6[%dma_wait3A_515, %dma_wait3A_519, %dma_wait3A_520] : memref<16x2048x2048xf32, #tpu.memory_space<hbm>> -> memref<1x8x2048xf32, #tpu.memory_space<hbm>>
    %dma_wait3A_522 = tpu.memref_squeeze %dma_wait3A_521 : memref<1x8x2048xf32, #tpu.memory_space<hbm>> -> memref<8x2048xf32, #tpu.memory_space<hbm>>
    %dma_wait3A_523 = arith.constant 16 : i32
    %dma_wait3A_524 = arith.constant 0 : i32
    %dma_wait3A_525 = tpu.memref_slice %arg10[%dma_wait3A_523, %dma_wait3A_524] : memref<128x2048xf32, #tpu.memory_space<vmem>> -> memref<8x2048xf32, #tpu.memory_space<vmem>>
    tpu.wait_dma2 semaphore(%dma_wait3A_518 : memref<!tpu.dma_semaphore, #tpu.memory_space<semaphore_mem>>) src(%dma_wait3A_525 : memref<8x2048xf32, #tpu.memory_space<vmem>>) dst(%dma_wait3A_522 : memref<8x2048xf32, #tpu.memory_space<hbm>>)
    %dma_wait3A_526 = arith.constant 3 : i32
    %dma_wait3A_527 = arith.constant 3 : i32
    %dma_wait3A_528 = tpu.memref_slice %arg12[%dma_wait3A_527] : memref<64x!tpu.dma_semaphore, #tpu.memory_space<semaphore_mem>> -> memref<1x!tpu.dma_semaphore, #tpu.memory_space<semaphore_mem>>
    %dma_wait3A_529 = tpu.memref_squeeze %dma_wait3A_528 : memref<1x!tpu.dma_semaphore, #tpu.memory_space<semaphore_mem>> -> memref<!tpu.dma_semaphore, #tpu.memory_space<semaphore_mem>>
    %dma_wait3A_530 = arith.constant 2040 : i32
    %dma_wait3A_531 = arith.constant 0 : i32
    %dma_wait3A_532 = tpu.memref_slice %arg6[%dma_wait3A_526, %dma_wait3A_530, %dma_wait3A_531] : memref<16x2048x2048xf32, #tpu.memory_space<hbm>> -> memref<1x8x2048xf32, #tpu.memory_space<hbm>>
    %dma_wait3A_533 = tpu.memref_squeeze %dma_wait3A_532 : memref<1x8x2048xf32, #tpu.memory_space<hbm>> -> memref<8x2048xf32, #tpu.memory_space<hbm>>
    %dma_wait3A_534 = arith.constant 24 : i32
    %dma_wait3A_535 = arith.constant 0 : i32
    %dma_wait3A_536 = tpu.memref_slice %arg10[%dma_wait3A_534, %dma_wait3A_535] : memref<128x2048xf32, #tpu.memory_space<vmem>> -> memref<8x2048xf32, #tpu.memory_space<vmem>>
    tpu.wait_dma2 semaphore(%dma_wait3A_529 : memref<!tpu.dma_semaphore, #tpu.memory_space<semaphore_mem>>) src(%dma_wait3A_536 : memref<8x2048xf32, #tpu.memory_space<vmem>>) dst(%dma_wait3A_533 : memref<8x2048xf32, #tpu.memory_space<hbm>>)
    %dma_wait3A_537 = arith.constant 4 : i32
    %dma_wait3A_538 = arith.constant 4 : i32
    %dma_wait3A_539 = tpu.memref_slice %arg12[%dma_wait3A_538] : memref<64x!tpu.dma_semaphore, #tpu.memory_space<semaphore_mem>> -> memref<1x!tpu.dma_semaphore, #tpu.memory_space<semaphore_mem>>
    %dma_wait3A_540 = tpu.memref_squeeze %dma_wait3A_539 : memref<1x!tpu.dma_semaphore, #tpu.memory_space<semaphore_mem>> -> memref<!tpu.dma_semaphore, #tpu.memory_space<semaphore_mem>>
    %dma_wait3A_541 = arith.constant 2040 : i32
    %dma_wait3A_542 = arith.constant 0 : i32
    %dma_wait3A_543 = tpu.memref_slice %arg6[%dma_wait3A_537, %dma_wait3A_541, %dma_wait3A_542] : memref<16x2048x2048xf32, #tpu.memory_space<hbm>> -> memref<1x8x2048xf32, #tpu.memory_space<hbm>>
    %dma_wait3A_544 = tpu.memref_squeeze %dma_wait3A_543 : memref<1x8x2048xf32, #tpu.memory_space<hbm>> -> memref<8x2048xf32, #tpu.memory_space<hbm>>
    %dma_wait3A_545 = arith.constant 32 : i32
    %dma_wait3A_546 = arith.constant 0 : i32
    %dma_wait3A_547 = tpu.memref_slice %arg10[%dma_wait3A_545, %dma_wait3A_546] : memref<128x2048xf32, #tpu.memory_space<vmem>> -> memref<8x2048xf32, #tpu.memory_space<vmem>>
    tpu.wait_dma2 semaphore(%dma_wait3A_540 : memref<!tpu.dma_semaphore, #tpu.memory_space<semaphore_mem>>) src(%dma_wait3A_547 : memref<8x2048xf32, #tpu.memory_space<vmem>>) dst(%dma_wait3A_544 : memref<8x2048xf32, #tpu.memory_space<hbm>>)
    %dma_wait3A_548 = arith.constant 5 : i32
    %dma_wait3A_549 = arith.constant 5 : i32
    %dma_wait3A_550 = tpu.memref_slice %arg12[%dma_wait3A_549] : memref<64x!tpu.dma_semaphore, #tpu.memory_space<semaphore_mem>> -> memref<1x!tpu.dma_semaphore, #tpu.memory_space<semaphore_mem>>
    %dma_wait3A_551 = tpu.memref_squeeze %dma_wait3A_550 : memref<1x!tpu.dma_semaphore, #tpu.memory_space<semaphore_mem>> -> memref<!tpu.dma_semaphore, #tpu.memory_space<semaphore_mem>>
    %dma_wait3A_552 = arith.constant 2040 : i32
    %dma_wait3A_553 = arith.constant 0 : i32
    %dma_wait3A_554 = tpu.memref_slice %arg6[%dma_wait3A_548, %dma_wait3A_552, %dma_wait3A_553] : memref<16x2048x2048xf32, #tpu.memory_space<hbm>> -> memref<1x8x2048xf32, #tpu.memory_space<hbm>>
    %dma_wait3A_555 = tpu.memref_squeeze %dma_wait3A_554 : memref<1x8x2048xf32, #tpu.memory_space<hbm>> -> memref<8x2048xf32, #tpu.memory_space<hbm>>
    %dma_wait3A_556 = arith.constant 40 : i32
    %dma_wait3A_557 = arith.constant 0 : i32
    %dma_wait3A_558 = tpu.memref_slice %arg10[%dma_wait3A_556, %dma_wait3A_557] : memref<128x2048xf32, #tpu.memory_space<vmem>> -> memref<8x2048xf32, #tpu.memory_space<vmem>>
    tpu.wait_dma2 semaphore(%dma_wait3A_551 : memref<!tpu.dma_semaphore, #tpu.memory_space<semaphore_mem>>) src(%dma_wait3A_558 : memref<8x2048xf32, #tpu.memory_space<vmem>>) dst(%dma_wait3A_555 : memref<8x2048xf32, #tpu.memory_space<hbm>>)
    %dma_wait3A_559 = arith.constant 6 : i32
    %dma_wait3A_560 = arith.constant 6 : i32
    %dma_wait3A_561 = tpu.memref_slice %arg12[%dma_wait3A_560] : memref<64x!tpu.dma_semaphore, #tpu.memory_space<semaphore_mem>> -> memref<1x!tpu.dma_semaphore, #tpu.memory_space<semaphore_mem>>
    %dma_wait3A_562 = tpu.memref_squeeze %dma_wait3A_561 : memref<1x!tpu.dma_semaphore, #tpu.memory_space<semaphore_mem>> -> memref<!tpu.dma_semaphore, #tpu.memory_space<semaphore_mem>>
    %dma_wait3A_563 = arith.constant 2040 : i32
    %dma_wait3A_564 = arith.constant 0 : i32
    %dma_wait3A_565 = tpu.memref_slice %arg6[%dma_wait3A_559, %dma_wait3A_563, %dma_wait3A_564] : memref<16x2048x2048xf32, #tpu.memory_space<hbm>> -> memref<1x8x2048xf32, #tpu.memory_space<hbm>>
    %dma_wait3A_566 = tpu.memref_squeeze %dma_wait3A_565 : memref<1x8x2048xf32, #tpu.memory_space<hbm>> -> memref<8x2048xf32, #tpu.memory_space<hbm>>
    %dma_wait3A_567 = arith.constant 48 : i32
    %dma_wait3A_568 = arith.constant 0 : i32
    %dma_wait3A_569 = tpu.memref_slice %arg10[%dma_wait3A_567, %dma_wait3A_568] : memref<128x2048xf32, #tpu.memory_space<vmem>> -> memref<8x2048xf32, #tpu.memory_space<vmem>>
    tpu.wait_dma2 semaphore(%dma_wait3A_562 : memref<!tpu.dma_semaphore, #tpu.memory_space<semaphore_mem>>) src(%dma_wait3A_569 : memref<8x2048xf32, #tpu.memory_space<vmem>>) dst(%dma_wait3A_566 : memref<8x2048xf32, #tpu.memory_space<hbm>>)
    %dma_wait3A_570 = arith.constant 7 : i32
    %dma_wait3A_571 = arith.constant 7 : i32
    %dma_wait3A_572 = tpu.memref_slice %arg12[%dma_wait3A_571] : memref<64x!tpu.dma_semaphore, #tpu.memory_space<semaphore_mem>> -> memref<1x!tpu.dma_semaphore, #tpu.memory_space<semaphore_mem>>
    %dma_wait3A_573 = tpu.memref_squeeze %dma_wait3A_572 : memref<1x!tpu.dma_semaphore, #tpu.memory_space<semaphore_mem>> -> memref<!tpu.dma_semaphore, #tpu.memory_space<semaphore_mem>>
    %dma_wait3A_574 = arith.constant 2040 : i32
    %dma_wait3A_575 = arith.constant 0 : i32
    %dma_wait3A_576 = tpu.memref_slice %arg6[%dma_wait3A_570, %dma_wait3A_574, %dma_wait3A_575] : memref<16x2048x2048xf32, #tpu.memory_space<hbm>> -> memref<1x8x2048xf32, #tpu.memory_space<hbm>>
    %dma_wait3A_577 = tpu.memref_squeeze %dma_wait3A_576 : memref<1x8x2048xf32, #tpu.memory_space<hbm>> -> memref<8x2048xf32, #tpu.memory_space<hbm>>
    %dma_wait3A_578 = arith.constant 56 : i32
    %dma_wait3A_579 = arith.constant 0 : i32
    %dma_wait3A_580 = tpu.memref_slice %arg10[%dma_wait3A_578, %dma_wait3A_579] : memref<128x2048xf32, #tpu.memory_space<vmem>> -> memref<8x2048xf32, #tpu.memory_space<vmem>>
    tpu.wait_dma2 semaphore(%dma_wait3A_573 : memref<!tpu.dma_semaphore, #tpu.memory_space<semaphore_mem>>) src(%dma_wait3A_580 : memref<8x2048xf32, #tpu.memory_space<vmem>>) dst(%dma_wait3A_577 : memref<8x2048xf32, #tpu.memory_space<hbm>>)
    %dma_wait3A_581 = arith.constant 8 : i32
    %dma_wait3A_582 = arith.constant 8 : i32
    %dma_wait3A_583 = tpu.memref_slice %arg12[%dma_wait3A_582] : memref<64x!tpu.dma_semaphore, #tpu.memory_space<semaphore_mem>> -> memref<1x!tpu.dma_semaphore, #tpu.memory_space<semaphore_mem>>
    %dma_wait3A_584 = tpu.memref_squeeze %dma_wait3A_583 : memref<1x!tpu.dma_semaphore, #tpu.memory_space<semaphore_mem>> -> memref<!tpu.dma_semaphore, #tpu.memory_space<semaphore_mem>>
    %dma_wait3A_585 = arith.constant 2040 : i32
    %dma_wait3A_586 = arith.constant 0 : i32
    %dma_wait3A_587 = tpu.memref_slice %arg6[%dma_wait3A_581, %dma_wait3A_585, %dma_wait3A_586] : memref<16x2048x2048xf32, #tpu.memory_space<hbm>> -> memref<1x8x2048xf32, #tpu.memory_space<hbm>>
    %dma_wait3A_588 = tpu.memref_squeeze %dma_wait3A_587 : memref<1x8x2048xf32, #tpu.memory_space<hbm>> -> memref<8x2048xf32, #tpu.memory_space<hbm>>
    %dma_wait3A_589 = arith.constant 64 : i32
    %dma_wait3A_590 = arith.constant 0 : i32
    %dma_wait3A_591 = tpu.memref_slice %arg10[%dma_wait3A_589, %dma_wait3A_590] : memref<128x2048xf32, #tpu.memory_space<vmem>> -> memref<8x2048xf32, #tpu.memory_space<vmem>>
    tpu.wait_dma2 semaphore(%dma_wait3A_584 : memref<!tpu.dma_semaphore, #tpu.memory_space<semaphore_mem>>) src(%dma_wait3A_591 : memref<8x2048xf32, #tpu.memory_space<vmem>>) dst(%dma_wait3A_588 : memref<8x2048xf32, #tpu.memory_space<hbm>>)
    %dma_wait3A_592 = arith.constant 9 : i32
    %dma_wait3A_593 = arith.constant 9 : i32
    %dma_wait3A_594 = tpu.memref_slice %arg12[%dma_wait3A_593] : memref<64x!tpu.dma_semaphore, #tpu.memory_space<semaphore_mem>> -> memref<1x!tpu.dma_semaphore, #tpu.memory_space<semaphore_mem>>
    %dma_wait3A_595 = tpu.memref_squeeze %dma_wait3A_594 : memref<1x!tpu.dma_semaphore, #tpu.memory_space<semaphore_mem>> -> memref<!tpu.dma_semaphore, #tpu.memory_space<semaphore_mem>>
    %dma_wait3A_596 = arith.constant 2040 : i32
    %dma_wait3A_597 = arith.constant 0 : i32
    %dma_wait3A_598 = tpu.memref_slice %arg6[%dma_wait3A_592, %dma_wait3A_596, %dma_wait3A_597] : memref<16x2048x2048xf32, #tpu.memory_space<hbm>> -> memref<1x8x2048xf32, #tpu.memory_space<hbm>>
    %dma_wait3A_599 = tpu.memref_squeeze %dma_wait3A_598 : memref<1x8x2048xf32, #tpu.memory_space<hbm>> -> memref<8x2048xf32, #tpu.memory_space<hbm>>
    %dma_wait3A_600 = arith.constant 72 : i32
    %dma_wait3A_601 = arith.constant 0 : i32
    %dma_wait3A_602 = tpu.memref_slice %arg10[%dma_wait3A_600, %dma_wait3A_601] : memref<128x2048xf32, #tpu.memory_space<vmem>> -> memref<8x2048xf32, #tpu.memory_space<vmem>>
    tpu.wait_dma2 semaphore(%dma_wait3A_595 : memref<!tpu.dma_semaphore, #tpu.memory_space<semaphore_mem>>) src(%dma_wait3A_602 : memref<8x2048xf32, #tpu.memory_space<vmem>>) dst(%dma_wait3A_599 : memref<8x2048xf32, #tpu.memory_space<hbm>>)
    %dma_wait3A_603 = arith.constant 10 : i32
    %dma_wait3A_604 = arith.constant 10 : i32
    %dma_wait3A_605 = tpu.memref_slice %arg12[%dma_wait3A_604] : memref<64x!tpu.dma_semaphore, #tpu.memory_space<semaphore_mem>> -> memref<1x!tpu.dma_semaphore, #tpu.memory_space<semaphore_mem>>
    %dma_wait3A_606 = tpu.memref_squeeze %dma_wait3A_605 : memref<1x!tpu.dma_semaphore, #tpu.memory_space<semaphore_mem>> -> memref<!tpu.dma_semaphore, #tpu.memory_space<semaphore_mem>>
    %dma_wait3A_607 = arith.constant 2040 : i32
    %dma_wait3A_608 = arith.constant 0 : i32
    %dma_wait3A_609 = tpu.memref_slice %arg6[%dma_wait3A_603, %dma_wait3A_607, %dma_wait3A_608] : memref<16x2048x2048xf32, #tpu.memory_space<hbm>> -> memref<1x8x2048xf32, #tpu.memory_space<hbm>>
    %dma_wait3A_610 = tpu.memref_squeeze %dma_wait3A_609 : memref<1x8x2048xf32, #tpu.memory_space<hbm>> -> memref<8x2048xf32, #tpu.memory_space<hbm>>
    %dma_wait3A_611 = arith.constant 80 : i32
    %dma_wait3A_612 = arith.constant 0 : i32
    %dma_wait3A_613 = tpu.memref_slice %arg10[%dma_wait3A_611, %dma_wait3A_612] : memref<128x2048xf32, #tpu.memory_space<vmem>> -> memref<8x2048xf32, #tpu.memory_space<vmem>>
    tpu.wait_dma2 semaphore(%dma_wait3A_606 : memref<!tpu.dma_semaphore, #tpu.memory_space<semaphore_mem>>) src(%dma_wait3A_613 : memref<8x2048xf32, #tpu.memory_space<vmem>>) dst(%dma_wait3A_610 : memref<8x2048xf32, #tpu.memory_space<hbm>>)
    %dma_wait3A_614 = arith.constant 11 : i32
    %dma_wait3A_615 = arith.constant 11 : i32
    %dma_wait3A_616 = tpu.memref_slice %arg12[%dma_wait3A_615] : memref<64x!tpu.dma_semaphore, #tpu.memory_space<semaphore_mem>> -> memref<1x!tpu.dma_semaphore, #tpu.memory_space<semaphore_mem>>
    %dma_wait3A_617 = tpu.memref_squeeze %dma_wait3A_616 : memref<1x!tpu.dma_semaphore, #tpu.memory_space<semaphore_mem>> -> memref<!tpu.dma_semaphore, #tpu.memory_space<semaphore_mem>>
    %dma_wait3A_618 = arith.constant 2040 : i32
    %dma_wait3A_619 = arith.constant 0 : i32
    %dma_wait3A_620 = tpu.memref_slice %arg6[%dma_wait3A_614, %dma_wait3A_618, %dma_wait3A_619] : memref<16x2048x2048xf32, #tpu.memory_space<hbm>> -> memref<1x8x2048xf32, #tpu.memory_space<hbm>>
    %dma_wait3A_621 = tpu.memref_squeeze %dma_wait3A_620 : memref<1x8x2048xf32, #tpu.memory_space<hbm>> -> memref<8x2048xf32, #tpu.memory_space<hbm>>
    %dma_wait3A_622 = arith.constant 88 : i32
    %dma_wait3A_623 = arith.constant 0 : i32
    %dma_wait3A_624 = tpu.memref_slice %arg10[%dma_wait3A_622, %dma_wait3A_623] : memref<128x2048xf32, #tpu.memory_space<vmem>> -> memref<8x2048xf32, #tpu.memory_space<vmem>>
    tpu.wait_dma2 semaphore(%dma_wait3A_617 : memref<!tpu.dma_semaphore, #tpu.memory_space<semaphore_mem>>) src(%dma_wait3A_624 : memref<8x2048xf32, #tpu.memory_space<vmem>>) dst(%dma_wait3A_621 : memref<8x2048xf32, #tpu.memory_space<hbm>>)
    %dma_wait3A_625 = arith.constant 12 : i32
    %dma_wait3A_626 = arith.constant 12 : i32
    %dma_wait3A_627 = tpu.memref_slice %arg12[%dma_wait3A_626] : memref<64x!tpu.dma_semaphore, #tpu.memory_space<semaphore_mem>> -> memref<1x!tpu.dma_semaphore, #tpu.memory_space<semaphore_mem>>
    %dma_wait3A_628 = tpu.memref_squeeze %dma_wait3A_627 : memref<1x!tpu.dma_semaphore, #tpu.memory_space<semaphore_mem>> -> memref<!tpu.dma_semaphore, #tpu.memory_space<semaphore_mem>>
    %dma_wait3A_629 = arith.constant 2040 : i32
    %dma_wait3A_630 = arith.constant 0 : i32
    %dma_wait3A_631 = tpu.memref_slice %arg6[%dma_wait3A_625, %dma_wait3A_629, %dma_wait3A_630] : memref<16x2048x2048xf32, #tpu.memory_space<hbm>> -> memref<1x8x2048xf32, #tpu.memory_space<hbm>>
    %dma_wait3A_632 = tpu.memref_squeeze %dma_wait3A_631 : memref<1x8x2048xf32, #tpu.memory_space<hbm>> -> memref<8x2048xf32, #tpu.memory_space<hbm>>
    %dma_wait3A_633 = arith.constant 96 : i32
    %dma_wait3A_634 = arith.constant 0 : i32
    %dma_wait3A_635 = tpu.memref_slice %arg10[%dma_wait3A_633, %dma_wait3A_634] : memref<128x2048xf32, #tpu.memory_space<vmem>> -> memref<8x2048xf32, #tpu.memory_space<vmem>>
    tpu.wait_dma2 semaphore(%dma_wait3A_628 : memref<!tpu.dma_semaphore, #tpu.memory_space<semaphore_mem>>) src(%dma_wait3A_635 : memref<8x2048xf32, #tpu.memory_space<vmem>>) dst(%dma_wait3A_632 : memref<8x2048xf32, #tpu.memory_space<hbm>>)
    %dma_wait3A_636 = arith.constant 13 : i32
    %dma_wait3A_637 = arith.constant 13 : i32
    %dma_wait3A_638 = tpu.memref_slice %arg12[%dma_wait3A_637] : memref<64x!tpu.dma_semaphore, #tpu.memory_space<semaphore_mem>> -> memref<1x!tpu.dma_semaphore, #tpu.memory_space<semaphore_mem>>
    %dma_wait3A_639 = tpu.memref_squeeze %dma_wait3A_638 : memref<1x!tpu.dma_semaphore, #tpu.memory_space<semaphore_mem>> -> memref<!tpu.dma_semaphore, #tpu.memory_space<semaphore_mem>>
    %dma_wait3A_640 = arith.constant 2040 : i32
    %dma_wait3A_641 = arith.constant 0 : i32
    %dma_wait3A_642 = tpu.memref_slice %arg6[%dma_wait3A_636, %dma_wait3A_640, %dma_wait3A_641] : memref<16x2048x2048xf32, #tpu.memory_space<hbm>> -> memref<1x8x2048xf32, #tpu.memory_space<hbm>>
    %dma_wait3A_643 = tpu.memref_squeeze %dma_wait3A_642 : memref<1x8x2048xf32, #tpu.memory_space<hbm>> -> memref<8x2048xf32, #tpu.memory_space<hbm>>
    %dma_wait3A_644 = arith.constant 104 : i32
    %dma_wait3A_645 = arith.constant 0 : i32
    %dma_wait3A_646 = tpu.memref_slice %arg10[%dma_wait3A_644, %dma_wait3A_645] : memref<128x2048xf32, #tpu.memory_space<vmem>> -> memref<8x2048xf32, #tpu.memory_space<vmem>>
    tpu.wait_dma2 semaphore(%dma_wait3A_639 : memref<!tpu.dma_semaphore, #tpu.memory_space<semaphore_mem>>) src(%dma_wait3A_646 : memref<8x2048xf32, #tpu.memory_space<vmem>>) dst(%dma_wait3A_643 : memref<8x2048xf32, #tpu.memory_space<hbm>>)
    %dma_wait3A_647 = arith.constant 14 : i32
    %dma_wait3A_648 = arith.constant 14 : i32
    %dma_wait3A_649 = tpu.memref_slice %arg12[%dma_wait3A_648] : memref<64x!tpu.dma_semaphore, #tpu.memory_space<semaphore_mem>> -> memref<1x!tpu.dma_semaphore, #tpu.memory_space<semaphore_mem>>
    %dma_wait3A_650 = tpu.memref_squeeze %dma_wait3A_649 : memref<1x!tpu.dma_semaphore, #tpu.memory_space<semaphore_mem>> -> memref<!tpu.dma_semaphore, #tpu.memory_space<semaphore_mem>>
    %dma_wait3A_651 = arith.constant 2040 : i32
    %dma_wait3A_652 = arith.constant 0 : i32
    %dma_wait3A_653 = tpu.memref_slice %arg6[%dma_wait3A_647, %dma_wait3A_651, %dma_wait3A_652] : memref<16x2048x2048xf32, #tpu.memory_space<hbm>> -> memref<1x8x2048xf32, #tpu.memory_space<hbm>>
    %dma_wait3A_654 = tpu.memref_squeeze %dma_wait3A_653 : memref<1x8x2048xf32, #tpu.memory_space<hbm>> -> memref<8x2048xf32, #tpu.memory_space<hbm>>
    %dma_wait3A_655 = arith.constant 112 : i32
    %dma_wait3A_656 = arith.constant 0 : i32
    %dma_wait3A_657 = tpu.memref_slice %arg10[%dma_wait3A_655, %dma_wait3A_656] : memref<128x2048xf32, #tpu.memory_space<vmem>> -> memref<8x2048xf32, #tpu.memory_space<vmem>>
    tpu.wait_dma2 semaphore(%dma_wait3A_650 : memref<!tpu.dma_semaphore, #tpu.memory_space<semaphore_mem>>) src(%dma_wait3A_657 : memref<8x2048xf32, #tpu.memory_space<vmem>>) dst(%dma_wait3A_654 : memref<8x2048xf32, #tpu.memory_space<hbm>>)
    %dma_wait3A_658 = arith.constant 15 : i32
    %dma_wait3A_659 = arith.constant 15 : i32
    %dma_wait3A_660 = tpu.memref_slice %arg12[%dma_wait3A_659] : memref<64x!tpu.dma_semaphore, #tpu.memory_space<semaphore_mem>> -> memref<1x!tpu.dma_semaphore, #tpu.memory_space<semaphore_mem>>
    %dma_wait3A_661 = tpu.memref_squeeze %dma_wait3A_660 : memref<1x!tpu.dma_semaphore, #tpu.memory_space<semaphore_mem>> -> memref<!tpu.dma_semaphore, #tpu.memory_space<semaphore_mem>>
    %dma_wait3A_662 = arith.constant 2040 : i32
    %dma_wait3A_663 = arith.constant 0 : i32
    %dma_wait3A_664 = tpu.memref_slice %arg6[%dma_wait3A_658, %dma_wait3A_662, %dma_wait3A_663] : memref<16x2048x2048xf32, #tpu.memory_space<hbm>> -> memref<1x8x2048xf32, #tpu.memory_space<hbm>>
    %dma_wait3A_665 = tpu.memref_squeeze %dma_wait3A_664 : memref<1x8x2048xf32, #tpu.memory_space<hbm>> -> memref<8x2048xf32, #tpu.memory_space<hbm>>
    %dma_wait3A_666 = arith.constant 120 : i32
    %dma_wait3A_667 = arith.constant 0 : i32
    %dma_wait3A_668 = tpu.memref_slice %arg10[%dma_wait3A_666, %dma_wait3A_667] : memref<128x2048xf32, #tpu.memory_space<vmem>> -> memref<8x2048xf32, #tpu.memory_space<vmem>>
    tpu.wait_dma2 semaphore(%dma_wait3A_661 : memref<!tpu.dma_semaphore, #tpu.memory_space<semaphore_mem>>) src(%dma_wait3A_668 : memref<8x2048xf32, #tpu.memory_space<vmem>>) dst(%dma_wait3A_665 : memref<8x2048xf32, #tpu.memory_space<hbm>>)
    %dma_wait3A_669 = arith.constant 16 : i32
    %dma_wait3A_670 = tpu.memref_slice %arg12[%dma_wait3A_669] : memref<64x!tpu.dma_semaphore, #tpu.memory_space<semaphore_mem>> -> memref<1x!tpu.dma_semaphore, #tpu.memory_space<semaphore_mem>>
    %dma_wait3A_671 = tpu.memref_squeeze %dma_wait3A_670 : memref<1x!tpu.dma_semaphore, #tpu.memory_space<semaphore_mem>> -> memref<!tpu.dma_semaphore, #tpu.memory_space<semaphore_mem>>
    %dma_wait3A_672 = arith.constant 2040 : i32
    %dma_wait3A_673 = arith.constant 0 : i32
    %dma_wait3A_674 = tpu.memref_slice %arg7[%dma_wait3A_672, %dma_wait3A_673] : memref<2048x1024xf32, #tpu.memory_space<hbm>> -> memref<8x1024xf32, #tpu.memory_space<hbm>>
    tpu.wait_dma2 semaphore(%dma_wait3A_671 : memref<!tpu.dma_semaphore, #tpu.memory_space<semaphore_mem>>) src(%arg11 : memref<8x1024xf32, #tpu.memory_space<vmem>>) dst(%dma_wait3A_674 : memref<8x1024xf32, #tpu.memory_space<hbm>>)
    return
  }
}

</mosaic_0001>

<sc_bundles>
// kernel: kernel.5.cloned.1.call-start
scs
__scs_entry_jumppad:
0x0: {  	(pc) =	sbr.rel $0x88, $3  }
0x1: {  	(tag) =	ssettag $0x0;
	lr =	simm.s32 $0x1  }
0x2: {  	[smem:$0x3F9C] =	sst lr;
	_ =	strace $0xD0000000  }
0x3: {  	_ = 	snop  }
0x4: {  	_ = 	snop  }
0x5: {  	_ = 	snop  }
0x6: {  	_ = 	snop  }
0x7: {  	_ = 	snop  }
__scs_overlays_trampoline_lowered:
0x8: {  	[smem:$0x3FAB] =	sst s0  }
0x9: {  	[smem:$0x3FAC] =	sst s1  }
0xa: {  	[smem:$0x3FAD] =	sst s2  }
0xb: {  	[smem:$0x3FAE] =	sst s3  }
0xc: {  	[smem:$0x3FAF] =	sst s4  }
0xd: {  	[smem:$0x3FB0] =	sst s5  }
0xe: {  	[smem:$0x3FB1] =	sst s6  }
0xf: {  	[smem:$0x3FB2] =	sst s7  }
0x10: {  	[smem:$0x3FB3] =	sst s8  }
0x11: {  	[smem:$0x3FB4] =	sst s9;
	s0 =	simm.s32 @!p0 $0x0  }
0x12: {  	s1 =	sld [smem:$0x3F9A];
	s0 =	simm.s32 @p0 $0x1  }
0x13: {  	[smem:$0x3FB5] =	sst s0;
	s0 =	simm.s32 @!p1 $0x0  }
0x14: {  	s2 =	sld [smem:$0x3F99];
	s0 =	simm.s32 @p1 $0x1  }
0x15: {  	[smem:$0x3FB6] =	sst s0;
	s0 =	simm.s32 @!p2 $0x0  }
0x16: {  	s3 =	sld [smem:$0x3FDB];
	s0 =	simm.s32 @p2 $0x1  }
0x17: {  	s4 =	simm.s32 $0x1BF5;
	[smem:$0x3FB8] =	sst s0  }
0x18: {  	s0 =	sld [smem:$0x3F9B];
	_ =	swait.ge [sflag:s4], $0x0  }
0x19: {  	s7 =	sld [smem:$0x3F9C]  }
0x1a: {  	s8 =	sadd.s32 $0xFFFFE003, lr  }
0x1b: {  	s9 =	sadd.s32 $0xFFFFFEF7, lr;
	s5 =	simm.s32 $0xFFFFFFFF;
	p2 =	slt.u32 s8, $0xFFFFF086  }
0x1c: {  	p1 =	slt.u32 s9, $0xF7A;
	s5 =	simm.s32 @!p2 $0x0  }
0x1d: {  	s5 =	simm.s32 @p1 $0x1;
	p0 =	seq.s32 s7, s2  }
0x1e: {  	s7 =	smul.u32 @!p0 $0xF7A, s2;
	p2 =	seq.s32 @!p0 s5, $0x0  }
0x1f: {  	s9 =	smul.u32 $0xF7A, s1;
	s8 =	simm.s32 @!p0 $0x1BF5;
	p2 =	por !p2, p0  }
0x20: {  	[sflag:s8] =	ssyncset.s32 @!p0 $0xFFFFF086;
	s6 =	sadd.s32 @!p0 s3, s7;
	s7 =	simm.s32 @!p0 $0x108  }
0x21: {  	s3 =	sadd.s32 s3, s9;
	s6 =	sadd.s32 @!p0 $0x88, s6;
	s7 =	simm.s32 @p2 $0x1082  }
0x22: {  	[simem:s7], [sflag:s8] =	dma.local @!p0 [hbm:s6], $0xF7A  }
0x23: {  	s9 =	sor.u32 $0xD0000000, s2;
	s6 =	simm.s32 $0x108;
	_ =	swait.ge @!p0 [sflag:s8], $0x0  }
0x24: {  	s3 =	sadd.s32 $0x88, s3;
	s6 =	simm.s32 @!p1 $0x1082;
	[sflag:s4] =	ssyncset.s32 $0xFFFFF086  }
0x25: {  	[simem:s6], [sflag:s4] =	dma.local [hbm:s3], $0xF7A  }
0x26: {  	[smem:$0x3F9C] =	sst s1;
	(tag) =	ssettag s2;
	_ =	strace s9  }
0x27: {  	s1 =	sld [smem:$0x3FAC]  }
0x28: {  	s2 =	sld [smem:$0x3FAD]  }
0x29: {  	s4 =	sld [smem:$0x3FAF]  }
0x2a: {  	p0 =	seq.s32 s5, $0x0;
	s5 =	sld [smem:$0x3FB0]  }
0x2b: {  	s6 =	sld [smem:$0x3FB1]  }
0x2c: {  	s7 =	sld [smem:$0x3FB2]  }
0x2d: {  	s3 =	simm.s32 $0x108;
	s8 =	sld [smem:$0x3FB3]  }
0x2e: {  	s3 =	simm.s32 @!p0 $0x1082;
	s9 =	sld [smem:$0x3FB4]  }
0x2f: {  	lr =	sadd.s32 s0, s3;
	s0 =	sld [smem:$0x3FAB]  }
0x30: {  	s3 =	sld [smem:$0x3FAE]  }
0x31: {  	[smem:$0x3FB7] =	sst s10  }
0x32: {  	s10 =	sld [smem:$0x3FB5];
	_ =	sdelay $0x3  }
0x33: {  	p0 =	seq.s32 s10, $0x1;
	s10 =	sld [smem:$0x3FB7];
	_ =	sdelay $0x3  }
0x34: {  	[smem:$0x3FB7] =	sst s10  }
0x35: {  	s10 =	sld [smem:$0x3FB6];
	_ =	sdelay $0x3  }
0x36: {  	p1 =	seq.s32 s10, $0x1;
	s10 =	sld [smem:$0x3FB7];
	_ =	sdelay $0x3  }
0x37: {  	[smem:$0x3FB7] =	sst s10  }
0x38: {  	s10 =	sld [smem:$0x3FB8]  }
0x39: {  	_ = 	snop;
	(pc) =	sbr.ind lr, $3  }
0x3a: {  	_ = 	snop  }
0x3b: {  	_ = 	snop  }
0x3c: {  	p2 =	seq.s32 s10, $0x1;
	s10 =	sld [smem:$0x3FB7]  }
0x3d: {  	_ =	shalt  }
0x3e: {  	_ =	shalt  }
0x3f: {  	_ =	shalt  }
0x40: {  	_ =	shalt  }
0x41: {  	_ =	shalt  }
0x42: {  	_ =	shalt  }
0x43: {  	_ =	shalt  }
0x44: {  	_ =	shalt  }
0x45: {  	_ =	shalt  }
0x46: {  	_ =	shalt  }
0x47: {  	_ =	shalt  }
0x48: {  	_ =	shalt  }
0x49: {  	_ =	shalt  }
0x4a: {  	_ =	shalt  }
0x4b: {  	_ =	shalt  }
0x4c: {  	_ =	shalt  }
0x4d: {  	_ =	shalt  }
0x4e: {  	_ =	shalt  }
0x4f: {  	_ =	shalt  }
0x50: {  	_ =	shalt  }
0x51: {  	_ =	shalt  }
0x52: {  	_ =	shalt  }
0x53: {  	_ =	shalt  }
0x54: {  	_ =	shalt  }
0x55: {  	_ =	shalt  }
0x56: {  	_ =	shalt  }
0x57: {  	_ =	shalt  }
0x58: {  	_ =	shalt  }
0x59: {  	_ =	shalt  }
0x5a: {  	_ =	shalt  }
0x5b: {  	_ =	shalt  }
0x5c: {  	_ =	shalt  }
0x5d: {  	_ =	shalt  }
0x5e: {  	_ =	shalt  }
0x5f: {  	_ =	shalt  }
0x60: {  	_ =	shalt  }
0x61: {  	_ =	shalt  }
0x62: {  	_ =	shalt  }
0x63: {  	_ =	shalt  }
0x64: {  	_ =	shalt  }
0x65: {  	_ =	shalt  }
0x66: {  	_ =	shalt  }
0x67: {  	_ =	shalt  }
0x68: {  	_ =	shalt  }
0x69: {  	_ =	shalt  }
0x6a: {  	_ =	shalt  }
0x6b: {  	_ =	shalt  }
0x6c: {  	_ =	shalt  }
0x6d: {  	_ =	shalt  }
0x6e: {  	_ =	shalt  }
0x6f: {  	_ =	shalt  }
0x70: {  	_ =	shalt  }
0x71: {  	_ =	shalt  }
0x72: {  	_ =	shalt  }
0x73: {  	_ =	shalt  }
0x74: {  	_ =	shalt  }
0x75: {  	_ =	shalt  }
0x76: {  	_ =	shalt  }
0x77: {  	_ =	shalt  }
0x78: {  	_ =	shalt  }
0x79: {  	_ =	shalt  }
0x7a: {  	_ =	shalt  }
0x7b: {  	_ =	shalt  }
0x7c: {  	_ =	shalt  }
0x7d: {  	_ =	shalt  }
0x7e: {  	_ =	shalt  }
0x7f: {  	_ =	shalt  }
0x80: {  	_ =	shalt  }
0x81: {  	_ =	shalt  }
0x82: {  	_ =	shalt  }
0x83: {  	_ =	shalt  }
0x84: {  	_ =	shalt  }
0x85: {  	_ =	shalt  }
0x86: {  	_ =	shalt  }
0x87: {  	_ =	shalt  }
.Lfunc_end0:
.L_simem_size_0:
called_computation_lowered:
.L_overlay_start_0:
0x88: {  	s2 =	sld [smem:$0x3FD9]  }
0x89: {  	s3 =	sld [smem:$0x3FFE];
	_ =	sdelay $0x1  }
0x8a: {  	s1 =	srdreg.scid  }
0x8b: {  	s0 =	sand.u32 $0x1, s1  }
0x8c: {  	s16 =	sshll.u32 s0, $0xA;
	s2 =	sadd.s32 s3, s2  }
0x8d: {  	s2 =	sadd.s32 s2, s16  }
0x8e: {  	[smem:$0x3FC3] =	sst s2  }
0x8f: {  	_ = 	snop  }
0x90: {  	(tm) =	ssettm $0x1  }
0x91: {  	s17 =	sld [smem:$0x3FFB];
	_ =	sdelay $0x3  }
0x92: {  	_ =	strace s17  }
0x93: {  	s2 =	sld [smem:$0x3FFC];
	_ =	sdelay $0x3  }
0x94: {  	_ =	strace s2  }
0x95: {  	s2 =	sld [smem:$0x3FFD];
	_ =	sdelay $0x3  }
0x96: {  	_ =	strace s2  }
0x97: {  	_ =	strace $0x8FFFFFFF  }
0x98: {  	s18 =	sld [smem:$0x3FDB];
	_ =	sdelay $0x1  }
0x99: {  	s19 =	simm.s32 $_scs_section_size  }
0x9a: {  	s4 =	simm.s32 $_size__tile_overlayer_lowered;
	s5 =	simm.s32 $_tile_overlayer_lowered  }
0x9b: {  	s22 =	simm.s32 $0x1BFF;
	s21 =	sshll.u32 s5, $0x1;
	s2 =	sadd.s32 s19, s18  }
0x9c: {  	s6 =	simm.s32 $0x0;
	s20 =	sshll.u32 s4, $0x1;
	s4 =	sadd.s32 s21, s2  }
0x9d: {  	[timem:s6], [sflag:s22] =	dma.local [hbm:s4], s20  }
0x9e: {  	_ =	swait.ge [sflag:s22], s20  }
0x9f: {  	s3 =	ssub.s32 $0x0, s20;
	[sflag:s22] =	ssyncset.done $0x0  }
0xa0: {  	[sflag:s22] =	ssyncadd.s32 s3;
	_ =	sdelay $0x1  }
0xa1: {  	s23 =	simm.s32 $0x1B8B  }
0xa2: {  	_ =	swait.ge [sflag:s23], $0x1  }
0xa3: {  	[sflag:s23] =	ssyncset.done $0x0  }
0xa4: {  	s25 =	simm.s32 $0x1B8E;
	s24 =	sld [smem:$0x3FFE];
	[sflag:s23] =	ssyncadd.s32 $0xFFFFFFFF  }
0xa5: {  	s26 =	simm.s32 $execute0_lowered;
	[smem:$0x3FD2] =	sst s25  }
0xa6: {  	s4 =	sshll.u32 s26, $0x1;
	_ =	strace $0x80000046;
	[dreg:$0x1] =	wrdreg $0xFFFFFFFF  }
0xa7: {  	s28 =	simm.s32 $_size_execute0_lowered;
	s2 =	sadd.s32 s2, s4;
	[dreg:$0x0] =	wrdreg $0x0  }
0xa8: {  	s4 =	sshll.u32 s28, $0x1;
	[dreg:$0x2] =	wrdreg s2  }
0xa9: {  	[dreg:$0x3] =	wrdreg s4  }
0xaa: {  	[dreg:$0x4] =	wrdreg $0xC0  }
0xab: {  	_ =	task [dreg:s6], $0x5FFFF  }
0xac: {  	[dreg:$0x1] =	wrdreg $0xFFFFFFFF  }
0xad: {  	[dreg:$0x0] =	wrdreg $0x60  }
0xae: {  	[dreg:$0x2] =	wrdreg s24  }
0xaf: {  	[dreg:$0x3] =	wrdreg $0x9  }
0xb0: {  	_ =	task.clear_ibuf [dreg:s6], $0x4FFFF;
	_ =	strace $0x90000046  }
0xb1: {  	s29 =	simm.s32 $0x9;
	_ =	strace $0x80000048  }
0xb2: {  	_ =	swait.ge [sflag:s29], $0x1  }
0xb3: {  	[sflag:s29] =	ssyncadd.s32 $0xFFFFFFFF  }
0xb4: {  	_ =	strace $0x90000048  }
0xb5: {  	_ =	sfence  }
0xb6: {  	s30 =	sld [smem:$0x0];
	_ =	sdelay $0x2  }
0xb7: {  	s31 =	sshll.u32 s1, $0xD;
	s1 =	sshrl.u32 s1, $0x2  }
0xb8: {  	s3 =	sand.u32 $0x4000, s31;
	s1 =	sadd.s32 s1, s30  }
0xb9: {  	s0 =	sor.u32 s3, s0;
	s1 =	sshll.u32 s1, $0x11  }
0xba: {  	s0 =	sor.u32 s1, s0  }
0xbb: {  	s0 =	sadd.s32 $0x8F2B, s0  }
0xbc: {  	[sflag:s0] =	ssyncadd.remote.s32 $0x1  }
0xbd: {  	_ =	sfence.sel $0xFFFF  }
0xbe: {  	[dreg:$0x0] =	wrdreg $0xFFFFFFFF;
	(pc) =	sbr.abs _section_cstart, $3  }
0xbf: {  	[dreg:$0x1] =	wrdreg $0xFFFFFFFF  }
0xc0: {  	_ =	task.clear_ibuf [dreg:s6], $0x2FFFF;
	_ =	strace $0x9FFFFFFF  }
0xc1: {  	(tm) =	ssettm $0x7FFFFFFF  }
tec
execute0_lowered:
.L_overlay_start_1:
0x0: {  	(tag) =	ssettag $0x1  }
0x1: {  	s0 =	srdreg.scid  }
0x2: {  	s2 =	sand.u32 $0x1, s0;
	s0 =	stileid.u32  }
0x3: {  	s4 =	sor.u32 s0, s2  }
0x4: {  	p0 =	sne.s32 s4, $0x0  }
.Ltmp0:
0x5: {  	_ = 	snop;
	(pc) =	sbr.rel @p0 .LBB2_13-.Ltmp0, $3  }
0x6: {  	_ =	sdelay $0x1  }
0x7: {  	s3 =	rddreg [dreg:$0x0]  }
0x8: {  	s1 =	rddreg [dreg:$0x1];
	_ =	strace $0x80000047  }
0x9: {  	s4 =	ssub.s32 $0x2, s2  }
0xa: {  	s2 =	sadd.s32 $0x1400, s3;
	s3 =	sadd.s32 $0x1600, s3;
	s6 =	simm.s32 $0x1  }
0xb: {  	s7 =	simm.s32 $0x40000000;
	s8 =	simm.s32 $0x1000;
	s5 =	sshrl.u32 s4, $0x1  }
0xc: {  	v0 =	vimm.s32 $0x0;
	v1 =	vimm.f32 $0.0e+00;
	s9 =	simm.s32 $0x0;
	s4 =	ssub.s32 s4, s5;
	s5 =	simm.s32 $0x0  }
.LBB2_2:
0xd: {  	[tilespmem:s5], [sflag:$0x1] =	stream.linear.gather [hbm4b:s2+s5], $0x800, $0x38;
	[tilespmem:$0x1800] =	vst v63  }
0xe: {  	_ =	swait.ge [sflag:s6], $0x800  }
0xf: {  	[sflag:s6] =	ssyncset.done $0x0  }
0x10: {  	s11 =	simm.s32 $0x0;
	[sflag:s6] =	ssyncadd.s32 $0xFFFFF800  }
0x11: {  	v2 =	vld [tilespmem:s11+$0x30]  }
0x12: {  	v3 =	vld [tilespmem:s11+$0x0]  }
0x13: {  	v4 =	vld [tilespmem:s11+$0x10]  }
0x14: {  	v5 =	vld [tilespmem:s11+$0x20]  }
0x15: {  	s12 =	simm.s32 $0x100  }
.LBB2_3:
0x16: {  	s10 =	sshra.s32 s12, $0x2;
	p0 =	sne.s32 s12, $0x1F00;
	s12 =	sadd.s32 $0x100, s12;
	[tilespmem:s11+$0x830] =	vst v2  }
.Ltmp1:
0x17: {  	v2 =	vld [tilespmem:s10+$0x30];
	[tilespmem:s11+$0x800] =	vst v3;
	(pc) =	sbr.rel @p0 .LBB2_3-.Ltmp1, $4  }
0x18: {  	v3 =	vld [tilespmem:s10+$0x0];
	[tilespmem:s11+$0x810] =	vst v4  }
0x19: {  	v4 =	vld [tilespmem:s10+$0x10];
	[tilespmem:s11+$0x820] =	vst v5;
	s11 =	smov.u32 s10  }
0x1a: {  	v5 =	vld [tilespmem:s11+$0x20]  }
0x1b: {  	s10 =	simm.s32 $0x0  }
0x1c: {  	[tilespmem:s11+$0x830] =	vst v2  }
0x1d: {  	[tilespmem:s11+$0x800] =	vst v3  }
0x1e: {  	[tilespmem:s11+$0x810] =	vst v4  }
0x1f: {  	[tilespmem:s11+$0x820] =	vst v5;
	s11 =	simm.s32 $0x0  }
.LBB2_5:
0x20: {  	s14 =	simm.s32 $0x0  }
0x21: {  	v3 =	vld [tilespmem:s14+$0x890]  }
0x22: {  	v4 =	vld [tilespmem:s14+$0x800]  }
0x23: {  	v5 =	vld [tilespmem:s14+$0x810]  }
0x24: {  	v6 =	vld [tilespmem:s14+$0x820]  }
0x25: {  	s12 =	sshrl.u32 s7, s11;
	v7 =	vld [tilespmem:s14+$0x830]  }
0x26: {  	s12 =	sor.u32 s12, s10;
	v8 =	vld [tilespmem:s14+$0x840]  }
0x27: {  	v9 =	vld [tilespmem:s14+$0x850];
	v2 =	vmov s12  }
0x28: {  	vm0 =	vge.s32 v4, v2;
	vm1 =	vge.s32 v5, v2;
	v4 =	vld [tilespmem:s14+$0x860]  }
0x29: {  	v5 =	vsel vm0, $0x1, v0;
	v10 =	vsel vm1, $0x1, v0;
	vm0 =	vge.s32 v6, v2;
	v6 =	vld [tilespmem:s14+$0x870]  }
0x2a: {  	s13 =	simm.s32 $0x100;
	v5 =	vadd.s32 v5, v10;
	v10 =	vsel vm0, $0x1, v0;
	vm0 =	vge.s32 v7, v2;
	v7 =	vld [tilespmem:s14+$0x880]  }
0x2b: {  	v11 =	vld [tilespmem:s13+$0x890];
	v5 =	vadd.s32 v10, v5;
	v10 =	vsel vm0, $0x1, v0;
	vm0 =	vge.s32 v8, v2  }
0x2c: {  	v5 =	vadd.s32 v10, v5;
	v10 =	vsel vm0, $0x1, v0;
	vm0 =	vge.s32 v9, v2;
	v9 =	vld [tilespmem:s14+$0x8A0]  }
0x2d: {  	v5 =	vadd.s32 v10, v5;
	v10 =	vsel vm0, $0x1, v0;
	vm0 =	vge.s32 v4, v2;
	v4 =	vld [tilespmem:s14+$0x8B0]  }
0x2e: {  	v5 =	vadd.s32 v10, v5;
	v10 =	vsel vm0, $0x1, v0;
	vm0 =	vge.s32 v6, v2;
	v6 =	vld [tilespmem:s14+$0x8C0]  }
0x2f: {  	v5 =	vadd.s32 v10, v5;
	v10 =	vsel vm0, $0x1, v0;
	vm0 =	vge.s32 v7, v2;
	v7 =	vld [tilespmem:s14+$0x8D0]  }
0x30: {  	vm1 =	vge.s32 v3, v2;
	v3 =	vadd.s32 v10, v5;
	v5 =	vsel vm0, $0x1, v0;
	v10 =	vld [tilespmem:s14+$0x8E0]  }
0x31: {  	v8 =	vld [tilespmem:s14+$0x8F0];
	v3 =	vadd.s32 v5, v3;
	v5 =	vsel vm1, $0x1, v0;
	vm0 =	vge.s32 v9, v2  }
0x32: {  	v9 =	vld [tilespmem:s13+$0x800];
	v3 =	vadd.s32 v5, v3;
	v5 =	vsel vm0, $0x1, v0;
	vm0 =	vge.s32 v4, v2  }
0x33: {  	v4 =	vld [tilespmem:s13+$0x810];
	v3 =	vadd.s32 v5, v3;
	v5 =	vsel vm0, $0x1, v0;
	vm0 =	vge.s32 v6, v2  }
0x34: {  	v6 =	vld [tilespmem:s13+$0x820];
	v3 =	vadd.s32 v5, v3;
	v5 =	vsel vm0, $0x1, v0;
	vm0 =	vge.s32 v7, v2  }
0x35: {  	v7 =	vld [tilespmem:s13+$0x830];
	v3 =	vadd.s32 v5, v3;
	v5 =	vsel vm0, $0x1, v0;
	vm0 =	vge.s32 v10, v2  }
0x36: {  	vm1 =	vge.s32 v8, v2;
	v10 =	vld [tilespmem:s13+$0x840];
	v3 =	vadd.s32 v5, v3;
	v5 =	vsel vm0, $0x1, v0  }
0x37: {  	v8 =	vld [tilespmem:s13+$0x850];
	vm0 =	vge.s32 v11, v2;
	v3 =	vadd.s32 v5, v3;
	v5 =	vsel vm1, $0x1, v0  }
0x38: {  	vm1 =	vge.s32 v9, v2;
	vm2 =	vge.s32 v4, v2;
	v4 =	vld [tilespmem:s13+$0x860];
	v3 =	vadd.s32 v5, v3  }
0x39: {  	v5 =	vsel vm1, $0x1, v0;
	v9 =	vsel vm2, $0x1, v0;
	vm1 =	vge.s32 v6, v2;
	v6 =	vld [tilespmem:s13+$0x870];
	(xrf0) =	vadd.scan.msk.s32 $0xffff, v3  }
0x3a: {  	v3 =	vadd.s32 v5, v9;
	v5 =	vsel vm1, $0x1, v0;
	vm1 =	vge.s32 v7, v2;
	v7 =	vld [tilespmem:s13+$0x880]  }
0x3b: {  	v11 =	vld [tilespmem:s13+$0x8B0];
	v5 =	vadd.s32 v5, v3;
	v9 =	vsel vm1, $0x1, v0;
	vm1 =	vge.s32 v10, v2  }
0x3c: {  	v10 =	vld [tilespmem:s13+$0x8A0];
	v5 =	vadd.s32 v9, v5;
	v9 =	vsel vm1, $0x1, v0;
	vm1 =	vge.s32 v8, v2  }
0x3d: {  	v3 =	vld [tilespmem:s13+$0x8F0];
	v5 =	vadd.s32 v9, v5;
	v8 =	vsel vm1, $0x1, v0;
	vm1 =	vge.s32 v4, v2  }
0x3e: {  	v4 =	vadd.s32 v8, v5;
	v8 =	vsel vm1, $0x1, v0;
	vm1 =	vge.s32 v6, v2;
	v5 =	vld [tilespmem:s13+$0x8C0]  }
0x3f: {  	v6 =	vld [tilespmem:s13+$0x8D0];
	v4 =	vadd.s32 v8, v4;
	v8 =	vsel vm1, $0x1, v0;
	vm1 =	vge.s32 v7, v2;
	v7, _, _ =	vpop (xrf0)  }
0x40: {  	s14 =	simm.s32 $0x200;
	v9 =	vadd.s32 v8, v4;
	v12 =	vsel vm1, $0x1, v0;
	v8 =	vld [tilespmem:s13+$0x8E0];
	(v2sf) =	vpush v7, $0xF  }
0x41: {  	v63 =	vsel vm0, $0x1, v0;
	v4 =	vld [tilespmem:s14+$0x890];
	vm0 =	vge.s32 v10, v2;
	v9 =	vadd.s32 v12, v9  }
0x42: {  	s15 =	simm.s32 $0xC00;
	s13 =	simm.s32 $0x0;
	v7 =	vld [tilespmem:s14+$0x800];
	v10 =	vsel vm0, $0x1, v0;
	vm0 =	vge.s32 v11, v2;
	v9 =	vadd.s32 v63, v9  }
.LBB2_6:
0x43: {  	p0 =	sne.s32 s15, $0x1C00;
	v11 =	vld [tilespmem:s14+$0x810];
	v9 =	vadd.s32 v10, v9;
	v10 =	vsel vm0, $0x1, v0;
	vm0 =	vge.s32 v5, v2  }
0x44: {  	v5 =	vld [tilespmem:s14+$0x820];
	v9 =	vadd.s32 v10, v9;
	v10 =	vsel vm0, $0x1, v0;
	vm0 =	vge.s32 v6, v2  }
0x45: {  	v6 =	vld [tilespmem:s14+$0x830];
	v9 =	vadd.s32 v10, v9;
	v10 =	vsel vm0, $0x1, v0;
	vm0 =	vge.s32 v8, v2  }
0x46: {  	vm1 =	vge.s32 v3, v2;
	v8 =	vld [tilespmem:s14+$0x840];
	v9 =	vadd.s32 v10, v9;
	v10 =	vsel vm0, $0x1, v0  }
0x47: {  	vm0 =	vge.s32 v4, v2;
	v4 =	vsel vm1, $0x1, v0;
	v12 =	vld [tilespmem:s14+$0x850];
	v3 =	vadd.s32 v10, v9  }
0x48: {  	vm1 =	vge.s32 v7, v2;
	vm2 =	vge.s32 v11, v2;
	v7 =	vld [tilespmem:s14+$0x860];
	v3 =	vadd.s32 v4, v3  }
0x49: {  	v4 =	vsel vm1, $0x1, v0;
	v9 =	vsel vm2, $0x1, v0;
	vm1 =	vge.s32 v5, v2;
	v5 =	vld [tilespmem:s14+$0x870];
	(xrf0) =	vadd.scan.msk.s32 $0xffff, v3  }
0x4a: {  	v3 =	vadd.s32 v4, v9;
	v4 =	vsel vm1, $0x1, v0;
	vm1 =	vge.s32 v6, v2;
	v6 =	vld [tilespmem:s14+$0x880]  }
0x4b: {  	v4 =	vadd.s32 v4, v3;
	v9 =	vsel vm1, $0x1, v0;
	vm1 =	vge.s32 v8, v2;
	v3 =	vld [tilespmem:s14+$0x8F0]  }
0x4c: {  	v4 =	vadd.s32 v9, v4;
	v8 =	vsel vm1, $0x1, v0;
	vm1 =	vge.s32 v12, v2;
	v9 =	vld [tilespmem:s14+$0x8A0]  }
0x4d: {  	v4 =	vadd.s32 v8, v4;
	v8 =	vsel vm1, $0x1, v0;
	vm1 =	vge.s32 v7, v2;
	v11 =	vld [tilespmem:s14+$0x8B0]  }
.Ltmp2:
0x4e: {  	v4 =	vadd.s32 v8, v4;
	v7 =	vsel vm1, $0x1, v0;
	vm1 =	vge.s32 v5, v2;
	v5 =	vld [tilespmem:s14+$0x8C0];
	(pc) =	sbr.rel @p0 .LBB2_6-.Ltmp2, $4  }
0x4f: {  	v4 =	vadd.s32 v7, v4;
	v7 =	vsel vm1, $0x1, v0;
	vm1 =	vge.s32 v6, v2;
	v6 =	vld [tilespmem:s14+$0x8D0];
	v10, _, _ =	vpop (xrf0);
	s16 =	spop (v2sf)  }
0x50: {  	v7 =	vadd.s32 v7, v4;
	v12 =	vsel vm1, $0x1, v0;
	v8 =	vld [tilespmem:s14+$0x8E0];
	s14 =	sshra.s32 s15, $0x2;
	(v2sf) =	vpush v10, $0xF;
	s13 =	sadd.s32 s13, s16  }
0x51: {  	v4 =	vld [tilespmem:s14+$0x890];
	v10 =	vadd.s32 v12, v7;
	v12 =	vsel vm0, $0x1, v0;
	vm0 =	vge.s32 v9, v2  }
0x52: {  	s15 =	sadd.s32 $0x400, s15;
	v7 =	vld [tilespmem:s14+$0x800];
	v9 =	vadd.s32 v12, v10;
	v10 =	vsel vm0, $0x1, v0;
	vm0 =	vge.s32 v11, v2  }
0x53: {  	v11 =	vld [tilespmem:s14+$0x810];
	v9 =	vadd.s32 v10, v9  }
0x54: {  	v34 =	vsel vm0, $0x1, v0;
	vm10 =	vge.s32 v5, v2;
	v35 =	vld [tilespmem:s14+$0x820];
	vm15 =	vge.s32 v3, v2  }
0x55: {  	v37 =	vld [tilespmem:s14+$0x830];
	v9 =	vadd.s32 v34, v9;
	v36 =	vsel vm10, $0x1, v0;
	vm11 =	vge.s32 v6, v2  }
0x56: {  	v39 =	vld [tilespmem:s14+$0x840];
	v9 =	vadd.s32 v36, v9;
	v38 =	vsel vm11, $0x1, v0;
	vm12 =	vge.s32 v8, v2  }
0x57: {  	v12 =	vld [tilespmem:s14+$0x850];
	v56 =	vsel vm15, $0x1, v0;
	v9 =	vadd.s32 v38, v9;
	v40 =	vsel vm12, $0x1, v0  }
0x58: {  	v41 =	vld [tilespmem:s14+$0x860];
	vm2 =	vge.s32 v4, v2;
	vm13 =	vge.s32 v7, v2;
	vm1 =	vge.s32 v11, v2  }
0x59: {  	v44 =	vld [tilespmem:s14+$0x870];
	v42 =	vsel vm13, $0x1, v0;
	vm14 =	vge.s32 v35, v2;
	v43 =	vsel vm1, $0x1, v0  }
0x5a: {  	v46 =	vld [tilespmem:s14+$0x880];
	vm4 =	vge.s32 v37, v2;
	v45 =	vsel vm14, $0x1, v0;
	v3 =	vadd.s32 v42, v43  }
0x5b: {  	vm5 =	vge.s32 v39, v2;
	v47 =	vsel vm4, $0x1, v0;
	v3 =	vadd.s32 v45, v3  }
0x5c: {  	v49 =	vld [tilespmem:s14+$0x8A0];
	vm6 =	vge.s32 v12, v2;
	v48 =	vsel vm5, $0x1, v0;
	v3 =	vadd.s32 v47, v3  }
0x5d: {  	v51 =	vld [tilespmem:s14+$0x8B0];
	vm7 =	vge.s32 v41, v2;
	v50 =	vsel vm6, $0x1, v0;
	v3 =	vadd.s32 v48, v3  }
0x5e: {  	v53 =	vld [tilespmem:s14+$0x8C0];
	vm8 =	vge.s32 v44, v2;
	v52 =	vsel vm7, $0x1, v0;
	v3 =	vadd.s32 v50, v3  }
0x5f: {  	v55 =	vld [tilespmem:s14+$0x8D0];
	vm9 =	vge.s32 v46, v2;
	v54 =	vsel vm8, $0x1, v0;
	v3 =	vadd.s32 v52, v3  }
0x60: {  	v58 =	vld [tilespmem:s14+$0x8E0];
	v9 =	vadd.s32 v40, v9;
	v57 =	vsel vm9, $0x1, v0;
	v3 =	vadd.s32 v54, v3  }
0x61: {  	v59 =	vld [tilespmem:s14+$0x8F0];
	v60 =	vsel vm2, $0x1, v0;
	vm10 =	vge.s32 v49, v2;
	v3 =	vadd.s32 v57, v3  }
0x62: {  	vm11 =	vge.s32 v51, v2;
	v61 =	vsel vm10, $0x1, v0;
	v3 =	vadd.s32 v60, v3  }
0x63: {  	vm12 =	vge.s32 v53, v2;
	v7 =	vsel vm11, $0x1, v0;
	v3 =	vadd.s32 v61, v3  }
0x64: {  	vm13 =	vge.s32 v55, v2;
	v5 =	vsel vm12, $0x1, v0;
	v3 =	vadd.s32 v7, v3  }
0x65: {  	v62 =	vsel vm13, $0x1, v0;
	vm14 =	vge.s32 v58, v2;
	v3 =	vadd.s32 v5, v3  }
0x66: {  	vm15 =	vge.s32 v59, v2;
	v63 =	vsel vm14, $0x1, v0;
	v3 =	vadd.s32 v62, v3  }
0x67: {  	v2 =	vadd.s32 v56, v9;
	v4 =	vsel vm15, $0x1, v0;
	v3 =	vadd.s32 v63, v3  }
0x68: {  	(xrf0) =	vadd.scan.msk.s32 $0xffff, v2;
	v2 =	vadd.s32 v4, v3  }
0x69: {  	(xrf0) =	vadd.scan.msk.s32 $0xffff, v2;
	_ =	sdelay $0x4  }
0x6a: {  	v2, _, _ =	vpop (xrf0)  }
0x6b: {  	(v2sf) =	vpush v2, $0xF;
	v2, _, _ =	vpop (xrf0)  }
0x6c: {  	(v2sf) =	vpush v2, $0xF;
	_ =	sdelay $0xb  }
0x6d: {  	s11 =	sadd.s32 $0x1, s11  }
0x6e: {  	p1 =	sne.s32 s11, $0x1F;
	s30 =	spop (v2sf)  }
.Ltmp3:
0x6f: {  	s13 =	sadd.s32 s13, s30;
	s15 =	spop (v2sf);
	(pc) =	sbr.rel @p1 .LBB2_5-.Ltmp3, $4  }
0x70: {  	s13 =	sadd.s32 s13, s15;
	s31 =	spop (v2sf)  }
0x71: {  	s13 =	sadd.s32 s13, s31  }
0x72: {  	p0 =	sgt.s32 s13, $0x9D  }
0x73: {  	s10 =	smov.u32 @p0 s12  }
0x74: {  	s12 =	simm.s32 $0x0  }
0x75: {  	v3 =	vld [tilespmem:s12+$0x890]  }
0x76: {  	v4 =	vld [tilespmem:s12+$0x800]  }
0x77: {  	v5 =	vld [tilespmem:s12+$0x810]  }
0x78: {  	v6 =	vld [tilespmem:s12+$0x820]  }
0x79: {  	v7 =	vld [tilespmem:s12+$0x830]  }
0x7a: {  	s11 =	sadd.s32 $0x1, s10;
	v8 =	vld [tilespmem:s12+$0x840]  }
0x7b: {  	v2 =	vmov s11;
	v9 =	vld [tilespmem:s12+$0x850]  }
0x7c: {  	vm0 =	vge.s32 v4, v2;
	vm1 =	vge.s32 v5, v2;
	v4 =	vld [tilespmem:s12+$0x860]  }
0x7d: {  	v5 =	vsel vm0, $0x1, v0;
	v10 =	vsel vm1, $0x1, v0;
	vm0 =	vge.s32 v6, v2;
	v6 =	vld [tilespmem:s12+$0x870]  }
0x7e: {  	s31 =	simm.s32 $0x100;
	v5 =	vadd.s32 v5, v10;
	v10 =	vsel vm0, $0x1, v0;
	vm0 =	vge.s32 v7, v2;
	v7 =	vld [tilespmem:s12+$0x880]  }
0x7f: {  	v11 =	vld [tilespmem:s31+$0x890];
	v5 =	vadd.s32 v10, v5;
	v10 =	vsel vm0, $0x1, v0;
	vm0 =	vge.s32 v8, v2  }
0x80: {  	v5 =	vadd.s32 v10, v5;
	v10 =	vsel vm0, $0x1, v0;
	vm0 =	vge.s32 v9, v2;
	v9 =	vld [tilespmem:s12+$0x8A0]  }
0x81: {  	v5 =	vadd.s32 v10, v5;
	v10 =	vsel vm0, $0x1, v0;
	vm0 =	vge.s32 v4, v2;
	v4 =	vld [tilespmem:s12+$0x8B0]  }
0x82: {  	v5 =	vadd.s32 v10, v5;
	v10 =	vsel vm0, $0x1, v0;
	vm0 =	vge.s32 v6, v2;
	v6 =	vld [tilespmem:s12+$0x8C0]  }
0x83: {  	v5 =	vadd.s32 v10, v5;
	v10 =	vsel vm0, $0x1, v0;
	vm0 =	vge.s32 v7, v2;
	v7 =	vld [tilespmem:s12+$0x8D0]  }
0x84: {  	vm1 =	vge.s32 v3, v2;
	v3 =	vadd.s32 v10, v5;
	v5 =	vsel vm0, $0x1, v0;
	v10 =	vld [tilespmem:s12+$0x8E0]  }
0x85: {  	v8 =	vld [tilespmem:s12+$0x8F0];
	v3 =	vadd.s32 v5, v3;
	v5 =	vsel vm1, $0x1, v0;
	vm0 =	vge.s32 v9, v2  }
0x86: {  	v9 =	vld [tilespmem:s31+$0x800];
	v3 =	vadd.s32 v5, v3;
	v5 =	vsel vm0, $0x1, v0;
	vm0 =	vge.s32 v4, v2  }
0x87: {  	v4 =	vld [tilespmem:s31+$0x810];
	v3 =	vadd.s32 v5, v3;
	v5 =	vsel vm0, $0x1, v0;
	vm0 =	vge.s32 v6, v2  }
0x88: {  	v6 =	vld [tilespmem:s31+$0x820];
	v3 =	vadd.s32 v5, v3;
	v5 =	vsel vm0, $0x1, v0;
	vm0 =	vge.s32 v7, v2  }
0x89: {  	v7 =	vld [tilespmem:s31+$0x830];
	v3 =	vadd.s32 v5, v3;
	v5 =	vsel vm0, $0x1, v0;
	vm0 =	vge.s32 v10, v2  }
0x8a: {  	vm1 =	vge.s32 v8, v2;
	v10 =	vld [tilespmem:s31+$0x840];
	v3 =	vadd.s32 v5, v3;
	v5 =	vsel vm0, $0x1, v0  }
0x8b: {  	v8 =	vld [tilespmem:s31+$0x850];
	vm0 =	vge.s32 v11, v2;
	v3 =	vadd.s32 v5, v3;
	v5 =	vsel vm1, $0x1, v0  }
0x8c: {  	vm1 =	vge.s32 v9, v2;
	vm2 =	vge.s32 v4, v2;
	v4 =	vld [tilespmem:s31+$0x860];
	v3 =	vadd.s32 v5, v3  }
0x8d: {  	v5 =	vsel vm1, $0x1, v0;
	v9 =	vsel vm2, $0x1, v0;
	vm1 =	vge.s32 v6, v2;
	v6 =	vld [tilespmem:s31+$0x870];
	(xrf0) =	vadd.scan.msk.s32 $0xffff, v3  }
0x8e: {  	v3 =	vadd.s32 v5, v9;
	v5 =	vsel vm1, $0x1, v0;
	vm1 =	vge.s32 v7, v2;
	v7 =	vld [tilespmem:s31+$0x880]  }
0x8f: {  	v11 =	vld [tilespmem:s31+$0x8B0];
	v5 =	vadd.s32 v5, v3;
	v9 =	vsel vm1, $0x1, v0;
	vm1 =	vge.s32 v10, v2  }
0x90: {  	v10 =	vld [tilespmem:s31+$0x8A0];
	v5 =	vadd.s32 v9, v5;
	v9 =	vsel vm1, $0x1, v0;
	vm1 =	vge.s32 v8, v2  }
0x91: {  	v3 =	vld [tilespmem:s31+$0x8F0];
	v5 =	vadd.s32 v9, v5;
	v8 =	vsel vm1, $0x1, v0;
	vm1 =	vge.s32 v4, v2  }
0x92: {  	v4 =	vadd.s32 v8, v5;
	v5 =	vsel vm1, $0x1, v0;
	vm1 =	vge.s32 v6, v2;
	v6 =	vld [tilespmem:s31+$0x8C0]  }
0x93: {  	v4 =	vadd.s32 v5, v4;
	v5 =	vsel vm1, $0x1, v0;
	vm1 =	vge.s32 v7, v2;
	v7 =	vld [tilespmem:s31+$0x8D0];
	v9, _, _ =	vpop (xrf0)  }
0x94: {  	s12 =	simm.s32 $0x200;
	v8 =	vld [tilespmem:s31+$0x8E0];
	v5 =	vadd.s32 v5, v4;
	v12 =	vsel vm1, $0x1, v0;
	(v2sf) =	vpush v9, $0xF  }
0x95: {  	v63 =	vsel vm0, $0x1, v0;
	v4 =	vld [tilespmem:s12+$0x890];
	vm0 =	vge.s32 v10, v2;
	v9 =	vadd.s32 v12, v5  }
0x96: {  	s13 =	simm.s32 $0xC00;
	s11 =	simm.s32 $0x0;
	v5 =	vld [tilespmem:s12+$0x800];
	v10 =	vsel vm0, $0x1, v0;
	vm0 =	vge.s32 v11, v2;
	v9 =	vadd.s32 v63, v9  }
.LBB2_9:
0x97: {  	p0 =	sne.s32 s13, $0x1C00;
	v11 =	vld [tilespmem:s12+$0x810];
	v9 =	vadd.s32 v10, v9;
	v10 =	vsel vm0, $0x1, v0;
	vm0 =	vge.s32 v6, v2  }
0x98: {  	v6 =	vld [tilespmem:s12+$0x820];
	v9 =	vadd.s32 v10, v9;
	v10 =	vsel vm0, $0x1, v0;
	vm0 =	vge.s32 v7, v2  }
0x99: {  	v7 =	vld [tilespmem:s12+$0x830];
	v9 =	vadd.s32 v10, v9;
	v10 =	vsel vm0, $0x1, v0;
	vm0 =	vge.s32 v8, v2  }
0x9a: {  	vm1 =	vge.s32 v3, v2;
	v8 =	vld [tilespmem:s12+$0x840];
	v9 =	vadd.s32 v10, v9;
	v10 =	vsel vm0, $0x1, v0  }
0x9b: {  	vm0 =	vge.s32 v4, v2;
	v4 =	vsel vm1, $0x1, v0;
	v12 =	vld [tilespmem:s12+$0x850];
	v3 =	vadd.s32 v10, v9  }
0x9c: {  	vm1 =	vge.s32 v5, v2;
	vm2 =	vge.s32 v11, v2;
	v5 =	vld [tilespmem:s12+$0x860];
	v3 =	vadd.s32 v4, v3  }
0x9d: {  	v4 =	vsel vm1, $0x1, v0;
	v9 =	vsel vm2, $0x1, v0;
	vm1 =	vge.s32 v6, v2;
	v6 =	vld [tilespmem:s12+$0x870];
	(xrf0) =	vadd.scan.msk.s32 $0xffff, v3  }
0x9e: {  	v3 =	vadd.s32 v4, v9;
	v4 =	vsel vm1, $0x1, v0;
	vm1 =	vge.s32 v7, v2;
	v7 =	vld [tilespmem:s12+$0x880]  }
0x9f: {  	v4 =	vadd.s32 v4, v3;
	v9 =	vsel vm1, $0x1, v0;
	vm1 =	vge.s32 v8, v2;
	v3 =	vld [tilespmem:s12+$0x8F0]  }
0xa0: {  	v4 =	vadd.s32 v9, v4;
	v8 =	vsel vm1, $0x1, v0;
	vm1 =	vge.s32 v12, v2;
	v9 =	vld [tilespmem:s12+$0x8A0]  }
0xa1: {  	v4 =	vadd.s32 v8, v4;
	v8 =	vsel vm1, $0x1, v0;
	vm1 =	vge.s32 v5, v2;
	v11 =	vld [tilespmem:s12+$0x8B0]  }
.Ltmp4:
0xa2: {  	v4 =	vadd.s32 v8, v4;
	v5 =	vsel vm1, $0x1, v0;
	vm1 =	vge.s32 v6, v2;
	v6 =	vld [tilespmem:s12+$0x8C0];
	(pc) =	sbr.rel @p0 .LBB2_9-.Ltmp4, $4  }
0xa3: {  	v4 =	vadd.s32 v5, v4;
	v5 =	vsel vm1, $0x1, v0;
	vm1 =	vge.s32 v7, v2;
	v7 =	vld [tilespmem:s12+$0x8D0];
	v10, _, _ =	vpop (xrf0);
	s14 =	spop (v2sf)  }
0xa4: {  	v5 =	vadd.s32 v5, v4;
	v12 =	vsel vm1, $0x1, v0;
	v8 =	vld [tilespmem:s12+$0x8E0];
	s12 =	sshra.s32 s13, $0x2;
	(v2sf) =	vpush v10, $0xF;
	s11 =	sadd.s32 s11, s14  }
0xa5: {  	v4 =	vld [tilespmem:s12+$0x890];
	v10 =	vadd.s32 v12, v5;
	v12 =	vsel vm0, $0x1, v0;
	vm0 =	vge.s32 v9, v2  }
0xa6: {  	s13 =	sadd.s32 $0x400, s13;
	v5 =	vld [tilespmem:s12+$0x800];
	v9 =	vadd.s32 v12, v10;
	v10 =	vsel vm0, $0x1, v0;
	vm0 =	vge.s32 v11, v2  }
0xa7: {  	v11 =	vld [tilespmem:s12+$0x810];
	v9 =	vadd.s32 v10, v9  }
0xa8: {  	v48 =	vsel vm0, $0x1, v0;
	vm0 =	vge.s32 v6, v2;
	v6 =	vld [tilespmem:s12+$0x820];
	vm1 =	vge.s32 v3, v2  }
0xa9: {  	v9 =	vadd.s32 v48, v9;
	v49 =	vsel vm0, $0x1, v0;
	vm0 =	vge.s32 v7, v2;
	v7 =	vld [tilespmem:s12+$0x830]  }
0xaa: {  	v9 =	vadd.s32 v49, v9;
	v50 =	vsel vm0, $0x1, v0;
	vm0 =	vge.s32 v8, v2;
	v8 =	vld [tilespmem:s12+$0x840]  }
0xab: {  	v3 =	vld [tilespmem:s12+$0x850];
	v9 =	vadd.s32 v50, v9;
	v51 =	vsel vm0, $0x1, v0;
	vm0 =	vge.s32 v4, v2  }
0xac: {  	v4 =	vadd.s32 v51, v9;
	vm2 =	vge.s32 v5, v2;
	v5 =	vld [tilespmem:s12+$0x860];
	vm3 =	vge.s32 v11, v2  }
0xad: {  	v52 =	vsel vm2, $0x1, v0;
	vm2 =	vge.s32 v6, v2;
	v6 =	vld [tilespmem:s12+$0x870];
	v53 =	vsel vm3, $0x1, v0  }
0xae: {  	v54 =	vsel vm2, $0x1, v0;
	vm2 =	vge.s32 v7, v2;
	v7 =	vld [tilespmem:s12+$0x880];
	v9 =	vadd.s32 v52, v53  }
0xaf: {  	v55 =	vsel vm2, $0x1, v0;
	vm2 =	vge.s32 v8, v2;
	v9 =	vadd.s32 v54, v9  }
0xb0: {  	v56 =	vsel vm2, $0x1, v0;
	vm2 =	vge.s32 v3, v2;
	v3 =	vld [tilespmem:s12+$0x8A0];
	v8 =	vadd.s32 v55, v9  }
0xb1: {  	v57 =	vsel vm2, $0x1, v0;
	vm2 =	vge.s32 v5, v2;
	v5 =	vld [tilespmem:s12+$0x8B0];
	v8 =	vadd.s32 v56, v8  }
0xb2: {  	v58 =	vsel vm2, $0x1, v0;
	vm2 =	vge.s32 v6, v2;
	v6 =	vld [tilespmem:s12+$0x8C0];
	v8 =	vadd.s32 v57, v8  }
0xb3: {  	v59 =	vsel vm2, $0x1, v0;
	vm2 =	vge.s32 v7, v2;
	v7 =	vld [tilespmem:s12+$0x8D0];
	v8 =	vadd.s32 v58, v8  }
0xb4: {  	v62 =	vld [tilespmem:s12+$0x8E0];
	v60 =	vsel vm1, $0x1, v0;
	v61 =	vsel vm2, $0x1, v0;
	v8 =	vadd.s32 v59, v8  }
0xb5: {  	v63 =	vld [tilespmem:s12+$0x8F0];
	vm1 =	vge.s32 v3, v2;
	v3 =	vsel vm0, $0x1, v0;
	v8 =	vadd.s32 v61, v8  }
0xb6: {  	vm0 =	vge.s32 v5, v2;
	v3 =	vadd.s32 v3, v8;
	v8 =	vsel vm1, $0x1, v0  }
0xb7: {  	v5 =	vsel vm0, $0x1, v0;
	vm0 =	vge.s32 v6, v2;
	v3 =	vadd.s32 v8, v3  }
0xb8: {  	v3 =	vadd.s32 v5, v3;
	v5 =	vsel vm0, $0x1, v0;
	vm0 =	vge.s32 v7, v2  }
0xb9: {  	v3 =	vadd.s32 v5, v3;
	v5 =	vsel vm0, $0x1, v0;
	vm0 =	vge.s32 v62, v2  }
0xba: {  	v3 =	vadd.s32 v5, v3;
	v5 =	vsel vm0, $0x1, v0;
	vm0 =	vge.s32 v63, v2  }
0xbb: {  	v2 =	vadd.s32 v60, v4;
	v3 =	vadd.s32 v5, v3;
	v4 =	vsel vm0, $0x1, v0  }
0xbc: {  	(xrf0) =	vadd.scan.msk.s32 $0xffff, v2;
	v2 =	vadd.s32 v4, v3  }
0xbd: {  	(xrf0) =	vadd.scan.msk.s32 $0xffff, v2;
	_ =	sdelay $0x4  }
0xbe: {  	v2, _, _ =	vpop (xrf0)  }
0xbf: {  	(v2sf) =	vpush v2, $0xF;
	v2, _, _ =	vpop (xrf0)  }
0xc0: {  	(v2sf) =	vpush v2, $0xF;
	_ =	sdelay $0x3  }
0xc1: {  	s13 =	simm.s32 $0x0  }
0xc2: {  	v4 =	vld [tilespmem:s13+$0x800];
	_ =	sdelay $0x3  }
0xc3: {  	s12 =	simm.s32 $0x10;
	v3 =	vmov s10  }
0xc4: {  	v5 =	vld [tilespmem:s12+$0x800];
	s10 =	simm.s32 $0x20;
	vm0 =	veq.s32 v4, v3  }
0xc5: {  	v6 =	vld [tilespmem:s10+$0x800];
	v2 =	vsel vm0, $0x1, v0  }
0xc6: {  	(xrf0) =	vadd.scan.msk.s32 $0xffff, v2  }
0xc7: {  	s14 =	spop (v2sf)  }
0xc8: {  	s11 =	sadd.s32 s11, s14;
	s30 =	spop (v2sf)  }
0xc9: {  	vm1 =	veq.s32 v5, v3;
	s11 =	sadd.s32 s11, s30;
	s31 =	spop (v2sf)  }
0xca: {  	vm3 =	veq.s32 v6, v3;
	v2 =	vsel vm1, $0x1, v0;
	s11 =	sadd.s32 s11, s31  }
0xcb: {  	vm4 =	vgt.s32 v5, v3;
	v5 =	vsel vm3, $0x1, v0;
	(xrf0) =	vadd.scan.msk.s32 $0xffff, v2;
	s11 =	ssub.s32 $0x9E, s11  }
0xcc: {  	v7, _, _ =	vpop (xrf0);
	(xrf0) =	vadd.scan.msk.s32 $0xffff, v5;
	v2 =	vmov s11;
	s11 =	simm.s32 $0x30  }
0xcd: {  	vm2 =	vgt.s32 v4, v3;
	v4 =	vld [tilespmem:s11+$0x800];
	_ =	sdelay $0x1  }
0xce: {  	(v2sf) =	vpush v7, $0xF  }
0xcf: {  	vm1 =	vmmov vm1  }
0xd0: {  	vm9 =	vmmov vm1;
	v5, _, _ =	vpop (xrf0)  }
0xd1: {  	(v2sf) =	vpush v5, $0xF;
	vm1 =	veq.s32 v4, v3;
	vm8 =	vgt.s32 v4, v3;
	v4, _, _ =	vpop (xrf0)  }
0xd2: {  	(v2sf) =	vpush v4, $0xF;
	_ =	sdelay $0x2  }
0xd3: {  	vm4 =	vmmov vm4;
	vm2 =	vmmov vm2;
	vm5 =	vgt.s32 v6, v3  }
0xd4: {  	vm4 =	vmmov vm4;
	vm2 =	vmmov vm2;
	vm6 =	vmmov vm5  }
0xd5: {  	s14 =	simm.s32 $0x40;
	vm3 =	vmmov vm3;
	vm5 =	vmmov vm4;
	v6 =	vsel vm1, $0x1, v0  }
0xd6: {  	s15 =	simm.s32 $0x0;
	vm0 =	vmmov vm0;
	vm2 =	vmmov vm2;
	vm3 =	vmmov vm3;
	(xrf0) =	vadd.scan.msk.s32 $0xffff, v6;
	v6 =	vld [tilespmem:s14+$0x800]  }
0xd7: {  	vm0 =	vmmov vm0;
	vm2 =	vmmov vm2;
	v7 =	vadd.s32 s15, v7  }
0xd8: {  	vm7 =	vmmov vm0;
	vm0 =	vmmov vm6;
	vm6 =	vle.s32 v7, v2  }
0xd9: {  	s16 =	simm.s32 $0x140;
	vm4 =	vmmov vm8;
	vm8 =	vmand vm7, vm6;
	vm6 =	vmmov vm9  }
.LBB2_11:
0xda: {  	s17 =	sshra.s32 s16, $0x2;
	vm8 =	vmor vm2, vm8;
	vm7 =	vmmov vm1;
	vm2 =	vmmov vm5;
	p0 =	sne.s32 s16, $0x1FC0  }
.Ltmp5:
0xdb: {  	s16 =	sadd.s32 $0x40, s16;
	vm1 =	veq.s32 v6, v3;
	vm9 =	vgt.s32 v6, v3;
	v7 =	vsel vm8, $0x3F800000, v1;
	s18 =	spop (v2sf);
	(pc) =	sbr.rel @p0 .LBB2_11-.Ltmp5, $4  }
0xdc: {  	vm5 =	vmmov vm0;
	vm0 =	vmmov vm4;
	v6 =	vld [tilespmem:s17+$0x800];
	v8 =	vsel vm1, $0x1, v0;
	[tilespmem:s13+$0x1000] =	vst v7;
	s15 =	sadd.s32 s15, s18;
	s13 =	smov.u32 s12;
	s12 =	smov.u32 s10  }
0xdd: {  	vm4 =	vmmov vm9;
	s10 =	smov.u32 s11;
	s11 =	smov.u32 s14;
	s14 =	smov.u32 s17;
	(xrf0) =	vadd.scan.msk.s32 $0xffff, v8;
	v7 =	vadd.s32 s15, v5;
	v5 =	vmov v4;
	v4, _, _ =	vpop (xrf0)  }
0xde: {  	(v2sf) =	vpush v4, $0xF;
	vm8 =	vle.s32 v7, v2  }
0xdf: {  	vm8 =	vmand vm6, vm8;
	vm6 =	vmmov vm3;
	vm3 =	vmmov vm7  }
0xe0: {  	_ =	sdelay $0x1  }
0xe1: {  	vm7 =	veq.s32 v6, v3  }
0xe2: {  	v7 =	vsel vm7, $0x1, v0;
	v8, _, _ =	vpop (xrf0)  }
0xe3: {  	(xrf0) =	vadd.scan.msk.s32 $0xffff, v7;
	(v2sf) =	vpush v8, $0xF;
	_ =	sdelay $0x5  }
0xe4: {  	v7, _, _ =	vpop (xrf0)  }
0xe5: {  	s16 =	spop (v2sf);
	vm2 =	vmor vm2, vm8;
	(v2sf) =	vpush v7, $0xF  }
0xe6: {  	vm1 =	vmmov vm1;
	vm5 =	vmmov vm5;
	vm0 =	vmmov vm0  }
0xe7: {  	vm13 =	vmmov vm4;
	vm3 =	vmmov vm3;
	vm12 =	vgt.s32 v6, v3  }
0xe8: {  	s15 =	sadd.s32 s15, s16;
	v3 =	vsel vm2, $0x3F800000, v1;
	vm1 =	vmmov vm1;
	vm0 =	vmmov vm0  }
0xe9: {  	s28 =	spop (v2sf);
	vm2 =	vmmov vm13;
	v5 =	vadd.s32 s15, v5;
	vm14 =	vmmov vm12  }
0xea: {  	s15 =	sadd.s32 s15, s28;
	vm15 =	vmmov vm7;
	vm1 =	vmmov vm1;
	vm2 =	vmmov vm2  }
0xeb: {  	vm9 =	vle.s32 v5, v2;
	v4 =	vadd.s32 s15, v4;
	vm4 =	vmmov vm14  }
0xec: {  	vm10 =	vmmov vm15;
	vm6 =	vmand vm6, vm9;
	vm9 =	vle.s32 v4, v2;
	s29 =	spop (v2sf)  }
0xed: {  	vm12 =	vmmov vm4;
	vm13 =	vmmov vm10;
	vm5 =	vmor vm5, vm6;
	s15 =	sadd.s32 s15, s29;
	s30 =	spop (v2sf)  }
0xee: {  	vm3 =	vmand vm3, vm9;
	v60 =	vsel vm5, $0x3F800000, v1;
	v61 =	vadd.s32 s15, v8;
	s15 =	sadd.s32 s15, s30  }
0xef: {  	vm0 =	vmor vm0, vm3;
	vm11 =	vle.s32 v61, v2;
	v63 =	vadd.s32 s15, v7  }
0xf0: {  	[tilespmem:s13+$0x1000] =	vst v3;
	v62 =	vsel vm0, $0x3F800000, v1;
	vm1 =	vmand vm1, vm11;
	vm14 =	vle.s32 v63, v2  }
0xf1: {  	[tilespmem:s12+$0x1000] =	vst v60;
	vm0 =	vmmov vm12;
	vm1 =	vmor vm2, vm1;
	vm15 =	vmand vm13, vm14  }
0xf2: {  	s9 =	sadd.s32 $0x1, s9;
	[tilespmem:s10+$0x1000] =	vst v62;
	v2 =	vsel vm1, $0x3F800000, v1;
	vm0 =	vmor vm0, vm15  }
0xf3: {  	p0 =	sne.s32 s9, s4;
	[tilespmem:s11+$0x1000] =	vst v2;
	v2 =	vsel vm0, $0x3F800000, v1  }
.Ltmp6:
0xf4: {  	s31 =	spop (v2sf);
	[tilespmem:s14+$0x1000] =	vst v2;
	(pc) =	sbr.rel @p0 .LBB2_2-.Ltmp6, $4  }
0xf5: {  	[hbm4b:s3+s5] =	stream.linear.scatter [tilespmem:s8], [sflag:$0x1], $0x800, $0x38;
	[tilespmem:$0x1800] =	vst v63  }
0xf6: {  	_ =	swait.ge [sflag:s6], $0x800  }
0xf7: {  	[sflag:s6] =	ssyncset.done $0x0  }
0xf8: {  	[sflag:s6] =	ssyncadd.s32 $0xFFFFF800  }
.LBB2_13:
0xf9: {  	_ =	sfence.sel $0x180000  }
0xfa: {  	[bflag:$0x0] =	sbarrier.arrive $0xFFFF  }
0xfb: {  	p0 =	sne.s32 s0, $0x0;
	_ =	strace $0x90000047  }
0xfc: {  	s0 =	sadd.s32 @!p0 $0x100000, s1;
	[bflag:$0x2] =	sbarrier.arrive $0xFFFF  }
0xfd: {  	[sflag:s0] =	ssyncadd.tile.s32 @!p0 $0x1;
	_ =	shalt  }
.Lfunc_end2:
_tile_overlayer_lowered:
.L_overlay_start_2:
0xfe: {  	(tag) =	ssettag $0x2  }
0xff: {  	s0 =	rddreg [dreg:$0x0];
	s2 =	stileid.u32  }
0x100: {  	s1 =	rddreg [dreg:$0x1];
	p0 =	sne.s32 s2, $0x0  }
0x101: {  	s3 =	rddreg [dreg:$0x2];
	[bflag:$0x3] =	sbarrier.arrive $0xFFFF;
	s2 =	simm.s32 @!p0 $0x1C01  }
0x102: {  	[timem:s3], [sflag:s2] =	dma.local @!p0 [hbm:s0], s1  }
0x103: {  	s0 =	simm.s32 @!p0 $0x1  }
0x104: {  	_ =	swait.ge @!p0 [sflag:s0], s1  }
0x105: {  	s1 =	ssub.s32 @!p0 $0x0, s1;
	[sflag:s0] =	ssyncset.done @!p0 $0x0  }
0x106: {  	[sflag:s0] =	ssyncadd.s32 @!p0 s1  }
0x107: {  	[bflag:$0x3] =	sbarrier.arrive $0xFFFF  }
0x108: {  	_ =	shalt  }

</sc_bundles>
